<compile_context>
chip_gen: v7x
topology: tpu7x:2x2x1
jax: 0.10.2.dev20260603
libtpu: 0.0.44.dev20260713+nightly
codegen_flags: <defaults>
</compile_context>

<pallas_src>
import functools

import jax
import jax.numpy as jnp
from jax import lax
from jax.experimental import pallas as pl
from jax.experimental.pallas import tpu as pltpu
from jax.experimental.pallas import tpu_sc as plsc

N_NODES = 10000
N_PAD = 10240
N_EDGES = 320000
D_IN = 128
H1, H2, GCN_OUT = 32, 64, 64
N_GRAPHS = 64
N_CLASSES = 10

F = 64
PF = 2 * F
ONES_COL = 32

NC, NS = 2, 16
NW = NC * NS
CHUNK = 125
CPT = N_EDGES // NW // CHUNK
ROWS_PER_TILE = N_PAD // NS

NBUF = 8
PREF = 4


mesh = plsc.VectorSubcoreMesh(core_axis_name="c", subcore_axis_name="s")


@functools.partial(
    pl.kernel,
    out_type=jax.ShapeDtypeStruct((N_PAD, PF), jnp.bfloat16),
    mesh=mesh,
    compiler_params=pltpu.CompilerParams(use_tc_tiling_on_sc=False),
    scratch_types=[
        pltpu.VMEM((CPT, CHUNK), jnp.int32),
        pltpu.VMEM((CPT, CHUNK), jnp.int32),
        pltpu.VMEM((NBUF, CHUNK, F), jnp.bfloat16),
        pltpu.VMEM_SHARED((N_PAD, F), jnp.bfloat16),
        pltpu.SemaphoreType.DMA,
        [pltpu.SemaphoreType.DMA] * NBUF,
        [pltpu.SemaphoreType.DMA] * NBUF,
    ],
)
def _agg(hw_hbm, edges_hbm, zero_hbm, out_hbm,
         src_v, dst_v, rows_v, acc_sh, psem, gsem, ssem):
  c = lax.axis_index("c")
  s = lax.axis_index("s")
  wid = c * NS + s
  row0 = s * ROWS_PER_TILE
  pltpu.async_copy(edges_hbm.at[0].at[pl.ds(wid * CPT, CPT)], src_v, psem)
  pltpu.async_copy(edges_hbm.at[1].at[pl.ds(wid * CPT, CPT)], dst_v, psem)
  pltpu.async_copy(zero_hbm.at[pl.ds(row0, ROWS_PER_TILE)],
                   acc_sh.at[pl.ds(row0, ROWS_PER_TILE)], psem)
  pltpu.make_async_copy(edges_hbm.at[0].at[pl.ds(wid * CPT, CPT)], src_v,
                        psem).wait()
  pltpu.make_async_copy(edges_hbm.at[1].at[pl.ds(wid * CPT, CPT)], dst_v,
                        psem).wait()
  pltpu.make_async_copy(zero_hbm.at[pl.ds(row0, ROWS_PER_TILE)],
                        acc_sh.at[pl.ds(row0, ROWS_PER_TILE)], psem).wait()
  plsc.subcore_barrier()

  def g_start(j, b):
    pltpu.async_copy(hw_hbm.at[src_v.at[j]], rows_v.at[b], gsem[b])

  def g_wait(j, b):
    pltpu.make_async_copy(hw_hbm.at[src_v.at[j]], rows_v.at[b],
                          gsem[b]).wait()

  def s_start(j, b):
    pltpu.async_copy(rows_v.at[b], acc_sh.at[dst_v.at[j]], ssem[b],
                     add=True)

  def s_wait(j, b):
    pltpu.make_async_copy(rows_v.at[b], acc_sh.at[dst_v.at[j]],
                          ssem[b]).wait()

  for j in range(PREF):
    g_start(j, j)

  def body(i, carry):
    for k in range(NBUF):
      j = NBUF * i + k
      jg = j + PREF
      bg = (k + PREF) % NBUF
      @pl.when(jg < CPT)
      def _():
        @pl.when(jg >= NBUF)
        def _():
          s_wait(jg - NBUF, bg)
        g_start(jg, bg)
      g_wait(j, k)
      s_start(j, k)
    return carry

  lax.fori_loop(0, CPT // NBUF, body, 0)
  for k in range(NBUF):
    s_wait(CPT - NBUF + k, k)
  plsc.subcore_barrier()
  pltpu.sync_copy(acc_sh.at[pl.ds(row0, ROWS_PER_TILE)],
                  out_hbm.at[pl.ds(row0, ROWS_PER_TILE), pl.ds(c * F, F)])


_BLK = 2048
HALF = N_PAD // 2
_PBLK = 1024


def _mm_ones_body(xl_ref, xr_ref, w_ref, o_ref):
  hl = jnp.dot(xl_ref[...], w_ref[...], preferred_element_type=jnp.float32)
  hr = jnp.dot(xr_ref[...], w_ref[...], preferred_element_type=jnp.float32)
  col = lax.broadcasted_iota(jnp.int32, (_PBLK, F), 1)
  ones = (col == ONES_COL).astype(jnp.float32)
  o_ref[...] = jnp.concatenate([hl + ones, hr + ones],
                               axis=1).astype(jnp.bfloat16)


def _dinv(p1, sum2_ref, sel2_ref):
  deg = jnp.dot(p1, sel2_ref[...], preferred_element_type=jnp.float32)
  return 1.0 / jnp.maximum(deg, 1.0)


def _norm_mm_body(pl_ref, pr_ref, p1l_ref, p1r_ref, sum2_ref, sel2_ref,
                  w_ref, o_ref):
  def half(p_ref, p1_ref):
    s = jnp.dot(p_ref[...], sum2_ref[...], preferred_element_type=jnp.float32)
    h = jnp.maximum(s * _dinv(p1_ref[...], sum2_ref, sel2_ref), 0.0)
    return jnp.dot(h, w_ref[...], preferred_element_type=jnp.float32)

  o_ref[...] = jnp.concatenate([half(pl_ref, p1l_ref),
                                half(pr_ref, p1r_ref)],
                               axis=1).astype(jnp.bfloat16)


def _pool_body(p_ref, p1_ref, sum2_ref, sel2_ref, pids_ref, wd_ref, bd_ref,
               o_ref):
  s = jnp.dot(p_ref[...], sum2_ref[...], preferred_element_type=jnp.float32)
  reprs = jnp.maximum(s * _dinv(p1_ref[...], sum2_ref, sel2_ref), 0.0)
  gids = lax.broadcasted_iota(jnp.int32, (N_PAD, N_GRAPHS), 1)
  onehot = (pids_ref[...] == gids).astype(jnp.float32)
  pooled = lax.dot_general(onehot, reprs, (((0,), (0,)), ((), ())),
                           preferred_element_type=jnp.float32)
  o_ref[...] = jnp.dot(pooled, wd_ref[...],
                       preferred_element_type=jnp.float32) + bd_ref[...]


def kernel(x, edge_index, pool_ids, W1, W2, W3, Wd, bd):
  f32 = jnp.float32
  is_src = lax.broadcasted_iota(jnp.int32, (2, N_EDGES), 0) == 0
  perm = jnp.where(edge_index < N_PAD // 2, 2 * edge_index,
                   2 * edge_index - (N_PAD - 1))
  edges = jnp.where(is_src, perm, edge_index).reshape(2, NW * CPT, CHUNK)

  W1pad = jnp.concatenate([W1, jnp.zeros((D_IN, F - H1), f32)], axis=1)
  W2pad = jnp.concatenate([W2, jnp.zeros((F - H1, H2), f32)], axis=0)
  r2 = lax.broadcasted_iota(jnp.int32, (PF, F), 0)
  c2 = lax.broadcasted_iota(jnp.int32, (PF, F), 1)
  sum2 = (r2 % F == c2).astype(f32)
  r1 = lax.broadcasted_iota(jnp.int32, (PF, 1), 0)
  sel2 = ((r1 % F) == ONES_COL).astype(f32)

  zero = jnp.zeros((N_PAD, F), jnp.bfloat16)

  grid10 = (N_PAD // _BLK,)
  row_blk = lambda w: pl.BlockSpec((_BLK, w), lambda i: (i, 0))
  full = lambda a: pl.BlockSpec(a.shape, lambda i: (0,) * a.ndim)

  nb = HALF // _PBLK
  hw1 = pl.pallas_call(
      _mm_ones_body,
      grid=(nb,),
      in_specs=[pl.BlockSpec((_PBLK, D_IN), lambda i: (i, 0)),
                pl.BlockSpec((_PBLK, D_IN), lambda i: (i + nb, 0)),
                full(W1pad)],
      out_specs=pl.BlockSpec((_PBLK, PF), lambda i: (i, 0)),
      out_shape=jax.ShapeDtypeStruct((HALF, PF), jnp.bfloat16),
  )(x, x, W1pad).reshape(N_PAD, F)

  p1 = _agg(hw1, edges, zero)

  pk_blk = lambda off: pl.BlockSpec((_PBLK, PF), lambda i: (i + off, 0))
  hw2 = pl.pallas_call(
      _norm_mm_body,
      grid=(nb,),
      in_specs=[pk_blk(0), pk_blk(nb), pk_blk(0), pk_blk(nb),
                full(sum2), full(sel2), full(W2pad)],
      out_specs=pl.BlockSpec((_PBLK, PF), lambda i: (i, 0)),
      out_shape=jax.ShapeDtypeStruct((HALF, PF), jnp.bfloat16),
  )(p1, p1, p1, p1, sum2, sel2, W2pad).reshape(N_PAD, F)

  p2 = _agg(hw2, edges, zero)

  hw3 = pl.pallas_call(
      _norm_mm_body,
      grid=(nb,),
      in_specs=[pk_blk(0), pk_blk(nb), pk_blk(0), pk_blk(nb),
                full(sum2), full(sel2), full(W3)],
      out_specs=pl.BlockSpec((_PBLK, PF), lambda i: (i, 0)),
      out_shape=jax.ShapeDtypeStruct((HALF, PF), jnp.bfloat16),
  )(p2, p2, p1, p1, sum2, sel2, W3).reshape(N_PAD, F)

  p3 = _agg(hw3, edges, zero)

  blk0 = lambda a: pl.BlockSpec(a.shape, lambda: (0,) * a.ndim)
  pids2d = jnp.concatenate(
      [pool_ids, jnp.full((N_PAD - N_NODES,), N_GRAPHS, jnp.int32)]
  ).reshape(N_PAD, 1)
  bd2d = bd.reshape(1, N_CLASSES)
  out = pl.pallas_call(
      _pool_body,
      in_specs=[blk0(p3), blk0(p1), blk0(sum2), blk0(sel2), blk0(pids2d),
                blk0(Wd), blk0(bd2d)],
      out_specs=pl.BlockSpec((N_GRAPHS, N_CLASSES), lambda: (0, 0)),
      out_shape=jax.ShapeDtypeStruct((N_GRAPHS, N_CLASSES), f32),
  )(p3, p1, sum2, sel2, pids2d, Wd, bd2d)

  return out

# --- scband reference (transcript-rebuilt; emitter-appended) ---
"""Pipeline reference for scband-gcn-with-dense-21131239097136 (READ-ONLY COPY).

The authoritative reference and input builder live on the scoring server;
editing this copy changes nothing except your own understanding.
"""

import jax, jax.numpy as jnp
import numpy as np

N_NODES = 10000
N_EDGES = 320000
D_IN = 128
H1, H2, GCN_OUT = 32, 64, 64
N_GRAPHS = 64
N_CLASSES = 10


def setup_inputs(seed: int = 0) -> dict:
    key = jax.random.key(seed)
    ks = jax.random.split(key, 9)
    x = jax.random.normal(ks[0], (N_NODES, D_IN), dtype=jnp.float32)
    edge_index = jax.random.randint(ks[1], (2, N_EDGES), 0, N_NODES, dtype=jnp.int32)
    pool_ids = jnp.sort(jax.random.randint(ks[2], (N_NODES,), 0, N_GRAPHS, dtype=jnp.int32))
    # learned parameters (GraphConvolution weights + final Dense), Glorot-ish scale
    W1 = jax.random.normal(ks[3], (D_IN, H1), dtype=jnp.float32) * (1.0 / np.sqrt(D_IN))
    W2 = jax.random.normal(ks[4], (H1, H2), dtype=jnp.float32) * (1.0 / np.sqrt(H1))
    W3 = jax.random.normal(ks[5], (H2, GCN_OUT), dtype=jnp.float32) * (1.0 / np.sqrt(H2))
    Wd = jax.random.normal(ks[6], (GCN_OUT, N_CLASSES), dtype=jnp.float32) * (1.0 / np.sqrt(GCN_OUT))
    bd = jnp.zeros((N_CLASSES,), dtype=jnp.float32)
    return {"x": x, "edge_index": edge_index, "pool_ids": pool_ids,
            "W1": W1, "W2": W2, "W3": W3, "Wd": Wd, "bd": bd}


def _gcn_layer(h, W, src, dst, deg_inv):
    # GraphConvolution: A_norm @ (H @ W) followed by ReLU
    hw = h @ W
    msg = jnp.take(hw, src, axis=0)                              # gather over edges
    agg = jax.ops.segment_sum(msg, dst, num_segments=N_NODES)    # scatter-add to dst nodes
    agg = agg * deg_inv[:, None]                                 # degree normalization
    return jax.nn.relu(agg)


def reference(x, edge_index, pool_ids, W1, W2, W3, Wd, bd):
    src = edge_index[0]
    dst = edge_index[1]
    deg = jax.ops.segment_sum(jnp.ones((N_EDGES,), dtype=jnp.float32), dst, num_segments=N_NODES)
    deg_inv = 1.0 / jnp.maximum(deg, 1.0)
    h = _gcn_layer(x, W1, src, dst, deg_inv)
    h = _gcn_layer(h, W2, src, dst, deg_inv)
    reprs = _gcn_layer(h, W3, src, dst, deg_inv)
    # pooling_matrix (sparse [n_graphs, n_nodes]) @ reprs == per-graph segment sum
    pooled = jax.ops.segment_sum(reprs, pool_ids, num_segments=N_GRAPHS)
    outputs = pooled @ Wd + bd
    return outputs

if __name__ == "__main__":
    import jax
    _d = setup_inputs()
    print(jax.jit(kernel)(*tuple(_d.values())))

</pallas_src>

<mosaic_0001>
#map = affine_map<(d0, d1) -> (0, 0)>
#map1 = affine_map<(d0, d1) -> (0, 0, 0)>
module attributes {stable_mosaic.version = 14 : i64} {
  func.func @_agg(%arg0: i32, %arg1: i32, %arg2: memref<10240x64xbf16, #tpu.memory_space<hbm>>, %arg3: memref<2x2560x125xi32, #tpu.memory_space<hbm>>, %arg4: memref<10240x64xbf16, #tpu.memory_space<hbm>>, %arg5: memref<10240x128xbf16, #tpu.memory_space<hbm>>, %arg6: memref<80x125xi32, #tpu.memory_space<vmem>>, %arg7: memref<80x125xi32, #tpu.memory_space<vmem>>, %arg8: memref<8x125x64xbf16, #tpu.memory_space<vmem>>, %arg9: memref<10240x64xbf16, #tpu.memory_space<vmem_shared>>, %arg10: memref<!tpu.dma_semaphore, #tpu.memory_space<semaphore_mem>>, %arg11: memref<!tpu.dma_semaphore, #tpu.memory_space<semaphore_mem>>, %arg12: memref<!tpu.dma_semaphore, #tpu.memory_space<semaphore_mem>>, %arg13: memref<!tpu.dma_semaphore, #tpu.memory_space<semaphore_mem>>, %arg14: memref<!tpu.dma_semaphore, #tpu.memory_space<semaphore_mem>>, %arg15: memref<!tpu.dma_semaphore, #tpu.memory_space<semaphore_mem>>, %arg16: memref<!tpu.dma_semaphore, #tpu.memory_space<semaphore_mem>>, %arg17: memref<!tpu.dma_semaphore, #tpu.memory_space<semaphore_mem>>, %arg18: memref<!tpu.dma_semaphore, #tpu.memory_space<semaphore_mem>>, %arg19: memref<!tpu.dma_semaphore, #tpu.memory_space<semaphore_mem>>, %arg20: memref<!tpu.dma_semaphore, #tpu.memory_space<semaphore_mem>>, %arg21: memref<!tpu.dma_semaphore, #tpu.memory_space<semaphore_mem>>, %arg22: memref<!tpu.dma_semaphore, #tpu.memory_space<semaphore_mem>>, %arg23: memref<!tpu.dma_semaphore, #tpu.memory_space<semaphore_mem>>, %arg24: memref<!tpu.dma_semaphore, #tpu.memory_space<semaphore_mem>>, %arg25: memref<!tpu.dma_semaphore, #tpu.memory_space<semaphore_mem>>, %arg26: memref<!tpu.dma_semaphore, #tpu.memory_space<semaphore_mem>>) attributes {dimension_semantics = [#tpu.dimension_semantics<core_parallel>, #tpu.dimension_semantics<subcore_parallel>], iteration_bounds = array<i64: 2, 16>, scalar_prefetch = 0 : i64, scratch_operands = 21 : i64, tpu.core_type = #tpu.core_type<sc_vector_subcore>, window_params = [{transform_indices = #map}, {transform_indices = #map1}, {transform_indices = #map}, {transform_indices = #map}]} {
    %mul3A = arith.constant 16 : i32
    %mul3A_0 = arith.muli %arg0, %mul3A : i32
    %add3A = arith.addi %mul3A_0, %arg1 : i32
    %mul3A_1 = arith.constant 640 : i32
    %mul3A_2 = arith.muli %arg1, %mul3A_1 : i32
    %mul3A_3 = arith.constant 80 : i32
    %mul3A_4 = arith.muli %add3A, %mul3A_3 : i32
    %dma_start3A = arith.constant 0 : i32
    %dma_start3A_5 = arith.constant 0 : i32
    %dma_start3A_6 = arith.constant 0 : i32
    %dma_start3A_7 = tpu.memref_slice %arg3[%dma_start3A, %dma_start3A_5, %dma_start3A_6] : memref<2x2560x125xi32, #tpu.memory_space<hbm>> -> memref<1x2560x125xi32, #tpu.memory_space<hbm>>
    %dma_start3A_8 = tpu.memref_squeeze %dma_start3A_7 : memref<1x2560x125xi32, #tpu.memory_space<hbm>> -> memref<2560x125xi32, #tpu.memory_space<hbm>>
    %dma_start3A_9 = arith.constant 0 : i32
    %dma_start3A_10 = tpu.memref_slice %dma_start3A_8[%mul3A_4, %dma_start3A_9] : memref<2560x125xi32, #tpu.memory_space<hbm>> -> memref<80x125xi32, #tpu.memory_space<hbm>>
    %dma_start3A_11 = arith.constant 0 : i32
    %dma_start3A_12 = arith.constant 0 : i32
    %dma_start3A_13 = tpu.memref_slice %arg3[%dma_start3A, %dma_start3A_11, %dma_start3A_12] : memref<2x2560x125xi32, #tpu.memory_space<hbm>> -> memref<1x2560x125xi32, #tpu.memory_space<hbm>>
    %dma_start3A_14 = tpu.memref_squeeze %dma_start3A_13 : memref<1x2560x125xi32, #tpu.memory_space<hbm>> -> memref<2560x125xi32, #tpu.memory_space<hbm>>
    %dma_start3A_15 = arith.constant 0 : i32
    %dma_start3A_16 = tpu.memref_slice %dma_start3A_14[%mul3A_4, %dma_start3A_15] : memref<2560x125xi32, #tpu.memory_space<hbm>> -> memref<80x125xi32, #tpu.memory_space<hbm>>
    tpu.enqueue_dma source(%dma_start3A_16 : memref<80x125xi32, #tpu.memory_space<hbm>>) target(%arg6 : memref<80x125xi32, #tpu.memory_space<vmem>>) target_semaphore(%arg10 : memref<!tpu.dma_semaphore, #tpu.memory_space<semaphore_mem>>)
    %mul3A_17 = arith.constant 80 : i32
    %mul3A_18 = arith.muli %add3A, %mul3A_17 : i32
    %dma_start3A_19 = arith.constant 1 : i32
    %dma_start3A_20 = arith.constant 0 : i32
    %dma_start3A_21 = arith.constant 0 : i32
    %dma_start3A_22 = tpu.memref_slice %arg3[%dma_start3A_19, %dma_start3A_20, %dma_start3A_21] : memref<2x2560x125xi32, #tpu.memory_space<hbm>> -> memref<1x2560x125xi32, #tpu.memory_space<hbm>>
    %dma_start3A_23 = tpu.memref_squeeze %dma_start3A_22 : memref<1x2560x125xi32, #tpu.memory_space<hbm>> -> memref<2560x125xi32, #tpu.memory_space<hbm>>
    %dma_start3A_24 = arith.constant 0 : i32
    %dma_start3A_25 = tpu.memref_slice %dma_start3A_23[%mul3A_18, %dma_start3A_24] : memref<2560x125xi32, #tpu.memory_space<hbm>> -> memref<80x125xi32, #tpu.memory_space<hbm>>
    %dma_start3A_26 = arith.constant 0 : i32
    %dma_start3A_27 = arith.constant 0 : i32
    %dma_start3A_28 = tpu.memref_slice %arg3[%dma_start3A_19, %dma_start3A_26, %dma_start3A_27] : memref<2x2560x125xi32, #tpu.memory_space<hbm>> -> memref<1x2560x125xi32, #tpu.memory_space<hbm>>
    %dma_start3A_29 = tpu.memref_squeeze %dma_start3A_28 : memref<1x2560x125xi32, #tpu.memory_space<hbm>> -> memref<2560x125xi32, #tpu.memory_space<hbm>>
    %dma_start3A_30 = arith.constant 0 : i32
    %dma_start3A_31 = tpu.memref_slice %dma_start3A_29[%mul3A_18, %dma_start3A_30] : memref<2560x125xi32, #tpu.memory_space<hbm>> -> memref<80x125xi32, #tpu.memory_space<hbm>>
    tpu.enqueue_dma source(%dma_start3A_31 : memref<80x125xi32, #tpu.memory_space<hbm>>) target(%arg7 : memref<80x125xi32, #tpu.memory_space<vmem>>) target_semaphore(%arg10 : memref<!tpu.dma_semaphore, #tpu.memory_space<semaphore_mem>>)
    %dma_start3A_32 = arith.constant 0 : i32
    %dma_start3A_33 = tpu.memref_slice %arg9[%mul3A_2, %dma_start3A_32] : memref<10240x64xbf16, #tpu.memory_space<vmem_shared>> -> memref<640x64xbf16, #tpu.memory_space<vmem_shared>>
    %dma_start3A_34 = arith.constant 0 : i32
    %dma_start3A_35 = tpu.memref_slice %arg4[%mul3A_2, %dma_start3A_34] : memref<10240x64xbf16, #tpu.memory_space<hbm>> -> memref<640x64xbf16, #tpu.memory_space<hbm>>
    tpu.enqueue_dma source(%dma_start3A_35 : memref<640x64xbf16, #tpu.memory_space<hbm>>) target(%dma_start3A_33 : memref<640x64xbf16, #tpu.memory_space<vmem_shared>>) target_semaphore(%arg10 : memref<!tpu.dma_semaphore, #tpu.memory_space<semaphore_mem>>)
    %mul3A_36 = arith.constant 80 : i32
    %mul3A_37 = arith.muli %add3A, %mul3A_36 : i32
    %dma_wait3A = arith.constant 0 : i32
    %dma_wait3A_38 = arith.constant 0 : i32
    %dma_wait3A_39 = arith.constant 0 : i32
    %dma_wait3A_40 = tpu.memref_slice %arg3[%dma_wait3A, %dma_wait3A_38, %dma_wait3A_39] : memref<2x2560x125xi32, #tpu.memory_space<hbm>> -> memref<1x2560x125xi32, #tpu.memory_space<hbm>>
    %dma_wait3A_41 = tpu.memref_squeeze %dma_wait3A_40 : memref<1x2560x125xi32, #tpu.memory_space<hbm>> -> memref<2560x125xi32, #tpu.memory_space<hbm>>
    %dma_wait3A_42 = arith.constant 0 : i32
    %dma_wait3A_43 = tpu.memref_slice %dma_wait3A_41[%mul3A_37, %dma_wait3A_42] : memref<2560x125xi32, #tpu.memory_space<hbm>> -> memref<80x125xi32, #tpu.memory_space<hbm>>
    %dma_wait3A_44 = arith.constant 0 : i32
    %dma_wait3A_45 = arith.constant 0 : i32
    %dma_wait3A_46 = tpu.memref_slice %arg3[%dma_wait3A, %dma_wait3A_44, %dma_wait3A_45] : memref<2x2560x125xi32, #tpu.memory_space<hbm>> -> memref<1x2560x125xi32, #tpu.memory_space<hbm>>
    %dma_wait3A_47 = tpu.memref_squeeze %dma_wait3A_46 : memref<1x2560x125xi32, #tpu.memory_space<hbm>> -> memref<2560x125xi32, #tpu.memory_space<hbm>>
    %dma_wait3A_48 = arith.constant 0 : i32
    %dma_wait3A_49 = tpu.memref_slice %dma_wait3A_47[%mul3A_37, %dma_wait3A_48] : memref<2560x125xi32, #tpu.memory_space<hbm>> -> memref<80x125xi32, #tpu.memory_space<hbm>>
    tpu.wait_dma2 semaphore(%arg10 : memref<!tpu.dma_semaphore, #tpu.memory_space<semaphore_mem>>) src(%dma_wait3A_49 : memref<80x125xi32, #tpu.memory_space<hbm>>) dst(%arg6 : memref<80x125xi32, #tpu.memory_space<vmem>>)
    %mul3A_50 = arith.constant 80 : i32
    %mul3A_51 = arith.muli %add3A, %mul3A_50 : i32
    %dma_wait3A_52 = arith.constant 1 : i32
    %dma_wait3A_53 = arith.constant 0 : i32
    %dma_wait3A_54 = arith.constant 0 : i32
    %dma_wait3A_55 = tpu.memref_slice %arg3[%dma_wait3A_52, %dma_wait3A_53, %dma_wait3A_54] : memref<2x2560x125xi32, #tpu.memory_space<hbm>> -> memref<1x2560x125xi32, #tpu.memory_space<hbm>>
    %dma_wait3A_56 = tpu.memref_squeeze %dma_wait3A_55 : memref<1x2560x125xi32, #tpu.memory_space<hbm>> -> memref<2560x125xi32, #tpu.memory_space<hbm>>
    %dma_wait3A_57 = arith.constant 0 : i32
    %dma_wait3A_58 = tpu.memref_slice %dma_wait3A_56[%mul3A_51, %dma_wait3A_57] : memref<2560x125xi32, #tpu.memory_space<hbm>> -> memref<80x125xi32, #tpu.memory_space<hbm>>
    %dma_wait3A_59 = arith.constant 0 : i32
    %dma_wait3A_60 = arith.constant 0 : i32
    %dma_wait3A_61 = tpu.memref_slice %arg3[%dma_wait3A_52, %dma_wait3A_59, %dma_wait3A_60] : memref<2x2560x125xi32, #tpu.memory_space<hbm>> -> memref<1x2560x125xi32, #tpu.memory_space<hbm>>
    %dma_wait3A_62 = tpu.memref_squeeze %dma_wait3A_61 : memref<1x2560x125xi32, #tpu.memory_space<hbm>> -> memref<2560x125xi32, #tpu.memory_space<hbm>>
    %dma_wait3A_63 = arith.constant 0 : i32
    %dma_wait3A_64 = tpu.memref_slice %dma_wait3A_62[%mul3A_51, %dma_wait3A_63] : memref<2560x125xi32, #tpu.memory_space<hbm>> -> memref<80x125xi32, #tpu.memory_space<hbm>>
    tpu.wait_dma2 semaphore(%arg10 : memref<!tpu.dma_semaphore, #tpu.memory_space<semaphore_mem>>) src(%dma_wait3A_64 : memref<80x125xi32, #tpu.memory_space<hbm>>) dst(%arg7 : memref<80x125xi32, #tpu.memory_space<vmem>>)
    %dma_wait3A_65 = arith.constant 0 : i32
    %dma_wait3A_66 = tpu.memref_slice %arg9[%mul3A_2, %dma_wait3A_65] : memref<10240x64xbf16, #tpu.memory_space<vmem_shared>> -> memref<640x64xbf16, #tpu.memory_space<vmem_shared>>
    %dma_wait3A_67 = arith.constant 0 : i32
    %dma_wait3A_68 = tpu.memref_slice %arg4[%mul3A_2, %dma_wait3A_67] : memref<10240x64xbf16, #tpu.memory_space<hbm>> -> memref<640x64xbf16, #tpu.memory_space<hbm>>
    tpu.wait_dma2 semaphore(%arg10 : memref<!tpu.dma_semaphore, #tpu.memory_space<semaphore_mem>>) src(%dma_wait3A_68 : memref<640x64xbf16, #tpu.memory_space<hbm>>) dst(%dma_wait3A_66 : memref<640x64xbf16, #tpu.memory_space<vmem_shared>>)
    %barrier3A = arith.constant 0 : index
    tpu.barrier barrier_id(%barrier3A)
    %dma_start3A_69 = arith.constant 0 : i32
    %dma_start3A_70 = arith.constant 0 : i32
    %dma_start3A_71 = arith.constant 0 : i32
    %dma_start3A_72 = arith.constant 0 : i32
    %dma_start3A_73 = tpu.memref_slice %arg8[%dma_start3A_70, %dma_start3A_71, %dma_start3A_72] : memref<8x125x64xbf16, #tpu.memory_space<vmem>> -> memref<1x125x64xbf16, #tpu.memory_space<vmem>>
    %dma_start3A_74 = tpu.memref_squeeze %dma_start3A_73 : memref<1x125x64xbf16, #tpu.memory_space<vmem>> -> memref<125x64xbf16, #tpu.memory_space<vmem>>
    %dma_start3A_75 = arith.constant 0 : i32
    %dma_start3A_76 = tpu.memref_slice %arg6[%dma_start3A_69, %dma_start3A_75] : memref<80x125xi32, #tpu.memory_space<vmem>> -> memref<1x125xi32, #tpu.memory_space<vmem>>
    %dma_start3A_77 = tpu.memref_squeeze %dma_start3A_76 : memref<1x125xi32, #tpu.memory_space<vmem>> -> memref<125xi32, #tpu.memory_space<vmem>>
    %dma_start3A_78 = arith.constant 0 : i32
    %dma_start3A_79 = arith.constant 0 : i32
    %dma_start3A_80 = tpu.memref_slice %arg2[%dma_start3A_78, %dma_start3A_79] : memref<10240x64xbf16, #tpu.memory_space<hbm>> -> memref<10240x64xbf16, #tpu.memory_space<hbm>>
    tpu.enqueue_indirect_dma source(%dma_start3A_80 : memref<10240x64xbf16, #tpu.memory_space<hbm>>) target(%dma_start3A_74 : memref<125x64xbf16, #tpu.memory_space<vmem>>) offsets(%dma_start3A_77 : memref<125xi32, #tpu.memory_space<vmem>>) semaphore(%arg11 : memref<!tpu.dma_semaphore, #tpu.memory_space<semaphore_mem>>)
    %dma_start3A_81 = arith.constant 1 : i32
    %dma_start3A_82 = arith.constant 1 : i32
    %dma_start3A_83 = arith.constant 0 : i32
    %dma_start3A_84 = arith.constant 0 : i32
    %dma_start3A_85 = tpu.memref_slice %arg8[%dma_start3A_82, %dma_start3A_83, %dma_start3A_84] : memref<8x125x64xbf16, #tpu.memory_space<vmem>> -> memref<1x125x64xbf16, #tpu.memory_space<vmem>>
    %dma_start3A_86 = tpu.memref_squeeze %dma_start3A_85 : memref<1x125x64xbf16, #tpu.memory_space<vmem>> -> memref<125x64xbf16, #tpu.memory_space<vmem>>
    %dma_start3A_87 = arith.constant 0 : i32
    %dma_start3A_88 = tpu.memref_slice %arg6[%dma_start3A_81, %dma_start3A_87] : memref<80x125xi32, #tpu.memory_space<vmem>> -> memref<1x125xi32, #tpu.memory_space<vmem>>
    %dma_start3A_89 = tpu.memref_squeeze %dma_start3A_88 : memref<1x125xi32, #tpu.memory_space<vmem>> -> memref<125xi32, #tpu.memory_space<vmem>>
    %dma_start3A_90 = arith.constant 0 : i32
    %dma_start3A_91 = arith.constant 0 : i32
    %dma_start3A_92 = tpu.memref_slice %arg2[%dma_start3A_90, %dma_start3A_91] : memref<10240x64xbf16, #tpu.memory_space<hbm>> -> memref<10240x64xbf16, #tpu.memory_space<hbm>>
    tpu.enqueue_indirect_dma source(%dma_start3A_92 : memref<10240x64xbf16, #tpu.memory_space<hbm>>) target(%dma_start3A_86 : memref<125x64xbf16, #tpu.memory_space<vmem>>) offsets(%dma_start3A_89 : memref<125xi32, #tpu.memory_space<vmem>>) semaphore(%arg12 : memref<!tpu.dma_semaphore, #tpu.memory_space<semaphore_mem>>)
    %dma_start3A_93 = arith.constant 2 : i32
    %dma_start3A_94 = arith.constant 2 : i32
    %dma_start3A_95 = arith.constant 0 : i32
    %dma_start3A_96 = arith.constant 0 : i32
    %dma_start3A_97 = tpu.memref_slice %arg8[%dma_start3A_94, %dma_start3A_95, %dma_start3A_96] : memref<8x125x64xbf16, #tpu.memory_space<vmem>> -> memref<1x125x64xbf16, #tpu.memory_space<vmem>>
    %dma_start3A_98 = tpu.memref_squeeze %dma_start3A_97 : memref<1x125x64xbf16, #tpu.memory_space<vmem>> -> memref<125x64xbf16, #tpu.memory_space<vmem>>
    %dma_start3A_99 = arith.constant 0 : i32
    %dma_start3A_100 = tpu.memref_slice %arg6[%dma_start3A_93, %dma_start3A_99] : memref<80x125xi32, #tpu.memory_space<vmem>> -> memref<1x125xi32, #tpu.memory_space<vmem>>
    %dma_start3A_101 = tpu.memref_squeeze %dma_start3A_100 : memref<1x125xi32, #tpu.memory_space<vmem>> -> memref<125xi32, #tpu.memory_space<vmem>>
    %dma_start3A_102 = arith.constant 0 : i32
    %dma_start3A_103 = arith.constant 0 : i32
    %dma_start3A_104 = tpu.memref_slice %arg2[%dma_start3A_102, %dma_start3A_103] : memref<10240x64xbf16, #tpu.memory_space<hbm>> -> memref<10240x64xbf16, #tpu.memory_space<hbm>>
    tpu.enqueue_indirect_dma source(%dma_start3A_104 : memref<10240x64xbf16, #tpu.memory_space<hbm>>) target(%dma_start3A_98 : memref<125x64xbf16, #tpu.memory_space<vmem>>) offsets(%dma_start3A_101 : memref<125xi32, #tpu.memory_space<vmem>>) semaphore(%arg13 : memref<!tpu.dma_semaphore, #tpu.memory_space<semaphore_mem>>)
    %dma_start3A_105 = arith.constant 3 : i32
    %dma_start3A_106 = arith.constant 3 : i32
    %dma_start3A_107 = arith.constant 0 : i32
    %dma_start3A_108 = arith.constant 0 : i32
    %dma_start3A_109 = tpu.memref_slice %arg8[%dma_start3A_106, %dma_start3A_107, %dma_start3A_108] : memref<8x125x64xbf16, #tpu.memory_space<vmem>> -> memref<1x125x64xbf16, #tpu.memory_space<vmem>>
    %dma_start3A_110 = tpu.memref_squeeze %dma_start3A_109 : memref<1x125x64xbf16, #tpu.memory_space<vmem>> -> memref<125x64xbf16, #tpu.memory_space<vmem>>
    %dma_start3A_111 = arith.constant 0 : i32
    %dma_start3A_112 = tpu.memref_slice %arg6[%dma_start3A_105, %dma_start3A_111] : memref<80x125xi32, #tpu.memory_space<vmem>> -> memref<1x125xi32, #tpu.memory_space<vmem>>
    %dma_start3A_113 = tpu.memref_squeeze %dma_start3A_112 : memref<1x125xi32, #tpu.memory_space<vmem>> -> memref<125xi32, #tpu.memory_space<vmem>>
    %dma_start3A_114 = arith.constant 0 : i32
    %dma_start3A_115 = arith.constant 0 : i32
    %dma_start3A_116 = tpu.memref_slice %arg2[%dma_start3A_114, %dma_start3A_115] : memref<10240x64xbf16, #tpu.memory_space<hbm>> -> memref<10240x64xbf16, #tpu.memory_space<hbm>>
    tpu.enqueue_indirect_dma source(%dma_start3A_116 : memref<10240x64xbf16, #tpu.memory_space<hbm>>) target(%dma_start3A_110 : memref<125x64xbf16, #tpu.memory_space<vmem>>) offsets(%dma_start3A_113 : memref<125xi32, #tpu.memory_space<vmem>>) semaphore(%arg14 : memref<!tpu.dma_semaphore, #tpu.memory_space<semaphore_mem>>)
    %scan3A = arith.constant 0 : i32
    %scan3A_117 = arith.constant 0 : i32
    %scan3A_118 = arith.constant 10 : i32
    %scan3A_119 = arith.addi %scan3A_117, %scan3A_118 : i32
    %scan3A_120 = arith.constant 1 : i32
    scf.for %scan3A_221 = %scan3A_117 to %scan3A_119 step %scan3A_120  : i32 {
      %mul3A_222 = arith.constant 8 : i32
      %mul3A_223 = arith.muli %mul3A_222, %scan3A_221 : i32
      %add3A_224 = arith.constant 0 : i32
      %add3A_225 = arith.addi %mul3A_223, %add3A_224 : i32
      %add3A_226 = arith.constant 4 : i32
      %add3A_227 = arith.addi %add3A_225, %add3A_226 : i32
      %lt3A = arith.constant 80 : i32
      %lt3A_228 = arith.cmpi slt, %add3A_227, %lt3A : i32
      %convert_element_type3A = arith.extui %lt3A_228 : i1 to i32
      %cond3A = arith.constant 0 : i32
      %cond3A_229 = arith.cmpi ne, %convert_element_type3A, %cond3A : i32
      scf.if %cond3A_229 {
        %ge3A = arith.constant 8 : i32
        %ge3A_483 = arith.cmpi sge, %add3A_227, %ge3A : i32
        %convert_element_type3A_484 = arith.extui %ge3A_483 : i1 to i32
        %cond3A_485 = arith.constant 0 : i32
        %cond3A_486 = arith.cmpi ne, %convert_element_type3A_484, %cond3A_485 : i32
        scf.if %cond3A_486 {
          %sub3A = arith.constant 8 : i32
          %sub3A_498 = arith.subi %add3A_227, %sub3A : i32
          %dma_wait3A_499 = arith.constant 4 : i32
          %dma_wait3A_500 = arith.constant 0 : i32
          %dma_wait3A_501 = arith.constant 0 : i32
          %dma_wait3A_502 = tpu.memref_slice %arg8[%dma_wait3A_499, %dma_wait3A_500, %dma_wait3A_501] : memref<8x125x64xbf16, #tpu.memory_space<vmem>> -> memref<1x125x64xbf16, #tpu.memory_space<vmem>>
          %dma_wait3A_503 = tpu.memref_squeeze %dma_wait3A_502 : memref<1x125x64xbf16, #tpu.memory_space<vmem>> -> memref<125x64xbf16, #tpu.memory_space<vmem>>
          %dma_wait3A_504 = arith.constant 0 : i32
          %dma_wait3A_505 = tpu.memref_slice %arg7[%sub3A_498, %dma_wait3A_504] : memref<80x125xi32, #tpu.memory_space<vmem>> -> memref<1x125xi32, #tpu.memory_space<vmem>>
          %dma_wait3A_506 = tpu.memref_squeeze %dma_wait3A_505 : memref<1x125xi32, #tpu.memory_space<vmem>> -> memref<125xi32, #tpu.memory_space<vmem>>
          %dma_wait3A_507 = arith.constant 0 : i32
          %dma_wait3A_508 = arith.constant 0 : i32
          %dma_wait3A_509 = tpu.memref_slice %arg9[%dma_wait3A_507, %dma_wait3A_508] : memref<10240x64xbf16, #tpu.memory_space<vmem_shared>> -> memref<10240x64xbf16, #tpu.memory_space<vmem_shared>>
          tpu.wait_indirect_dma semaphore(%arg23 : memref<!tpu.dma_semaphore, #tpu.memory_space<semaphore_mem>>) src(%dma_wait3A_503 : memref<125x64xbf16, #tpu.memory_space<vmem>>) dst(%dma_wait3A_509 : memref<10240x64xbf16, #tpu.memory_space<vmem_shared>>)
        } else {
        }
        %dma_start3A_487 = arith.constant 4 : i32
        %dma_start3A_488 = arith.constant 0 : i32
        %dma_start3A_489 = arith.constant 0 : i32
        %dma_start3A_490 = tpu.memref_slice %arg8[%dma_start3A_487, %dma_start3A_488, %dma_start3A_489] : memref<8x125x64xbf16, #tpu.memory_space<vmem>> -> memref<1x125x64xbf16, #tpu.memory_space<vmem>>
        %dma_start3A_491 = tpu.memref_squeeze %dma_start3A_490 : memref<1x125x64xbf16, #tpu.memory_space<vmem>> -> memref<125x64xbf16, #tpu.memory_space<vmem>>
        %dma_start3A_492 = arith.constant 0 : i32
        %dma_start3A_493 = tpu.memref_slice %arg6[%add3A_227, %dma_start3A_492] : memref<80x125xi32, #tpu.memory_space<vmem>> -> memref<1x125xi32, #tpu.memory_space<vmem>>
        %dma_start3A_494 = tpu.memref_squeeze %dma_start3A_493 : memref<1x125xi32, #tpu.memory_space<vmem>> -> memref<125xi32, #tpu.memory_space<vmem>>
        %dma_start3A_495 = arith.constant 0 : i32
        %dma_start3A_496 = arith.constant 0 : i32
        %dma_start3A_497 = tpu.memref_slice %arg2[%dma_start3A_495, %dma_start3A_496] : memref<10240x64xbf16, #tpu.memory_space<hbm>> -> memref<10240x64xbf16, #tpu.memory_space<hbm>>
        tpu.enqueue_indirect_dma source(%dma_start3A_497 : memref<10240x64xbf16, #tpu.memory_space<hbm>>) target(%dma_start3A_491 : memref<125x64xbf16, #tpu.memory_space<vmem>>) offsets(%dma_start3A_494 : memref<125xi32, #tpu.memory_space<vmem>>) semaphore(%arg15 : memref<!tpu.dma_semaphore, #tpu.memory_space<semaphore_mem>>)
      } else {
      }
      %dma_wait3A_230 = arith.constant 0 : i32
      %dma_wait3A_231 = arith.constant 0 : i32
      %dma_wait3A_232 = arith.constant 0 : i32
      %dma_wait3A_233 = tpu.memref_slice %arg8[%dma_wait3A_230, %dma_wait3A_231, %dma_wait3A_232] : memref<8x125x64xbf16, #tpu.memory_space<vmem>> -> memref<1x125x64xbf16, #tpu.memory_space<vmem>>
      %dma_wait3A_234 = tpu.memref_squeeze %dma_wait3A_233 : memref<1x125x64xbf16, #tpu.memory_space<vmem>> -> memref<125x64xbf16, #tpu.memory_space<vmem>>
      %dma_wait3A_235 = arith.constant 0 : i32
      %dma_wait3A_236 = tpu.memref_slice %arg6[%add3A_225, %dma_wait3A_235] : memref<80x125xi32, #tpu.memory_space<vmem>> -> memref<1x125xi32, #tpu.memory_space<vmem>>
      %dma_wait3A_237 = tpu.memref_squeeze %dma_wait3A_236 : memref<1x125xi32, #tpu.memory_space<vmem>> -> memref<125xi32, #tpu.memory_space<vmem>>
      %dma_wait3A_238 = arith.constant 0 : i32
      %dma_wait3A_239 = arith.constant 0 : i32
      %dma_wait3A_240 = tpu.memref_slice %arg2[%dma_wait3A_238, %dma_wait3A_239] : memref<10240x64xbf16, #tpu.memory_space<hbm>> -> memref<10240x64xbf16, #tpu.memory_space<hbm>>
      tpu.wait_indirect_dma semaphore(%arg11 : memref<!tpu.dma_semaphore, #tpu.memory_space<semaphore_mem>>) src(%dma_wait3A_240 : memref<10240x64xbf16, #tpu.memory_space<hbm>>) dst(%dma_wait3A_234 : memref<125x64xbf16, #tpu.memory_space<vmem>>)
      %dma_start3A_241 = arith.constant 0 : i32
      %dma_start3A_242 = arith.constant 0 : i32
      %dma_start3A_243 = arith.constant 0 : i32
      %dma_start3A_244 = tpu.memref_slice %arg8[%dma_start3A_241, %dma_start3A_242, %dma_start3A_243] : memref<8x125x64xbf16, #tpu.memory_space<vmem>> -> memref<1x125x64xbf16, #tpu.memory_space<vmem>>
      %dma_start3A_245 = tpu.memref_squeeze %dma_start3A_244 : memref<1x125x64xbf16, #tpu.memory_space<vmem>> -> memref<125x64xbf16, #tpu.memory_space<vmem>>
      %dma_start3A_246 = arith.constant 0 : i32
      %dma_start3A_247 = tpu.memref_slice %arg7[%add3A_225, %dma_start3A_246] : memref<80x125xi32, #tpu.memory_space<vmem>> -> memref<1x125xi32, #tpu.memory_space<vmem>>
      %dma_start3A_248 = tpu.memref_squeeze %dma_start3A_247 : memref<1x125xi32, #tpu.memory_space<vmem>> -> memref<125xi32, #tpu.memory_space<vmem>>
      %dma_start3A_249 = arith.constant 0 : i32
      %dma_start3A_250 = arith.constant 0 : i32
      %dma_start3A_251 = tpu.memref_slice %arg9[%dma_start3A_249, %dma_start3A_250] : memref<10240x64xbf16, #tpu.memory_space<vmem_shared>> -> memref<10240x64xbf16, #tpu.memory_space<vmem_shared>>
      tpu.enqueue_indirect_dma source(%dma_start3A_245 : memref<125x64xbf16, #tpu.memory_space<vmem>>) target(%dma_start3A_251 : memref<10240x64xbf16, #tpu.memory_space<vmem_shared>>) offsets(%dma_start3A_248 : memref<125xi32, #tpu.memory_space<vmem>>) semaphore(%arg19 : memref<!tpu.dma_semaphore, #tpu.memory_space<semaphore_mem>>) {add = true}
      %mul3A_252 = arith.constant 8 : i32
      %mul3A_253 = arith.muli %mul3A_252, %scan3A_221 : i32
      %add3A_254 = arith.constant 1 : i32
      %add3A_255 = arith.addi %mul3A_253, %add3A_254 : i32
      %add3A_256 = arith.constant 4 : i32
      %add3A_257 = arith.addi %add3A_255, %add3A_256 : i32
      %lt3A_258 = arith.constant 80 : i32
      %lt3A_259 = arith.cmpi slt, %add3A_257, %lt3A_258 : i32
      %convert_element_type3A_260 = arith.extui %lt3A_259 : i1 to i32
      %cond3A_261 = arith.constant 0 : i32
      %cond3A_262 = arith.cmpi ne, %convert_element_type3A_260, %cond3A_261 : i32
      scf.if %cond3A_262 {
        %ge3A = arith.constant 8 : i32
        %ge3A_483 = arith.cmpi sge, %add3A_257, %ge3A : i32
        %convert_element_type3A_484 = arith.extui %ge3A_483 : i1 to i32
        %cond3A_485 = arith.constant 0 : i32
        %cond3A_486 = arith.cmpi ne, %convert_element_type3A_484, %cond3A_485 : i32
        scf.if %cond3A_486 {
          %sub3A = arith.constant 8 : i32
          %sub3A_498 = arith.subi %add3A_257, %sub3A : i32
          %dma_wait3A_499 = arith.constant 5 : i32
          %dma_wait3A_500 = arith.constant 0 : i32
          %dma_wait3A_501 = arith.constant 0 : i32
          %dma_wait3A_502 = tpu.memref_slice %arg8[%dma_wait3A_499, %dma_wait3A_500, %dma_wait3A_501] : memref<8x125x64xbf16, #tpu.memory_space<vmem>> -> memref<1x125x64xbf16, #tpu.memory_space<vmem>>
          %dma_wait3A_503 = tpu.memref_squeeze %dma_wait3A_502 : memref<1x125x64xbf16, #tpu.memory_space<vmem>> -> memref<125x64xbf16, #tpu.memory_space<vmem>>
          %dma_wait3A_504 = arith.constant 0 : i32
          %dma_wait3A_505 = tpu.memref_slice %arg7[%sub3A_498, %dma_wait3A_504] : memref<80x125xi32, #tpu.memory_space<vmem>> -> memref<1x125xi32, #tpu.memory_space<vmem>>
          %dma_wait3A_506 = tpu.memref_squeeze %dma_wait3A_505 : memref<1x125xi32, #tpu.memory_space<vmem>> -> memref<125xi32, #tpu.memory_space<vmem>>
          %dma_wait3A_507 = arith.constant 0 : i32
          %dma_wait3A_508 = arith.constant 0 : i32
          %dma_wait3A_509 = tpu.memref_slice %arg9[%dma_wait3A_507, %dma_wait3A_508] : memref<10240x64xbf16, #tpu.memory_space<vmem_shared>> -> memref<10240x64xbf16, #tpu.memory_space<vmem_shared>>
          tpu.wait_indirect_dma semaphore(%arg24 : memref<!tpu.dma_semaphore, #tpu.memory_space<semaphore_mem>>) src(%dma_wait3A_503 : memref<125x64xbf16, #tpu.memory_space<vmem>>) dst(%dma_wait3A_509 : memref<10240x64xbf16, #tpu.memory_space<vmem_shared>>)
        } else {
        }
        %dma_start3A_487 = arith.constant 5 : i32
        %dma_start3A_488 = arith.constant 0 : i32
        %dma_start3A_489 = arith.constant 0 : i32
        %dma_start3A_490 = tpu.memref_slice %arg8[%dma_start3A_487, %dma_start3A_488, %dma_start3A_489] : memref<8x125x64xbf16, #tpu.memory_space<vmem>> -> memref<1x125x64xbf16, #tpu.memory_space<vmem>>
        %dma_start3A_491 = tpu.memref_squeeze %dma_start3A_490 : memref<1x125x64xbf16, #tpu.memory_space<vmem>> -> memref<125x64xbf16, #tpu.memory_space<vmem>>
        %dma_start3A_492 = arith.constant 0 : i32
        %dma_start3A_493 = tpu.memref_slice %arg6[%add3A_257, %dma_start3A_492] : memref<80x125xi32, #tpu.memory_space<vmem>> -> memref<1x125xi32, #tpu.memory_space<vmem>>
        %dma_start3A_494 = tpu.memref_squeeze %dma_start3A_493 : memref<1x125xi32, #tpu.memory_space<vmem>> -> memref<125xi32, #tpu.memory_space<vmem>>
        %dma_start3A_495 = arith.constant 0 : i32
        %dma_start3A_496 = arith.constant 0 : i32
        %dma_start3A_497 = tpu.memref_slice %arg2[%dma_start3A_495, %dma_start3A_496] : memref<10240x64xbf16, #tpu.memory_space<hbm>> -> memref<10240x64xbf16, #tpu.memory_space<hbm>>
        tpu.enqueue_indirect_dma source(%dma_start3A_497 : memref<10240x64xbf16, #tpu.memory_space<hbm>>) target(%dma_start3A_491 : memref<125x64xbf16, #tpu.memory_space<vmem>>) offsets(%dma_start3A_494 : memref<125xi32, #tpu.memory_space<vmem>>) semaphore(%arg16 : memref<!tpu.dma_semaphore, #tpu.memory_space<semaphore_mem>>)
      } else {
      }
      %dma_wait3A_263 = arith.constant 1 : i32
      %dma_wait3A_264 = arith.constant 0 : i32
      %dma_wait3A_265 = arith.constant 0 : i32
      %dma_wait3A_266 = tpu.memref_slice %arg8[%dma_wait3A_263, %dma_wait3A_264, %dma_wait3A_265] : memref<8x125x64xbf16, #tpu.memory_space<vmem>> -> memref<1x125x64xbf16, #tpu.memory_space<vmem>>
      %dma_wait3A_267 = tpu.memref_squeeze %dma_wait3A_266 : memref<1x125x64xbf16, #tpu.memory_space<vmem>> -> memref<125x64xbf16, #tpu.memory_space<vmem>>
      %dma_wait3A_268 = arith.constant 0 : i32
      %dma_wait3A_269 = tpu.memref_slice %arg6[%add3A_255, %dma_wait3A_268] : memref<80x125xi32, #tpu.memory_space<vmem>> -> memref<1x125xi32, #tpu.memory_space<vmem>>
      %dma_wait3A_270 = tpu.memref_squeeze %dma_wait3A_269 : memref<1x125xi32, #tpu.memory_space<vmem>> -> memref<125xi32, #tpu.memory_space<vmem>>
      %dma_wait3A_271 = arith.constant 0 : i32
      %dma_wait3A_272 = arith.constant 0 : i32
      %dma_wait3A_273 = tpu.memref_slice %arg2[%dma_wait3A_271, %dma_wait3A_272] : memref<10240x64xbf16, #tpu.memory_space<hbm>> -> memref<10240x64xbf16, #tpu.memory_space<hbm>>
      tpu.wait_indirect_dma semaphore(%arg12 : memref<!tpu.dma_semaphore, #tpu.memory_space<semaphore_mem>>) src(%dma_wait3A_273 : memref<10240x64xbf16, #tpu.memory_space<hbm>>) dst(%dma_wait3A_267 : memref<125x64xbf16, #tpu.memory_space<vmem>>)
      %dma_start3A_274 = arith.constant 1 : i32
      %dma_start3A_275 = arith.constant 0 : i32
      %dma_start3A_276 = arith.constant 0 : i32
      %dma_start3A_277 = tpu.memref_slice %arg8[%dma_start3A_274, %dma_start3A_275, %dma_start3A_276] : memref<8x125x64xbf16, #tpu.memory_space<vmem>> -> memref<1x125x64xbf16, #tpu.memory_space<vmem>>
      %dma_start3A_278 = tpu.memref_squeeze %dma_start3A_277 : memref<1x125x64xbf16, #tpu.memory_space<vmem>> -> memref<125x64xbf16, #tpu.memory_space<vmem>>
      %dma_start3A_279 = arith.constant 0 : i32
      %dma_start3A_280 = tpu.memref_slice %arg7[%add3A_255, %dma_start3A_279] : memref<80x125xi32, #tpu.memory_space<vmem>> -> memref<1x125xi32, #tpu.memory_space<vmem>>
      %dma_start3A_281 = tpu.memref_squeeze %dma_start3A_280 : memref<1x125xi32, #tpu.memory_space<vmem>> -> memref<125xi32, #tpu.memory_space<vmem>>
      %dma_start3A_282 = arith.constant 0 : i32
      %dma_start3A_283 = arith.constant 0 : i32
      %dma_start3A_284 = tpu.memref_slice %arg9[%dma_start3A_282, %dma_start3A_283] : memref<10240x64xbf16, #tpu.memory_space<vmem_shared>> -> memref<10240x64xbf16, #tpu.memory_space<vmem_shared>>
      tpu.enqueue_indirect_dma source(%dma_start3A_278 : memref<125x64xbf16, #tpu.memory_space<vmem>>) target(%dma_start3A_284 : memref<10240x64xbf16, #tpu.memory_space<vmem_shared>>) offsets(%dma_start3A_281 : memref<125xi32, #tpu.memory_space<vmem>>) semaphore(%arg20 : memref<!tpu.dma_semaphore, #tpu.memory_space<semaphore_mem>>) {add = true}
      %mul3A_285 = arith.constant 8 : i32
      %mul3A_286 = arith.muli %mul3A_285, %scan3A_221 : i32
      %add3A_287 = arith.constant 2 : i32
      %add3A_288 = arith.addi %mul3A_286, %add3A_287 : i32
      %add3A_289 = arith.constant 4 : i32
      %add3A_290 = arith.addi %add3A_288, %add3A_289 : i32
      %lt3A_291 = arith.constant 80 : i32
      %lt3A_292 = arith.cmpi slt, %add3A_290, %lt3A_291 : i32
      %convert_element_type3A_293 = arith.extui %lt3A_292 : i1 to i32
      %cond3A_294 = arith.constant 0 : i32
      %cond3A_295 = arith.cmpi ne, %convert_element_type3A_293, %cond3A_294 : i32
      scf.if %cond3A_295 {
        %ge3A = arith.constant 8 : i32
        %ge3A_483 = arith.cmpi sge, %add3A_290, %ge3A : i32
        %convert_element_type3A_484 = arith.extui %ge3A_483 : i1 to i32
        %cond3A_485 = arith.constant 0 : i32
        %cond3A_486 = arith.cmpi ne, %convert_element_type3A_484, %cond3A_485 : i32
        scf.if %cond3A_486 {
          %sub3A = arith.constant 8 : i32
          %sub3A_498 = arith.subi %add3A_290, %sub3A : i32
          %dma_wait3A_499 = arith.constant 6 : i32
          %dma_wait3A_500 = arith.constant 0 : i32
          %dma_wait3A_501 = arith.constant 0 : i32
          %dma_wait3A_502 = tpu.memref_slice %arg8[%dma_wait3A_499, %dma_wait3A_500, %dma_wait3A_501] : memref<8x125x64xbf16, #tpu.memory_space<vmem>> -> memref<1x125x64xbf16, #tpu.memory_space<vmem>>
          %dma_wait3A_503 = tpu.memref_squeeze %dma_wait3A_502 : memref<1x125x64xbf16, #tpu.memory_space<vmem>> -> memref<125x64xbf16, #tpu.memory_space<vmem>>
          %dma_wait3A_504 = arith.constant 0 : i32
          %dma_wait3A_505 = tpu.memref_slice %arg7[%sub3A_498, %dma_wait3A_504] : memref<80x125xi32, #tpu.memory_space<vmem>> -> memref<1x125xi32, #tpu.memory_space<vmem>>
          %dma_wait3A_506 = tpu.memref_squeeze %dma_wait3A_505 : memref<1x125xi32, #tpu.memory_space<vmem>> -> memref<125xi32, #tpu.memory_space<vmem>>
          %dma_wait3A_507 = arith.constant 0 : i32
          %dma_wait3A_508 = arith.constant 0 : i32
          %dma_wait3A_509 = tpu.memref_slice %arg9[%dma_wait3A_507, %dma_wait3A_508] : memref<10240x64xbf16, #tpu.memory_space<vmem_shared>> -> memref<10240x64xbf16, #tpu.memory_space<vmem_shared>>
          tpu.wait_indirect_dma semaphore(%arg25 : memref<!tpu.dma_semaphore, #tpu.memory_space<semaphore_mem>>) src(%dma_wait3A_503 : memref<125x64xbf16, #tpu.memory_space<vmem>>) dst(%dma_wait3A_509 : memref<10240x64xbf16, #tpu.memory_space<vmem_shared>>)
        } else {
        }
        %dma_start3A_487 = arith.constant 6 : i32
        %dma_start3A_488 = arith.constant 0 : i32
        %dma_start3A_489 = arith.constant 0 : i32
        %dma_start3A_490 = tpu.memref_slice %arg8[%dma_start3A_487, %dma_start3A_488, %dma_start3A_489] : memref<8x125x64xbf16, #tpu.memory_space<vmem>> -> memref<1x125x64xbf16, #tpu.memory_space<vmem>>
        %dma_start3A_491 = tpu.memref_squeeze %dma_start3A_490 : memref<1x125x64xbf16, #tpu.memory_space<vmem>> -> memref<125x64xbf16, #tpu.memory_space<vmem>>
        %dma_start3A_492 = arith.constant 0 : i32
        %dma_start3A_493 = tpu.memref_slice %arg6[%add3A_290, %dma_start3A_492] : memref<80x125xi32, #tpu.memory_space<vmem>> -> memref<1x125xi32, #tpu.memory_space<vmem>>
        %dma_start3A_494 = tpu.memref_squeeze %dma_start3A_493 : memref<1x125xi32, #tpu.memory_space<vmem>> -> memref<125xi32, #tpu.memory_space<vmem>>
        %dma_start3A_495 = arith.constant 0 : i32
        %dma_start3A_496 = arith.constant 0 : i32
        %dma_start3A_497 = tpu.memref_slice %arg2[%dma_start3A_495, %dma_start3A_496] : memref<10240x64xbf16, #tpu.memory_space<hbm>> -> memref<10240x64xbf16, #tpu.memory_space<hbm>>
        tpu.enqueue_indirect_dma source(%dma_start3A_497 : memref<10240x64xbf16, #tpu.memory_space<hbm>>) target(%dma_start3A_491 : memref<125x64xbf16, #tpu.memory_space<vmem>>) offsets(%dma_start3A_494 : memref<125xi32, #tpu.memory_space<vmem>>) semaphore(%arg17 : memref<!tpu.dma_semaphore, #tpu.memory_space<semaphore_mem>>)
      } else {
      }
      %dma_wait3A_296 = arith.constant 2 : i32
      %dma_wait3A_297 = arith.constant 0 : i32
      %dma_wait3A_298 = arith.constant 0 : i32
      %dma_wait3A_299 = tpu.memref_slice %arg8[%dma_wait3A_296, %dma_wait3A_297, %dma_wait3A_298] : memref<8x125x64xbf16, #tpu.memory_space<vmem>> -> memref<1x125x64xbf16, #tpu.memory_space<vmem>>
      %dma_wait3A_300 = tpu.memref_squeeze %dma_wait3A_299 : memref<1x125x64xbf16, #tpu.memory_space<vmem>> -> memref<125x64xbf16, #tpu.memory_space<vmem>>
      %dma_wait3A_301 = arith.constant 0 : i32
      %dma_wait3A_302 = tpu.memref_slice %arg6[%add3A_288, %dma_wait3A_301] : memref<80x125xi32, #tpu.memory_space<vmem>> -> memref<1x125xi32, #tpu.memory_space<vmem>>
      %dma_wait3A_303 = tpu.memref_squeeze %dma_wait3A_302 : memref<1x125xi32, #tpu.memory_space<vmem>> -> memref<125xi32, #tpu.memory_space<vmem>>
      %dma_wait3A_304 = arith.constant 0 : i32
      %dma_wait3A_305 = arith.constant 0 : i32
      %dma_wait3A_306 = tpu.memref_slice %arg2[%dma_wait3A_304, %dma_wait3A_305] : memref<10240x64xbf16, #tpu.memory_space<hbm>> -> memref<10240x64xbf16, #tpu.memory_space<hbm>>
      tpu.wait_indirect_dma semaphore(%arg13 : memref<!tpu.dma_semaphore, #tpu.memory_space<semaphore_mem>>) src(%dma_wait3A_306 : memref<10240x64xbf16, #tpu.memory_space<hbm>>) dst(%dma_wait3A_300 : memref<125x64xbf16, #tpu.memory_space<vmem>>)
      %dma_start3A_307 = arith.constant 2 : i32
      %dma_start3A_308 = arith.constant 0 : i32
      %dma_start3A_309 = arith.constant 0 : i32
      %dma_start3A_310 = tpu.memref_slice %arg8[%dma_start3A_307, %dma_start3A_308, %dma_start3A_309] : memref<8x125x64xbf16, #tpu.memory_space<vmem>> -> memref<1x125x64xbf16, #tpu.memory_space<vmem>>
      %dma_start3A_311 = tpu.memref_squeeze %dma_start3A_310 : memref<1x125x64xbf16, #tpu.memory_space<vmem>> -> memref<125x64xbf16, #tpu.memory_space<vmem>>
      %dma_start3A_312 = arith.constant 0 : i32
      %dma_start3A_313 = tpu.memref_slice %arg7[%add3A_288, %dma_start3A_312] : memref<80x125xi32, #tpu.memory_space<vmem>> -> memref<1x125xi32, #tpu.memory_space<vmem>>
      %dma_start3A_314 = tpu.memref_squeeze %dma_start3A_313 : memref<1x125xi32, #tpu.memory_space<vmem>> -> memref<125xi32, #tpu.memory_space<vmem>>
      %dma_start3A_315 = arith.constant 0 : i32
      %dma_start3A_316 = arith.constant 0 : i32
      %dma_start3A_317 = tpu.memref_slice %arg9[%dma_start3A_315, %dma_start3A_316] : memref<10240x64xbf16, #tpu.memory_space<vmem_shared>> -> memref<10240x64xbf16, #tpu.memory_space<vmem_shared>>
      tpu.enqueue_indirect_dma source(%dma_start3A_311 : memref<125x64xbf16, #tpu.memory_space<vmem>>) target(%dma_start3A_317 : memref<10240x64xbf16, #tpu.memory_space<vmem_shared>>) offsets(%dma_start3A_314 : memref<125xi32, #tpu.memory_space<vmem>>) semaphore(%arg21 : memref<!tpu.dma_semaphore, #tpu.memory_space<semaphore_mem>>) {add = true}
      %mul3A_318 = arith.constant 8 : i32
      %mul3A_319 = arith.muli %mul3A_318, %scan3A_221 : i32
      %add3A_320 = arith.constant 3 : i32
      %add3A_321 = arith.addi %mul3A_319, %add3A_320 : i32
      %add3A_322 = arith.constant 4 : i32
      %add3A_323 = arith.addi %add3A_321, %add3A_322 : i32
      %lt3A_324 = arith.constant 80 : i32
      %lt3A_325 = arith.cmpi slt, %add3A_323, %lt3A_324 : i32
      %convert_element_type3A_326 = arith.extui %lt3A_325 : i1 to i32
      %cond3A_327 = arith.constant 0 : i32
      %cond3A_328 = arith.cmpi ne, %convert_element_type3A_326, %cond3A_327 : i32
      scf.if %cond3A_328 {
        %ge3A = arith.constant 8 : i32
        %ge3A_483 = arith.cmpi sge, %add3A_323, %ge3A : i32
        %convert_element_type3A_484 = arith.extui %ge3A_483 : i1 to i32
        %cond3A_485 = arith.constant 0 : i32
        %cond3A_486 = arith.cmpi ne, %convert_element_type3A_484, %cond3A_485 : i32
        scf.if %cond3A_486 {
          %sub3A = arith.constant 8 : i32
          %sub3A_498 = arith.subi %add3A_323, %sub3A : i32
          %dma_wait3A_499 = arith.constant 7 : i32
          %dma_wait3A_500 = arith.constant 0 : i32
          %dma_wait3A_501 = arith.constant 0 : i32
          %dma_wait3A_502 = tpu.memref_slice %arg8[%dma_wait3A_499, %dma_wait3A_500, %dma_wait3A_501] : memref<8x125x64xbf16, #tpu.memory_space<vmem>> -> memref<1x125x64xbf16, #tpu.memory_space<vmem>>
          %dma_wait3A_503 = tpu.memref_squeeze %dma_wait3A_502 : memref<1x125x64xbf16, #tpu.memory_space<vmem>> -> memref<125x64xbf16, #tpu.memory_space<vmem>>
          %dma_wait3A_504 = arith.constant 0 : i32
          %dma_wait3A_505 = tpu.memref_slice %arg7[%sub3A_498, %dma_wait3A_504] : memref<80x125xi32, #tpu.memory_space<vmem>> -> memref<1x125xi32, #tpu.memory_space<vmem>>
          %dma_wait3A_506 = tpu.memref_squeeze %dma_wait3A_505 : memref<1x125xi32, #tpu.memory_space<vmem>> -> memref<125xi32, #tpu.memory_space<vmem>>
          %dma_wait3A_507 = arith.constant 0 : i32
          %dma_wait3A_508 = arith.constant 0 : i32
          %dma_wait3A_509 = tpu.memref_slice %arg9[%dma_wait3A_507, %dma_wait3A_508] : memref<10240x64xbf16, #tpu.memory_space<vmem_shared>> -> memref<10240x64xbf16, #tpu.memory_space<vmem_shared>>
          tpu.wait_indirect_dma semaphore(%arg26 : memref<!tpu.dma_semaphore, #tpu.memory_space<semaphore_mem>>) src(%dma_wait3A_503 : memref<125x64xbf16, #tpu.memory_space<vmem>>) dst(%dma_wait3A_509 : memref<10240x64xbf16, #tpu.memory_space<vmem_shared>>)
        } else {
        }
        %dma_start3A_487 = arith.constant 7 : i32
        %dma_start3A_488 = arith.constant 0 : i32
        %dma_start3A_489 = arith.constant 0 : i32
        %dma_start3A_490 = tpu.memref_slice %arg8[%dma_start3A_487, %dma_start3A_488, %dma_start3A_489] : memref<8x125x64xbf16, #tpu.memory_space<vmem>> -> memref<1x125x64xbf16, #tpu.memory_space<vmem>>
        %dma_start3A_491 = tpu.memref_squeeze %dma_start3A_490 : memref<1x125x64xbf16, #tpu.memory_space<vmem>> -> memref<125x64xbf16, #tpu.memory_space<vmem>>
        %dma_start3A_492 = arith.constant 0 : i32
        %dma_start3A_493 = tpu.memref_slice %arg6[%add3A_323, %dma_start3A_492] : memref<80x125xi32, #tpu.memory_space<vmem>> -> memref<1x125xi32, #tpu.memory_space<vmem>>
        %dma_start3A_494 = tpu.memref_squeeze %dma_start3A_493 : memref<1x125xi32, #tpu.memory_space<vmem>> -> memref<125xi32, #tpu.memory_space<vmem>>
        %dma_start3A_495 = arith.constant 0 : i32
        %dma_start3A_496 = arith.constant 0 : i32
        %dma_start3A_497 = tpu.memref_slice %arg2[%dma_start3A_495, %dma_start3A_496] : memref<10240x64xbf16, #tpu.memory_space<hbm>> -> memref<10240x64xbf16, #tpu.memory_space<hbm>>
        tpu.enqueue_indirect_dma source(%dma_start3A_497 : memref<10240x64xbf16, #tpu.memory_space<hbm>>) target(%dma_start3A_491 : memref<125x64xbf16, #tpu.memory_space<vmem>>) offsets(%dma_start3A_494 : memref<125xi32, #tpu.memory_space<vmem>>) semaphore(%arg18 : memref<!tpu.dma_semaphore, #tpu.memory_space<semaphore_mem>>)
      } else {
      }
      %dma_wait3A_329 = arith.constant 3 : i32
      %dma_wait3A_330 = arith.constant 0 : i32
      %dma_wait3A_331 = arith.constant 0 : i32
      %dma_wait3A_332 = tpu.memref_slice %arg8[%dma_wait3A_329, %dma_wait3A_330, %dma_wait3A_331] : memref<8x125x64xbf16, #tpu.memory_space<vmem>> -> memref<1x125x64xbf16, #tpu.memory_space<vmem>>
      %dma_wait3A_333 = tpu.memref_squeeze %dma_wait3A_332 : memref<1x125x64xbf16, #tpu.memory_space<vmem>> -> memref<125x64xbf16, #tpu.memory_space<vmem>>
      %dma_wait3A_334 = arith.constant 0 : i32
      %dma_wait3A_335 = tpu.memref_slice %arg6[%add3A_321, %dma_wait3A_334] : memref<80x125xi32, #tpu.memory_space<vmem>> -> memref<1x125xi32, #tpu.memory_space<vmem>>
      %dma_wait3A_336 = tpu.memref_squeeze %dma_wait3A_335 : memref<1x125xi32, #tpu.memory_space<vmem>> -> memref<125xi32, #tpu.memory_space<vmem>>
      %dma_wait3A_337 = arith.constant 0 : i32
      %dma_wait3A_338 = arith.constant 0 : i32
      %dma_wait3A_339 = tpu.memref_slice %arg2[%dma_wait3A_337, %dma_wait3A_338] : memref<10240x64xbf16, #tpu.memory_space<hbm>> -> memref<10240x64xbf16, #tpu.memory_space<hbm>>
      tpu.wait_indirect_dma semaphore(%arg14 : memref<!tpu.dma_semaphore, #tpu.memory_space<semaphore_mem>>) src(%dma_wait3A_339 : memref<10240x64xbf16, #tpu.memory_space<hbm>>) dst(%dma_wait3A_333 : memref<125x64xbf16, #tpu.memory_space<vmem>>)
      %dma_start3A_340 = arith.constant 3 : i32
      %dma_start3A_341 = arith.constant 0 : i32
      %dma_start3A_342 = arith.constant 0 : i32
      %dma_start3A_343 = tpu.memref_slice %arg8[%dma_start3A_340, %dma_start3A_341, %dma_start3A_342] : memref<8x125x64xbf16, #tpu.memory_space<vmem>> -> memref<1x125x64xbf16, #tpu.memory_space<vmem>>
      %dma_start3A_344 = tpu.memref_squeeze %dma_start3A_343 : memref<1x125x64xbf16, #tpu.memory_space<vmem>> -> memref<125x64xbf16, #tpu.memory_space<vmem>>
      %dma_start3A_345 = arith.constant 0 : i32
      %dma_start3A_346 = tpu.memref_slice %arg7[%add3A_321, %dma_start3A_345] : memref<80x125xi32, #tpu.memory_space<vmem>> -> memref<1x125xi32, #tpu.memory_space<vmem>>
      %dma_start3A_347 = tpu.memref_squeeze %dma_start3A_346 : memref<1x125xi32, #tpu.memory_space<vmem>> -> memref<125xi32, #tpu.memory_space<vmem>>
      %dma_start3A_348 = arith.constant 0 : i32
      %dma_start3A_349 = arith.constant 0 : i32
      %dma_start3A_350 = tpu.memref_slice %arg9[%dma_start3A_348, %dma_start3A_349] : memref<10240x64xbf16, #tpu.memory_space<vmem_shared>> -> memref<10240x64xbf16, #tpu.memory_space<vmem_shared>>
      tpu.enqueue_indirect_dma source(%dma_start3A_344 : memref<125x64xbf16, #tpu.memory_space<vmem>>) target(%dma_start3A_350 : memref<10240x64xbf16, #tpu.memory_space<vmem_shared>>) offsets(%dma_start3A_347 : memref<125xi32, #tpu.memory_space<vmem>>) semaphore(%arg22 : memref<!tpu.dma_semaphore, #tpu.memory_space<semaphore_mem>>) {add = true}
      %mul3A_351 = arith.constant 8 : i32
      %mul3A_352 = arith.muli %mul3A_351, %scan3A_221 : i32
      %add3A_353 = arith.constant 4 : i32
      %add3A_354 = arith.addi %mul3A_352, %add3A_353 : i32
      %add3A_355 = arith.constant 4 : i32
      %add3A_356 = arith.addi %add3A_354, %add3A_355 : i32
      %lt3A_357 = arith.constant 80 : i32
      %lt3A_358 = arith.cmpi slt, %add3A_356, %lt3A_357 : i32
      %convert_element_type3A_359 = arith.extui %lt3A_358 : i1 to i32
      %cond3A_360 = arith.constant 0 : i32
      %cond3A_361 = arith.cmpi ne, %convert_element_type3A_359, %cond3A_360 : i32
      scf.if %cond3A_361 {
        %ge3A = arith.constant 8 : i32
        %ge3A_483 = arith.cmpi sge, %add3A_356, %ge3A : i32
        %convert_element_type3A_484 = arith.extui %ge3A_483 : i1 to i32
        %cond3A_485 = arith.constant 0 : i32
        %cond3A_486 = arith.cmpi ne, %convert_element_type3A_484, %cond3A_485 : i32
        scf.if %cond3A_486 {
          %sub3A = arith.constant 8 : i32
          %sub3A_498 = arith.subi %add3A_356, %sub3A : i32
          %dma_wait3A_499 = arith.constant 0 : i32
          %dma_wait3A_500 = arith.constant 0 : i32
          %dma_wait3A_501 = arith.constant 0 : i32
          %dma_wait3A_502 = tpu.memref_slice %arg8[%dma_wait3A_499, %dma_wait3A_500, %dma_wait3A_501] : memref<8x125x64xbf16, #tpu.memory_space<vmem>> -> memref<1x125x64xbf16, #tpu.memory_space<vmem>>
          %dma_wait3A_503 = tpu.memref_squeeze %dma_wait3A_502 : memref<1x125x64xbf16, #tpu.memory_space<vmem>> -> memref<125x64xbf16, #tpu.memory_space<vmem>>
          %dma_wait3A_504 = arith.constant 0 : i32
          %dma_wait3A_505 = tpu.memref_slice %arg7[%sub3A_498, %dma_wait3A_504] : memref<80x125xi32, #tpu.memory_space<vmem>> -> memref<1x125xi32, #tpu.memory_space<vmem>>
          %dma_wait3A_506 = tpu.memref_squeeze %dma_wait3A_505 : memref<1x125xi32, #tpu.memory_space<vmem>> -> memref<125xi32, #tpu.memory_space<vmem>>
          %dma_wait3A_507 = arith.constant 0 : i32
          %dma_wait3A_508 = arith.constant 0 : i32
          %dma_wait3A_509 = tpu.memref_slice %arg9[%dma_wait3A_507, %dma_wait3A_508] : memref<10240x64xbf16, #tpu.memory_space<vmem_shared>> -> memref<10240x64xbf16, #tpu.memory_space<vmem_shared>>
          tpu.wait_indirect_dma semaphore(%arg19 : memref<!tpu.dma_semaphore, #tpu.memory_space<semaphore_mem>>) src(%dma_wait3A_503 : memref<125x64xbf16, #tpu.memory_space<vmem>>) dst(%dma_wait3A_509 : memref<10240x64xbf16, #tpu.memory_space<vmem_shared>>)
        } else {
        }
        %dma_start3A_487 = arith.constant 0 : i32
        %dma_start3A_488 = arith.constant 0 : i32
        %dma_start3A_489 = arith.constant 0 : i32
        %dma_start3A_490 = tpu.memref_slice %arg8[%dma_start3A_487, %dma_start3A_488, %dma_start3A_489] : memref<8x125x64xbf16, #tpu.memory_space<vmem>> -> memref<1x125x64xbf16, #tpu.memory_space<vmem>>
        %dma_start3A_491 = tpu.memref_squeeze %dma_start3A_490 : memref<1x125x64xbf16, #tpu.memory_space<vmem>> -> memref<125x64xbf16, #tpu.memory_space<vmem>>
        %dma_start3A_492 = arith.constant 0 : i32
        %dma_start3A_493 = tpu.memref_slice %arg6[%add3A_356, %dma_start3A_492] : memref<80x125xi32, #tpu.memory_space<vmem>> -> memref<1x125xi32, #tpu.memory_space<vmem>>
        %dma_start3A_494 = tpu.memref_squeeze %dma_start3A_493 : memref<1x125xi32, #tpu.memory_space<vmem>> -> memref<125xi32, #tpu.memory_space<vmem>>
        %dma_start3A_495 = arith.constant 0 : i32
        %dma_start3A_496 = arith.constant 0 : i32
        %dma_start3A_497 = tpu.memref_slice %arg2[%dma_start3A_495, %dma_start3A_496] : memref<10240x64xbf16, #tpu.memory_space<hbm>> -> memref<10240x64xbf16, #tpu.memory_space<hbm>>
        tpu.enqueue_indirect_dma source(%dma_start3A_497 : memref<10240x64xbf16, #tpu.memory_space<hbm>>) target(%dma_start3A_491 : memref<125x64xbf16, #tpu.memory_space<vmem>>) offsets(%dma_start3A_494 : memref<125xi32, #tpu.memory_space<vmem>>) semaphore(%arg11 : memref<!tpu.dma_semaphore, #tpu.memory_space<semaphore_mem>>)
      } else {
      }
      %dma_wait3A_362 = arith.constant 4 : i32
      %dma_wait3A_363 = arith.constant 0 : i32
      %dma_wait3A_364 = arith.constant 0 : i32
      %dma_wait3A_365 = tpu.memref_slice %arg8[%dma_wait3A_362, %dma_wait3A_363, %dma_wait3A_364] : memref<8x125x64xbf16, #tpu.memory_space<vmem>> -> memref<1x125x64xbf16, #tpu.memory_space<vmem>>
      %dma_wait3A_366 = tpu.memref_squeeze %dma_wait3A_365 : memref<1x125x64xbf16, #tpu.memory_space<vmem>> -> memref<125x64xbf16, #tpu.memory_space<vmem>>
      %dma_wait3A_367 = arith.constant 0 : i32
      %dma_wait3A_368 = tpu.memref_slice %arg6[%add3A_354, %dma_wait3A_367] : memref<80x125xi32, #tpu.memory_space<vmem>> -> memref<1x125xi32, #tpu.memory_space<vmem>>
      %dma_wait3A_369 = tpu.memref_squeeze %dma_wait3A_368 : memref<1x125xi32, #tpu.memory_space<vmem>> -> memref<125xi32, #tpu.memory_space<vmem>>
      %dma_wait3A_370 = arith.constant 0 : i32
      %dma_wait3A_371 = arith.constant 0 : i32
      %dma_wait3A_372 = tpu.memref_slice %arg2[%dma_wait3A_370, %dma_wait3A_371] : memref<10240x64xbf16, #tpu.memory_space<hbm>> -> memref<10240x64xbf16, #tpu.memory_space<hbm>>
      tpu.wait_indirect_dma semaphore(%arg15 : memref<!tpu.dma_semaphore, #tpu.memory_space<semaphore_mem>>) src(%dma_wait3A_372 : memref<10240x64xbf16, #tpu.memory_space<hbm>>) dst(%dma_wait3A_366 : memref<125x64xbf16, #tpu.memory_space<vmem>>)
      %dma_start3A_373 = arith.constant 4 : i32
      %dma_start3A_374 = arith.constant 0 : i32
      %dma_start3A_375 = arith.constant 0 : i32
      %dma_start3A_376 = tpu.memref_slice %arg8[%dma_start3A_373, %dma_start3A_374, %dma_start3A_375] : memref<8x125x64xbf16, #tpu.memory_space<vmem>> -> memref<1x125x64xbf16, #tpu.memory_space<vmem>>
      %dma_start3A_377 = tpu.memref_squeeze %dma_start3A_376 : memref<1x125x64xbf16, #tpu.memory_space<vmem>> -> memref<125x64xbf16, #tpu.memory_space<vmem>>
      %dma_start3A_378 = arith.constant 0 : i32
      %dma_start3A_379 = tpu.memref_slice %arg7[%add3A_354, %dma_start3A_378] : memref<80x125xi32, #tpu.memory_space<vmem>> -> memref<1x125xi32, #tpu.memory_space<vmem>>
      %dma_start3A_380 = tpu.memref_squeeze %dma_start3A_379 : memref<1x125xi32, #tpu.memory_space<vmem>> -> memref<125xi32, #tpu.memory_space<vmem>>
      %dma_start3A_381 = arith.constant 0 : i32
      %dma_start3A_382 = arith.constant 0 : i32
      %dma_start3A_383 = tpu.memref_slice %arg9[%dma_start3A_381, %dma_start3A_382] : memref<10240x64xbf16, #tpu.memory_space<vmem_shared>> -> memref<10240x64xbf16, #tpu.memory_space<vmem_shared>>
      tpu.enqueue_indirect_dma source(%dma_start3A_377 : memref<125x64xbf16, #tpu.memory_space<vmem>>) target(%dma_start3A_383 : memref<10240x64xbf16, #tpu.memory_space<vmem_shared>>) offsets(%dma_start3A_380 : memref<125xi32, #tpu.memory_space<vmem>>) semaphore(%arg23 : memref<!tpu.dma_semaphore, #tpu.memory_space<semaphore_mem>>) {add = true}
      %mul3A_384 = arith.constant 8 : i32
      %mul3A_385 = arith.muli %mul3A_384, %scan3A_221 : i32
      %add3A_386 = arith.constant 5 : i32
      %add3A_387 = arith.addi %mul3A_385, %add3A_386 : i32
      %add3A_388 = arith.constant 4 : i32
      %add3A_389 = arith.addi %add3A_387, %add3A_388 : i32
      %lt3A_390 = arith.constant 80 : i32
      %lt3A_391 = arith.cmpi slt, %add3A_389, %lt3A_390 : i32
      %convert_element_type3A_392 = arith.extui %lt3A_391 : i1 to i32
      %cond3A_393 = arith.constant 0 : i32
      %cond3A_394 = arith.cmpi ne, %convert_element_type3A_392, %cond3A_393 : i32
      scf.if %cond3A_394 {
        %ge3A = arith.constant 8 : i32
        %ge3A_483 = arith.cmpi sge, %add3A_389, %ge3A : i32
        %convert_element_type3A_484 = arith.extui %ge3A_483 : i1 to i32
        %cond3A_485 = arith.constant 0 : i32
        %cond3A_486 = arith.cmpi ne, %convert_element_type3A_484, %cond3A_485 : i32
        scf.if %cond3A_486 {
          %sub3A = arith.constant 8 : i32
          %sub3A_498 = arith.subi %add3A_389, %sub3A : i32
          %dma_wait3A_499 = arith.constant 1 : i32
          %dma_wait3A_500 = arith.constant 0 : i32
          %dma_wait3A_501 = arith.constant 0 : i32
          %dma_wait3A_502 = tpu.memref_slice %arg8[%dma_wait3A_499, %dma_wait3A_500, %dma_wait3A_501] : memref<8x125x64xbf16, #tpu.memory_space<vmem>> -> memref<1x125x64xbf16, #tpu.memory_space<vmem>>
          %dma_wait3A_503 = tpu.memref_squeeze %dma_wait3A_502 : memref<1x125x64xbf16, #tpu.memory_space<vmem>> -> memref<125x64xbf16, #tpu.memory_space<vmem>>
          %dma_wait3A_504 = arith.constant 0 : i32
          %dma_wait3A_505 = tpu.memref_slice %arg7[%sub3A_498, %dma_wait3A_504] : memref<80x125xi32, #tpu.memory_space<vmem>> -> memref<1x125xi32, #tpu.memory_space<vmem>>
          %dma_wait3A_506 = tpu.memref_squeeze %dma_wait3A_505 : memref<1x125xi32, #tpu.memory_space<vmem>> -> memref<125xi32, #tpu.memory_space<vmem>>
          %dma_wait3A_507 = arith.constant 0 : i32
          %dma_wait3A_508 = arith.constant 0 : i32
          %dma_wait3A_509 = tpu.memref_slice %arg9[%dma_wait3A_507, %dma_wait3A_508] : memref<10240x64xbf16, #tpu.memory_space<vmem_shared>> -> memref<10240x64xbf16, #tpu.memory_space<vmem_shared>>
          tpu.wait_indirect_dma semaphore(%arg20 : memref<!tpu.dma_semaphore, #tpu.memory_space<semaphore_mem>>) src(%dma_wait3A_503 : memref<125x64xbf16, #tpu.memory_space<vmem>>) dst(%dma_wait3A_509 : memref<10240x64xbf16, #tpu.memory_space<vmem_shared>>)
        } else {
        }
        %dma_start3A_487 = arith.constant 1 : i32
        %dma_start3A_488 = arith.constant 0 : i32
        %dma_start3A_489 = arith.constant 0 : i32
        %dma_start3A_490 = tpu.memref_slice %arg8[%dma_start3A_487, %dma_start3A_488, %dma_start3A_489] : memref<8x125x64xbf16, #tpu.memory_space<vmem>> -> memref<1x125x64xbf16, #tpu.memory_space<vmem>>
        %dma_start3A_491 = tpu.memref_squeeze %dma_start3A_490 : memref<1x125x64xbf16, #tpu.memory_space<vmem>> -> memref<125x64xbf16, #tpu.memory_space<vmem>>
        %dma_start3A_492 = arith.constant 0 : i32
        %dma_start3A_493 = tpu.memref_slice %arg6[%add3A_389, %dma_start3A_492] : memref<80x125xi32, #tpu.memory_space<vmem>> -> memref<1x125xi32, #tpu.memory_space<vmem>>
        %dma_start3A_494 = tpu.memref_squeeze %dma_start3A_493 : memref<1x125xi32, #tpu.memory_space<vmem>> -> memref<125xi32, #tpu.memory_space<vmem>>
        %dma_start3A_495 = arith.constant 0 : i32
        %dma_start3A_496 = arith.constant 0 : i32
        %dma_start3A_497 = tpu.memref_slice %arg2[%dma_start3A_495, %dma_start3A_496] : memref<10240x64xbf16, #tpu.memory_space<hbm>> -> memref<10240x64xbf16, #tpu.memory_space<hbm>>
        tpu.enqueue_indirect_dma source(%dma_start3A_497 : memref<10240x64xbf16, #tpu.memory_space<hbm>>) target(%dma_start3A_491 : memref<125x64xbf16, #tpu.memory_space<vmem>>) offsets(%dma_start3A_494 : memref<125xi32, #tpu.memory_space<vmem>>) semaphore(%arg12 : memref<!tpu.dma_semaphore, #tpu.memory_space<semaphore_mem>>)
      } else {
      }
      %dma_wait3A_395 = arith.constant 5 : i32
      %dma_wait3A_396 = arith.constant 0 : i32
      %dma_wait3A_397 = arith.constant 0 : i32
      %dma_wait3A_398 = tpu.memref_slice %arg8[%dma_wait3A_395, %dma_wait3A_396, %dma_wait3A_397] : memref<8x125x64xbf16, #tpu.memory_space<vmem>> -> memref<1x125x64xbf16, #tpu.memory_space<vmem>>
      %dma_wait3A_399 = tpu.memref_squeeze %dma_wait3A_398 : memref<1x125x64xbf16, #tpu.memory_space<vmem>> -> memref<125x64xbf16, #tpu.memory_space<vmem>>
      %dma_wait3A_400 = arith.constant 0 : i32
      %dma_wait3A_401 = tpu.memref_slice %arg6[%add3A_387, %dma_wait3A_400] : memref<80x125xi32, #tpu.memory_space<vmem>> -> memref<1x125xi32, #tpu.memory_space<vmem>>
      %dma_wait3A_402 = tpu.memref_squeeze %dma_wait3A_401 : memref<1x125xi32, #tpu.memory_space<vmem>> -> memref<125xi32, #tpu.memory_space<vmem>>
      %dma_wait3A_403 = arith.constant 0 : i32
      %dma_wait3A_404 = arith.constant 0 : i32
      %dma_wait3A_405 = tpu.memref_slice %arg2[%dma_wait3A_403, %dma_wait3A_404] : memref<10240x64xbf16, #tpu.memory_space<hbm>> -> memref<10240x64xbf16, #tpu.memory_space<hbm>>
      tpu.wait_indirect_dma semaphore(%arg16 : memref<!tpu.dma_semaphore, #tpu.memory_space<semaphore_mem>>) src(%dma_wait3A_405 : memref<10240x64xbf16, #tpu.memory_space<hbm>>) dst(%dma_wait3A_399 : memref<125x64xbf16, #tpu.memory_space<vmem>>)
      %dma_start3A_406 = arith.constant 5 : i32
      %dma_start3A_407 = arith.constant 0 : i32
      %dma_start3A_408 = arith.constant 0 : i32
      %dma_start3A_409 = tpu.memref_slice %arg8[%dma_start3A_406, %dma_start3A_407, %dma_start3A_408] : memref<8x125x64xbf16, #tpu.memory_space<vmem>> -> memref<1x125x64xbf16, #tpu.memory_space<vmem>>
      %dma_start3A_410 = tpu.memref_squeeze %dma_start3A_409 : memref<1x125x64xbf16, #tpu.memory_space<vmem>> -> memref<125x64xbf16, #tpu.memory_space<vmem>>
      %dma_start3A_411 = arith.constant 0 : i32
      %dma_start3A_412 = tpu.memref_slice %arg7[%add3A_387, %dma_start3A_411] : memref<80x125xi32, #tpu.memory_space<vmem>> -> memref<1x125xi32, #tpu.memory_space<vmem>>
      %dma_start3A_413 = tpu.memref_squeeze %dma_start3A_412 : memref<1x125xi32, #tpu.memory_space<vmem>> -> memref<125xi32, #tpu.memory_space<vmem>>
      %dma_start3A_414 = arith.constant 0 : i32
      %dma_start3A_415 = arith.constant 0 : i32
      %dma_start3A_416 = tpu.memref_slice %arg9[%dma_start3A_414, %dma_start3A_415] : memref<10240x64xbf16, #tpu.memory_space<vmem_shared>> -> memref<10240x64xbf16, #tpu.memory_space<vmem_shared>>
      tpu.enqueue_indirect_dma source(%dma_start3A_410 : memref<125x64xbf16, #tpu.memory_space<vmem>>) target(%dma_start3A_416 : memref<10240x64xbf16, #tpu.memory_space<vmem_shared>>) offsets(%dma_start3A_413 : memref<125xi32, #tpu.memory_space<vmem>>) semaphore(%arg24 : memref<!tpu.dma_semaphore, #tpu.memory_space<semaphore_mem>>) {add = true}
      %mul3A_417 = arith.constant 8 : i32
      %mul3A_418 = arith.muli %mul3A_417, %scan3A_221 : i32
      %add3A_419 = arith.constant 6 : i32
      %add3A_420 = arith.addi %mul3A_418, %add3A_419 : i32
      %add3A_421 = arith.constant 4 : i32
      %add3A_422 = arith.addi %add3A_420, %add3A_421 : i32
      %lt3A_423 = arith.constant 80 : i32
      %lt3A_424 = arith.cmpi slt, %add3A_422, %lt3A_423 : i32
      %convert_element_type3A_425 = arith.extui %lt3A_424 : i1 to i32
      %cond3A_426 = arith.constant 0 : i32
      %cond3A_427 = arith.cmpi ne, %convert_element_type3A_425, %cond3A_426 : i32
      scf.if %cond3A_427 {
        %ge3A = arith.constant 8 : i32
        %ge3A_483 = arith.cmpi sge, %add3A_422, %ge3A : i32
        %convert_element_type3A_484 = arith.extui %ge3A_483 : i1 to i32
        %cond3A_485 = arith.constant 0 : i32
        %cond3A_486 = arith.cmpi ne, %convert_element_type3A_484, %cond3A_485 : i32
        scf.if %cond3A_486 {
          %sub3A = arith.constant 8 : i32
          %sub3A_498 = arith.subi %add3A_422, %sub3A : i32
          %dma_wait3A_499 = arith.constant 2 : i32
          %dma_wait3A_500 = arith.constant 0 : i32
          %dma_wait3A_501 = arith.constant 0 : i32
          %dma_wait3A_502 = tpu.memref_slice %arg8[%dma_wait3A_499, %dma_wait3A_500, %dma_wait3A_501] : memref<8x125x64xbf16, #tpu.memory_space<vmem>> -> memref<1x125x64xbf16, #tpu.memory_space<vmem>>
          %dma_wait3A_503 = tpu.memref_squeeze %dma_wait3A_502 : memref<1x125x64xbf16, #tpu.memory_space<vmem>> -> memref<125x64xbf16, #tpu.memory_space<vmem>>
          %dma_wait3A_504 = arith.constant 0 : i32
          %dma_wait3A_505 = tpu.memref_slice %arg7[%sub3A_498, %dma_wait3A_504] : memref<80x125xi32, #tpu.memory_space<vmem>> -> memref<1x125xi32, #tpu.memory_space<vmem>>
          %dma_wait3A_506 = tpu.memref_squeeze %dma_wait3A_505 : memref<1x125xi32, #tpu.memory_space<vmem>> -> memref<125xi32, #tpu.memory_space<vmem>>
          %dma_wait3A_507 = arith.constant 0 : i32
          %dma_wait3A_508 = arith.constant 0 : i32
          %dma_wait3A_509 = tpu.memref_slice %arg9[%dma_wait3A_507, %dma_wait3A_508] : memref<10240x64xbf16, #tpu.memory_space<vmem_shared>> -> memref<10240x64xbf16, #tpu.memory_space<vmem_shared>>
          tpu.wait_indirect_dma semaphore(%arg21 : memref<!tpu.dma_semaphore, #tpu.memory_space<semaphore_mem>>) src(%dma_wait3A_503 : memref<125x64xbf16, #tpu.memory_space<vmem>>) dst(%dma_wait3A_509 : memref<10240x64xbf16, #tpu.memory_space<vmem_shared>>)
        } else {
        }
        %dma_start3A_487 = arith.constant 2 : i32
        %dma_start3A_488 = arith.constant 0 : i32
        %dma_start3A_489 = arith.constant 0 : i32
        %dma_start3A_490 = tpu.memref_slice %arg8[%dma_start3A_487, %dma_start3A_488, %dma_start3A_489] : memref<8x125x64xbf16, #tpu.memory_space<vmem>> -> memref<1x125x64xbf16, #tpu.memory_space<vmem>>
        %dma_start3A_491 = tpu.memref_squeeze %dma_start3A_490 : memref<1x125x64xbf16, #tpu.memory_space<vmem>> -> memref<125x64xbf16, #tpu.memory_space<vmem>>
        %dma_start3A_492 = arith.constant 0 : i32
        %dma_start3A_493 = tpu.memref_slice %arg6[%add3A_422, %dma_start3A_492] : memref<80x125xi32, #tpu.memory_space<vmem>> -> memref<1x125xi32, #tpu.memory_space<vmem>>
        %dma_start3A_494 = tpu.memref_squeeze %dma_start3A_493 : memref<1x125xi32, #tpu.memory_space<vmem>> -> memref<125xi32, #tpu.memory_space<vmem>>
        %dma_start3A_495 = arith.constant 0 : i32
        %dma_start3A_496 = arith.constant 0 : i32
        %dma_start3A_497 = tpu.memref_slice %arg2[%dma_start3A_495, %dma_start3A_496] : memref<10240x64xbf16, #tpu.memory_space<hbm>> -> memref<10240x64xbf16, #tpu.memory_space<hbm>>
        tpu.enqueue_indirect_dma source(%dma_start3A_497 : memref<10240x64xbf16, #tpu.memory_space<hbm>>) target(%dma_start3A_491 : memref<125x64xbf16, #tpu.memory_space<vmem>>) offsets(%dma_start3A_494 : memref<125xi32, #tpu.memory_space<vmem>>) semaphore(%arg13 : memref<!tpu.dma_semaphore, #tpu.memory_space<semaphore_mem>>)
      } else {
      }
      %dma_wait3A_428 = arith.constant 6 : i32
      %dma_wait3A_429 = arith.constant 0 : i32
      %dma_wait3A_430 = arith.constant 0 : i32
      %dma_wait3A_431 = tpu.memref_slice %arg8[%dma_wait3A_428, %dma_wait3A_429, %dma_wait3A_430] : memref<8x125x64xbf16, #tpu.memory_space<vmem>> -> memref<1x125x64xbf16, #tpu.memory_space<vmem>>
      %dma_wait3A_432 = tpu.memref_squeeze %dma_wait3A_431 : memref<1x125x64xbf16, #tpu.memory_space<vmem>> -> memref<125x64xbf16, #tpu.memory_space<vmem>>
      %dma_wait3A_433 = arith.constant 0 : i32
      %dma_wait3A_434 = tpu.memref_slice %arg6[%add3A_420, %dma_wait3A_433] : memref<80x125xi32, #tpu.memory_space<vmem>> -> memref<1x125xi32, #tpu.memory_space<vmem>>
      %dma_wait3A_435 = tpu.memref_squeeze %dma_wait3A_434 : memref<1x125xi32, #tpu.memory_space<vmem>> -> memref<125xi32, #tpu.memory_space<vmem>>
      %dma_wait3A_436 = arith.constant 0 : i32
      %dma_wait3A_437 = arith.constant 0 : i32
      %dma_wait3A_438 = tpu.memref_slice %arg2[%dma_wait3A_436, %dma_wait3A_437] : memref<10240x64xbf16, #tpu.memory_space<hbm>> -> memref<10240x64xbf16, #tpu.memory_space<hbm>>
      tpu.wait_indirect_dma semaphore(%arg17 : memref<!tpu.dma_semaphore, #tpu.memory_space<semaphore_mem>>) src(%dma_wait3A_438 : memref<10240x64xbf16, #tpu.memory_space<hbm>>) dst(%dma_wait3A_432 : memref<125x64xbf16, #tpu.memory_space<vmem>>)
      %dma_start3A_439 = arith.constant 6 : i32
      %dma_start3A_440 = arith.constant 0 : i32
      %dma_start3A_441 = arith.constant 0 : i32
      %dma_start3A_442 = tpu.memref_slice %arg8[%dma_start3A_439, %dma_start3A_440, %dma_start3A_441] : memref<8x125x64xbf16, #tpu.memory_space<vmem>> -> memref<1x125x64xbf16, #tpu.memory_space<vmem>>
      %dma_start3A_443 = tpu.memref_squeeze %dma_start3A_442 : memref<1x125x64xbf16, #tpu.memory_space<vmem>> -> memref<125x64xbf16, #tpu.memory_space<vmem>>
      %dma_start3A_444 = arith.constant 0 : i32
      %dma_start3A_445 = tpu.memref_slice %arg7[%add3A_420, %dma_start3A_444] : memref<80x125xi32, #tpu.memory_space<vmem>> -> memref<1x125xi32, #tpu.memory_space<vmem>>
      %dma_start3A_446 = tpu.memref_squeeze %dma_start3A_445 : memref<1x125xi32, #tpu.memory_space<vmem>> -> memref<125xi32, #tpu.memory_space<vmem>>
      %dma_start3A_447 = arith.constant 0 : i32
      %dma_start3A_448 = arith.constant 0 : i32
      %dma_start3A_449 = tpu.memref_slice %arg9[%dma_start3A_447, %dma_start3A_448] : memref<10240x64xbf16, #tpu.memory_space<vmem_shared>> -> memref<10240x64xbf16, #tpu.memory_space<vmem_shared>>
      tpu.enqueue_indirect_dma source(%dma_start3A_443 : memref<125x64xbf16, #tpu.memory_space<vmem>>) target(%dma_start3A_449 : memref<10240x64xbf16, #tpu.memory_space<vmem_shared>>) offsets(%dma_start3A_446 : memref<125xi32, #tpu.memory_space<vmem>>) semaphore(%arg25 : memref<!tpu.dma_semaphore, #tpu.memory_space<semaphore_mem>>) {add = true}
      %mul3A_450 = arith.constant 8 : i32
      %mul3A_451 = arith.muli %mul3A_450, %scan3A_221 : i32
      %add3A_452 = arith.constant 7 : i32
      %add3A_453 = arith.addi %mul3A_451, %add3A_452 : i32
      %add3A_454 = arith.constant 4 : i32
      %add3A_455 = arith.addi %add3A_453, %add3A_454 : i32
      %lt3A_456 = arith.constant 80 : i32
      %lt3A_457 = arith.cmpi slt, %add3A_455, %lt3A_456 : i32
      %convert_element_type3A_458 = arith.extui %lt3A_457 : i1 to i32
      %cond3A_459 = arith.constant 0 : i32
      %cond3A_460 = arith.cmpi ne, %convert_element_type3A_458, %cond3A_459 : i32
      scf.if %cond3A_460 {
        %ge3A = arith.constant 8 : i32
        %ge3A_483 = arith.cmpi sge, %add3A_455, %ge3A : i32
        %convert_element_type3A_484 = arith.extui %ge3A_483 : i1 to i32
        %cond3A_485 = arith.constant 0 : i32
        %cond3A_486 = arith.cmpi ne, %convert_element_type3A_484, %cond3A_485 : i32
        scf.if %cond3A_486 {
          %sub3A = arith.constant 8 : i32
          %sub3A_498 = arith.subi %add3A_455, %sub3A : i32
          %dma_wait3A_499 = arith.constant 3 : i32
          %dma_wait3A_500 = arith.constant 0 : i32
          %dma_wait3A_501 = arith.constant 0 : i32
          %dma_wait3A_502 = tpu.memref_slice %arg8[%dma_wait3A_499, %dma_wait3A_500, %dma_wait3A_501] : memref<8x125x64xbf16, #tpu.memory_space<vmem>> -> memref<1x125x64xbf16, #tpu.memory_space<vmem>>
          %dma_wait3A_503 = tpu.memref_squeeze %dma_wait3A_502 : memref<1x125x64xbf16, #tpu.memory_space<vmem>> -> memref<125x64xbf16, #tpu.memory_space<vmem>>
          %dma_wait3A_504 = arith.constant 0 : i32
          %dma_wait3A_505 = tpu.memref_slice %arg7[%sub3A_498, %dma_wait3A_504] : memref<80x125xi32, #tpu.memory_space<vmem>> -> memref<1x125xi32, #tpu.memory_space<vmem>>
          %dma_wait3A_506 = tpu.memref_squeeze %dma_wait3A_505 : memref<1x125xi32, #tpu.memory_space<vmem>> -> memref<125xi32, #tpu.memory_space<vmem>>
          %dma_wait3A_507 = arith.constant 0 : i32
          %dma_wait3A_508 = arith.constant 0 : i32
          %dma_wait3A_509 = tpu.memref_slice %arg9[%dma_wait3A_507, %dma_wait3A_508] : memref<10240x64xbf16, #tpu.memory_space<vmem_shared>> -> memref<10240x64xbf16, #tpu.memory_space<vmem_shared>>
          tpu.wait_indirect_dma semaphore(%arg22 : memref<!tpu.dma_semaphore, #tpu.memory_space<semaphore_mem>>) src(%dma_wait3A_503 : memref<125x64xbf16, #tpu.memory_space<vmem>>) dst(%dma_wait3A_509 : memref<10240x64xbf16, #tpu.memory_space<vmem_shared>>)
        } else {
        }
        %dma_start3A_487 = arith.constant 3 : i32
        %dma_start3A_488 = arith.constant 0 : i32
        %dma_start3A_489 = arith.constant 0 : i32
        %dma_start3A_490 = tpu.memref_slice %arg8[%dma_start3A_487, %dma_start3A_488, %dma_start3A_489] : memref<8x125x64xbf16, #tpu.memory_space<vmem>> -> memref<1x125x64xbf16, #tpu.memory_space<vmem>>
        %dma_start3A_491 = tpu.memref_squeeze %dma_start3A_490 : memref<1x125x64xbf16, #tpu.memory_space<vmem>> -> memref<125x64xbf16, #tpu.memory_space<vmem>>
        %dma_start3A_492 = arith.constant 0 : i32
        %dma_start3A_493 = tpu.memref_slice %arg6[%add3A_455, %dma_start3A_492] : memref<80x125xi32, #tpu.memory_space<vmem>> -> memref<1x125xi32, #tpu.memory_space<vmem>>
        %dma_start3A_494 = tpu.memref_squeeze %dma_start3A_493 : memref<1x125xi32, #tpu.memory_space<vmem>> -> memref<125xi32, #tpu.memory_space<vmem>>
        %dma_start3A_495 = arith.constant 0 : i32
        %dma_start3A_496 = arith.constant 0 : i32
        %dma_start3A_497 = tpu.memref_slice %arg2[%dma_start3A_495, %dma_start3A_496] : memref<10240x64xbf16, #tpu.memory_space<hbm>> -> memref<10240x64xbf16, #tpu.memory_space<hbm>>
        tpu.enqueue_indirect_dma source(%dma_start3A_497 : memref<10240x64xbf16, #tpu.memory_space<hbm>>) target(%dma_start3A_491 : memref<125x64xbf16, #tpu.memory_space<vmem>>) offsets(%dma_start3A_494 : memref<125xi32, #tpu.memory_space<vmem>>) semaphore(%arg14 : memref<!tpu.dma_semaphore, #tpu.memory_space<semaphore_mem>>)
      } else {
      }
      %dma_wait3A_461 = arith.constant 7 : i32
      %dma_wait3A_462 = arith.constant 0 : i32
      %dma_wait3A_463 = arith.constant 0 : i32
      %dma_wait3A_464 = tpu.memref_slice %arg8[%dma_wait3A_461, %dma_wait3A_462, %dma_wait3A_463] : memref<8x125x64xbf16, #tpu.memory_space<vmem>> -> memref<1x125x64xbf16, #tpu.memory_space<vmem>>
      %dma_wait3A_465 = tpu.memref_squeeze %dma_wait3A_464 : memref<1x125x64xbf16, #tpu.memory_space<vmem>> -> memref<125x64xbf16, #tpu.memory_space<vmem>>
      %dma_wait3A_466 = arith.constant 0 : i32
      %dma_wait3A_467 = tpu.memref_slice %arg6[%add3A_453, %dma_wait3A_466] : memref<80x125xi32, #tpu.memory_space<vmem>> -> memref<1x125xi32, #tpu.memory_space<vmem>>
      %dma_wait3A_468 = tpu.memref_squeeze %dma_wait3A_467 : memref<1x125xi32, #tpu.memory_space<vmem>> -> memref<125xi32, #tpu.memory_space<vmem>>
      %dma_wait3A_469 = arith.constant 0 : i32
      %dma_wait3A_470 = arith.constant 0 : i32
      %dma_wait3A_471 = tpu.memref_slice %arg2[%dma_wait3A_469, %dma_wait3A_470] : memref<10240x64xbf16, #tpu.memory_space<hbm>> -> memref<10240x64xbf16, #tpu.memory_space<hbm>>
      tpu.wait_indirect_dma semaphore(%arg18 : memref<!tpu.dma_semaphore, #tpu.memory_space<semaphore_mem>>) src(%dma_wait3A_471 : memref<10240x64xbf16, #tpu.memory_space<hbm>>) dst(%dma_wait3A_465 : memref<125x64xbf16, #tpu.memory_space<vmem>>)
      %dma_start3A_472 = arith.constant 7 : i32
      %dma_start3A_473 = arith.constant 0 : i32
      %dma_start3A_474 = arith.constant 0 : i32
      %dma_start3A_475 = tpu.memref_slice %arg8[%dma_start3A_472, %dma_start3A_473, %dma_start3A_474] : memref<8x125x64xbf16, #tpu.memory_space<vmem>> -> memref<1x125x64xbf16, #tpu.memory_space<vmem>>
      %dma_start3A_476 = tpu.memref_squeeze %dma_start3A_475 : memref<1x125x64xbf16, #tpu.memory_space<vmem>> -> memref<125x64xbf16, #tpu.memory_space<vmem>>
      %dma_start3A_477 = arith.constant 0 : i32
      %dma_start3A_478 = tpu.memref_slice %arg7[%add3A_453, %dma_start3A_477] : memref<80x125xi32, #tpu.memory_space<vmem>> -> memref<1x125xi32, #tpu.memory_space<vmem>>
      %dma_start3A_479 = tpu.memref_squeeze %dma_start3A_478 : memref<1x125xi32, #tpu.memory_space<vmem>> -> memref<125xi32, #tpu.memory_space<vmem>>
      %dma_start3A_480 = arith.constant 0 : i32
      %dma_start3A_481 = arith.constant 0 : i32
      %dma_start3A_482 = tpu.memref_slice %arg9[%dma_start3A_480, %dma_start3A_481] : memref<10240x64xbf16, #tpu.memory_space<vmem_shared>> -> memref<10240x64xbf16, #tpu.memory_space<vmem_shared>>
      tpu.enqueue_indirect_dma source(%dma_start3A_476 : memref<125x64xbf16, #tpu.memory_space<vmem>>) target(%dma_start3A_482 : memref<10240x64xbf16, #tpu.memory_space<vmem_shared>>) offsets(%dma_start3A_479 : memref<125xi32, #tpu.memory_space<vmem>>) semaphore(%arg26 : memref<!tpu.dma_semaphore, #tpu.memory_space<semaphore_mem>>) {add = true}
    }
    %scan3A_121 = arith.constant 10 : i32
    %dma_wait3A_122 = arith.constant 0 : i32
    %dma_wait3A_123 = arith.constant 72 : i32
    %dma_wait3A_124 = arith.constant 0 : i32
    %dma_wait3A_125 = arith.constant 0 : i32
    %dma_wait3A_126 = tpu.memref_slice %arg8[%dma_wait3A_122, %dma_wait3A_124, %dma_wait3A_125] : memref<8x125x64xbf16, #tpu.memory_space<vmem>> -> memref<1x125x64xbf16, #tpu.memory_space<vmem>>
    %dma_wait3A_127 = tpu.memref_squeeze %dma_wait3A_126 : memref<1x125x64xbf16, #tpu.memory_space<vmem>> -> memref<125x64xbf16, #tpu.memory_space<vmem>>
    %dma_wait3A_128 = arith.constant 0 : i32
    %dma_wait3A_129 = tpu.memref_slice %arg7[%dma_wait3A_123, %dma_wait3A_128] : memref<80x125xi32, #tpu.memory_space<vmem>> -> memref<1x125xi32, #tpu.memory_space<vmem>>
    %dma_wait3A_130 = tpu.memref_squeeze %dma_wait3A_129 : memref<1x125xi32, #tpu.memory_space<vmem>> -> memref<125xi32, #tpu.memory_space<vmem>>
    %dma_wait3A_131 = arith.constant 0 : i32
    %dma_wait3A_132 = arith.constant 0 : i32
    %dma_wait3A_133 = tpu.memref_slice %arg9[%dma_wait3A_131, %dma_wait3A_132] : memref<10240x64xbf16, #tpu.memory_space<vmem_shared>> -> memref<10240x64xbf16, #tpu.memory_space<vmem_shared>>
    tpu.wait_indirect_dma semaphore(%arg19 : memref<!tpu.dma_semaphore, #tpu.memory_space<semaphore_mem>>) src(%dma_wait3A_127 : memref<125x64xbf16, #tpu.memory_space<vmem>>) dst(%dma_wait3A_133 : memref<10240x64xbf16, #tpu.memory_space<vmem_shared>>)
    %dma_wait3A_134 = arith.constant 1 : i32
    %dma_wait3A_135 = arith.constant 73 : i32
    %dma_wait3A_136 = arith.constant 0 : i32
    %dma_wait3A_137 = arith.constant 0 : i32
    %dma_wait3A_138 = tpu.memref_slice %arg8[%dma_wait3A_134, %dma_wait3A_136, %dma_wait3A_137] : memref<8x125x64xbf16, #tpu.memory_space<vmem>> -> memref<1x125x64xbf16, #tpu.memory_space<vmem>>
    %dma_wait3A_139 = tpu.memref_squeeze %dma_wait3A_138 : memref<1x125x64xbf16, #tpu.memory_space<vmem>> -> memref<125x64xbf16, #tpu.memory_space<vmem>>
    %dma_wait3A_140 = arith.constant 0 : i32
    %dma_wait3A_141 = tpu.memref_slice %arg7[%dma_wait3A_135, %dma_wait3A_140] : memref<80x125xi32, #tpu.memory_space<vmem>> -> memref<1x125xi32, #tpu.memory_space<vmem>>
    %dma_wait3A_142 = tpu.memref_squeeze %dma_wait3A_141 : memref<1x125xi32, #tpu.memory_space<vmem>> -> memref<125xi32, #tpu.memory_space<vmem>>
    %dma_wait3A_143 = arith.constant 0 : i32
    %dma_wait3A_144 = arith.constant 0 : i32
    %dma_wait3A_145 = tpu.memref_slice %arg9[%dma_wait3A_143, %dma_wait3A_144] : memref<10240x64xbf16, #tpu.memory_space<vmem_shared>> -> memref<10240x64xbf16, #tpu.memory_space<vmem_shared>>
    tpu.wait_indirect_dma semaphore(%arg20 : memref<!tpu.dma_semaphore, #tpu.memory_space<semaphore_mem>>) src(%dma_wait3A_139 : memref<125x64xbf16, #tpu.memory_space<vmem>>) dst(%dma_wait3A_145 : memref<10240x64xbf16, #tpu.memory_space<vmem_shared>>)
    %dma_wait3A_146 = arith.constant 2 : i32
    %dma_wait3A_147 = arith.constant 74 : i32
    %dma_wait3A_148 = arith.constant 0 : i32
    %dma_wait3A_149 = arith.constant 0 : i32
    %dma_wait3A_150 = tpu.memref_slice %arg8[%dma_wait3A_146, %dma_wait3A_148, %dma_wait3A_149] : memref<8x125x64xbf16, #tpu.memory_space<vmem>> -> memref<1x125x64xbf16, #tpu.memory_space<vmem>>
    %dma_wait3A_151 = tpu.memref_squeeze %dma_wait3A_150 : memref<1x125x64xbf16, #tpu.memory_space<vmem>> -> memref<125x64xbf16, #tpu.memory_space<vmem>>
    %dma_wait3A_152 = arith.constant 0 : i32
    %dma_wait3A_153 = tpu.memref_slice %arg7[%dma_wait3A_147, %dma_wait3A_152] : memref<80x125xi32, #tpu.memory_space<vmem>> -> memref<1x125xi32, #tpu.memory_space<vmem>>
    %dma_wait3A_154 = tpu.memref_squeeze %dma_wait3A_153 : memref<1x125xi32, #tpu.memory_space<vmem>> -> memref<125xi32, #tpu.memory_space<vmem>>
    %dma_wait3A_155 = arith.constant 0 : i32
    %dma_wait3A_156 = arith.constant 0 : i32
    %dma_wait3A_157 = tpu.memref_slice %arg9[%dma_wait3A_155, %dma_wait3A_156] : memref<10240x64xbf16, #tpu.memory_space<vmem_shared>> -> memref<10240x64xbf16, #tpu.memory_space<vmem_shared>>
    tpu.wait_indirect_dma semaphore(%arg21 : memref<!tpu.dma_semaphore, #tpu.memory_space<semaphore_mem>>) src(%dma_wait3A_151 : memref<125x64xbf16, #tpu.memory_space<vmem>>) dst(%dma_wait3A_157 : memref<10240x64xbf16, #tpu.memory_space<vmem_shared>>)
    %dma_wait3A_158 = arith.constant 3 : i32
    %dma_wait3A_159 = arith.constant 75 : i32
    %dma_wait3A_160 = arith.constant 0 : i32
    %dma_wait3A_161 = arith.constant 0 : i32
    %dma_wait3A_162 = tpu.memref_slice %arg8[%dma_wait3A_158, %dma_wait3A_160, %dma_wait3A_161] : memref<8x125x64xbf16, #tpu.memory_space<vmem>> -> memref<1x125x64xbf16, #tpu.memory_space<vmem>>
    %dma_wait3A_163 = tpu.memref_squeeze %dma_wait3A_162 : memref<1x125x64xbf16, #tpu.memory_space<vmem>> -> memref<125x64xbf16, #tpu.memory_space<vmem>>
    %dma_wait3A_164 = arith.constant 0 : i32
    %dma_wait3A_165 = tpu.memref_slice %arg7[%dma_wait3A_159, %dma_wait3A_164] : memref<80x125xi32, #tpu.memory_space<vmem>> -> memref<1x125xi32, #tpu.memory_space<vmem>>
    %dma_wait3A_166 = tpu.memref_squeeze %dma_wait3A_165 : memref<1x125xi32, #tpu.memory_space<vmem>> -> memref<125xi32, #tpu.memory_space<vmem>>
    %dma_wait3A_167 = arith.constant 0 : i32
    %dma_wait3A_168 = arith.constant 0 : i32
    %dma_wait3A_169 = tpu.memref_slice %arg9[%dma_wait3A_167, %dma_wait3A_168] : memref<10240x64xbf16, #tpu.memory_space<vmem_shared>> -> memref<10240x64xbf16, #tpu.memory_space<vmem_shared>>
    tpu.wait_indirect_dma semaphore(%arg22 : memref<!tpu.dma_semaphore, #tpu.memory_space<semaphore_mem>>) src(%dma_wait3A_163 : memref<125x64xbf16, #tpu.memory_space<vmem>>) dst(%dma_wait3A_169 : memref<10240x64xbf16, #tpu.memory_space<vmem_shared>>)
    %dma_wait3A_170 = arith.constant 4 : i32
    %dma_wait3A_171 = arith.constant 76 : i32
    %dma_wait3A_172 = arith.constant 0 : i32
    %dma_wait3A_173 = arith.constant 0 : i32
    %dma_wait3A_174 = tpu.memref_slice %arg8[%dma_wait3A_170, %dma_wait3A_172, %dma_wait3A_173] : memref<8x125x64xbf16, #tpu.memory_space<vmem>> -> memref<1x125x64xbf16, #tpu.memory_space<vmem>>
    %dma_wait3A_175 = tpu.memref_squeeze %dma_wait3A_174 : memref<1x125x64xbf16, #tpu.memory_space<vmem>> -> memref<125x64xbf16, #tpu.memory_space<vmem>>
    %dma_wait3A_176 = arith.constant 0 : i32
    %dma_wait3A_177 = tpu.memref_slice %arg7[%dma_wait3A_171, %dma_wait3A_176] : memref<80x125xi32, #tpu.memory_space<vmem>> -> memref<1x125xi32, #tpu.memory_space<vmem>>
    %dma_wait3A_178 = tpu.memref_squeeze %dma_wait3A_177 : memref<1x125xi32, #tpu.memory_space<vmem>> -> memref<125xi32, #tpu.memory_space<vmem>>
    %dma_wait3A_179 = arith.constant 0 : i32
    %dma_wait3A_180 = arith.constant 0 : i32
    %dma_wait3A_181 = tpu.memref_slice %arg9[%dma_wait3A_179, %dma_wait3A_180] : memref<10240x64xbf16, #tpu.memory_space<vmem_shared>> -> memref<10240x64xbf16, #tpu.memory_space<vmem_shared>>
    tpu.wait_indirect_dma semaphore(%arg23 : memref<!tpu.dma_semaphore, #tpu.memory_space<semaphore_mem>>) src(%dma_wait3A_175 : memref<125x64xbf16, #tpu.memory_space<vmem>>) dst(%dma_wait3A_181 : memref<10240x64xbf16, #tpu.memory_space<vmem_shared>>)
    %dma_wait3A_182 = arith.constant 5 : i32
    %dma_wait3A_183 = arith.constant 77 : i32
    %dma_wait3A_184 = arith.constant 0 : i32
    %dma_wait3A_185 = arith.constant 0 : i32
    %dma_wait3A_186 = tpu.memref_slice %arg8[%dma_wait3A_182, %dma_wait3A_184, %dma_wait3A_185] : memref<8x125x64xbf16, #tpu.memory_space<vmem>> -> memref<1x125x64xbf16, #tpu.memory_space<vmem>>
    %dma_wait3A_187 = tpu.memref_squeeze %dma_wait3A_186 : memref<1x125x64xbf16, #tpu.memory_space<vmem>> -> memref<125x64xbf16, #tpu.memory_space<vmem>>
    %dma_wait3A_188 = arith.constant 0 : i32
    %dma_wait3A_189 = tpu.memref_slice %arg7[%dma_wait3A_183, %dma_wait3A_188] : memref<80x125xi32, #tpu.memory_space<vmem>> -> memref<1x125xi32, #tpu.memory_space<vmem>>
    %dma_wait3A_190 = tpu.memref_squeeze %dma_wait3A_189 : memref<1x125xi32, #tpu.memory_space<vmem>> -> memref<125xi32, #tpu.memory_space<vmem>>
    %dma_wait3A_191 = arith.constant 0 : i32
    %dma_wait3A_192 = arith.constant 0 : i32
    %dma_wait3A_193 = tpu.memref_slice %arg9[%dma_wait3A_191, %dma_wait3A_192] : memref<10240x64xbf16, #tpu.memory_space<vmem_shared>> -> memref<10240x64xbf16, #tpu.memory_space<vmem_shared>>
    tpu.wait_indirect_dma semaphore(%arg24 : memref<!tpu.dma_semaphore, #tpu.memory_space<semaphore_mem>>) src(%dma_wait3A_187 : memref<125x64xbf16, #tpu.memory_space<vmem>>) dst(%dma_wait3A_193 : memref<10240x64xbf16, #tpu.memory_space<vmem_shared>>)
    %dma_wait3A_194 = arith.constant 6 : i32
    %dma_wait3A_195 = arith.constant 78 : i32
    %dma_wait3A_196 = arith.constant 0 : i32
    %dma_wait3A_197 = arith.constant 0 : i32
    %dma_wait3A_198 = tpu.memref_slice %arg8[%dma_wait3A_194, %dma_wait3A_196, %dma_wait3A_197] : memref<8x125x64xbf16, #tpu.memory_space<vmem>> -> memref<1x125x64xbf16, #tpu.memory_space<vmem>>
    %dma_wait3A_199 = tpu.memref_squeeze %dma_wait3A_198 : memref<1x125x64xbf16, #tpu.memory_space<vmem>> -> memref<125x64xbf16, #tpu.memory_space<vmem>>
    %dma_wait3A_200 = arith.constant 0 : i32
    %dma_wait3A_201 = tpu.memref_slice %arg7[%dma_wait3A_195, %dma_wait3A_200] : memref<80x125xi32, #tpu.memory_space<vmem>> -> memref<1x125xi32, #tpu.memory_space<vmem>>
    %dma_wait3A_202 = tpu.memref_squeeze %dma_wait3A_201 : memref<1x125xi32, #tpu.memory_space<vmem>> -> memref<125xi32, #tpu.memory_space<vmem>>
    %dma_wait3A_203 = arith.constant 0 : i32
    %dma_wait3A_204 = arith.constant 0 : i32
    %dma_wait3A_205 = tpu.memref_slice %arg9[%dma_wait3A_203, %dma_wait3A_204] : memref<10240x64xbf16, #tpu.memory_space<vmem_shared>> -> memref<10240x64xbf16, #tpu.memory_space<vmem_shared>>
    tpu.wait_indirect_dma semaphore(%arg25 : memref<!tpu.dma_semaphore, #tpu.memory_space<semaphore_mem>>) src(%dma_wait3A_199 : memref<125x64xbf16, #tpu.memory_space<vmem>>) dst(%dma_wait3A_205 : memref<10240x64xbf16, #tpu.memory_space<vmem_shared>>)
    %dma_wait3A_206 = arith.constant 7 : i32
    %dma_wait3A_207 = arith.constant 79 : i32
    %dma_wait3A_208 = arith.constant 0 : i32
    %dma_wait3A_209 = arith.constant 0 : i32
    %dma_wait3A_210 = tpu.memref_slice %arg8[%dma_wait3A_206, %dma_wait3A_208, %dma_wait3A_209] : memref<8x125x64xbf16, #tpu.memory_space<vmem>> -> memref<1x125x64xbf16, #tpu.memory_space<vmem>>
    %dma_wait3A_211 = tpu.memref_squeeze %dma_wait3A_210 : memref<1x125x64xbf16, #tpu.memory_space<vmem>> -> memref<125x64xbf16, #tpu.memory_space<vmem>>
    %dma_wait3A_212 = arith.constant 0 : i32
    %dma_wait3A_213 = tpu.memref_slice %arg7[%dma_wait3A_207, %dma_wait3A_212] : memref<80x125xi32, #tpu.memory_space<vmem>> -> memref<1x125xi32, #tpu.memory_space<vmem>>
    %dma_wait3A_214 = tpu.memref_squeeze %dma_wait3A_213 : memref<1x125xi32, #tpu.memory_space<vmem>> -> memref<125xi32, #tpu.memory_space<vmem>>
    %dma_wait3A_215 = arith.constant 0 : i32
    %dma_wait3A_216 = arith.constant 0 : i32
    %dma_wait3A_217 = tpu.memref_slice %arg9[%dma_wait3A_215, %dma_wait3A_216] : memref<10240x64xbf16, #tpu.memory_space<vmem_shared>> -> memref<10240x64xbf16, #tpu.memory_space<vmem_shared>>
    tpu.wait_indirect_dma semaphore(%arg26 : memref<!tpu.dma_semaphore, #tpu.memory_space<semaphore_mem>>) src(%dma_wait3A_211 : memref<125x64xbf16, #tpu.memory_space<vmem>>) dst(%dma_wait3A_217 : memref<10240x64xbf16, #tpu.memory_space<vmem_shared>>)
    %barrier3A_218 = arith.constant 0 : index
    tpu.barrier barrier_id(%barrier3A_218)
    %mul3A_219 = arith.constant 64 : i32
    %mul3A_220 = arith.muli %arg0, %mul3A_219 : i32
    "tpu.region"() ({
      %run_scoped3A = tpu.sem_alloc : memref<!tpu.dma_semaphore, #tpu.memory_space<semaphore_mem>>
      %dma_start3A_221 = tpu.memref_slice %arg5[%mul3A_2, %mul3A_220] : memref<10240x128xbf16, #tpu.memory_space<hbm>> -> memref<640x64xbf16, #tpu.memory_space<hbm>>
      %dma_start3A_222 = arith.constant 0 : i32
      %dma_start3A_223 = tpu.memref_slice %arg9[%mul3A_2, %dma_start3A_222] : memref<10240x64xbf16, #tpu.memory_space<vmem_shared>> -> memref<640x64xbf16, #tpu.memory_space<vmem_shared>>
      tpu.enqueue_dma source(%dma_start3A_223 : memref<640x64xbf16, #tpu.memory_space<vmem_shared>>) target(%dma_start3A_221 : memref<640x64xbf16, #tpu.memory_space<hbm>>) target_semaphore(%run_scoped3A : memref<!tpu.dma_semaphore, #tpu.memory_space<semaphore_mem>>)
      %dma_wait3A_224 = tpu.memref_slice %arg5[%mul3A_2, %mul3A_220] : memref<10240x128xbf16, #tpu.memory_space<hbm>> -> memref<640x64xbf16, #tpu.memory_space<hbm>>
      %dma_wait3A_225 = arith.constant 0 : i32
      %dma_wait3A_226 = tpu.memref_slice %arg9[%mul3A_2, %dma_wait3A_225] : memref<10240x64xbf16, #tpu.memory_space<vmem_shared>> -> memref<640x64xbf16, #tpu.memory_space<vmem_shared>>
      tpu.wait_dma2 semaphore(%run_scoped3A : memref<!tpu.dma_semaphore, #tpu.memory_space<semaphore_mem>>) src(%dma_wait3A_226 : memref<640x64xbf16, #tpu.memory_space<vmem_shared>>) dst(%dma_wait3A_224 : memref<640x64xbf16, #tpu.memory_space<hbm>>)
      tpu.yield
    }) : () -> ()
    return
  }
}

#map = affine_map<(d0, d1) -> (0, 0)>
#map1 = affine_map<(d0, d1) -> (0, 0, 0)>
module attributes {stable_mosaic.version = 14 : i64} {
  func.func @_agg(%arg0: i32, %arg1: i32, %arg2: memref<10240x64xbf16, #tpu.memory_space<hbm>>, %arg3: memref<2x2560x125xi32, #tpu.memory_space<hbm>>, %arg4: memref<10240x64xbf16, #tpu.memory_space<hbm>>, %arg5: memref<10240x128xbf16, #tpu.memory_space<hbm>>, %arg6: memref<80x125xi32, #tpu.memory_space<vmem>>, %arg7: memref<80x125xi32, #tpu.memory_space<vmem>>, %arg8: memref<8x125x64xbf16, #tpu.memory_space<vmem>>, %arg9: memref<10240x64xbf16, #tpu.memory_space<vmem_shared>>, %arg10: memref<!tpu.dma_semaphore, #tpu.memory_space<semaphore_mem>>, %arg11: memref<!tpu.dma_semaphore, #tpu.memory_space<semaphore_mem>>, %arg12: memref<!tpu.dma_semaphore, #tpu.memory_space<semaphore_mem>>, %arg13: memref<!tpu.dma_semaphore, #tpu.memory_space<semaphore_mem>>, %arg14: memref<!tpu.dma_semaphore, #tpu.memory_space<semaphore_mem>>, %arg15: memref<!tpu.dma_semaphore, #tpu.memory_space<semaphore_mem>>, %arg16: memref<!tpu.dma_semaphore, #tpu.memory_space<semaphore_mem>>, %arg17: memref<!tpu.dma_semaphore, #tpu.memory_space<semaphore_mem>>, %arg18: memref<!tpu.dma_semaphore, #tpu.memory_space<semaphore_mem>>, %arg19: memref<!tpu.dma_semaphore, #tpu.memory_space<semaphore_mem>>, %arg20: memref<!tpu.dma_semaphore, #tpu.memory_space<semaphore_mem>>, %arg21: memref<!tpu.dma_semaphore, #tpu.memory_space<semaphore_mem>>, %arg22: memref<!tpu.dma_semaphore, #tpu.memory_space<semaphore_mem>>, %arg23: memref<!tpu.dma_semaphore, #tpu.memory_space<semaphore_mem>>, %arg24: memref<!tpu.dma_semaphore, #tpu.memory_space<semaphore_mem>>, %arg25: memref<!tpu.dma_semaphore, #tpu.memory_space<semaphore_mem>>, %arg26: memref<!tpu.dma_semaphore, #tpu.memory_space<semaphore_mem>>) attributes {dimension_semantics = [#tpu.dimension_semantics<core_parallel>, #tpu.dimension_semantics<subcore_parallel>], iteration_bounds = array<i64: 2, 16>, scalar_prefetch = 0 : i64, scratch_operands = 21 : i64, tpu.core_type = #tpu.core_type<sc_vector_subcore>, window_params = [{transform_indices = #map}, {transform_indices = #map1}, {transform_indices = #map}, {transform_indices = #map}]} {
    %mul3A = arith.constant 16 : i32
    %mul3A_0 = arith.muli %arg0, %mul3A : i32
    %add3A = arith.addi %mul3A_0, %arg1 : i32
    %mul3A_1 = arith.constant 640 : i32
    %mul3A_2 = arith.muli %arg1, %mul3A_1 : i32
    %mul3A_3 = arith.constant 80 : i32
    %mul3A_4 = arith.muli %add3A, %mul3A_3 : i32
    %dma_start3A = arith.constant 0 : i32
    %dma_start3A_5 = arith.constant 0 : i32
    %dma_start3A_6 = arith.constant 0 : i32
    %dma_start3A_7 = tpu.memref_slice %arg3[%dma_start3A, %dma_start3A_5, %dma_start3A_6] : memref<2x2560x125xi32, #tpu.memory_space<hbm>> -> memref<1x2560x125xi32, #tpu.memory_space<hbm>>
    %dma_start3A_8 = tpu.memref_squeeze %dma_start3A_7 : memref<1x2560x125xi32, #tpu.memory_space<hbm>> -> memref<2560x125xi32, #tpu.memory_space<hbm>>
    %dma_start3A_9 = arith.constant 0 : i32
    %dma_start3A_10 = tpu.memref_slice %dma_start3A_8[%mul3A_4, %dma_start3A_9] : memref<2560x125xi32, #tpu.memory_space<hbm>> -> memref<80x125xi32, #tpu.memory_space<hbm>>
    %dma_start3A_11 = arith.constant 0 : i32
    %dma_start3A_12 = arith.constant 0 : i32
    %dma_start3A_13 = tpu.memref_slice %arg3[%dma_start3A, %dma_start3A_11, %dma_start3A_12] : memref<2x2560x125xi32, #tpu.memory_space<hbm>> -> memref<1x2560x125xi32, #tpu.memory_space<hbm>>
    %dma_start3A_14 = tpu.memref_squeeze %dma_start3A_13 : memref<1x2560x125xi32, #tpu.memory_space<hbm>> -> memref<2560x125xi32, #tpu.memory_space<hbm>>
    %dma_start3A_15 = arith.constant 0 : i32
    %dma_start3A_16 = tpu.memref_slice %dma_start3A_14[%mul3A_4, %dma_start3A_15] : memref<2560x125xi32, #tpu.memory_space<hbm>> -> memref<80x125xi32, #tpu.memory_space<hbm>>
    tpu.enqueue_dma source(%dma_start3A_16 : memref<80x125xi32, #tpu.memory_space<hbm>>) target(%arg6 : memref<80x125xi32, #tpu.memory_space<vmem>>) target_semaphore(%arg10 : memref<!tpu.dma_semaphore, #tpu.memory_space<semaphore_mem>>)
    %mul3A_17 = arith.constant 80 : i32
    %mul3A_18 = arith.muli %add3A, %mul3A_17 : i32
    %dma_start3A_19 = arith.constant 1 : i32
    %dma_start3A_20 = arith.constant 0 : i32
    %dma_start3A_21 = arith.constant 0 : i32
    %dma_start3A_22 = tpu.memref_slice %arg3[%dma_start3A_19, %dma_start3A_20, %dma_start3A_21] : memref<2x2560x125xi32, #tpu.memory_space<hbm>> -> memref<1x2560x125xi32, #tpu.memory_space<hbm>>
    %dma_start3A_23 = tpu.memref_squeeze %dma_start3A_22 : memref<1x2560x125xi32, #tpu.memory_space<hbm>> -> memref<2560x125xi32, #tpu.memory_space<hbm>>
    %dma_start3A_24 = arith.constant 0 : i32
    %dma_start3A_25 = tpu.memref_slice %dma_start3A_23[%mul3A_18, %dma_start3A_24] : memref<2560x125xi32, #tpu.memory_space<hbm>> -> memref<80x125xi32, #tpu.memory_space<hbm>>
    %dma_start3A_26 = arith.constant 0 : i32
    %dma_start3A_27 = arith.constant 0 : i32
    %dma_start3A_28 = tpu.memref_slice %arg3[%dma_start3A_19, %dma_start3A_26, %dma_start3A_27] : memref<2x2560x125xi32, #tpu.memory_space<hbm>> -> memref<1x2560x125xi32, #tpu.memory_space<hbm>>
    %dma_start3A_29 = tpu.memref_squeeze %dma_start3A_28 : memref<1x2560x125xi32, #tpu.memory_space<hbm>> -> memref<2560x125xi32, #tpu.memory_space<hbm>>
    %dma_start3A_30 = arith.constant 0 : i32
    %dma_start3A_31 = tpu.memref_slice %dma_start3A_29[%mul3A_18, %dma_start3A_30] : memref<2560x125xi32, #tpu.memory_space<hbm>> -> memref<80x125xi32, #tpu.memory_space<hbm>>
    tpu.enqueue_dma source(%dma_start3A_31 : memref<80x125xi32, #tpu.memory_space<hbm>>) target(%arg7 : memref<80x125xi32, #tpu.memory_space<vmem>>) target_semaphore(%arg10 : memref<!tpu.dma_semaphore, #tpu.memory_space<semaphore_mem>>)
    %dma_start3A_32 = arith.constant 0 : i32
    %dma_start3A_33 = tpu.memref_slice %arg9[%mul3A_2, %dma_start3A_32] : memref<10240x64xbf16, #tpu.memory_space<vmem_shared>> -> memref<640x64xbf16, #tpu.memory_space<vmem_shared>>
    %dma_start3A_34 = arith.constant 0 : i32
    %dma_start3A_35 = tpu.memref_slice %arg4[%mul3A_2, %dma_start3A_34] : memref<10240x64xbf16, #tpu.memory_space<hbm>> -> memref<640x64xbf16, #tpu.memory_space<hbm>>
    tpu.enqueue_dma source(%dma_start3A_35 : memref<640x64xbf16, #tpu.memory_space<hbm>>) target(%dma_start3A_33 : memref<640x64xbf16, #tpu.memory_space<vmem_shared>>) target_semaphore(%arg10 : memref<!tpu.dma_semaphore, #tpu.memory_space<semaphore_mem>>)
    %mul3A_36 = arith.constant 80 : i32
    %mul3A_37 = arith.muli %add3A, %mul3A_36 : i32
    %dma_wait3A = arith.constant 0 : i32
    %dma_wait3A_38 = arith.constant 0 : i32
    %dma_wait3A_39 = arith.constant 0 : i32
    %dma_wait3A_40 = tpu.memref_slice %arg3[%dma_wait3A, %dma_wait3A_38, %dma_wait3A_39] : memref<2x2560x125xi32, #tpu.memory_space<hbm>> -> memref<1x2560x125xi32, #tpu.memory_space<hbm>>
    %dma_wait3A_41 = tpu.memref_squeeze %dma_wait3A_40 : memref<1x2560x125xi32, #tpu.memory_space<hbm>> -> memref<2560x125xi32, #tpu.memory_space<hbm>>
    %dma_wait3A_42 = arith.constant 0 : i32
    %dma_wait3A_43 = tpu.memref_slice %dma_wait3A_41[%mul3A_37, %dma_wait3A_42] : memref<2560x125xi32, #tpu.memory_space<hbm>> -> memref<80x125xi32, #tpu.memory_space<hbm>>
    %dma_wait3A_44 = arith.constant 0 : i32
    %dma_wait3A_45 = arith.constant 0 : i32
    %dma_wait3A_46 = tpu.memref_slice %arg3[%dma_wait3A, %dma_wait3A_44, %dma_wait3A_45] : memref<2x2560x125xi32, #tpu.memory_space<hbm>> -> memref<1x2560x125xi32, #tpu.memory_space<hbm>>
    %dma_wait3A_47 = tpu.memref_squeeze %dma_wait3A_46 : memref<1x2560x125xi32, #tpu.memory_space<hbm>> -> memref<2560x125xi32, #tpu.memory_space<hbm>>
    %dma_wait3A_48 = arith.constant 0 : i32
    %dma_wait3A_49 = tpu.memref_slice %dma_wait3A_47[%mul3A_37, %dma_wait3A_48] : memref<2560x125xi32, #tpu.memory_space<hbm>> -> memref<80x125xi32, #tpu.memory_space<hbm>>
    tpu.wait_dma2 semaphore(%arg10 : memref<!tpu.dma_semaphore, #tpu.memory_space<semaphore_mem>>) src(%dma_wait3A_49 : memref<80x125xi32, #tpu.memory_space<hbm>>) dst(%arg6 : memref<80x125xi32, #tpu.memory_space<vmem>>)
    %mul3A_50 = arith.constant 80 : i32
    %mul3A_51 = arith.muli %add3A, %mul3A_50 : i32
    %dma_wait3A_52 = arith.constant 1 : i32
    %dma_wait3A_53 = arith.constant 0 : i32
    %dma_wait3A_54 = arith.constant 0 : i32
    %dma_wait3A_55 = tpu.memref_slice %arg3[%dma_wait3A_52, %dma_wait3A_53, %dma_wait3A_54] : memref<2x2560x125xi32, #tpu.memory_space<hbm>> -> memref<1x2560x125xi32, #tpu.memory_space<hbm>>
    %dma_wait3A_56 = tpu.memref_squeeze %dma_wait3A_55 : memref<1x2560x125xi32, #tpu.memory_space<hbm>> -> memref<2560x125xi32, #tpu.memory_space<hbm>>
    %dma_wait3A_57 = arith.constant 0 : i32
    %dma_wait3A_58 = tpu.memref_slice %dma_wait3A_56[%mul3A_51, %dma_wait3A_57] : memref<2560x125xi32, #tpu.memory_space<hbm>> -> memref<80x125xi32, #tpu.memory_space<hbm>>
    %dma_wait3A_59 = arith.constant 0 : i32
    %dma_wait3A_60 = arith.constant 0 : i32
    %dma_wait3A_61 = tpu.memref_slice %arg3[%dma_wait3A_52, %dma_wait3A_59, %dma_wait3A_60] : memref<2x2560x125xi32, #tpu.memory_space<hbm>> -> memref<1x2560x125xi32, #tpu.memory_space<hbm>>
    %dma_wait3A_62 = tpu.memref_squeeze %dma_wait3A_61 : memref<1x2560x125xi32, #tpu.memory_space<hbm>> -> memref<2560x125xi32, #tpu.memory_space<hbm>>
    %dma_wait3A_63 = arith.constant 0 : i32
    %dma_wait3A_64 = tpu.memref_slice %dma_wait3A_62[%mul3A_51, %dma_wait3A_63] : memref<2560x125xi32, #tpu.memory_space<hbm>> -> memref<80x125xi32, #tpu.memory_space<hbm>>
    tpu.wait_dma2 semaphore(%arg10 : memref<!tpu.dma_semaphore, #tpu.memory_space<semaphore_mem>>) src(%dma_wait3A_64 : memref<80x125xi32, #tpu.memory_space<hbm>>) dst(%arg7 : memref<80x125xi32, #tpu.memory_space<vmem>>)
    %dma_wait3A_65 = arith.constant 0 : i32
    %dma_wait3A_66 = tpu.memref_slice %arg9[%mul3A_2, %dma_wait3A_65] : memref<10240x64xbf16, #tpu.memory_space<vmem_shared>> -> memref<640x64xbf16, #tpu.memory_space<vmem_shared>>
    %dma_wait3A_67 = arith.constant 0 : i32
    %dma_wait3A_68 = tpu.memref_slice %arg4[%mul3A_2, %dma_wait3A_67] : memref<10240x64xbf16, #tpu.memory_space<hbm>> -> memref<640x64xbf16, #tpu.memory_space<hbm>>
    tpu.wait_dma2 semaphore(%arg10 : memref<!tpu.dma_semaphore, #tpu.memory_space<semaphore_mem>>) src(%dma_wait3A_68 : memref<640x64xbf16, #tpu.memory_space<hbm>>) dst(%dma_wait3A_66 : memref<640x64xbf16, #tpu.memory_space<vmem_shared>>)
    %barrier3A = arith.constant 0 : index
    tpu.barrier barrier_id(%barrier3A)
    %dma_start3A_69 = arith.constant 0 : i32
    %dma_start3A_70 = arith.constant 0 : i32
    %dma_start3A_71 = arith.constant 0 : i32
    %dma_start3A_72 = arith.constant 0 : i32
    %dma_start3A_73 = tpu.memref_slice %arg8[%dma_start3A_70, %dma_start3A_71, %dma_start3A_72] : memref<8x125x64xbf16, #tpu.memory_space<vmem>> -> memref<1x125x64xbf16, #tpu.memory_space<vmem>>
    %dma_start3A_74 = tpu.memref_squeeze %dma_start3A_73 : memref<1x125x64xbf16, #tpu.memory_space<vmem>> -> memref<125x64xbf16, #tpu.memory_space<vmem>>
    %dma_start3A_75 = arith.constant 0 : i32
    %dma_start3A_76 = tpu.memref_slice %arg6[%dma_start3A_69, %dma_start3A_75] : memref<80x125xi32, #tpu.memory_space<vmem>> -> memref<1x125xi32, #tpu.memory_space<vmem>>
    %dma_start3A_77 = tpu.memref_squeeze %dma_start3A_76 : memref<1x125xi32, #tpu.memory_space<vmem>> -> memref<125xi32, #tpu.memory_space<vmem>>
    %dma_start3A_78 = arith.constant 0 : i32
    %dma_start3A_79 = arith.constant 0 : i32
    %dma_start3A_80 = tpu.memref_slice %arg2[%dma_start3A_78, %dma_start3A_79] : memref<10240x64xbf16, #tpu.memory_space<hbm>> -> memref<10240x64xbf16, #tpu.memory_space<hbm>>
    tpu.enqueue_indirect_dma source(%dma_start3A_80 : memref<10240x64xbf16, #tpu.memory_space<hbm>>) target(%dma_start3A_74 : memref<125x64xbf16, #tpu.memory_space<vmem>>) offsets(%dma_start3A_77 : memref<125xi32, #tpu.memory_space<vmem>>) semaphore(%arg11 : memref<!tpu.dma_semaphore, #tpu.memory_space<semaphore_mem>>)
    %dma_start3A_81 = arith.constant 1 : i32
    %dma_start3A_82 = arith.constant 1 : i32
    %dma_start3A_83 = arith.constant 0 : i32
    %dma_start3A_84 = arith.constant 0 : i32
    %dma_start3A_85 = tpu.memref_slice %arg8[%dma_start3A_82, %dma_start3A_83, %dma_start3A_84] : memref<8x125x64xbf16, #tpu.memory_space<vmem>> -> memref<1x125x64xbf16, #tpu.memory_space<vmem>>
    %dma_start3A_86 = tpu.memref_squeeze %dma_start3A_85 : memref<1x125x64xbf16, #tpu.memory_space<vmem>> -> memref<125x64xbf16, #tpu.memory_space<vmem>>
    %dma_start3A_87 = arith.constant 0 : i32
    %dma_start3A_88 = tpu.memref_slice %arg6[%dma_start3A_81, %dma_start3A_87] : memref<80x125xi32, #tpu.memory_space<vmem>> -> memref<1x125xi32, #tpu.memory_space<vmem>>
    %dma_start3A_89 = tpu.memref_squeeze %dma_start3A_88 : memref<1x125xi32, #tpu.memory_space<vmem>> -> memref<125xi32, #tpu.memory_space<vmem>>
    %dma_start3A_90 = arith.constant 0 : i32
    %dma_start3A_91 = arith.constant 0 : i32
    %dma_start3A_92 = tpu.memref_slice %arg2[%dma_start3A_90, %dma_start3A_91] : memref<10240x64xbf16, #tpu.memory_space<hbm>> -> memref<10240x64xbf16, #tpu.memory_space<hbm>>
    tpu.enqueue_indirect_dma source(%dma_start3A_92 : memref<10240x64xbf16, #tpu.memory_space<hbm>>) target(%dma_start3A_86 : memref<125x64xbf16, #tpu.memory_space<vmem>>) offsets(%dma_start3A_89 : memref<125xi32, #tpu.memory_space<vmem>>) semaphore(%arg12 : memref<!tpu.dma_semaphore, #tpu.memory_space<semaphore_mem>>)
    %dma_start3A_93 = arith.constant 2 : i32
    %dma_start3A_94 = arith.constant 2 : i32
    %dma_start3A_95 = arith.constant 0 : i32
    %dma_start3A_96 = arith.constant 0 : i32
    %dma_start3A_97 = tpu.memref_slice %arg8[%dma_start3A_94, %dma_start3A_95, %dma_start3A_96] : memref<8x125x64xbf16, #tpu.memory_space<vmem>> -> memref<1x125x64xbf16, #tpu.memory_space<vmem>>
    %dma_start3A_98 = tpu.memref_squeeze %dma_start3A_97 : memref<1x125x64xbf16, #tpu.memory_space<vmem>> -> memref<125x64xbf16, #tpu.memory_space<vmem>>
    %dma_start3A_99 = arith.constant 0 : i32
    %dma_start3A_100 = tpu.memref_slice %arg6[%dma_start3A_93, %dma_start3A_99] : memref<80x125xi32, #tpu.memory_space<vmem>> -> memref<1x125xi32, #tpu.memory_space<vmem>>
    %dma_start3A_101 = tpu.memref_squeeze %dma_start3A_100 : memref<1x125xi32, #tpu.memory_space<vmem>> -> memref<125xi32, #tpu.memory_space<vmem>>
    %dma_start3A_102 = arith.constant 0 : i32
    %dma_start3A_103 = arith.constant 0 : i32
    %dma_start3A_104 = tpu.memref_slice %arg2[%dma_start3A_102, %dma_start3A_103] : memref<10240x64xbf16, #tpu.memory_space<hbm>> -> memref<10240x64xbf16, #tpu.memory_space<hbm>>
    tpu.enqueue_indirect_dma source(%dma_start3A_104 : memref<10240x64xbf16, #tpu.memory_space<hbm>>) target(%dma_start3A_98 : memref<125x64xbf16, #tpu.memory_space<vmem>>) offsets(%dma_start3A_101 : memref<125xi32, #tpu.memory_space<vmem>>) semaphore(%arg13 : memref<!tpu.dma_semaphore, #tpu.memory_space<semaphore_mem>>)
    %dma_start3A_105 = arith.constant 3 : i32
    %dma_start3A_106 = arith.constant 3 : i32
    %dma_start3A_107 = arith.constant 0 : i32
    %dma_start3A_108 = arith.constant 0 : i32
    %dma_start3A_109 = tpu.memref_slice %arg8[%dma_start3A_106, %dma_start3A_107, %dma_start3A_108] : memref<8x125x64xbf16, #tpu.memory_space<vmem>> -> memref<1x125x64xbf16, #tpu.memory_space<vmem>>
    %dma_start3A_110 = tpu.memref_squeeze %dma_start3A_109 : memref<1x125x64xbf16, #tpu.memory_space<vmem>> -> memref<125x64xbf16, #tpu.memory_space<vmem>>
    %dma_start3A_111 = arith.constant 0 : i32
    %dma_start3A_112 = tpu.memref_slice %arg6[%dma_start3A_105, %dma_start3A_111] : memref<80x125xi32, #tpu.memory_space<vmem>> -> memref<1x125xi32, #tpu.memory_space<vmem>>
    %dma_start3A_113 = tpu.memref_squeeze %dma_start3A_112 : memref<1x125xi32, #tpu.memory_space<vmem>> -> memref<125xi32, #tpu.memory_space<vmem>>
    %dma_start3A_114 = arith.constant 0 : i32
    %dma_start3A_115 = arith.constant 0 : i32
    %dma_start3A_116 = tpu.memref_slice %arg2[%dma_start3A_114, %dma_start3A_115] : memref<10240x64xbf16, #tpu.memory_space<hbm>> -> memref<10240x64xbf16, #tpu.memory_space<hbm>>
    tpu.enqueue_indirect_dma source(%dma_start3A_116 : memref<10240x64xbf16, #tpu.memory_space<hbm>>) target(%dma_start3A_110 : memref<125x64xbf16, #tpu.memory_space<vmem>>) offsets(%dma_start3A_113 : memref<125xi32, #tpu.memory_space<vmem>>) semaphore(%arg14 : memref<!tpu.dma_semaphore, #tpu.memory_space<semaphore_mem>>)
    %scan3A = arith.constant 0 : i32
    %scan3A_117 = arith.constant 0 : i32
    %scan3A_118 = arith.constant 10 : i32
    %scan3A_119 = arith.addi %scan3A_117, %scan3A_118 : i32
    %scan3A_120 = arith.constant 1 : i32
    scf.for %scan3A_221 = %scan3A_117 to %scan3A_119 step %scan3A_120  : i32 {
      %mul3A_222 = arith.constant 8 : i32
      %mul3A_223 = arith.muli %mul3A_222, %scan3A_221 : i32
      %add3A_224 = arith.constant 0 : i32
      %add3A_225 = arith.addi %mul3A_223, %add3A_224 : i32
      %add3A_226 = arith.constant 4 : i32
      %add3A_227 = arith.addi %add3A_225, %add3A_226 : i32
      %lt3A = arith.constant 80 : i32
      %lt3A_228 = arith.cmpi slt, %add3A_227, %lt3A : i32
      %convert_element_type3A = arith.extui %lt3A_228 : i1 to i32
      %cond3A = arith.constant 0 : i32
      %cond3A_229 = arith.cmpi ne, %convert_element_type3A, %cond3A : i32
      scf.if %cond3A_229 {
        %ge3A = arith.constant 8 : i32
        %ge3A_483 = arith.cmpi sge, %add3A_227, %ge3A : i32
        %convert_element_type3A_484 = arith.extui %ge3A_483 : i1 to i32
        %cond3A_485 = arith.constant 0 : i32
        %cond3A_486 = arith.cmpi ne, %convert_element_type3A_484, %cond3A_485 : i32
        scf.if %cond3A_486 {
          %sub3A = arith.constant 8 : i32
          %sub3A_498 = arith.subi %add3A_227, %sub3A : i32
          %dma_wait3A_499 = arith.constant 4 : i32
          %dma_wait3A_500 = arith.constant 0 : i32
          %dma_wait3A_501 = arith.constant 0 : i32
          %dma_wait3A_502 = tpu.memref_slice %arg8[%dma_wait3A_499, %dma_wait3A_500, %dma_wait3A_501] : memref<8x125x64xbf16, #tpu.memory_space<vmem>> -> memref<1x125x64xbf16, #tpu.memory_space<vmem>>
          %dma_wait3A_503 = tpu.memref_squeeze %dma_wait3A_502 : memref<1x125x64xbf16, #tpu.memory_space<vmem>> -> memref<125x64xbf16, #tpu.memory_space<vmem>>
          %dma_wait3A_504 = arith.constant 0 : i32
          %dma_wait3A_505 = tpu.memref_slice %arg7[%sub3A_498, %dma_wait3A_504] : memref<80x125xi32, #tpu.memory_space<vmem>> -> memref<1x125xi32, #tpu.memory_space<vmem>>
          %dma_wait3A_506 = tpu.memref_squeeze %dma_wait3A_505 : memref<1x125xi32, #tpu.memory_space<vmem>> -> memref<125xi32, #tpu.memory_space<vmem>>
          %dma_wait3A_507 = arith.constant 0 : i32
          %dma_wait3A_508 = arith.constant 0 : i32
          %dma_wait3A_509 = tpu.memref_slice %arg9[%dma_wait3A_507, %dma_wait3A_508] : memref<10240x64xbf16, #tpu.memory_space<vmem_shared>> -> memref<10240x64xbf16, #tpu.memory_space<vmem_shared>>
          tpu.wait_indirect_dma semaphore(%arg23 : memref<!tpu.dma_semaphore, #tpu.memory_space<semaphore_mem>>) src(%dma_wait3A_503 : memref<125x64xbf16, #tpu.memory_space<vmem>>) dst(%dma_wait3A_509 : memref<10240x64xbf16, #tpu.memory_space<vmem_shared>>)
        } else {
        }
        %dma_start3A_487 = arith.constant 4 : i32
        %dma_start3A_488 = arith.constant 0 : i32
        %dma_start3A_489 = arith.constant 0 : i32
        %dma_start3A_490 = tpu.memref_slice %arg8[%dma_start3A_487, %dma_start3A_488, %dma_start3A_489] : memref<8x125x64xbf16, #tpu.memory_space<vmem>> -> memref<1x125x64xbf16, #tpu.memory_space<vmem>>
        %dma_start3A_491 = tpu.memref_squeeze %dma_start3A_490 : memref<1x125x64xbf16, #tpu.memory_space<vmem>> -> memref<125x64xbf16, #tpu.memory_space<vmem>>
        %dma_start3A_492 = arith.constant 0 : i32
        %dma_start3A_493 = tpu.memref_slice %arg6[%add3A_227, %dma_start3A_492] : memref<80x125xi32, #tpu.memory_space<vmem>> -> memref<1x125xi32, #tpu.memory_space<vmem>>
        %dma_start3A_494 = tpu.memref_squeeze %dma_start3A_493 : memref<1x125xi32, #tpu.memory_space<vmem>> -> memref<125xi32, #tpu.memory_space<vmem>>
        %dma_start3A_495 = arith.constant 0 : i32
        %dma_start3A_496 = arith.constant 0 : i32
        %dma_start3A_497 = tpu.memref_slice %arg2[%dma_start3A_495, %dma_start3A_496] : memref<10240x64xbf16, #tpu.memory_space<hbm>> -> memref<10240x64xbf16, #tpu.memory_space<hbm>>
        tpu.enqueue_indirect_dma source(%dma_start3A_497 : memref<10240x64xbf16, #tpu.memory_space<hbm>>) target(%dma_start3A_491 : memref<125x64xbf16, #tpu.memory_space<vmem>>) offsets(%dma_start3A_494 : memref<125xi32, #tpu.memory_space<vmem>>) semaphore(%arg15 : memref<!tpu.dma_semaphore, #tpu.memory_space<semaphore_mem>>)
      } else {
      }
      %dma_wait3A_230 = arith.constant 0 : i32
      %dma_wait3A_231 = arith.constant 0 : i32
      %dma_wait3A_232 = arith.constant 0 : i32
      %dma_wait3A_233 = tpu.memref_slice %arg8[%dma_wait3A_230, %dma_wait3A_231, %dma_wait3A_232] : memref<8x125x64xbf16, #tpu.memory_space<vmem>> -> memref<1x125x64xbf16, #tpu.memory_space<vmem>>
      %dma_wait3A_234 = tpu.memref_squeeze %dma_wait3A_233 : memref<1x125x64xbf16, #tpu.memory_space<vmem>> -> memref<125x64xbf16, #tpu.memory_space<vmem>>
      %dma_wait3A_235 = arith.constant 0 : i32
      %dma_wait3A_236 = tpu.memref_slice %arg6[%add3A_225, %dma_wait3A_235] : memref<80x125xi32, #tpu.memory_space<vmem>> -> memref<1x125xi32, #tpu.memory_space<vmem>>
      %dma_wait3A_237 = tpu.memref_squeeze %dma_wait3A_236 : memref<1x125xi32, #tpu.memory_space<vmem>> -> memref<125xi32, #tpu.memory_space<vmem>>
      %dma_wait3A_238 = arith.constant 0 : i32
      %dma_wait3A_239 = arith.constant 0 : i32
      %dma_wait3A_240 = tpu.memref_slice %arg2[%dma_wait3A_238, %dma_wait3A_239] : memref<10240x64xbf16, #tpu.memory_space<hbm>> -> memref<10240x64xbf16, #tpu.memory_space<hbm>>
      tpu.wait_indirect_dma semaphore(%arg11 : memref<!tpu.dma_semaphore, #tpu.memory_space<semaphore_mem>>) src(%dma_wait3A_240 : memref<10240x64xbf16, #tpu.memory_space<hbm>>) dst(%dma_wait3A_234 : memref<125x64xbf16, #tpu.memory_space<vmem>>)
      %dma_start3A_241 = arith.constant 0 : i32
      %dma_start3A_242 = arith.constant 0 : i32
      %dma_start3A_243 = arith.constant 0 : i32
      %dma_start3A_244 = tpu.memref_slice %arg8[%dma_start3A_241, %dma_start3A_242, %dma_start3A_243] : memref<8x125x64xbf16, #tpu.memory_space<vmem>> -> memref<1x125x64xbf16, #tpu.memory_space<vmem>>
      %dma_start3A_245 = tpu.memref_squeeze %dma_start3A_244 : memref<1x125x64xbf16, #tpu.memory_space<vmem>> -> memref<125x64xbf16, #tpu.memory_space<vmem>>
      %dma_start3A_246 = arith.constant 0 : i32
      %dma_start3A_247 = tpu.memref_slice %arg7[%add3A_225, %dma_start3A_246] : memref<80x125xi32, #tpu.memory_space<vmem>> -> memref<1x125xi32, #tpu.memory_space<vmem>>
      %dma_start3A_248 = tpu.memref_squeeze %dma_start3A_247 : memref<1x125xi32, #tpu.memory_space<vmem>> -> memref<125xi32, #tpu.memory_space<vmem>>
      %dma_start3A_249 = arith.constant 0 : i32
      %dma_start3A_250 = arith.constant 0 : i32
      %dma_start3A_251 = tpu.memref_slice %arg9[%dma_start3A_249, %dma_start3A_250] : memref<10240x64xbf16, #tpu.memory_space<vmem_shared>> -> memref<10240x64xbf16, #tpu.memory_space<vmem_shared>>
      tpu.enqueue_indirect_dma source(%dma_start3A_245 : memref<125x64xbf16, #tpu.memory_space<vmem>>) target(%dma_start3A_251 : memref<10240x64xbf16, #tpu.memory_space<vmem_shared>>) offsets(%dma_start3A_248 : memref<125xi32, #tpu.memory_space<vmem>>) semaphore(%arg19 : memref<!tpu.dma_semaphore, #tpu.memory_space<semaphore_mem>>) {add = true}
      %mul3A_252 = arith.constant 8 : i32
      %mul3A_253 = arith.muli %mul3A_252, %scan3A_221 : i32
      %add3A_254 = arith.constant 1 : i32
      %add3A_255 = arith.addi %mul3A_253, %add3A_254 : i32
      %add3A_256 = arith.constant 4 : i32
      %add3A_257 = arith.addi %add3A_255, %add3A_256 : i32
      %lt3A_258 = arith.constant 80 : i32
      %lt3A_259 = arith.cmpi slt, %add3A_257, %lt3A_258 : i32
      %convert_element_type3A_260 = arith.extui %lt3A_259 : i1 to i32
      %cond3A_261 = arith.constant 0 : i32
      %cond3A_262 = arith.cmpi ne, %convert_element_type3A_260, %cond3A_261 : i32
      scf.if %cond3A_262 {
        %ge3A = arith.constant 8 : i32
        %ge3A_483 = arith.cmpi sge, %add3A_257, %ge3A : i32
        %convert_element_type3A_484 = arith.extui %ge3A_483 : i1 to i32
        %cond3A_485 = arith.constant 0 : i32
        %cond3A_486 = arith.cmpi ne, %convert_element_type3A_484, %cond3A_485 : i32
        scf.if %cond3A_486 {
          %sub3A = arith.constant 8 : i32
          %sub3A_498 = arith.subi %add3A_257, %sub3A : i32
          %dma_wait3A_499 = arith.constant 5 : i32
          %dma_wait3A_500 = arith.constant 0 : i32
          %dma_wait3A_501 = arith.constant 0 : i32
          %dma_wait3A_502 = tpu.memref_slice %arg8[%dma_wait3A_499, %dma_wait3A_500, %dma_wait3A_501] : memref<8x125x64xbf16, #tpu.memory_space<vmem>> -> memref<1x125x64xbf16, #tpu.memory_space<vmem>>
          %dma_wait3A_503 = tpu.memref_squeeze %dma_wait3A_502 : memref<1x125x64xbf16, #tpu.memory_space<vmem>> -> memref<125x64xbf16, #tpu.memory_space<vmem>>
          %dma_wait3A_504 = arith.constant 0 : i32
          %dma_wait3A_505 = tpu.memref_slice %arg7[%sub3A_498, %dma_wait3A_504] : memref<80x125xi32, #tpu.memory_space<vmem>> -> memref<1x125xi32, #tpu.memory_space<vmem>>
          %dma_wait3A_506 = tpu.memref_squeeze %dma_wait3A_505 : memref<1x125xi32, #tpu.memory_space<vmem>> -> memref<125xi32, #tpu.memory_space<vmem>>
          %dma_wait3A_507 = arith.constant 0 : i32
          %dma_wait3A_508 = arith.constant 0 : i32
          %dma_wait3A_509 = tpu.memref_slice %arg9[%dma_wait3A_507, %dma_wait3A_508] : memref<10240x64xbf16, #tpu.memory_space<vmem_shared>> -> memref<10240x64xbf16, #tpu.memory_space<vmem_shared>>
          tpu.wait_indirect_dma semaphore(%arg24 : memref<!tpu.dma_semaphore, #tpu.memory_space<semaphore_mem>>) src(%dma_wait3A_503 : memref<125x64xbf16, #tpu.memory_space<vmem>>) dst(%dma_wait3A_509 : memref<10240x64xbf16, #tpu.memory_space<vmem_shared>>)
        } else {
        }
        %dma_start3A_487 = arith.constant 5 : i32
        %dma_start3A_488 = arith.constant 0 : i32
        %dma_start3A_489 = arith.constant 0 : i32
        %dma_start3A_490 = tpu.memref_slice %arg8[%dma_start3A_487, %dma_start3A_488, %dma_start3A_489] : memref<8x125x64xbf16, #tpu.memory_space<vmem>> -> memref<1x125x64xbf16, #tpu.memory_space<vmem>>
        %dma_start3A_491 = tpu.memref_squeeze %dma_start3A_490 : memref<1x125x64xbf16, #tpu.memory_space<vmem>> -> memref<125x64xbf16, #tpu.memory_space<vmem>>
        %dma_start3A_492 = arith.constant 0 : i32
        %dma_start3A_493 = tpu.memref_slice %arg6[%add3A_257, %dma_start3A_492] : memref<80x125xi32, #tpu.memory_space<vmem>> -> memref<1x125xi32, #tpu.memory_space<vmem>>
        %dma_start3A_494 = tpu.memref_squeeze %dma_start3A_493 : memref<1x125xi32, #tpu.memory_space<vmem>> -> memref<125xi32, #tpu.memory_space<vmem>>
        %dma_start3A_495 = arith.constant 0 : i32
        %dma_start3A_496 = arith.constant 0 : i32
        %dma_start3A_497 = tpu.memref_slice %arg2[%dma_start3A_495, %dma_start3A_496] : memref<10240x64xbf16, #tpu.memory_space<hbm>> -> memref<10240x64xbf16, #tpu.memory_space<hbm>>
        tpu.enqueue_indirect_dma source(%dma_start3A_497 : memref<10240x64xbf16, #tpu.memory_space<hbm>>) target(%dma_start3A_491 : memref<125x64xbf16, #tpu.memory_space<vmem>>) offsets(%dma_start3A_494 : memref<125xi32, #tpu.memory_space<vmem>>) semaphore(%arg16 : memref<!tpu.dma_semaphore, #tpu.memory_space<semaphore_mem>>)
      } else {
      }
      %dma_wait3A_263 = arith.constant 1 : i32
      %dma_wait3A_264 = arith.constant 0 : i32
      %dma_wait3A_265 = arith.constant 0 : i32
      %dma_wait3A_266 = tpu.memref_slice %arg8[%dma_wait3A_263, %dma_wait3A_264, %dma_wait3A_265] : memref<8x125x64xbf16, #tpu.memory_space<vmem>> -> memref<1x125x64xbf16, #tpu.memory_space<vmem>>
      %dma_wait3A_267 = tpu.memref_squeeze %dma_wait3A_266 : memref<1x125x64xbf16, #tpu.memory_space<vmem>> -> memref<125x64xbf16, #tpu.memory_space<vmem>>
      %dma_wait3A_268 = arith.constant 0 : i32
      %dma_wait3A_269 = tpu.memref_slice %arg6[%add3A_255, %dma_wait3A_268] : memref<80x125xi32, #tpu.memory_space<vmem>> -> memref<1x125xi32, #tpu.memory_space<vmem>>
      %dma_wait3A_270 = tpu.memref_squeeze %dma_wait3A_269 : memref<1x125xi32, #tpu.memory_space<vmem>> -> memref<125xi32, #tpu.memory_space<vmem>>
      %dma_wait3A_271 = arith.constant 0 : i32
      %dma_wait3A_272 = arith.constant 0 : i32
      %dma_wait3A_273 = tpu.memref_slice %arg2[%dma_wait3A_271, %dma_wait3A_272] : memref<10240x64xbf16, #tpu.memory_space<hbm>> -> memref<10240x64xbf16, #tpu.memory_space<hbm>>
      tpu.wait_indirect_dma semaphore(%arg12 : memref<!tpu.dma_semaphore, #tpu.memory_space<semaphore_mem>>) src(%dma_wait3A_273 : memref<10240x64xbf16, #tpu.memory_space<hbm>>) dst(%dma_wait3A_267 : memref<125x64xbf16, #tpu.memory_space<vmem>>)
      %dma_start3A_274 = arith.constant 1 : i32
      %dma_start3A_275 = arith.constant 0 : i32
      %dma_start3A_276 = arith.constant 0 : i32
      %dma_start3A_277 = tpu.memref_slice %arg8[%dma_start3A_274, %dma_start3A_275, %dma_start3A_276] : memref<8x125x64xbf16, #tpu.memory_space<vmem>> -> memref<1x125x64xbf16, #tpu.memory_space<vmem>>
      %dma_start3A_278 = tpu.memref_squeeze %dma_start3A_277 : memref<1x125x64xbf16, #tpu.memory_space<vmem>> -> memref<125x64xbf16, #tpu.memory_space<vmem>>
      %dma_start3A_279 = arith.constant 0 : i32
      %dma_start3A_280 = tpu.memref_slice %arg7[%add3A_255, %dma_start3A_279] : memref<80x125xi32, #tpu.memory_space<vmem>> -> memref<1x125xi32, #tpu.memory_space<vmem>>
      %dma_start3A_281 = tpu.memref_squeeze %dma_start3A_280 : memref<1x125xi32, #tpu.memory_space<vmem>> -> memref<125xi32, #tpu.memory_space<vmem>>
      %dma_start3A_282 = arith.constant 0 : i32
      %dma_start3A_283 = arith.constant 0 : i32
      %dma_start3A_284 = tpu.memref_slice %arg9[%dma_start3A_282, %dma_start3A_283] : memref<10240x64xbf16, #tpu.memory_space<vmem_shared>> -> memref<10240x64xbf16, #tpu.memory_space<vmem_shared>>
      tpu.enqueue_indirect_dma source(%dma_start3A_278 : memref<125x64xbf16, #tpu.memory_space<vmem>>) target(%dma_start3A_284 : memref<10240x64xbf16, #tpu.memory_space<vmem_shared>>) offsets(%dma_start3A_281 : memref<125xi32, #tpu.memory_space<vmem>>) semaphore(%arg20 : memref<!tpu.dma_semaphore, #tpu.memory_space<semaphore_mem>>) {add = true}
      %mul3A_285 = arith.constant 8 : i32
      %mul3A_286 = arith.muli %mul3A_285, %scan3A_221 : i32
      %add3A_287 = arith.constant 2 : i32
      %add3A_288 = arith.addi %mul3A_286, %add3A_287 : i32
      %add3A_289 = arith.constant 4 : i32
      %add3A_290 = arith.addi %add3A_288, %add3A_289 : i32
      %lt3A_291 = arith.constant 80 : i32
      %lt3A_292 = arith.cmpi slt, %add3A_290, %lt3A_291 : i32
      %convert_element_type3A_293 = arith.extui %lt3A_292 : i1 to i32
      %cond3A_294 = arith.constant 0 : i32
      %cond3A_295 = arith.cmpi ne, %convert_element_type3A_293, %cond3A_294 : i32
      scf.if %cond3A_295 {
        %ge3A = arith.constant 8 : i32
        %ge3A_483 = arith.cmpi sge, %add3A_290, %ge3A : i32
        %convert_element_type3A_484 = arith.extui %ge3A_483 : i1 to i32
        %cond3A_485 = arith.constant 0 : i32
        %cond3A_486 = arith.cmpi ne, %convert_element_type3A_484, %cond3A_485 : i32
        scf.if %cond3A_486 {
          %sub3A = arith.constant 8 : i32
          %sub3A_498 = arith.subi %add3A_290, %sub3A : i32
          %dma_wait3A_499 = arith.constant 6 : i32
          %dma_wait3A_500 = arith.constant 0 : i32
          %dma_wait3A_501 = arith.constant 0 : i32
          %dma_wait3A_502 = tpu.memref_slice %arg8[%dma_wait3A_499, %dma_wait3A_500, %dma_wait3A_501] : memref<8x125x64xbf16, #tpu.memory_space<vmem>> -> memref<1x125x64xbf16, #tpu.memory_space<vmem>>
          %dma_wait3A_503 = tpu.memref_squeeze %dma_wait3A_502 : memref<1x125x64xbf16, #tpu.memory_space<vmem>> -> memref<125x64xbf16, #tpu.memory_space<vmem>>
          %dma_wait3A_504 = arith.constant 0 : i32
          %dma_wait3A_505 = tpu.memref_slice %arg7[%sub3A_498, %dma_wait3A_504] : memref<80x125xi32, #tpu.memory_space<vmem>> -> memref<1x125xi32, #tpu.memory_space<vmem>>
          %dma_wait3A_506 = tpu.memref_squeeze %dma_wait3A_505 : memref<1x125xi32, #tpu.memory_space<vmem>> -> memref<125xi32, #tpu.memory_space<vmem>>
          %dma_wait3A_507 = arith.constant 0 : i32
          %dma_wait3A_508 = arith.constant 0 : i32
          %dma_wait3A_509 = tpu.memref_slice %arg9[%dma_wait3A_507, %dma_wait3A_508] : memref<10240x64xbf16, #tpu.memory_space<vmem_shared>> -> memref<10240x64xbf16, #tpu.memory_space<vmem_shared>>
          tpu.wait_indirect_dma semaphore(%arg25 : memref<!tpu.dma_semaphore, #tpu.memory_space<semaphore_mem>>) src(%dma_wait3A_503 : memref<125x64xbf16, #tpu.memory_space<vmem>>) dst(%dma_wait3A_509 : memref<10240x64xbf16, #tpu.memory_space<vmem_shared>>)
        } else {
        }
        %dma_start3A_487 = arith.constant 6 : i32
        %dma_start3A_488 = arith.constant 0 : i32
        %dma_start3A_489 = arith.constant 0 : i32
        %dma_start3A_490 = tpu.memref_slice %arg8[%dma_start3A_487, %dma_start3A_488, %dma_start3A_489] : memref<8x125x64xbf16, #tpu.memory_space<vmem>> -> memref<1x125x64xbf16, #tpu.memory_space<vmem>>
        %dma_start3A_491 = tpu.memref_squeeze %dma_start3A_490 : memref<1x125x64xbf16, #tpu.memory_space<vmem>> -> memref<125x64xbf16, #tpu.memory_space<vmem>>
        %dma_start3A_492 = arith.constant 0 : i32
        %dma_start3A_493 = tpu.memref_slice %arg6[%add3A_290, %dma_start3A_492] : memref<80x125xi32, #tpu.memory_space<vmem>> -> memref<1x125xi32, #tpu.memory_space<vmem>>
        %dma_start3A_494 = tpu.memref_squeeze %dma_start3A_493 : memref<1x125xi32, #tpu.memory_space<vmem>> -> memref<125xi32, #tpu.memory_space<vmem>>
        %dma_start3A_495 = arith.constant 0 : i32
        %dma_start3A_496 = arith.constant 0 : i32
        %dma_start3A_497 = tpu.memref_slice %arg2[%dma_start3A_495, %dma_start3A_496] : memref<10240x64xbf16, #tpu.memory_space<hbm>> -> memref<10240x64xbf16, #tpu.memory_space<hbm>>
        tpu.enqueue_indirect_dma source(%dma_start3A_497 : memref<10240x64xbf16, #tpu.memory_space<hbm>>) target(%dma_start3A_491 : memref<125x64xbf16, #tpu.memory_space<vmem>>) offsets(%dma_start3A_494 : memref<125xi32, #tpu.memory_space<vmem>>) semaphore(%arg17 : memref<!tpu.dma_semaphore, #tpu.memory_space<semaphore_mem>>)
      } else {
      }
      %dma_wait3A_296 = arith.constant 2 : i32
      %dma_wait3A_297 = arith.constant 0 : i32
      %dma_wait3A_298 = arith.constant 0 : i32
      %dma_wait3A_299 = tpu.memref_slice %arg8[%dma_wait3A_296, %dma_wait3A_297, %dma_wait3A_298] : memref<8x125x64xbf16, #tpu.memory_space<vmem>> -> memref<1x125x64xbf16, #tpu.memory_space<vmem>>
      %dma_wait3A_300 = tpu.memref_squeeze %dma_wait3A_299 : memref<1x125x64xbf16, #tpu.memory_space<vmem>> -> memref<125x64xbf16, #tpu.memory_space<vmem>>
      %dma_wait3A_301 = arith.constant 0 : i32
      %dma_wait3A_302 = tpu.memref_slice %arg6[%add3A_288, %dma_wait3A_301] : memref<80x125xi32, #tpu.memory_space<vmem>> -> memref<1x125xi32, #tpu.memory_space<vmem>>
      %dma_wait3A_303 = tpu.memref_squeeze %dma_wait3A_302 : memref<1x125xi32, #tpu.memory_space<vmem>> -> memref<125xi32, #tpu.memory_space<vmem>>
      %dma_wait3A_304 = arith.constant 0 : i32
      %dma_wait3A_305 = arith.constant 0 : i32
      %dma_wait3A_306 = tpu.memref_slice %arg2[%dma_wait3A_304, %dma_wait3A_305] : memref<10240x64xbf16, #tpu.memory_space<hbm>> -> memref<10240x64xbf16, #tpu.memory_space<hbm>>
      tpu.wait_indirect_dma semaphore(%arg13 : memref<!tpu.dma_semaphore, #tpu.memory_space<semaphore_mem>>) src(%dma_wait3A_306 : memref<10240x64xbf16, #tpu.memory_space<hbm>>) dst(%dma_wait3A_300 : memref<125x64xbf16, #tpu.memory_space<vmem>>)
      %dma_start3A_307 = arith.constant 2 : i32
      %dma_start3A_308 = arith.constant 0 : i32
      %dma_start3A_309 = arith.constant 0 : i32
      %dma_start3A_310 = tpu.memref_slice %arg8[%dma_start3A_307, %dma_start3A_308, %dma_start3A_309] : memref<8x125x64xbf16, #tpu.memory_space<vmem>> -> memref<1x125x64xbf16, #tpu.memory_space<vmem>>
      %dma_start3A_311 = tpu.memref_squeeze %dma_start3A_310 : memref<1x125x64xbf16, #tpu.memory_space<vmem>> -> memref<125x64xbf16, #tpu.memory_space<vmem>>
      %dma_start3A_312 = arith.constant 0 : i32
      %dma_start3A_313 = tpu.memref_slice %arg7[%add3A_288, %dma_start3A_312] : memref<80x125xi32, #tpu.memory_space<vmem>> -> memref<1x125xi32, #tpu.memory_space<vmem>>
      %dma_start3A_314 = tpu.memref_squeeze %dma_start3A_313 : memref<1x125xi32, #tpu.memory_space<vmem>> -> memref<125xi32, #tpu.memory_space<vmem>>
      %dma_start3A_315 = arith.constant 0 : i32
      %dma_start3A_316 = arith.constant 0 : i32
      %dma_start3A_317 = tpu.memref_slice %arg9[%dma_start3A_315, %dma_start3A_316] : memref<10240x64xbf16, #tpu.memory_space<vmem_shared>> -> memref<10240x64xbf16, #tpu.memory_space<vmem_shared>>
      tpu.enqueue_indirect_dma source(%dma_start3A_311 : memref<125x64xbf16, #tpu.memory_space<vmem>>) target(%dma_start3A_317 : memref<10240x64xbf16, #tpu.memory_space<vmem_shared>>) offsets(%dma_start3A_314 : memref<125xi32, #tpu.memory_space<vmem>>) semaphore(%arg21 : memref<!tpu.dma_semaphore, #tpu.memory_space<semaphore_mem>>) {add = true}
      %mul3A_318 = arith.constant 8 : i32
      %mul3A_319 = arith.muli %mul3A_318, %scan3A_221 : i32
      %add3A_320 = arith.constant 3 : i32
      %add3A_321 = arith.addi %mul3A_319, %add3A_320 : i32
      %add3A_322 = arith.constant 4 : i32
      %add3A_323 = arith.addi %add3A_321, %add3A_322 : i32
      %lt3A_324 = arith.constant 80 : i32
      %lt3A_325 = arith.cmpi slt, %add3A_323, %lt3A_324 : i32
      %convert_element_type3A_326 = arith.extui %lt3A_325 : i1 to i32
      %cond3A_327 = arith.constant 0 : i32
      %cond3A_328 = arith.cmpi ne, %convert_element_type3A_326, %cond3A_327 : i32
      scf.if %cond3A_328 {
        %ge3A = arith.constant 8 : i32
        %ge3A_483 = arith.cmpi sge, %add3A_323, %ge3A : i32
        %convert_element_type3A_484 = arith.extui %ge3A_483 : i1 to i32
        %cond3A_485 = arith.constant 0 : i32
        %cond3A_486 = arith.cmpi ne, %convert_element_type3A_484, %cond3A_485 : i32
        scf.if %cond3A_486 {
          %sub3A = arith.constant 8 : i32
          %sub3A_498 = arith.subi %add3A_323, %sub3A : i32
          %dma_wait3A_499 = arith.constant 7 : i32
          %dma_wait3A_500 = arith.constant 0 : i32
          %dma_wait3A_501 = arith.constant 0 : i32
          %dma_wait3A_502 = tpu.memref_slice %arg8[%dma_wait3A_499, %dma_wait3A_500, %dma_wait3A_501] : memref<8x125x64xbf16, #tpu.memory_space<vmem>> -> memref<1x125x64xbf16, #tpu.memory_space<vmem>>
          %dma_wait3A_503 = tpu.memref_squeeze %dma_wait3A_502 : memref<1x125x64xbf16, #tpu.memory_space<vmem>> -> memref<125x64xbf16, #tpu.memory_space<vmem>>
          %dma_wait3A_504 = arith.constant 0 : i32
          %dma_wait3A_505 = tpu.memref_slice %arg7[%sub3A_498, %dma_wait3A_504] : memref<80x125xi32, #tpu.memory_space<vmem>> -> memref<1x125xi32, #tpu.memory_space<vmem>>
          %dma_wait3A_506 = tpu.memref_squeeze %dma_wait3A_505 : memref<1x125xi32, #tpu.memory_space<vmem>> -> memref<125xi32, #tpu.memory_space<vmem>>
          %dma_wait3A_507 = arith.constant 0 : i32
          %dma_wait3A_508 = arith.constant 0 : i32
          %dma_wait3A_509 = tpu.memref_slice %arg9[%dma_wait3A_507, %dma_wait3A_508] : memref<10240x64xbf16, #tpu.memory_space<vmem_shared>> -> memref<10240x64xbf16, #tpu.memory_space<vmem_shared>>
          tpu.wait_indirect_dma semaphore(%arg26 : memref<!tpu.dma_semaphore, #tpu.memory_space<semaphore_mem>>) src(%dma_wait3A_503 : memref<125x64xbf16, #tpu.memory_space<vmem>>) dst(%dma_wait3A_509 : memref<10240x64xbf16, #tpu.memory_space<vmem_shared>>)
        } else {
        }
        %dma_start3A_487 = arith.constant 7 : i32
        %dma_start3A_488 = arith.constant 0 : i32
        %dma_start3A_489 = arith.constant 0 : i32
        %dma_start3A_490 = tpu.memref_slice %arg8[%dma_start3A_487, %dma_start3A_488, %dma_start3A_489] : memref<8x125x64xbf16, #tpu.memory_space<vmem>> -> memref<1x125x64xbf16, #tpu.memory_space<vmem>>
        %dma_start3A_491 = tpu.memref_squeeze %dma_start3A_490 : memref<1x125x64xbf16, #tpu.memory_space<vmem>> -> memref<125x64xbf16, #tpu.memory_space<vmem>>
        %dma_start3A_492 = arith.constant 0 : i32
        %dma_start3A_493 = tpu.memref_slice %arg6[%add3A_323, %dma_start3A_492] : memref<80x125xi32, #tpu.memory_space<vmem>> -> memref<1x125xi32, #tpu.memory_space<vmem>>
        %dma_start3A_494 = tpu.memref_squeeze %dma_start3A_493 : memref<1x125xi32, #tpu.memory_space<vmem>> -> memref<125xi32, #tpu.memory_space<vmem>>
        %dma_start3A_495 = arith.constant 0 : i32
        %dma_start3A_496 = arith.constant 0 : i32
        %dma_start3A_497 = tpu.memref_slice %arg2[%dma_start3A_495, %dma_start3A_496] : memref<10240x64xbf16, #tpu.memory_space<hbm>> -> memref<10240x64xbf16, #tpu.memory_space<hbm>>
        tpu.enqueue_indirect_dma source(%dma_start3A_497 : memref<10240x64xbf16, #tpu.memory_space<hbm>>) target(%dma_start3A_491 : memref<125x64xbf16, #tpu.memory_space<vmem>>) offsets(%dma_start3A_494 : memref<125xi32, #tpu.memory_space<vmem>>) semaphore(%arg18 : memref<!tpu.dma_semaphore, #tpu.memory_space<semaphore_mem>>)
      } else {
      }
      %dma_wait3A_329 = arith.constant 3 : i32
      %dma_wait3A_330 = arith.constant 0 : i32
      %dma_wait3A_331 = arith.constant 0 : i32
      %dma_wait3A_332 = tpu.memref_slice %arg8[%dma_wait3A_329, %dma_wait3A_330, %dma_wait3A_331] : memref<8x125x64xbf16, #tpu.memory_space<vmem>> -> memref<1x125x64xbf16, #tpu.memory_space<vmem>>
      %dma_wait3A_333 = tpu.memref_squeeze %dma_wait3A_332 : memref<1x125x64xbf16, #tpu.memory_space<vmem>> -> memref<125x64xbf16, #tpu.memory_space<vmem>>
      %dma_wait3A_334 = arith.constant 0 : i32
      %dma_wait3A_335 = tpu.memref_slice %arg6[%add3A_321, %dma_wait3A_334] : memref<80x125xi32, #tpu.memory_space<vmem>> -> memref<1x125xi32, #tpu.memory_space<vmem>>
      %dma_wait3A_336 = tpu.memref_squeeze %dma_wait3A_335 : memref<1x125xi32, #tpu.memory_space<vmem>> -> memref<125xi32, #tpu.memory_space<vmem>>
      %dma_wait3A_337 = arith.constant 0 : i32
      %dma_wait3A_338 = arith.constant 0 : i32
      %dma_wait3A_339 = tpu.memref_slice %arg2[%dma_wait3A_337, %dma_wait3A_338] : memref<10240x64xbf16, #tpu.memory_space<hbm>> -> memref<10240x64xbf16, #tpu.memory_space<hbm>>
      tpu.wait_indirect_dma semaphore(%arg14 : memref<!tpu.dma_semaphore, #tpu.memory_space<semaphore_mem>>) src(%dma_wait3A_339 : memref<10240x64xbf16, #tpu.memory_space<hbm>>) dst(%dma_wait3A_333 : memref<125x64xbf16, #tpu.memory_space<vmem>>)
      %dma_start3A_340 = arith.constant 3 : i32
      %dma_start3A_341 = arith.constant 0 : i32
      %dma_start3A_342 = arith.constant 0 : i32
      %dma_start3A_343 = tpu.memref_slice %arg8[%dma_start3A_340, %dma_start3A_341, %dma_start3A_342] : memref<8x125x64xbf16, #tpu.memory_space<vmem>> -> memref<1x125x64xbf16, #tpu.memory_space<vmem>>
      %dma_start3A_344 = tpu.memref_squeeze %dma_start3A_343 : memref<1x125x64xbf16, #tpu.memory_space<vmem>> -> memref<125x64xbf16, #tpu.memory_space<vmem>>
      %dma_start3A_345 = arith.constant 0 : i32
      %dma_start3A_346 = tpu.memref_slice %arg7[%add3A_321, %dma_start3A_345] : memref<80x125xi32, #tpu.memory_space<vmem>> -> memref<1x125xi32, #tpu.memory_space<vmem>>
      %dma_start3A_347 = tpu.memref_squeeze %dma_start3A_346 : memref<1x125xi32, #tpu.memory_space<vmem>> -> memref<125xi32, #tpu.memory_space<vmem>>
      %dma_start3A_348 = arith.constant 0 : i32
      %dma_start3A_349 = arith.constant 0 : i32
      %dma_start3A_350 = tpu.memref_slice %arg9[%dma_start3A_348, %dma_start3A_349] : memref<10240x64xbf16, #tpu.memory_space<vmem_shared>> -> memref<10240x64xbf16, #tpu.memory_space<vmem_shared>>
      tpu.enqueue_indirect_dma source(%dma_start3A_344 : memref<125x64xbf16, #tpu.memory_space<vmem>>) target(%dma_start3A_350 : memref<10240x64xbf16, #tpu.memory_space<vmem_shared>>) offsets(%dma_start3A_347 : memref<125xi32, #tpu.memory_space<vmem>>) semaphore(%arg22 : memref<!tpu.dma_semaphore, #tpu.memory_space<semaphore_mem>>) {add = true}
      %mul3A_351 = arith.constant 8 : i32
      %mul3A_352 = arith.muli %mul3A_351, %scan3A_221 : i32
      %add3A_353 = arith.constant 4 : i32
      %add3A_354 = arith.addi %mul3A_352, %add3A_353 : i32
      %add3A_355 = arith.constant 4 : i32
      %add3A_356 = arith.addi %add3A_354, %add3A_355 : i32
      %lt3A_357 = arith.constant 80 : i32
      %lt3A_358 = arith.cmpi slt, %add3A_356, %lt3A_357 : i32
      %convert_element_type3A_359 = arith.extui %lt3A_358 : i1 to i32
      %cond3A_360 = arith.constant 0 : i32
      %cond3A_361 = arith.cmpi ne, %convert_element_type3A_359, %cond3A_360 : i32
      scf.if %cond3A_361 {
        %ge3A = arith.constant 8 : i32
        %ge3A_483 = arith.cmpi sge, %add3A_356, %ge3A : i32
        %convert_element_type3A_484 = arith.extui %ge3A_483 : i1 to i32
        %cond3A_485 = arith.constant 0 : i32
        %cond3A_486 = arith.cmpi ne, %convert_element_type3A_484, %cond3A_485 : i32
        scf.if %cond3A_486 {
          %sub3A = arith.constant 8 : i32
          %sub3A_498 = arith.subi %add3A_356, %sub3A : i32
          %dma_wait3A_499 = arith.constant 0 : i32
          %dma_wait3A_500 = arith.constant 0 : i32
          %dma_wait3A_501 = arith.constant 0 : i32
          %dma_wait3A_502 = tpu.memref_slice %arg8[%dma_wait3A_499, %dma_wait3A_500, %dma_wait3A_501] : memref<8x125x64xbf16, #tpu.memory_space<vmem>> -> memref<1x125x64xbf16, #tpu.memory_space<vmem>>
          %dma_wait3A_503 = tpu.memref_squeeze %dma_wait3A_502 : memref<1x125x64xbf16, #tpu.memory_space<vmem>> -> memref<125x64xbf16, #tpu.memory_space<vmem>>
          %dma_wait3A_504 = arith.constant 0 : i32
          %dma_wait3A_505 = tpu.memref_slice %arg7[%sub3A_498, %dma_wait3A_504] : memref<80x125xi32, #tpu.memory_space<vmem>> -> memref<1x125xi32, #tpu.memory_space<vmem>>
          %dma_wait3A_506 = tpu.memref_squeeze %dma_wait3A_505 : memref<1x125xi32, #tpu.memory_space<vmem>> -> memref<125xi32, #tpu.memory_space<vmem>>
          %dma_wait3A_507 = arith.constant 0 : i32
          %dma_wait3A_508 = arith.constant 0 : i32
          %dma_wait3A_509 = tpu.memref_slice %arg9[%dma_wait3A_507, %dma_wait3A_508] : memref<10240x64xbf16, #tpu.memory_space<vmem_shared>> -> memref<10240x64xbf16, #tpu.memory_space<vmem_shared>>
          tpu.wait_indirect_dma semaphore(%arg19 : memref<!tpu.dma_semaphore, #tpu.memory_space<semaphore_mem>>) src(%dma_wait3A_503 : memref<125x64xbf16, #tpu.memory_space<vmem>>) dst(%dma_wait3A_509 : memref<10240x64xbf16, #tpu.memory_space<vmem_shared>>)
        } else {
        }
        %dma_start3A_487 = arith.constant 0 : i32
        %dma_start3A_488 = arith.constant 0 : i32
        %dma_start3A_489 = arith.constant 0 : i32
        %dma_start3A_490 = tpu.memref_slice %arg8[%dma_start3A_487, %dma_start3A_488, %dma_start3A_489] : memref<8x125x64xbf16, #tpu.memory_space<vmem>> -> memref<1x125x64xbf16, #tpu.memory_space<vmem>>
        %dma_start3A_491 = tpu.memref_squeeze %dma_start3A_490 : memref<1x125x64xbf16, #tpu.memory_space<vmem>> -> memref<125x64xbf16, #tpu.memory_space<vmem>>
        %dma_start3A_492 = arith.constant 0 : i32
        %dma_start3A_493 = tpu.memref_slice %arg6[%add3A_356, %dma_start3A_492] : memref<80x125xi32, #tpu.memory_space<vmem>> -> memref<1x125xi32, #tpu.memory_space<vmem>>
        %dma_start3A_494 = tpu.memref_squeeze %dma_start3A_493 : memref<1x125xi32, #tpu.memory_space<vmem>> -> memref<125xi32, #tpu.memory_space<vmem>>
        %dma_start3A_495 = arith.constant 0 : i32
        %dma_start3A_496 = arith.constant 0 : i32
        %dma_start3A_497 = tpu.memref_slice %arg2[%dma_start3A_495, %dma_start3A_496] : memref<10240x64xbf16, #tpu.memory_space<hbm>> -> memref<10240x64xbf16, #tpu.memory_space<hbm>>
        tpu.enqueue_indirect_dma source(%dma_start3A_497 : memref<10240x64xbf16, #tpu.memory_space<hbm>>) target(%dma_start3A_491 : memref<125x64xbf16, #tpu.memory_space<vmem>>) offsets(%dma_start3A_494 : memref<125xi32, #tpu.memory_space<vmem>>) semaphore(%arg11 : memref<!tpu.dma_semaphore, #tpu.memory_space<semaphore_mem>>)
      } else {
      }
      %dma_wait3A_362 = arith.constant 4 : i32
      %dma_wait3A_363 = arith.constant 0 : i32
      %dma_wait3A_364 = arith.constant 0 : i32
      %dma_wait3A_365 = tpu.memref_slice %arg8[%dma_wait3A_362, %dma_wait3A_363, %dma_wait3A_364] : memref<8x125x64xbf16, #tpu.memory_space<vmem>> -> memref<1x125x64xbf16, #tpu.memory_space<vmem>>
      %dma_wait3A_366 = tpu.memref_squeeze %dma_wait3A_365 : memref<1x125x64xbf16, #tpu.memory_space<vmem>> -> memref<125x64xbf16, #tpu.memory_space<vmem>>
      %dma_wait3A_367 = arith.constant 0 : i32
      %dma_wait3A_368 = tpu.memref_slice %arg6[%add3A_354, %dma_wait3A_367] : memref<80x125xi32, #tpu.memory_space<vmem>> -> memref<1x125xi32, #tpu.memory_space<vmem>>
      %dma_wait3A_369 = tpu.memref_squeeze %dma_wait3A_368 : memref<1x125xi32, #tpu.memory_space<vmem>> -> memref<125xi32, #tpu.memory_space<vmem>>
      %dma_wait3A_370 = arith.constant 0 : i32
      %dma_wait3A_371 = arith.constant 0 : i32
      %dma_wait3A_372 = tpu.memref_slice %arg2[%dma_wait3A_370, %dma_wait3A_371] : memref<10240x64xbf16, #tpu.memory_space<hbm>> -> memref<10240x64xbf16, #tpu.memory_space<hbm>>
      tpu.wait_indirect_dma semaphore(%arg15 : memref<!tpu.dma_semaphore, #tpu.memory_space<semaphore_mem>>) src(%dma_wait3A_372 : memref<10240x64xbf16, #tpu.memory_space<hbm>>) dst(%dma_wait3A_366 : memref<125x64xbf16, #tpu.memory_space<vmem>>)
      %dma_start3A_373 = arith.constant 4 : i32
      %dma_start3A_374 = arith.constant 0 : i32
      %dma_start3A_375 = arith.constant 0 : i32
      %dma_start3A_376 = tpu.memref_slice %arg8[%dma_start3A_373, %dma_start3A_374, %dma_start3A_375] : memref<8x125x64xbf16, #tpu.memory_space<vmem>> -> memref<1x125x64xbf16, #tpu.memory_space<vmem>>
      %dma_start3A_377 = tpu.memref_squeeze %dma_start3A_376 : memref<1x125x64xbf16, #tpu.memory_space<vmem>> -> memref<125x64xbf16, #tpu.memory_space<vmem>>
      %dma_start3A_378 = arith.constant 0 : i32
      %dma_start3A_379 = tpu.memref_slice %arg7[%add3A_354, %dma_start3A_378] : memref<80x125xi32, #tpu.memory_space<vmem>> -> memref<1x125xi32, #tpu.memory_space<vmem>>
      %dma_start3A_380 = tpu.memref_squeeze %dma_start3A_379 : memref<1x125xi32, #tpu.memory_space<vmem>> -> memref<125xi32, #tpu.memory_space<vmem>>
      %dma_start3A_381 = arith.constant 0 : i32
      %dma_start3A_382 = arith.constant 0 : i32
      %dma_start3A_383 = tpu.memref_slice %arg9[%dma_start3A_381, %dma_start3A_382] : memref<10240x64xbf16, #tpu.memory_space<vmem_shared>> -> memref<10240x64xbf16, #tpu.memory_space<vmem_shared>>
      tpu.enqueue_indirect_dma source(%dma_start3A_377 : memref<125x64xbf16, #tpu.memory_space<vmem>>) target(%dma_start3A_383 : memref<10240x64xbf16, #tpu.memory_space<vmem_shared>>) offsets(%dma_start3A_380 : memref<125xi32, #tpu.memory_space<vmem>>) semaphore(%arg23 : memref<!tpu.dma_semaphore, #tpu.memory_space<semaphore_mem>>) {add = true}
      %mul3A_384 = arith.constant 8 : i32
      %mul3A_385 = arith.muli %mul3A_384, %scan3A_221 : i32
      %add3A_386 = arith.constant 5 : i32
      %add3A_387 = arith.addi %mul3A_385, %add3A_386 : i32
      %add3A_388 = arith.constant 4 : i32
      %add3A_389 = arith.addi %add3A_387, %add3A_388 : i32
      %lt3A_390 = arith.constant 80 : i32
      %lt3A_391 = arith.cmpi slt, %add3A_389, %lt3A_390 : i32
      %convert_element_type3A_392 = arith.extui %lt3A_391 : i1 to i32
      %cond3A_393 = arith.constant 0 : i32
      %cond3A_394 = arith.cmpi ne, %convert_element_type3A_392, %cond3A_393 : i32
      scf.if %cond3A_394 {
        %ge3A = arith.constant 8 : i32
        %ge3A_483 = arith.cmpi sge, %add3A_389, %ge3A : i32
        %convert_element_type3A_484 = arith.extui %ge3A_483 : i1 to i32
        %cond3A_485 = arith.constant 0 : i32
        %cond3A_486 = arith.cmpi ne, %convert_element_type3A_484, %cond3A_485 : i32
        scf.if %cond3A_486 {
          %sub3A = arith.constant 8 : i32
          %sub3A_498 = arith.subi %add3A_389, %sub3A : i32
          %dma_wait3A_499 = arith.constant 1 : i32
          %dma_wait3A_500 = arith.constant 0 : i32
          %dma_wait3A_501 = arith.constant 0 : i32
          %dma_wait3A_502 = tpu.memref_slice %arg8[%dma_wait3A_499, %dma_wait3A_500, %dma_wait3A_501] : memref<8x125x64xbf16, #tpu.memory_space<vmem>> -> memref<1x125x64xbf16, #tpu.memory_space<vmem>>
          %dma_wait3A_503 = tpu.memref_squeeze %dma_wait3A_502 : memref<1x125x64xbf16, #tpu.memory_space<vmem>> -> memref<125x64xbf16, #tpu.memory_space<vmem>>
          %dma_wait3A_504 = arith.constant 0 : i32
          %dma_wait3A_505 = tpu.memref_slice %arg7[%sub3A_498, %dma_wait3A_504] : memref<80x125xi32, #tpu.memory_space<vmem>> -> memref<1x125xi32, #tpu.memory_space<vmem>>
          %dma_wait3A_506 = tpu.memref_squeeze %dma_wait3A_505 : memref<1x125xi32, #tpu.memory_space<vmem>> -> memref<125xi32, #tpu.memory_space<vmem>>
          %dma_wait3A_507 = arith.constant 0 : i32
          %dma_wait3A_508 = arith.constant 0 : i32
          %dma_wait3A_509 = tpu.memref_slice %arg9[%dma_wait3A_507, %dma_wait3A_508] : memref<10240x64xbf16, #tpu.memory_space<vmem_shared>> -> memref<10240x64xbf16, #tpu.memory_space<vmem_shared>>
          tpu.wait_indirect_dma semaphore(%arg20 : memref<!tpu.dma_semaphore, #tpu.memory_space<semaphore_mem>>) src(%dma_wait3A_503 : memref<125x64xbf16, #tpu.memory_space<vmem>>) dst(%dma_wait3A_509 : memref<10240x64xbf16, #tpu.memory_space<vmem_shared>>)
        } else {
        }
        %dma_start3A_487 = arith.constant 1 : i32
        %dma_start3A_488 = arith.constant 0 : i32
        %dma_start3A_489 = arith.constant 0 : i32
        %dma_start3A_490 = tpu.memref_slice %arg8[%dma_start3A_487, %dma_start3A_488, %dma_start3A_489] : memref<8x125x64xbf16, #tpu.memory_space<vmem>> -> memref<1x125x64xbf16, #tpu.memory_space<vmem>>
        %dma_start3A_491 = tpu.memref_squeeze %dma_start3A_490 : memref<1x125x64xbf16, #tpu.memory_space<vmem>> -> memref<125x64xbf16, #tpu.memory_space<vmem>>
        %dma_start3A_492 = arith.constant 0 : i32
        %dma_start3A_493 = tpu.memref_slice %arg6[%add3A_389, %dma_start3A_492] : memref<80x125xi32, #tpu.memory_space<vmem>> -> memref<1x125xi32, #tpu.memory_space<vmem>>
        %dma_start3A_494 = tpu.memref_squeeze %dma_start3A_493 : memref<1x125xi32, #tpu.memory_space<vmem>> -> memref<125xi32, #tpu.memory_space<vmem>>
        %dma_start3A_495 = arith.constant 0 : i32
        %dma_start3A_496 = arith.constant 0 : i32
        %dma_start3A_497 = tpu.memref_slice %arg2[%dma_start3A_495, %dma_start3A_496] : memref<10240x64xbf16, #tpu.memory_space<hbm>> -> memref<10240x64xbf16, #tpu.memory_space<hbm>>
        tpu.enqueue_indirect_dma source(%dma_start3A_497 : memref<10240x64xbf16, #tpu.memory_space<hbm>>) target(%dma_start3A_491 : memref<125x64xbf16, #tpu.memory_space<vmem>>) offsets(%dma_start3A_494 : memref<125xi32, #tpu.memory_space<vmem>>) semaphore(%arg12 : memref<!tpu.dma_semaphore, #tpu.memory_space<semaphore_mem>>)
      } else {
      }
      %dma_wait3A_395 = arith.constant 5 : i32
      %dma_wait3A_396 = arith.constant 0 : i32
      %dma_wait3A_397 = arith.constant 0 : i32
      %dma_wait3A_398 = tpu.memref_slice %arg8[%dma_wait3A_395, %dma_wait3A_396, %dma_wait3A_397] : memref<8x125x64xbf16, #tpu.memory_space<vmem>> -> memref<1x125x64xbf16, #tpu.memory_space<vmem>>
      %dma_wait3A_399 = tpu.memref_squeeze %dma_wait3A_398 : memref<1x125x64xbf16, #tpu.memory_space<vmem>> -> memref<125x64xbf16, #tpu.memory_space<vmem>>
      %dma_wait3A_400 = arith.constant 0 : i32
      %dma_wait3A_401 = tpu.memref_slice %arg6[%add3A_387, %dma_wait3A_400] : memref<80x125xi32, #tpu.memory_space<vmem>> -> memref<1x125xi32, #tpu.memory_space<vmem>>
      %dma_wait3A_402 = tpu.memref_squeeze %dma_wait3A_401 : memref<1x125xi32, #tpu.memory_space<vmem>> -> memref<125xi32, #tpu.memory_space<vmem>>
      %dma_wait3A_403 = arith.constant 0 : i32
      %dma_wait3A_404 = arith.constant 0 : i32
      %dma_wait3A_405 = tpu.memref_slice %arg2[%dma_wait3A_403, %dma_wait3A_404] : memref<10240x64xbf16, #tpu.memory_space<hbm>> -> memref<10240x64xbf16, #tpu.memory_space<hbm>>
      tpu.wait_indirect_dma semaphore(%arg16 : memref<!tpu.dma_semaphore, #tpu.memory_space<semaphore_mem>>) src(%dma_wait3A_405 : memref<10240x64xbf16, #tpu.memory_space<hbm>>) dst(%dma_wait3A_399 : memref<125x64xbf16, #tpu.memory_space<vmem>>)
      %dma_start3A_406 = arith.constant 5 : i32
      %dma_start3A_407 = arith.constant 0 : i32
      %dma_start3A_408 = arith.constant 0 : i32
      %dma_start3A_409 = tpu.memref_slice %arg8[%dma_start3A_406, %dma_start3A_407, %dma_start3A_408] : memref<8x125x64xbf16, #tpu.memory_space<vmem>> -> memref<1x125x64xbf16, #tpu.memory_space<vmem>>
      %dma_start3A_410 = tpu.memref_squeeze %dma_start3A_409 : memref<1x125x64xbf16, #tpu.memory_space<vmem>> -> memref<125x64xbf16, #tpu.memory_space<vmem>>
      %dma_start3A_411 = arith.constant 0 : i32
      %dma_start3A_412 = tpu.memref_slice %arg7[%add3A_387, %dma_start3A_411] : memref<80x125xi32, #tpu.memory_space<vmem>> -> memref<1x125xi32, #tpu.memory_space<vmem>>
      %dma_start3A_413 = tpu.memref_squeeze %dma_start3A_412 : memref<1x125xi32, #tpu.memory_space<vmem>> -> memref<125xi32, #tpu.memory_space<vmem>>
      %dma_start3A_414 = arith.constant 0 : i32
      %dma_start3A_415 = arith.constant 0 : i32
      %dma_start3A_416 = tpu.memref_slice %arg9[%dma_start3A_414, %dma_start3A_415] : memref<10240x64xbf16, #tpu.memory_space<vmem_shared>> -> memref<10240x64xbf16, #tpu.memory_space<vmem_shared>>
      tpu.enqueue_indirect_dma source(%dma_start3A_410 : memref<125x64xbf16, #tpu.memory_space<vmem>>) target(%dma_start3A_416 : memref<10240x64xbf16, #tpu.memory_space<vmem_shared>>) offsets(%dma_start3A_413 : memref<125xi32, #tpu.memory_space<vmem>>) semaphore(%arg24 : memref<!tpu.dma_semaphore, #tpu.memory_space<semaphore_mem>>) {add = true}
      %mul3A_417 = arith.constant 8 : i32
      %mul3A_418 = arith.muli %mul3A_417, %scan3A_221 : i32
      %add3A_419 = arith.constant 6 : i32
      %add3A_420 = arith.addi %mul3A_418, %add3A_419 : i32
      %add3A_421 = arith.constant 4 : i32
      %add3A_422 = arith.addi %add3A_420, %add3A_421 : i32
      %lt3A_423 = arith.constant 80 : i32
      %lt3A_424 = arith.cmpi slt, %add3A_422, %lt3A_423 : i32
      %convert_element_type3A_425 = arith.extui %lt3A_424 : i1 to i32
      %cond3A_426 = arith.constant 0 : i32
      %cond3A_427 = arith.cmpi ne, %convert_element_type3A_425, %cond3A_426 : i32
      scf.if %cond3A_427 {
        %ge3A = arith.constant 8 : i32
        %ge3A_483 = arith.cmpi sge, %add3A_422, %ge3A : i32
        %convert_element_type3A_484 = arith.extui %ge3A_483 : i1 to i32
        %cond3A_485 = arith.constant 0 : i32
        %cond3A_486 = arith.cmpi ne, %convert_element_type3A_484, %cond3A_485 : i32
        scf.if %cond3A_486 {
          %sub3A = arith.constant 8 : i32
          %sub3A_498 = arith.subi %add3A_422, %sub3A : i32
          %dma_wait3A_499 = arith.constant 2 : i32
          %dma_wait3A_500 = arith.constant 0 : i32
          %dma_wait3A_501 = arith.constant 0 : i32
          %dma_wait3A_502 = tpu.memref_slice %arg8[%dma_wait3A_499, %dma_wait3A_500, %dma_wait3A_501] : memref<8x125x64xbf16, #tpu.memory_space<vmem>> -> memref<1x125x64xbf16, #tpu.memory_space<vmem>>
          %dma_wait3A_503 = tpu.memref_squeeze %dma_wait3A_502 : memref<1x125x64xbf16, #tpu.memory_space<vmem>> -> memref<125x64xbf16, #tpu.memory_space<vmem>>
          %dma_wait3A_504 = arith.constant 0 : i32
          %dma_wait3A_505 = tpu.memref_slice %arg7[%sub3A_498, %dma_wait3A_504] : memref<80x125xi32, #tpu.memory_space<vmem>> -> memref<1x125xi32, #tpu.memory_space<vmem>>
          %dma_wait3A_506 = tpu.memref_squeeze %dma_wait3A_505 : memref<1x125xi32, #tpu.memory_space<vmem>> -> memref<125xi32, #tpu.memory_space<vmem>>
          %dma_wait3A_507 = arith.constant 0 : i32
          %dma_wait3A_508 = arith.constant 0 : i32
          %dma_wait3A_509 = tpu.memref_slice %arg9[%dma_wait3A_507, %dma_wait3A_508] : memref<10240x64xbf16, #tpu.memory_space<vmem_shared>> -> memref<10240x64xbf16, #tpu.memory_space<vmem_shared>>
          tpu.wait_indirect_dma semaphore(%arg21 : memref<!tpu.dma_semaphore, #tpu.memory_space<semaphore_mem>>) src(%dma_wait3A_503 : memref<125x64xbf16, #tpu.memory_space<vmem>>) dst(%dma_wait3A_509 : memref<10240x64xbf16, #tpu.memory_space<vmem_shared>>)
        } else {
        }
        %dma_start3A_487 = arith.constant 2 : i32
        %dma_start3A_488 = arith.constant 0 : i32
        %dma_start3A_489 = arith.constant 0 : i32
        %dma_start3A_490 = tpu.memref_slice %arg8[%dma_start3A_487, %dma_start3A_488, %dma_start3A_489] : memref<8x125x64xbf16, #tpu.memory_space<vmem>> -> memref<1x125x64xbf16, #tpu.memory_space<vmem>>
        %dma_start3A_491 = tpu.memref_squeeze %dma_start3A_490 : memref<1x125x64xbf16, #tpu.memory_space<vmem>> -> memref<125x64xbf16, #tpu.memory_space<vmem>>
        %dma_start3A_492 = arith.constant 0 : i32
        %dma_start3A_493 = tpu.memref_slice %arg6[%add3A_422, %dma_start3A_492] : memref<80x125xi32, #tpu.memory_space<vmem>> -> memref<1x125xi32, #tpu.memory_space<vmem>>
        %dma_start3A_494 = tpu.memref_squeeze %dma_start3A_493 : memref<1x125xi32, #tpu.memory_space<vmem>> -> memref<125xi32, #tpu.memory_space<vmem>>
        %dma_start3A_495 = arith.constant 0 : i32
        %dma_start3A_496 = arith.constant 0 : i32
        %dma_start3A_497 = tpu.memref_slice %arg2[%dma_start3A_495, %dma_start3A_496] : memref<10240x64xbf16, #tpu.memory_space<hbm>> -> memref<10240x64xbf16, #tpu.memory_space<hbm>>
        tpu.enqueue_indirect_dma source(%dma_start3A_497 : memref<10240x64xbf16, #tpu.memory_space<hbm>>) target(%dma_start3A_491 : memref<125x64xbf16, #tpu.memory_space<vmem>>) offsets(%dma_start3A_494 : memref<125xi32, #tpu.memory_space<vmem>>) semaphore(%arg13 : memref<!tpu.dma_semaphore, #tpu.memory_space<semaphore_mem>>)
      } else {
      }
      %dma_wait3A_428 = arith.constant 6 : i32
      %dma_wait3A_429 = arith.constant 0 : i32
      %dma_wait3A_430 = arith.constant 0 : i32
      %dma_wait3A_431 = tpu.memref_slice %arg8[%dma_wait3A_428, %dma_wait3A_429, %dma_wait3A_430] : memref<8x125x64xbf16, #tpu.memory_space<vmem>> -> memref<1x125x64xbf16, #tpu.memory_space<vmem>>
      %dma_wait3A_432 = tpu.memref_squeeze %dma_wait3A_431 : memref<1x125x64xbf16, #tpu.memory_space<vmem>> -> memref<125x64xbf16, #tpu.memory_space<vmem>>
      %dma_wait3A_433 = arith.constant 0 : i32
      %dma_wait3A_434 = tpu.memref_slice %arg6[%add3A_420, %dma_wait3A_433] : memref<80x125xi32, #tpu.memory_space<vmem>> -> memref<1x125xi32, #tpu.memory_space<vmem>>
      %dma_wait3A_435 = tpu.memref_squeeze %dma_wait3A_434 : memref<1x125xi32, #tpu.memory_space<vmem>> -> memref<125xi32, #tpu.memory_space<vmem>>
      %dma_wait3A_436 = arith.constant 0 : i32
      %dma_wait3A_437 = arith.constant 0 : i32
      %dma_wait3A_438 = tpu.memref_slice %arg2[%dma_wait3A_436, %dma_wait3A_437] : memref<10240x64xbf16, #tpu.memory_space<hbm>> -> memref<10240x64xbf16, #tpu.memory_space<hbm>>
      tpu.wait_indirect_dma semaphore(%arg17 : memref<!tpu.dma_semaphore, #tpu.memory_space<semaphore_mem>>) src(%dma_wait3A_438 : memref<10240x64xbf16, #tpu.memory_space<hbm>>) dst(%dma_wait3A_432 : memref<125x64xbf16, #tpu.memory_space<vmem>>)
      %dma_start3A_439 = arith.constant 6 : i32
      %dma_start3A_440 = arith.constant 0 : i32
      %dma_start3A_441 = arith.constant 0 : i32
      %dma_start3A_442 = tpu.memref_slice %arg8[%dma_start3A_439, %dma_start3A_440, %dma_start3A_441] : memref<8x125x64xbf16, #tpu.memory_space<vmem>> -> memref<1x125x64xbf16, #tpu.memory_space<vmem>>
      %dma_start3A_443 = tpu.memref_squeeze %dma_start3A_442 : memref<1x125x64xbf16, #tpu.memory_space<vmem>> -> memref<125x64xbf16, #tpu.memory_space<vmem>>
      %dma_start3A_444 = arith.constant 0 : i32
      %dma_start3A_445 = tpu.memref_slice %arg7[%add3A_420, %dma_start3A_444] : memref<80x125xi32, #tpu.memory_space<vmem>> -> memref<1x125xi32, #tpu.memory_space<vmem>>
      %dma_start3A_446 = tpu.memref_squeeze %dma_start3A_445 : memref<1x125xi32, #tpu.memory_space<vmem>> -> memref<125xi32, #tpu.memory_space<vmem>>
      %dma_start3A_447 = arith.constant 0 : i32
      %dma_start3A_448 = arith.constant 0 : i32
      %dma_start3A_449 = tpu.memref_slice %arg9[%dma_start3A_447, %dma_start3A_448] : memref<10240x64xbf16, #tpu.memory_space<vmem_shared>> -> memref<10240x64xbf16, #tpu.memory_space<vmem_shared>>
      tpu.enqueue_indirect_dma source(%dma_start3A_443 : memref<125x64xbf16, #tpu.memory_space<vmem>>) target(%dma_start3A_449 : memref<10240x64xbf16, #tpu.memory_space<vmem_shared>>) offsets(%dma_start3A_446 : memref<125xi32, #tpu.memory_space<vmem>>) semaphore(%arg25 : memref<!tpu.dma_semaphore, #tpu.memory_space<semaphore_mem>>) {add = true}
      %mul3A_450 = arith.constant 8 : i32
      %mul3A_451 = arith.muli %mul3A_450, %scan3A_221 : i32
      %add3A_452 = arith.constant 7 : i32
      %add3A_453 = arith.addi %mul3A_451, %add3A_452 : i32
      %add3A_454 = arith.constant 4 : i32
      %add3A_455 = arith.addi %add3A_453, %add3A_454 : i32
      %lt3A_456 = arith.constant 80 : i32
      %lt3A_457 = arith.cmpi slt, %add3A_455, %lt3A_456 : i32
      %convert_element_type3A_458 = arith.extui %lt3A_457 : i1 to i32
      %cond3A_459 = arith.constant 0 : i32
      %cond3A_460 = arith.cmpi ne, %convert_element_type3A_458, %cond3A_459 : i32
      scf.if %cond3A_460 {
        %ge3A = arith.constant 8 : i32
        %ge3A_483 = arith.cmpi sge, %add3A_455, %ge3A : i32
        %convert_element_type3A_484 = arith.extui %ge3A_483 : i1 to i32
        %cond3A_485 = arith.constant 0 : i32
        %cond3A_486 = arith.cmpi ne, %convert_element_type3A_484, %cond3A_485 : i32
        scf.if %cond3A_486 {
          %sub3A = arith.constant 8 : i32
          %sub3A_498 = arith.subi %add3A_455, %sub3A : i32
          %dma_wait3A_499 = arith.constant 3 : i32
          %dma_wait3A_500 = arith.constant 0 : i32
          %dma_wait3A_501 = arith.constant 0 : i32
          %dma_wait3A_502 = tpu.memref_slice %arg8[%dma_wait3A_499, %dma_wait3A_500, %dma_wait3A_501] : memref<8x125x64xbf16, #tpu.memory_space<vmem>> -> memref<1x125x64xbf16, #tpu.memory_space<vmem>>
          %dma_wait3A_503 = tpu.memref_squeeze %dma_wait3A_502 : memref<1x125x64xbf16, #tpu.memory_space<vmem>> -> memref<125x64xbf16, #tpu.memory_space<vmem>>
          %dma_wait3A_504 = arith.constant 0 : i32
          %dma_wait3A_505 = tpu.memref_slice %arg7[%sub3A_498, %dma_wait3A_504] : memref<80x125xi32, #tpu.memory_space<vmem>> -> memref<1x125xi32, #tpu.memory_space<vmem>>
          %dma_wait3A_506 = tpu.memref_squeeze %dma_wait3A_505 : memref<1x125xi32, #tpu.memory_space<vmem>> -> memref<125xi32, #tpu.memory_space<vmem>>
          %dma_wait3A_507 = arith.constant 0 : i32
          %dma_wait3A_508 = arith.constant 0 : i32
          %dma_wait3A_509 = tpu.memref_slice %arg9[%dma_wait3A_507, %dma_wait3A_508] : memref<10240x64xbf16, #tpu.memory_space<vmem_shared>> -> memref<10240x64xbf16, #tpu.memory_space<vmem_shared>>
          tpu.wait_indirect_dma semaphore(%arg22 : memref<!tpu.dma_semaphore, #tpu.memory_space<semaphore_mem>>) src(%dma_wait3A_503 : memref<125x64xbf16, #tpu.memory_space<vmem>>) dst(%dma_wait3A_509 : memref<10240x64xbf16, #tpu.memory_space<vmem_shared>>)
        } else {
        }
        %dma_start3A_487 = arith.constant 3 : i32
        %dma_start3A_488 = arith.constant 0 : i32
        %dma_start3A_489 = arith.constant 0 : i32
        %dma_start3A_490 = tpu.memref_slice %arg8[%dma_start3A_487, %dma_start3A_488, %dma_start3A_489] : memref<8x125x64xbf16, #tpu.memory_space<vmem>> -> memref<1x125x64xbf16, #tpu.memory_space<vmem>>
        %dma_start3A_491 = tpu.memref_squeeze %dma_start3A_490 : memref<1x125x64xbf16, #tpu.memory_space<vmem>> -> memref<125x64xbf16, #tpu.memory_space<vmem>>
        %dma_start3A_492 = arith.constant 0 : i32
        %dma_start3A_493 = tpu.memref_slice %arg6[%add3A_455, %dma_start3A_492] : memref<80x125xi32, #tpu.memory_space<vmem>> -> memref<1x125xi32, #tpu.memory_space<vmem>>
        %dma_start3A_494 = tpu.memref_squeeze %dma_start3A_493 : memref<1x125xi32, #tpu.memory_space<vmem>> -> memref<125xi32, #tpu.memory_space<vmem>>
        %dma_start3A_495 = arith.constant 0 : i32
        %dma_start3A_496 = arith.constant 0 : i32
        %dma_start3A_497 = tpu.memref_slice %arg2[%dma_start3A_495, %dma_start3A_496] : memref<10240x64xbf16, #tpu.memory_space<hbm>> -> memref<10240x64xbf16, #tpu.memory_space<hbm>>
        tpu.enqueue_indirect_dma source(%dma_start3A_497 : memref<10240x64xbf16, #tpu.memory_space<hbm>>) target(%dma_start3A_491 : memref<125x64xbf16, #tpu.memory_space<vmem>>) offsets(%dma_start3A_494 : memref<125xi32, #tpu.memory_space<vmem>>) semaphore(%arg14 : memref<!tpu.dma_semaphore, #tpu.memory_space<semaphore_mem>>)
      } else {
      }
      %dma_wait3A_461 = arith.constant 7 : i32
      %dma_wait3A_462 = arith.constant 0 : i32
      %dma_wait3A_463 = arith.constant 0 : i32
      %dma_wait3A_464 = tpu.memref_slice %arg8[%dma_wait3A_461, %dma_wait3A_462, %dma_wait3A_463] : memref<8x125x64xbf16, #tpu.memory_space<vmem>> -> memref<1x125x64xbf16, #tpu.memory_space<vmem>>
      %dma_wait3A_465 = tpu.memref_squeeze %dma_wait3A_464 : memref<1x125x64xbf16, #tpu.memory_space<vmem>> -> memref<125x64xbf16, #tpu.memory_space<vmem>>
      %dma_wait3A_466 = arith.constant 0 : i32
      %dma_wait3A_467 = tpu.memref_slice %arg6[%add3A_453, %dma_wait3A_466] : memref<80x125xi32, #tpu.memory_space<vmem>> -> memref<1x125xi32, #tpu.memory_space<vmem>>
      %dma_wait3A_468 = tpu.memref_squeeze %dma_wait3A_467 : memref<1x125xi32, #tpu.memory_space<vmem>> -> memref<125xi32, #tpu.memory_space<vmem>>
      %dma_wait3A_469 = arith.constant 0 : i32
      %dma_wait3A_470 = arith.constant 0 : i32
      %dma_wait3A_471 = tpu.memref_slice %arg2[%dma_wait3A_469, %dma_wait3A_470] : memref<10240x64xbf16, #tpu.memory_space<hbm>> -> memref<10240x64xbf16, #tpu.memory_space<hbm>>
      tpu.wait_indirect_dma semaphore(%arg18 : memref<!tpu.dma_semaphore, #tpu.memory_space<semaphore_mem>>) src(%dma_wait3A_471 : memref<10240x64xbf16, #tpu.memory_space<hbm>>) dst(%dma_wait3A_465 : memref<125x64xbf16, #tpu.memory_space<vmem>>)
      %dma_start3A_472 = arith.constant 7 : i32
      %dma_start3A_473 = arith.constant 0 : i32
      %dma_start3A_474 = arith.constant 0 : i32
      %dma_start3A_475 = tpu.memref_slice %arg8[%dma_start3A_472, %dma_start3A_473, %dma_start3A_474] : memref<8x125x64xbf16, #tpu.memory_space<vmem>> -> memref<1x125x64xbf16, #tpu.memory_space<vmem>>
      %dma_start3A_476 = tpu.memref_squeeze %dma_start3A_475 : memref<1x125x64xbf16, #tpu.memory_space<vmem>> -> memref<125x64xbf16, #tpu.memory_space<vmem>>
      %dma_start3A_477 = arith.constant 0 : i32
      %dma_start3A_478 = tpu.memref_slice %arg7[%add3A_453, %dma_start3A_477] : memref<80x125xi32, #tpu.memory_space<vmem>> -> memref<1x125xi32, #tpu.memory_space<vmem>>
      %dma_start3A_479 = tpu.memref_squeeze %dma_start3A_478 : memref<1x125xi32, #tpu.memory_space<vmem>> -> memref<125xi32, #tpu.memory_space<vmem>>
      %dma_start3A_480 = arith.constant 0 : i32
      %dma_start3A_481 = arith.constant 0 : i32
      %dma_start3A_482 = tpu.memref_slice %arg9[%dma_start3A_480, %dma_start3A_481] : memref<10240x64xbf16, #tpu.memory_space<vmem_shared>> -> memref<10240x64xbf16, #tpu.memory_space<vmem_shared>>
      tpu.enqueue_indirect_dma source(%dma_start3A_476 : memref<125x64xbf16, #tpu.memory_space<vmem>>) target(%dma_start3A_482 : memref<10240x64xbf16, #tpu.memory_space<vmem_shared>>) offsets(%dma_start3A_479 : memref<125xi32, #tpu.memory_space<vmem>>) semaphore(%arg26 : memref<!tpu.dma_semaphore, #tpu.memory_space<semaphore_mem>>) {add = true}
    }
    %scan3A_121 = arith.constant 10 : i32
    %dma_wait3A_122 = arith.constant 0 : i32
    %dma_wait3A_123 = arith.constant 72 : i32
    %dma_wait3A_124 = arith.constant 0 : i32
    %dma_wait3A_125 = arith.constant 0 : i32
    %dma_wait3A_126 = tpu.memref_slice %arg8[%dma_wait3A_122, %dma_wait3A_124, %dma_wait3A_125] : memref<8x125x64xbf16, #tpu.memory_space<vmem>> -> memref<1x125x64xbf16, #tpu.memory_space<vmem>>
    %dma_wait3A_127 = tpu.memref_squeeze %dma_wait3A_126 : memref<1x125x64xbf16, #tpu.memory_space<vmem>> -> memref<125x64xbf16, #tpu.memory_space<vmem>>
    %dma_wait3A_128 = arith.constant 0 : i32
    %dma_wait3A_129 = tpu.memref_slice %arg7[%dma_wait3A_123, %dma_wait3A_128] : memref<80x125xi32, #tpu.memory_space<vmem>> -> memref<1x125xi32, #tpu.memory_space<vmem>>
    %dma_wait3A_130 = tpu.memref_squeeze %dma_wait3A_129 : memref<1x125xi32, #tpu.memory_space<vmem>> -> memref<125xi32, #tpu.memory_space<vmem>>
    %dma_wait3A_131 = arith.constant 0 : i32
    %dma_wait3A_132 = arith.constant 0 : i32
    %dma_wait3A_133 = tpu.memref_slice %arg9[%dma_wait3A_131, %dma_wait3A_132] : memref<10240x64xbf16, #tpu.memory_space<vmem_shared>> -> memref<10240x64xbf16, #tpu.memory_space<vmem_shared>>
    tpu.wait_indirect_dma semaphore(%arg19 : memref<!tpu.dma_semaphore, #tpu.memory_space<semaphore_mem>>) src(%dma_wait3A_127 : memref<125x64xbf16, #tpu.memory_space<vmem>>) dst(%dma_wait3A_133 : memref<10240x64xbf16, #tpu.memory_space<vmem_shared>>)
    %dma_wait3A_134 = arith.constant 1 : i32
    %dma_wait3A_135 = arith.constant 73 : i32
    %dma_wait3A_136 = arith.constant 0 : i32
    %dma_wait3A_137 = arith.constant 0 : i32
    %dma_wait3A_138 = tpu.memref_slice %arg8[%dma_wait3A_134, %dma_wait3A_136, %dma_wait3A_137] : memref<8x125x64xbf16, #tpu.memory_space<vmem>> -> memref<1x125x64xbf16, #tpu.memory_space<vmem>>
    %dma_wait3A_139 = tpu.memref_squeeze %dma_wait3A_138 : memref<1x125x64xbf16, #tpu.memory_space<vmem>> -> memref<125x64xbf16, #tpu.memory_space<vmem>>
    %dma_wait3A_140 = arith.constant 0 : i32
    %dma_wait3A_141 = tpu.memref_slice %arg7[%dma_wait3A_135, %dma_wait3A_140] : memref<80x125xi32, #tpu.memory_space<vmem>> -> memref<1x125xi32, #tpu.memory_space<vmem>>
    %dma_wait3A_142 = tpu.memref_squeeze %dma_wait3A_141 : memref<1x125xi32, #tpu.memory_space<vmem>> -> memref<125xi32, #tpu.memory_space<vmem>>
    %dma_wait3A_143 = arith.constant 0 : i32
    %dma_wait3A_144 = arith.constant 0 : i32
    %dma_wait3A_145 = tpu.memref_slice %arg9[%dma_wait3A_143, %dma_wait3A_144] : memref<10240x64xbf16, #tpu.memory_space<vmem_shared>> -> memref<10240x64xbf16, #tpu.memory_space<vmem_shared>>
    tpu.wait_indirect_dma semaphore(%arg20 : memref<!tpu.dma_semaphore, #tpu.memory_space<semaphore_mem>>) src(%dma_wait3A_139 : memref<125x64xbf16, #tpu.memory_space<vmem>>) dst(%dma_wait3A_145 : memref<10240x64xbf16, #tpu.memory_space<vmem_shared>>)
    %dma_wait3A_146 = arith.constant 2 : i32
    %dma_wait3A_147 = arith.constant 74 : i32
    %dma_wait3A_148 = arith.constant 0 : i32
    %dma_wait3A_149 = arith.constant 0 : i32
    %dma_wait3A_150 = tpu.memref_slice %arg8[%dma_wait3A_146, %dma_wait3A_148, %dma_wait3A_149] : memref<8x125x64xbf16, #tpu.memory_space<vmem>> -> memref<1x125x64xbf16, #tpu.memory_space<vmem>>
    %dma_wait3A_151 = tpu.memref_squeeze %dma_wait3A_150 : memref<1x125x64xbf16, #tpu.memory_space<vmem>> -> memref<125x64xbf16, #tpu.memory_space<vmem>>
    %dma_wait3A_152 = arith.constant 0 : i32
    %dma_wait3A_153 = tpu.memref_slice %arg7[%dma_wait3A_147, %dma_wait3A_152] : memref<80x125xi32, #tpu.memory_space<vmem>> -> memref<1x125xi32, #tpu.memory_space<vmem>>
    %dma_wait3A_154 = tpu.memref_squeeze %dma_wait3A_153 : memref<1x125xi32, #tpu.memory_space<vmem>> -> memref<125xi32, #tpu.memory_space<vmem>>
    %dma_wait3A_155 = arith.constant 0 : i32
    %dma_wait3A_156 = arith.constant 0 : i32
    %dma_wait3A_157 = tpu.memref_slice %arg9[%dma_wait3A_155, %dma_wait3A_156] : memref<10240x64xbf16, #tpu.memory_space<vmem_shared>> -> memref<10240x64xbf16, #tpu.memory_space<vmem_shared>>
    tpu.wait_indirect_dma semaphore(%arg21 : memref<!tpu.dma_semaphore, #tpu.memory_space<semaphore_mem>>) src(%dma_wait3A_151 : memref<125x64xbf16, #tpu.memory_space<vmem>>) dst(%dma_wait3A_157 : memref<10240x64xbf16, #tpu.memory_space<vmem_shared>>)
    %dma_wait3A_158 = arith.constant 3 : i32
    %dma_wait3A_159 = arith.constant 75 : i32
    %dma_wait3A_160 = arith.constant 0 : i32
    %dma_wait3A_161 = arith.constant 0 : i32
    %dma_wait3A_162 = tpu.memref_slice %arg8[%dma_wait3A_158, %dma_wait3A_160, %dma_wait3A_161] : memref<8x125x64xbf16, #tpu.memory_space<vmem>> -> memref<1x125x64xbf16, #tpu.memory_space<vmem>>
    %dma_wait3A_163 = tpu.memref_squeeze %dma_wait3A_162 : memref<1x125x64xbf16, #tpu.memory_space<vmem>> -> memref<125x64xbf16, #tpu.memory_space<vmem>>
    %dma_wait3A_164 = arith.constant 0 : i32
    %dma_wait3A_165 = tpu.memref_slice %arg7[%dma_wait3A_159, %dma_wait3A_164] : memref<80x125xi32, #tpu.memory_space<vmem>> -> memref<1x125xi32, #tpu.memory_space<vmem>>
    %dma_wait3A_166 = tpu.memref_squeeze %dma_wait3A_165 : memref<1x125xi32, #tpu.memory_space<vmem>> -> memref<125xi32, #tpu.memory_space<vmem>>
    %dma_wait3A_167 = arith.constant 0 : i32
    %dma_wait3A_168 = arith.constant 0 : i32
    %dma_wait3A_169 = tpu.memref_slice %arg9[%dma_wait3A_167, %dma_wait3A_168] : memref<10240x64xbf16, #tpu.memory_space<vmem_shared>> -> memref<10240x64xbf16, #tpu.memory_space<vmem_shared>>
    tpu.wait_indirect_dma semaphore(%arg22 : memref<!tpu.dma_semaphore, #tpu.memory_space<semaphore_mem>>) src(%dma_wait3A_163 : memref<125x64xbf16, #tpu.memory_space<vmem>>) dst(%dma_wait3A_169 : memref<10240x64xbf16, #tpu.memory_space<vmem_shared>>)
    %dma_wait3A_170 = arith.constant 4 : i32
    %dma_wait3A_171 = arith.constant 76 : i32
    %dma_wait3A_172 = arith.constant 0 : i32
    %dma_wait3A_173 = arith.constant 0 : i32
    %dma_wait3A_174 = tpu.memref_slice %arg8[%dma_wait3A_170, %dma_wait3A_172, %dma_wait3A_173] : memref<8x125x64xbf16, #tpu.memory_space<vmem>> -> memref<1x125x64xbf16, #tpu.memory_space<vmem>>
    %dma_wait3A_175 = tpu.memref_squeeze %dma_wait3A_174 : memref<1x125x64xbf16, #tpu.memory_space<vmem>> -> memref<125x64xbf16, #tpu.memory_space<vmem>>
    %dma_wait3A_176 = arith.constant 0 : i32
    %dma_wait3A_177 = tpu.memref_slice %arg7[%dma_wait3A_171, %dma_wait3A_176] : memref<80x125xi32, #tpu.memory_space<vmem>> -> memref<1x125xi32, #tpu.memory_space<vmem>>
    %dma_wait3A_178 = tpu.memref_squeeze %dma_wait3A_177 : memref<1x125xi32, #tpu.memory_space<vmem>> -> memref<125xi32, #tpu.memory_space<vmem>>
    %dma_wait3A_179 = arith.constant 0 : i32
    %dma_wait3A_180 = arith.constant 0 : i32
    %dma_wait3A_181 = tpu.memref_slice %arg9[%dma_wait3A_179, %dma_wait3A_180] : memref<10240x64xbf16, #tpu.memory_space<vmem_shared>> -> memref<10240x64xbf16, #tpu.memory_space<vmem_shared>>
    tpu.wait_indirect_dma semaphore(%arg23 : memref<!tpu.dma_semaphore, #tpu.memory_space<semaphore_mem>>) src(%dma_wait3A_175 : memref<125x64xbf16, #tpu.memory_space<vmem>>) dst(%dma_wait3A_181 : memref<10240x64xbf16, #tpu.memory_space<vmem_shared>>)
    %dma_wait3A_182 = arith.constant 5 : i32
    %dma_wait3A_183 = arith.constant 77 : i32
    %dma_wait3A_184 = arith.constant 0 : i32
    %dma_wait3A_185 = arith.constant 0 : i32
    %dma_wait3A_186 = tpu.memref_slice %arg8[%dma_wait3A_182, %dma_wait3A_184, %dma_wait3A_185] : memref<8x125x64xbf16, #tpu.memory_space<vmem>> -> memref<1x125x64xbf16, #tpu.memory_space<vmem>>
    %dma_wait3A_187 = tpu.memref_squeeze %dma_wait3A_186 : memref<1x125x64xbf16, #tpu.memory_space<vmem>> -> memref<125x64xbf16, #tpu.memory_space<vmem>>
    %dma_wait3A_188 = arith.constant 0 : i32
    %dma_wait3A_189 = tpu.memref_slice %arg7[%dma_wait3A_183, %dma_wait3A_188] : memref<80x125xi32, #tpu.memory_space<vmem>> -> memref<1x125xi32, #tpu.memory_space<vmem>>
    %dma_wait3A_190 = tpu.memref_squeeze %dma_wait3A_189 : memref<1x125xi32, #tpu.memory_space<vmem>> -> memref<125xi32, #tpu.memory_space<vmem>>
    %dma_wait3A_191 = arith.constant 0 : i32
    %dma_wait3A_192 = arith.constant 0 : i32
    %dma_wait3A_193 = tpu.memref_slice %arg9[%dma_wait3A_191, %dma_wait3A_192] : memref<10240x64xbf16, #tpu.memory_space<vmem_shared>> -> memref<10240x64xbf16, #tpu.memory_space<vmem_shared>>
    tpu.wait_indirect_dma semaphore(%arg24 : memref<!tpu.dma_semaphore, #tpu.memory_space<semaphore_mem>>) src(%dma_wait3A_187 : memref<125x64xbf16, #tpu.memory_space<vmem>>) dst(%dma_wait3A_193 : memref<10240x64xbf16, #tpu.memory_space<vmem_shared>>)
    %dma_wait3A_194 = arith.constant 6 : i32
    %dma_wait3A_195 = arith.constant 78 : i32
    %dma_wait3A_196 = arith.constant 0 : i32
    %dma_wait3A_197 = arith.constant 0 : i32
    %dma_wait3A_198 = tpu.memref_slice %arg8[%dma_wait3A_194, %dma_wait3A_196, %dma_wait3A_197] : memref<8x125x64xbf16, #tpu.memory_space<vmem>> -> memref<1x125x64xbf16, #tpu.memory_space<vmem>>
    %dma_wait3A_199 = tpu.memref_squeeze %dma_wait3A_198 : memref<1x125x64xbf16, #tpu.memory_space<vmem>> -> memref<125x64xbf16, #tpu.memory_space<vmem>>
    %dma_wait3A_200 = arith.constant 0 : i32
    %dma_wait3A_201 = tpu.memref_slice %arg7[%dma_wait3A_195, %dma_wait3A_200] : memref<80x125xi32, #tpu.memory_space<vmem>> -> memref<1x125xi32, #tpu.memory_space<vmem>>
    %dma_wait3A_202 = tpu.memref_squeeze %dma_wait3A_201 : memref<1x125xi32, #tpu.memory_space<vmem>> -> memref<125xi32, #tpu.memory_space<vmem>>
    %dma_wait3A_203 = arith.constant 0 : i32
    %dma_wait3A_204 = arith.constant 0 : i32
    %dma_wait3A_205 = tpu.memref_slice %arg9[%dma_wait3A_203, %dma_wait3A_204] : memref<10240x64xbf16, #tpu.memory_space<vmem_shared>> -> memref<10240x64xbf16, #tpu.memory_space<vmem_shared>>
    tpu.wait_indirect_dma semaphore(%arg25 : memref<!tpu.dma_semaphore, #tpu.memory_space<semaphore_mem>>) src(%dma_wait3A_199 : memref<125x64xbf16, #tpu.memory_space<vmem>>) dst(%dma_wait3A_205 : memref<10240x64xbf16, #tpu.memory_space<vmem_shared>>)
    %dma_wait3A_206 = arith.constant 7 : i32
    %dma_wait3A_207 = arith.constant 79 : i32
    %dma_wait3A_208 = arith.constant 0 : i32
    %dma_wait3A_209 = arith.constant 0 : i32
    %dma_wait3A_210 = tpu.memref_slice %arg8[%dma_wait3A_206, %dma_wait3A_208, %dma_wait3A_209] : memref<8x125x64xbf16, #tpu.memory_space<vmem>> -> memref<1x125x64xbf16, #tpu.memory_space<vmem>>
    %dma_wait3A_211 = tpu.memref_squeeze %dma_wait3A_210 : memref<1x125x64xbf16, #tpu.memory_space<vmem>> -> memref<125x64xbf16, #tpu.memory_space<vmem>>
    %dma_wait3A_212 = arith.constant 0 : i32
    %dma_wait3A_213 = tpu.memref_slice %arg7[%dma_wait3A_207, %dma_wait3A_212] : memref<80x125xi32, #tpu.memory_space<vmem>> -> memref<1x125xi32, #tpu.memory_space<vmem>>
    %dma_wait3A_214 = tpu.memref_squeeze %dma_wait3A_213 : memref<1x125xi32, #tpu.memory_space<vmem>> -> memref<125xi32, #tpu.memory_space<vmem>>
    %dma_wait3A_215 = arith.constant 0 : i32
    %dma_wait3A_216 = arith.constant 0 : i32
    %dma_wait3A_217 = tpu.memref_slice %arg9[%dma_wait3A_215, %dma_wait3A_216] : memref<10240x64xbf16, #tpu.memory_space<vmem_shared>> -> memref<10240x64xbf16, #tpu.memory_space<vmem_shared>>
    tpu.wait_indirect_dma semaphore(%arg26 : memref<!tpu.dma_semaphore, #tpu.memory_space<semaphore_mem>>) src(%dma_wait3A_211 : memref<125x64xbf16, #tpu.memory_space<vmem>>) dst(%dma_wait3A_217 : memref<10240x64xbf16, #tpu.memory_space<vmem_shared>>)
    %barrier3A_218 = arith.constant 0 : index
    tpu.barrier barrier_id(%barrier3A_218)
    %mul3A_219 = arith.constant 64 : i32
    %mul3A_220 = arith.muli %arg0, %mul3A_219 : i32
    "tpu.region"() ({
      %run_scoped3A = tpu.sem_alloc : memref<!tpu.dma_semaphore, #tpu.memory_space<semaphore_mem>>
      %dma_start3A_221 = tpu.memref_slice %arg5[%mul3A_2, %mul3A_220] : memref<10240x128xbf16, #tpu.memory_space<hbm>> -> memref<640x64xbf16, #tpu.memory_space<hbm>>
      %dma_start3A_222 = arith.constant 0 : i32
      %dma_start3A_223 = tpu.memref_slice %arg9[%mul3A_2, %dma_start3A_222] : memref<10240x64xbf16, #tpu.memory_space<vmem_shared>> -> memref<640x64xbf16, #tpu.memory_space<vmem_shared>>
      tpu.enqueue_dma source(%dma_start3A_223 : memref<640x64xbf16, #tpu.memory_space<vmem_shared>>) target(%dma_start3A_221 : memref<640x64xbf16, #tpu.memory_space<hbm>>) target_semaphore(%run_scoped3A : memref<!tpu.dma_semaphore, #tpu.memory_space<semaphore_mem>>)
      %dma_wait3A_224 = tpu.memref_slice %arg5[%mul3A_2, %mul3A_220] : memref<10240x128xbf16, #tpu.memory_space<hbm>> -> memref<640x64xbf16, #tpu.memory_space<hbm>>
      %dma_wait3A_225 = arith.constant 0 : i32
      %dma_wait3A_226 = tpu.memref_slice %arg9[%mul3A_2, %dma_wait3A_225] : memref<10240x64xbf16, #tpu.memory_space<vmem_shared>> -> memref<640x64xbf16, #tpu.memory_space<vmem_shared>>
      tpu.wait_dma2 semaphore(%run_scoped3A : memref<!tpu.dma_semaphore, #tpu.memory_space<semaphore_mem>>) src(%dma_wait3A_226 : memref<640x64xbf16, #tpu.memory_space<vmem_shared>>) dst(%dma_wait3A_224 : memref<640x64xbf16, #tpu.memory_space<hbm>>)
      tpu.yield
    }) : () -> ()
    return
  }
}

#map = affine_map<(d0, d1) -> (0, 0)>
#map1 = affine_map<(d0, d1) -> (0, 0, 0)>
module attributes {stable_mosaic.version = 14 : i64} {
  func.func @_agg(%arg0: i32, %arg1: i32, %arg2: memref<10240x64xbf16, #tpu.memory_space<hbm>>, %arg3: memref<2x2560x125xi32, #tpu.memory_space<hbm>>, %arg4: memref<10240x64xbf16, #tpu.memory_space<hbm>>, %arg5: memref<10240x128xbf16, #tpu.memory_space<hbm>>, %arg6: memref<80x125xi32, #tpu.memory_space<vmem>>, %arg7: memref<80x125xi32, #tpu.memory_space<vmem>>, %arg8: memref<8x125x64xbf16, #tpu.memory_space<vmem>>, %arg9: memref<10240x64xbf16, #tpu.memory_space<vmem_shared>>, %arg10: memref<!tpu.dma_semaphore, #tpu.memory_space<semaphore_mem>>, %arg11: memref<!tpu.dma_semaphore, #tpu.memory_space<semaphore_mem>>, %arg12: memref<!tpu.dma_semaphore, #tpu.memory_space<semaphore_mem>>, %arg13: memref<!tpu.dma_semaphore, #tpu.memory_space<semaphore_mem>>, %arg14: memref<!tpu.dma_semaphore, #tpu.memory_space<semaphore_mem>>, %arg15: memref<!tpu.dma_semaphore, #tpu.memory_space<semaphore_mem>>, %arg16: memref<!tpu.dma_semaphore, #tpu.memory_space<semaphore_mem>>, %arg17: memref<!tpu.dma_semaphore, #tpu.memory_space<semaphore_mem>>, %arg18: memref<!tpu.dma_semaphore, #tpu.memory_space<semaphore_mem>>, %arg19: memref<!tpu.dma_semaphore, #tpu.memory_space<semaphore_mem>>, %arg20: memref<!tpu.dma_semaphore, #tpu.memory_space<semaphore_mem>>, %arg21: memref<!tpu.dma_semaphore, #tpu.memory_space<semaphore_mem>>, %arg22: memref<!tpu.dma_semaphore, #tpu.memory_space<semaphore_mem>>, %arg23: memref<!tpu.dma_semaphore, #tpu.memory_space<semaphore_mem>>, %arg24: memref<!tpu.dma_semaphore, #tpu.memory_space<semaphore_mem>>, %arg25: memref<!tpu.dma_semaphore, #tpu.memory_space<semaphore_mem>>, %arg26: memref<!tpu.dma_semaphore, #tpu.memory_space<semaphore_mem>>) attributes {dimension_semantics = [#tpu.dimension_semantics<core_parallel>, #tpu.dimension_semantics<subcore_parallel>], iteration_bounds = array<i64: 2, 16>, scalar_prefetch = 0 : i64, scratch_operands = 21 : i64, tpu.core_type = #tpu.core_type<sc_vector_subcore>, window_params = [{transform_indices = #map}, {transform_indices = #map1}, {transform_indices = #map}, {transform_indices = #map}]} {
    %mul3A = arith.constant 16 : i32
    %mul3A_0 = arith.muli %arg0, %mul3A : i32
    %add3A = arith.addi %mul3A_0, %arg1 : i32
    %mul3A_1 = arith.constant 640 : i32
    %mul3A_2 = arith.muli %arg1, %mul3A_1 : i32
    %mul3A_3 = arith.constant 80 : i32
    %mul3A_4 = arith.muli %add3A, %mul3A_3 : i32
    %dma_start3A = arith.constant 0 : i32
    %dma_start3A_5 = arith.constant 0 : i32
    %dma_start3A_6 = arith.constant 0 : i32
    %dma_start3A_7 = tpu.memref_slice %arg3[%dma_start3A, %dma_start3A_5, %dma_start3A_6] : memref<2x2560x125xi32, #tpu.memory_space<hbm>> -> memref<1x2560x125xi32, #tpu.memory_space<hbm>>
    %dma_start3A_8 = tpu.memref_squeeze %dma_start3A_7 : memref<1x2560x125xi32, #tpu.memory_space<hbm>> -> memref<2560x125xi32, #tpu.memory_space<hbm>>
    %dma_start3A_9 = arith.constant 0 : i32
    %dma_start3A_10 = tpu.memref_slice %dma_start3A_8[%mul3A_4, %dma_start3A_9] : memref<2560x125xi32, #tpu.memory_space<hbm>> -> memref<80x125xi32, #tpu.memory_space<hbm>>
    %dma_start3A_11 = arith.constant 0 : i32
    %dma_start3A_12 = arith.constant 0 : i32
    %dma_start3A_13 = tpu.memref_slice %arg3[%dma_start3A, %dma_start3A_11, %dma_start3A_12] : memref<2x2560x125xi32, #tpu.memory_space<hbm>> -> memref<1x2560x125xi32, #tpu.memory_space<hbm>>
    %dma_start3A_14 = tpu.memref_squeeze %dma_start3A_13 : memref<1x2560x125xi32, #tpu.memory_space<hbm>> -> memref<2560x125xi32, #tpu.memory_space<hbm>>
    %dma_start3A_15 = arith.constant 0 : i32
    %dma_start3A_16 = tpu.memref_slice %dma_start3A_14[%mul3A_4, %dma_start3A_15] : memref<2560x125xi32, #tpu.memory_space<hbm>> -> memref<80x125xi32, #tpu.memory_space<hbm>>
    tpu.enqueue_dma source(%dma_start3A_16 : memref<80x125xi32, #tpu.memory_space<hbm>>) target(%arg6 : memref<80x125xi32, #tpu.memory_space<vmem>>) target_semaphore(%arg10 : memref<!tpu.dma_semaphore, #tpu.memory_space<semaphore_mem>>)
    %mul3A_17 = arith.constant 80 : i32
    %mul3A_18 = arith.muli %add3A, %mul3A_17 : i32
    %dma_start3A_19 = arith.constant 1 : i32
    %dma_start3A_20 = arith.constant 0 : i32
    %dma_start3A_21 = arith.constant 0 : i32
    %dma_start3A_22 = tpu.memref_slice %arg3[%dma_start3A_19, %dma_start3A_20, %dma_start3A_21] : memref<2x2560x125xi32, #tpu.memory_space<hbm>> -> memref<1x2560x125xi32, #tpu.memory_space<hbm>>
    %dma_start3A_23 = tpu.memref_squeeze %dma_start3A_22 : memref<1x2560x125xi32, #tpu.memory_space<hbm>> -> memref<2560x125xi32, #tpu.memory_space<hbm>>
    %dma_start3A_24 = arith.constant 0 : i32
    %dma_start3A_25 = tpu.memref_slice %dma_start3A_23[%mul3A_18, %dma_start3A_24] : memref<2560x125xi32, #tpu.memory_space<hbm>> -> memref<80x125xi32, #tpu.memory_space<hbm>>
    %dma_start3A_26 = arith.constant 0 : i32
    %dma_start3A_27 = arith.constant 0 : i32
    %dma_start3A_28 = tpu.memref_slice %arg3[%dma_start3A_19, %dma_start3A_26, %dma_start3A_27] : memref<2x2560x125xi32, #tpu.memory_space<hbm>> -> memref<1x2560x125xi32, #tpu.memory_space<hbm>>
    %dma_start3A_29 = tpu.memref_squeeze %dma_start3A_28 : memref<1x2560x125xi32, #tpu.memory_space<hbm>> -> memref<2560x125xi32, #tpu.memory_space<hbm>>
    %dma_start3A_30 = arith.constant 0 : i32
    %dma_start3A_31 = tpu.memref_slice %dma_start3A_29[%mul3A_18, %dma_start3A_30] : memref<2560x125xi32, #tpu.memory_space<hbm>> -> memref<80x125xi32, #tpu.memory_space<hbm>>
    tpu.enqueue_dma source(%dma_start3A_31 : memref<80x125xi32, #tpu.memory_space<hbm>>) target(%arg7 : memref<80x125xi32, #tpu.memory_space<vmem>>) target_semaphore(%arg10 : memref<!tpu.dma_semaphore, #tpu.memory_space<semaphore_mem>>)
    %dma_start3A_32 = arith.constant 0 : i32
    %dma_start3A_33 = tpu.memref_slice %arg9[%mul3A_2, %dma_start3A_32] : memref<10240x64xbf16, #tpu.memory_space<vmem_shared>> -> memref<640x64xbf16, #tpu.memory_space<vmem_shared>>
    %dma_start3A_34 = arith.constant 0 : i32
    %dma_start3A_35 = tpu.memref_slice %arg4[%mul3A_2, %dma_start3A_34] : memref<10240x64xbf16, #tpu.memory_space<hbm>> -> memref<640x64xbf16, #tpu.memory_space<hbm>>
    tpu.enqueue_dma source(%dma_start3A_35 : memref<640x64xbf16, #tpu.memory_space<hbm>>) target(%dma_start3A_33 : memref<640x64xbf16, #tpu.memory_space<vmem_shared>>) target_semaphore(%arg10 : memref<!tpu.dma_semaphore, #tpu.memory_space<semaphore_mem>>)
    %mul3A_36 = arith.constant 80 : i32
    %mul3A_37 = arith.muli %add3A, %mul3A_36 : i32
    %dma_wait3A = arith.constant 0 : i32
    %dma_wait3A_38 = arith.constant 0 : i32
    %dma_wait3A_39 = arith.constant 0 : i32
    %dma_wait3A_40 = tpu.memref_slice %arg3[%dma_wait3A, %dma_wait3A_38, %dma_wait3A_39] : memref<2x2560x125xi32, #tpu.memory_space<hbm>> -> memref<1x2560x125xi32, #tpu.memory_space<hbm>>
    %dma_wait3A_41 = tpu.memref_squeeze %dma_wait3A_40 : memref<1x2560x125xi32, #tpu.memory_space<hbm>> -> memref<2560x125xi32, #tpu.memory_space<hbm>>
    %dma_wait3A_42 = arith.constant 0 : i32
    %dma_wait3A_43 = tpu.memref_slice %dma_wait3A_41[%mul3A_37, %dma_wait3A_42] : memref<2560x125xi32, #tpu.memory_space<hbm>> -> memref<80x125xi32, #tpu.memory_space<hbm>>
    %dma_wait3A_44 = arith.constant 0 : i32
    %dma_wait3A_45 = arith.constant 0 : i32
    %dma_wait3A_46 = tpu.memref_slice %arg3[%dma_wait3A, %dma_wait3A_44, %dma_wait3A_45] : memref<2x2560x125xi32, #tpu.memory_space<hbm>> -> memref<1x2560x125xi32, #tpu.memory_space<hbm>>
    %dma_wait3A_47 = tpu.memref_squeeze %dma_wait3A_46 : memref<1x2560x125xi32, #tpu.memory_space<hbm>> -> memref<2560x125xi32, #tpu.memory_space<hbm>>
    %dma_wait3A_48 = arith.constant 0 : i32
    %dma_wait3A_49 = tpu.memref_slice %dma_wait3A_47[%mul3A_37, %dma_wait3A_48] : memref<2560x125xi32, #tpu.memory_space<hbm>> -> memref<80x125xi32, #tpu.memory_space<hbm>>
    tpu.wait_dma2 semaphore(%arg10 : memref<!tpu.dma_semaphore, #tpu.memory_space<semaphore_mem>>) src(%dma_wait3A_49 : memref<80x125xi32, #tpu.memory_space<hbm>>) dst(%arg6 : memref<80x125xi32, #tpu.memory_space<vmem>>)
    %mul3A_50 = arith.constant 80 : i32
    %mul3A_51 = arith.muli %add3A, %mul3A_50 : i32
    %dma_wait3A_52 = arith.constant 1 : i32
    %dma_wait3A_53 = arith.constant 0 : i32
    %dma_wait3A_54 = arith.constant 0 : i32
    %dma_wait3A_55 = tpu.memref_slice %arg3[%dma_wait3A_52, %dma_wait3A_53, %dma_wait3A_54] : memref<2x2560x125xi32, #tpu.memory_space<hbm>> -> memref<1x2560x125xi32, #tpu.memory_space<hbm>>
    %dma_wait3A_56 = tpu.memref_squeeze %dma_wait3A_55 : memref<1x2560x125xi32, #tpu.memory_space<hbm>> -> memref<2560x125xi32, #tpu.memory_space<hbm>>
    %dma_wait3A_57 = arith.constant 0 : i32
    %dma_wait3A_58 = tpu.memref_slice %dma_wait3A_56[%mul3A_51, %dma_wait3A_57] : memref<2560x125xi32, #tpu.memory_space<hbm>> -> memref<80x125xi32, #tpu.memory_space<hbm>>
    %dma_wait3A_59 = arith.constant 0 : i32
    %dma_wait3A_60 = arith.constant 0 : i32
    %dma_wait3A_61 = tpu.memref_slice %arg3[%dma_wait3A_52, %dma_wait3A_59, %dma_wait3A_60] : memref<2x2560x125xi32, #tpu.memory_space<hbm>> -> memref<1x2560x125xi32, #tpu.memory_space<hbm>>
    %dma_wait3A_62 = tpu.memref_squeeze %dma_wait3A_61 : memref<1x2560x125xi32, #tpu.memory_space<hbm>> -> memref<2560x125xi32, #tpu.memory_space<hbm>>
    %dma_wait3A_63 = arith.constant 0 : i32
    %dma_wait3A_64 = tpu.memref_slice %dma_wait3A_62[%mul3A_51, %dma_wait3A_63] : memref<2560x125xi32, #tpu.memory_space<hbm>> -> memref<80x125xi32, #tpu.memory_space<hbm>>
    tpu.wait_dma2 semaphore(%arg10 : memref<!tpu.dma_semaphore, #tpu.memory_space<semaphore_mem>>) src(%dma_wait3A_64 : memref<80x125xi32, #tpu.memory_space<hbm>>) dst(%arg7 : memref<80x125xi32, #tpu.memory_space<vmem>>)
    %dma_wait3A_65 = arith.constant 0 : i32
    %dma_wait3A_66 = tpu.memref_slice %arg9[%mul3A_2, %dma_wait3A_65] : memref<10240x64xbf16, #tpu.memory_space<vmem_shared>> -> memref<640x64xbf16, #tpu.memory_space<vmem_shared>>
    %dma_wait3A_67 = arith.constant 0 : i32
    %dma_wait3A_68 = tpu.memref_slice %arg4[%mul3A_2, %dma_wait3A_67] : memref<10240x64xbf16, #tpu.memory_space<hbm>> -> memref<640x64xbf16, #tpu.memory_space<hbm>>
    tpu.wait_dma2 semaphore(%arg10 : memref<!tpu.dma_semaphore, #tpu.memory_space<semaphore_mem>>) src(%dma_wait3A_68 : memref<640x64xbf16, #tpu.memory_space<hbm>>) dst(%dma_wait3A_66 : memref<640x64xbf16, #tpu.memory_space<vmem_shared>>)
    %barrier3A = arith.constant 0 : index
    tpu.barrier barrier_id(%barrier3A)
    %dma_start3A_69 = arith.constant 0 : i32
    %dma_start3A_70 = arith.constant 0 : i32
    %dma_start3A_71 = arith.constant 0 : i32
    %dma_start3A_72 = arith.constant 0 : i32
    %dma_start3A_73 = tpu.memref_slice %arg8[%dma_start3A_70, %dma_start3A_71, %dma_start3A_72] : memref<8x125x64xbf16, #tpu.memory_space<vmem>> -> memref<1x125x64xbf16, #tpu.memory_space<vmem>>
    %dma_start3A_74 = tpu.memref_squeeze %dma_start3A_73 : memref<1x125x64xbf16, #tpu.memory_space<vmem>> -> memref<125x64xbf16, #tpu.memory_space<vmem>>
    %dma_start3A_75 = arith.constant 0 : i32
    %dma_start3A_76 = tpu.memref_slice %arg6[%dma_start3A_69, %dma_start3A_75] : memref<80x125xi32, #tpu.memory_space<vmem>> -> memref<1x125xi32, #tpu.memory_space<vmem>>
    %dma_start3A_77 = tpu.memref_squeeze %dma_start3A_76 : memref<1x125xi32, #tpu.memory_space<vmem>> -> memref<125xi32, #tpu.memory_space<vmem>>
    %dma_start3A_78 = arith.constant 0 : i32
    %dma_start3A_79 = arith.constant 0 : i32
    %dma_start3A_80 = tpu.memref_slice %arg2[%dma_start3A_78, %dma_start3A_79] : memref<10240x64xbf16, #tpu.memory_space<hbm>> -> memref<10240x64xbf16, #tpu.memory_space<hbm>>
    tpu.enqueue_indirect_dma source(%dma_start3A_80 : memref<10240x64xbf16, #tpu.memory_space<hbm>>) target(%dma_start3A_74 : memref<125x64xbf16, #tpu.memory_space<vmem>>) offsets(%dma_start3A_77 : memref<125xi32, #tpu.memory_space<vmem>>) semaphore(%arg11 : memref<!tpu.dma_semaphore, #tpu.memory_space<semaphore_mem>>)
    %dma_start3A_81 = arith.constant 1 : i32
    %dma_start3A_82 = arith.constant 1 : i32
    %dma_start3A_83 = arith.constant 0 : i32
    %dma_start3A_84 = arith.constant 0 : i32
    %dma_start3A_85 = tpu.memref_slice %arg8[%dma_start3A_82, %dma_start3A_83, %dma_start3A_84] : memref<8x125x64xbf16, #tpu.memory_space<vmem>> -> memref<1x125x64xbf16, #tpu.memory_space<vmem>>
    %dma_start3A_86 = tpu.memref_squeeze %dma_start3A_85 : memref<1x125x64xbf16, #tpu.memory_space<vmem>> -> memref<125x64xbf16, #tpu.memory_space<vmem>>
    %dma_start3A_87 = arith.constant 0 : i32
    %dma_start3A_88 = tpu.memref_slice %arg6[%dma_start3A_81, %dma_start3A_87] : memref<80x125xi32, #tpu.memory_space<vmem>> -> memref<1x125xi32, #tpu.memory_space<vmem>>
    %dma_start3A_89 = tpu.memref_squeeze %dma_start3A_88 : memref<1x125xi32, #tpu.memory_space<vmem>> -> memref<125xi32, #tpu.memory_space<vmem>>
    %dma_start3A_90 = arith.constant 0 : i32
    %dma_start3A_91 = arith.constant 0 : i32
    %dma_start3A_92 = tpu.memref_slice %arg2[%dma_start3A_90, %dma_start3A_91] : memref<10240x64xbf16, #tpu.memory_space<hbm>> -> memref<10240x64xbf16, #tpu.memory_space<hbm>>
    tpu.enqueue_indirect_dma source(%dma_start3A_92 : memref<10240x64xbf16, #tpu.memory_space<hbm>>) target(%dma_start3A_86 : memref<125x64xbf16, #tpu.memory_space<vmem>>) offsets(%dma_start3A_89 : memref<125xi32, #tpu.memory_space<vmem>>) semaphore(%arg12 : memref<!tpu.dma_semaphore, #tpu.memory_space<semaphore_mem>>)
    %dma_start3A_93 = arith.constant 2 : i32
    %dma_start3A_94 = arith.constant 2 : i32
    %dma_start3A_95 = arith.constant 0 : i32
    %dma_start3A_96 = arith.constant 0 : i32
    %dma_start3A_97 = tpu.memref_slice %arg8[%dma_start3A_94, %dma_start3A_95, %dma_start3A_96] : memref<8x125x64xbf16, #tpu.memory_space<vmem>> -> memref<1x125x64xbf16, #tpu.memory_space<vmem>>
    %dma_start3A_98 = tpu.memref_squeeze %dma_start3A_97 : memref<1x125x64xbf16, #tpu.memory_space<vmem>> -> memref<125x64xbf16, #tpu.memory_space<vmem>>
    %dma_start3A_99 = arith.constant 0 : i32
    %dma_start3A_100 = tpu.memref_slice %arg6[%dma_start3A_93, %dma_start3A_99] : memref<80x125xi32, #tpu.memory_space<vmem>> -> memref<1x125xi32, #tpu.memory_space<vmem>>
    %dma_start3A_101 = tpu.memref_squeeze %dma_start3A_100 : memref<1x125xi32, #tpu.memory_space<vmem>> -> memref<125xi32, #tpu.memory_space<vmem>>
    %dma_start3A_102 = arith.constant 0 : i32
    %dma_start3A_103 = arith.constant 0 : i32
    %dma_start3A_104 = tpu.memref_slice %arg2[%dma_start3A_102, %dma_start3A_103] : memref<10240x64xbf16, #tpu.memory_space<hbm>> -> memref<10240x64xbf16, #tpu.memory_space<hbm>>
    tpu.enqueue_indirect_dma source(%dma_start3A_104 : memref<10240x64xbf16, #tpu.memory_space<hbm>>) target(%dma_start3A_98 : memref<125x64xbf16, #tpu.memory_space<vmem>>) offsets(%dma_start3A_101 : memref<125xi32, #tpu.memory_space<vmem>>) semaphore(%arg13 : memref<!tpu.dma_semaphore, #tpu.memory_space<semaphore_mem>>)
    %dma_start3A_105 = arith.constant 3 : i32
    %dma_start3A_106 = arith.constant 3 : i32
    %dma_start3A_107 = arith.constant 0 : i32
    %dma_start3A_108 = arith.constant 0 : i32
    %dma_start3A_109 = tpu.memref_slice %arg8[%dma_start3A_106, %dma_start3A_107, %dma_start3A_108] : memref<8x125x64xbf16, #tpu.memory_space<vmem>> -> memref<1x125x64xbf16, #tpu.memory_space<vmem>>
    %dma_start3A_110 = tpu.memref_squeeze %dma_start3A_109 : memref<1x125x64xbf16, #tpu.memory_space<vmem>> -> memref<125x64xbf16, #tpu.memory_space<vmem>>
    %dma_start3A_111 = arith.constant 0 : i32
    %dma_start3A_112 = tpu.memref_slice %arg6[%dma_start3A_105, %dma_start3A_111] : memref<80x125xi32, #tpu.memory_space<vmem>> -> memref<1x125xi32, #tpu.memory_space<vmem>>
    %dma_start3A_113 = tpu.memref_squeeze %dma_start3A_112 : memref<1x125xi32, #tpu.memory_space<vmem>> -> memref<125xi32, #tpu.memory_space<vmem>>
    %dma_start3A_114 = arith.constant 0 : i32
    %dma_start3A_115 = arith.constant 0 : i32
    %dma_start3A_116 = tpu.memref_slice %arg2[%dma_start3A_114, %dma_start3A_115] : memref<10240x64xbf16, #tpu.memory_space<hbm>> -> memref<10240x64xbf16, #tpu.memory_space<hbm>>
    tpu.enqueue_indirect_dma source(%dma_start3A_116 : memref<10240x64xbf16, #tpu.memory_space<hbm>>) target(%dma_start3A_110 : memref<125x64xbf16, #tpu.memory_space<vmem>>) offsets(%dma_start3A_113 : memref<125xi32, #tpu.memory_space<vmem>>) semaphore(%arg14 : memref<!tpu.dma_semaphore, #tpu.memory_space<semaphore_mem>>)
    %scan3A = arith.constant 0 : i32
    %scan3A_117 = arith.constant 0 : i32
    %scan3A_118 = arith.constant 10 : i32
    %scan3A_119 = arith.addi %scan3A_117, %scan3A_118 : i32
    %scan3A_120 = arith.constant 1 : i32
    scf.for %scan3A_221 = %scan3A_117 to %scan3A_119 step %scan3A_120  : i32 {
      %mul3A_222 = arith.constant 8 : i32
      %mul3A_223 = arith.muli %mul3A_222, %scan3A_221 : i32
      %add3A_224 = arith.constant 0 : i32
      %add3A_225 = arith.addi %mul3A_223, %add3A_224 : i32
      %add3A_226 = arith.constant 4 : i32
      %add3A_227 = arith.addi %add3A_225, %add3A_226 : i32
      %lt3A = arith.constant 80 : i32
      %lt3A_228 = arith.cmpi slt, %add3A_227, %lt3A : i32
      %convert_element_type3A = arith.extui %lt3A_228 : i1 to i32
      %cond3A = arith.constant 0 : i32
      %cond3A_229 = arith.cmpi ne, %convert_element_type3A, %cond3A : i32
      scf.if %cond3A_229 {
        %ge3A = arith.constant 8 : i32
        %ge3A_483 = arith.cmpi sge, %add3A_227, %ge3A : i32
        %convert_element_type3A_484 = arith.extui %ge3A_483 : i1 to i32
        %cond3A_485 = arith.constant 0 : i32
        %cond3A_486 = arith.cmpi ne, %convert_element_type3A_484, %cond3A_485 : i32
        scf.if %cond3A_486 {
          %sub3A = arith.constant 8 : i32
          %sub3A_498 = arith.subi %add3A_227, %sub3A : i32
          %dma_wait3A_499 = arith.constant 4 : i32
          %dma_wait3A_500 = arith.constant 0 : i32
          %dma_wait3A_501 = arith.constant 0 : i32
          %dma_wait3A_502 = tpu.memref_slice %arg8[%dma_wait3A_499, %dma_wait3A_500, %dma_wait3A_501] : memref<8x125x64xbf16, #tpu.memory_space<vmem>> -> memref<1x125x64xbf16, #tpu.memory_space<vmem>>
          %dma_wait3A_503 = tpu.memref_squeeze %dma_wait3A_502 : memref<1x125x64xbf16, #tpu.memory_space<vmem>> -> memref<125x64xbf16, #tpu.memory_space<vmem>>
          %dma_wait3A_504 = arith.constant 0 : i32
          %dma_wait3A_505 = tpu.memref_slice %arg7[%sub3A_498, %dma_wait3A_504] : memref<80x125xi32, #tpu.memory_space<vmem>> -> memref<1x125xi32, #tpu.memory_space<vmem>>
          %dma_wait3A_506 = tpu.memref_squeeze %dma_wait3A_505 : memref<1x125xi32, #tpu.memory_space<vmem>> -> memref<125xi32, #tpu.memory_space<vmem>>
          %dma_wait3A_507 = arith.constant 0 : i32
          %dma_wait3A_508 = arith.constant 0 : i32
          %dma_wait3A_509 = tpu.memref_slice %arg9[%dma_wait3A_507, %dma_wait3A_508] : memref<10240x64xbf16, #tpu.memory_space<vmem_shared>> -> memref<10240x64xbf16, #tpu.memory_space<vmem_shared>>
          tpu.wait_indirect_dma semaphore(%arg23 : memref<!tpu.dma_semaphore, #tpu.memory_space<semaphore_mem>>) src(%dma_wait3A_503 : memref<125x64xbf16, #tpu.memory_space<vmem>>) dst(%dma_wait3A_509 : memref<10240x64xbf16, #tpu.memory_space<vmem_shared>>)
        } else {
        }
        %dma_start3A_487 = arith.constant 4 : i32
        %dma_start3A_488 = arith.constant 0 : i32
        %dma_start3A_489 = arith.constant 0 : i32
        %dma_start3A_490 = tpu.memref_slice %arg8[%dma_start3A_487, %dma_start3A_488, %dma_start3A_489] : memref<8x125x64xbf16, #tpu.memory_space<vmem>> -> memref<1x125x64xbf16, #tpu.memory_space<vmem>>
        %dma_start3A_491 = tpu.memref_squeeze %dma_start3A_490 : memref<1x125x64xbf16, #tpu.memory_space<vmem>> -> memref<125x64xbf16, #tpu.memory_space<vmem>>
        %dma_start3A_492 = arith.constant 0 : i32
        %dma_start3A_493 = tpu.memref_slice %arg6[%add3A_227, %dma_start3A_492] : memref<80x125xi32, #tpu.memory_space<vmem>> -> memref<1x125xi32, #tpu.memory_space<vmem>>
        %dma_start3A_494 = tpu.memref_squeeze %dma_start3A_493 : memref<1x125xi32, #tpu.memory_space<vmem>> -> memref<125xi32, #tpu.memory_space<vmem>>
        %dma_start3A_495 = arith.constant 0 : i32
        %dma_start3A_496 = arith.constant 0 : i32
        %dma_start3A_497 = tpu.memref_slice %arg2[%dma_start3A_495, %dma_start3A_496] : memref<10240x64xbf16, #tpu.memory_space<hbm>> -> memref<10240x64xbf16, #tpu.memory_space<hbm>>
        tpu.enqueue_indirect_dma source(%dma_start3A_497 : memref<10240x64xbf16, #tpu.memory_space<hbm>>) target(%dma_start3A_491 : memref<125x64xbf16, #tpu.memory_space<vmem>>) offsets(%dma_start3A_494 : memref<125xi32, #tpu.memory_space<vmem>>) semaphore(%arg15 : memref<!tpu.dma_semaphore, #tpu.memory_space<semaphore_mem>>)
      } else {
      }
      %dma_wait3A_230 = arith.constant 0 : i32
      %dma_wait3A_231 = arith.constant 0 : i32
      %dma_wait3A_232 = arith.constant 0 : i32
      %dma_wait3A_233 = tpu.memref_slice %arg8[%dma_wait3A_230, %dma_wait3A_231, %dma_wait3A_232] : memref<8x125x64xbf16, #tpu.memory_space<vmem>> -> memref<1x125x64xbf16, #tpu.memory_space<vmem>>
      %dma_wait3A_234 = tpu.memref_squeeze %dma_wait3A_233 : memref<1x125x64xbf16, #tpu.memory_space<vmem>> -> memref<125x64xbf16, #tpu.memory_space<vmem>>
      %dma_wait3A_235 = arith.constant 0 : i32
      %dma_wait3A_236 = tpu.memref_slice %arg6[%add3A_225, %dma_wait3A_235] : memref<80x125xi32, #tpu.memory_space<vmem>> -> memref<1x125xi32, #tpu.memory_space<vmem>>
      %dma_wait3A_237 = tpu.memref_squeeze %dma_wait3A_236 : memref<1x125xi32, #tpu.memory_space<vmem>> -> memref<125xi32, #tpu.memory_space<vmem>>
      %dma_wait3A_238 = arith.constant 0 : i32
      %dma_wait3A_239 = arith.constant 0 : i32
      %dma_wait3A_240 = tpu.memref_slice %arg2[%dma_wait3A_238, %dma_wait3A_239] : memref<10240x64xbf16, #tpu.memory_space<hbm>> -> memref<10240x64xbf16, #tpu.memory_space<hbm>>
      tpu.wait_indirect_dma semaphore(%arg11 : memref<!tpu.dma_semaphore, #tpu.memory_space<semaphore_mem>>) src(%dma_wait3A_240 : memref<10240x64xbf16, #tpu.memory_space<hbm>>) dst(%dma_wait3A_234 : memref<125x64xbf16, #tpu.memory_space<vmem>>)
      %dma_start3A_241 = arith.constant 0 : i32
      %dma_start3A_242 = arith.constant 0 : i32
      %dma_start3A_243 = arith.constant 0 : i32
      %dma_start3A_244 = tpu.memref_slice %arg8[%dma_start3A_241, %dma_start3A_242, %dma_start3A_243] : memref<8x125x64xbf16, #tpu.memory_space<vmem>> -> memref<1x125x64xbf16, #tpu.memory_space<vmem>>
      %dma_start3A_245 = tpu.memref_squeeze %dma_start3A_244 : memref<1x125x64xbf16, #tpu.memory_space<vmem>> -> memref<125x64xbf16, #tpu.memory_space<vmem>>
      %dma_start3A_246 = arith.constant 0 : i32
      %dma_start3A_247 = tpu.memref_slice %arg7[%add3A_225, %dma_start3A_246] : memref<80x125xi32, #tpu.memory_space<vmem>> -> memref<1x125xi32, #tpu.memory_space<vmem>>
      %dma_start3A_248 = tpu.memref_squeeze %dma_start3A_247 : memref<1x125xi32, #tpu.memory_space<vmem>> -> memref<125xi32, #tpu.memory_space<vmem>>
      %dma_start3A_249 = arith.constant 0 : i32
      %dma_start3A_250 = arith.constant 0 : i32
      %dma_start3A_251 = tpu.memref_slice %arg9[%dma_start3A_249, %dma_start3A_250] : memref<10240x64xbf16, #tpu.memory_space<vmem_shared>> -> memref<10240x64xbf16, #tpu.memory_space<vmem_shared>>
      tpu.enqueue_indirect_dma source(%dma_start3A_245 : memref<125x64xbf16, #tpu.memory_space<vmem>>) target(%dma_start3A_251 : memref<10240x64xbf16, #tpu.memory_space<vmem_shared>>) offsets(%dma_start3A_248 : memref<125xi32, #tpu.memory_space<vmem>>) semaphore(%arg19 : memref<!tpu.dma_semaphore, #tpu.memory_space<semaphore_mem>>) {add = true}
      %mul3A_252 = arith.constant 8 : i32
      %mul3A_253 = arith.muli %mul3A_252, %scan3A_221 : i32
      %add3A_254 = arith.constant 1 : i32
      %add3A_255 = arith.addi %mul3A_253, %add3A_254 : i32
      %add3A_256 = arith.constant 4 : i32
      %add3A_257 = arith.addi %add3A_255, %add3A_256 : i32
      %lt3A_258 = arith.constant 80 : i32
      %lt3A_259 = arith.cmpi slt, %add3A_257, %lt3A_258 : i32
      %convert_element_type3A_260 = arith.extui %lt3A_259 : i1 to i32
      %cond3A_261 = arith.constant 0 : i32
      %cond3A_262 = arith.cmpi ne, %convert_element_type3A_260, %cond3A_261 : i32
      scf.if %cond3A_262 {
        %ge3A = arith.constant 8 : i32
        %ge3A_483 = arith.cmpi sge, %add3A_257, %ge3A : i32
        %convert_element_type3A_484 = arith.extui %ge3A_483 : i1 to i32
        %cond3A_485 = arith.constant 0 : i32
        %cond3A_486 = arith.cmpi ne, %convert_element_type3A_484, %cond3A_485 : i32
        scf.if %cond3A_486 {
          %sub3A = arith.constant 8 : i32
          %sub3A_498 = arith.subi %add3A_257, %sub3A : i32
          %dma_wait3A_499 = arith.constant 5 : i32
          %dma_wait3A_500 = arith.constant 0 : i32
          %dma_wait3A_501 = arith.constant 0 : i32
          %dma_wait3A_502 = tpu.memref_slice %arg8[%dma_wait3A_499, %dma_wait3A_500, %dma_wait3A_501] : memref<8x125x64xbf16, #tpu.memory_space<vmem>> -> memref<1x125x64xbf16, #tpu.memory_space<vmem>>
          %dma_wait3A_503 = tpu.memref_squeeze %dma_wait3A_502 : memref<1x125x64xbf16, #tpu.memory_space<vmem>> -> memref<125x64xbf16, #tpu.memory_space<vmem>>
          %dma_wait3A_504 = arith.constant 0 : i32
          %dma_wait3A_505 = tpu.memref_slice %arg7[%sub3A_498, %dma_wait3A_504] : memref<80x125xi32, #tpu.memory_space<vmem>> -> memref<1x125xi32, #tpu.memory_space<vmem>>
          %dma_wait3A_506 = tpu.memref_squeeze %dma_wait3A_505 : memref<1x125xi32, #tpu.memory_space<vmem>> -> memref<125xi32, #tpu.memory_space<vmem>>
          %dma_wait3A_507 = arith.constant 0 : i32
          %dma_wait3A_508 = arith.constant 0 : i32
          %dma_wait3A_509 = tpu.memref_slice %arg9[%dma_wait3A_507, %dma_wait3A_508] : memref<10240x64xbf16, #tpu.memory_space<vmem_shared>> -> memref<10240x64xbf16, #tpu.memory_space<vmem_shared>>
          tpu.wait_indirect_dma semaphore(%arg24 : memref<!tpu.dma_semaphore, #tpu.memory_space<semaphore_mem>>) src(%dma_wait3A_503 : memref<125x64xbf16, #tpu.memory_space<vmem>>) dst(%dma_wait3A_509 : memref<10240x64xbf16, #tpu.memory_space<vmem_shared>>)
        } else {
        }
        %dma_start3A_487 = arith.constant 5 : i32
        %dma_start3A_488 = arith.constant 0 : i32
        %dma_start3A_489 = arith.constant 0 : i32
        %dma_start3A_490 = tpu.memref_slice %arg8[%dma_start3A_487, %dma_start3A_488, %dma_start3A_489] : memref<8x125x64xbf16, #tpu.memory_space<vmem>> -> memref<1x125x64xbf16, #tpu.memory_space<vmem>>
        %dma_start3A_491 = tpu.memref_squeeze %dma_start3A_490 : memref<1x125x64xbf16, #tpu.memory_space<vmem>> -> memref<125x64xbf16, #tpu.memory_space<vmem>>
        %dma_start3A_492 = arith.constant 0 : i32
        %dma_start3A_493 = tpu.memref_slice %arg6[%add3A_257, %dma_start3A_492] : memref<80x125xi32, #tpu.memory_space<vmem>> -> memref<1x125xi32, #tpu.memory_space<vmem>>
        %dma_start3A_494 = tpu.memref_squeeze %dma_start3A_493 : memref<1x125xi32, #tpu.memory_space<vmem>> -> memref<125xi32, #tpu.memory_space<vmem>>
        %dma_start3A_495 = arith.constant 0 : i32
        %dma_start3A_496 = arith.constant 0 : i32
        %dma_start3A_497 = tpu.memref_slice %arg2[%dma_start3A_495, %dma_start3A_496] : memref<10240x64xbf16, #tpu.memory_space<hbm>> -> memref<10240x64xbf16, #tpu.memory_space<hbm>>
        tpu.enqueue_indirect_dma source(%dma_start3A_497 : memref<10240x64xbf16, #tpu.memory_space<hbm>>) target(%dma_start3A_491 : memref<125x64xbf16, #tpu.memory_space<vmem>>) offsets(%dma_start3A_494 : memref<125xi32, #tpu.memory_space<vmem>>) semaphore(%arg16 : memref<!tpu.dma_semaphore, #tpu.memory_space<semaphore_mem>>)
      } else {
      }
      %dma_wait3A_263 = arith.constant 1 : i32
      %dma_wait3A_264 = arith.constant 0 : i32
      %dma_wait3A_265 = arith.constant 0 : i32
      %dma_wait3A_266 = tpu.memref_slice %arg8[%dma_wait3A_263, %dma_wait3A_264, %dma_wait3A_265] : memref<8x125x64xbf16, #tpu.memory_space<vmem>> -> memref<1x125x64xbf16, #tpu.memory_space<vmem>>
      %dma_wait3A_267 = tpu.memref_squeeze %dma_wait3A_266 : memref<1x125x64xbf16, #tpu.memory_space<vmem>> -> memref<125x64xbf16, #tpu.memory_space<vmem>>
      %dma_wait3A_268 = arith.constant 0 : i32
      %dma_wait3A_269 = tpu.memref_slice %arg6[%add3A_255, %dma_wait3A_268] : memref<80x125xi32, #tpu.memory_space<vmem>> -> memref<1x125xi32, #tpu.memory_space<vmem>>
      %dma_wait3A_270 = tpu.memref_squeeze %dma_wait3A_269 : memref<1x125xi32, #tpu.memory_space<vmem>> -> memref<125xi32, #tpu.memory_space<vmem>>
      %dma_wait3A_271 = arith.constant 0 : i32
      %dma_wait3A_272 = arith.constant 0 : i32
      %dma_wait3A_273 = tpu.memref_slice %arg2[%dma_wait3A_271, %dma_wait3A_272] : memref<10240x64xbf16, #tpu.memory_space<hbm>> -> memref<10240x64xbf16, #tpu.memory_space<hbm>>
      tpu.wait_indirect_dma semaphore(%arg12 : memref<!tpu.dma_semaphore, #tpu.memory_space<semaphore_mem>>) src(%dma_wait3A_273 : memref<10240x64xbf16, #tpu.memory_space<hbm>>) dst(%dma_wait3A_267 : memref<125x64xbf16, #tpu.memory_space<vmem>>)
      %dma_start3A_274 = arith.constant 1 : i32
      %dma_start3A_275 = arith.constant 0 : i32
      %dma_start3A_276 = arith.constant 0 : i32
      %dma_start3A_277 = tpu.memref_slice %arg8[%dma_start3A_274, %dma_start3A_275, %dma_start3A_276] : memref<8x125x64xbf16, #tpu.memory_space<vmem>> -> memref<1x125x64xbf16, #tpu.memory_space<vmem>>
      %dma_start3A_278 = tpu.memref_squeeze %dma_start3A_277 : memref<1x125x64xbf16, #tpu.memory_space<vmem>> -> memref<125x64xbf16, #tpu.memory_space<vmem>>
      %dma_start3A_279 = arith.constant 0 : i32
      %dma_start3A_280 = tpu.memref_slice %arg7[%add3A_255, %dma_start3A_279] : memref<80x125xi32, #tpu.memory_space<vmem>> -> memref<1x125xi32, #tpu.memory_space<vmem>>
      %dma_start3A_281 = tpu.memref_squeeze %dma_start3A_280 : memref<1x125xi32, #tpu.memory_space<vmem>> -> memref<125xi32, #tpu.memory_space<vmem>>
      %dma_start3A_282 = arith.constant 0 : i32
      %dma_start3A_283 = arith.constant 0 : i32
      %dma_start3A_284 = tpu.memref_slice %arg9[%dma_start3A_282, %dma_start3A_283] : memref<10240x64xbf16, #tpu.memory_space<vmem_shared>> -> memref<10240x64xbf16, #tpu.memory_space<vmem_shared>>
      tpu.enqueue_indirect_dma source(%dma_start3A_278 : memref<125x64xbf16, #tpu.memory_space<vmem>>) target(%dma_start3A_284 : memref<10240x64xbf16, #tpu.memory_space<vmem_shared>>) offsets(%dma_start3A_281 : memref<125xi32, #tpu.memory_space<vmem>>) semaphore(%arg20 : memref<!tpu.dma_semaphore, #tpu.memory_space<semaphore_mem>>) {add = true}
      %mul3A_285 = arith.constant 8 : i32
      %mul3A_286 = arith.muli %mul3A_285, %scan3A_221 : i32
      %add3A_287 = arith.constant 2 : i32
      %add3A_288 = arith.addi %mul3A_286, %add3A_287 : i32
      %add3A_289 = arith.constant 4 : i32
      %add3A_290 = arith.addi %add3A_288, %add3A_289 : i32
      %lt3A_291 = arith.constant 80 : i32
      %lt3A_292 = arith.cmpi slt, %add3A_290, %lt3A_291 : i32
      %convert_element_type3A_293 = arith.extui %lt3A_292 : i1 to i32
      %cond3A_294 = arith.constant 0 : i32
      %cond3A_295 = arith.cmpi ne, %convert_element_type3A_293, %cond3A_294 : i32
      scf.if %cond3A_295 {
        %ge3A = arith.constant 8 : i32
        %ge3A_483 = arith.cmpi sge, %add3A_290, %ge3A : i32
        %convert_element_type3A_484 = arith.extui %ge3A_483 : i1 to i32
        %cond3A_485 = arith.constant 0 : i32
        %cond3A_486 = arith.cmpi ne, %convert_element_type3A_484, %cond3A_485 : i32
        scf.if %cond3A_486 {
          %sub3A = arith.constant 8 : i32
          %sub3A_498 = arith.subi %add3A_290, %sub3A : i32
          %dma_wait3A_499 = arith.constant 6 : i32
          %dma_wait3A_500 = arith.constant 0 : i32
          %dma_wait3A_501 = arith.constant 0 : i32
          %dma_wait3A_502 = tpu.memref_slice %arg8[%dma_wait3A_499, %dma_wait3A_500, %dma_wait3A_501] : memref<8x125x64xbf16, #tpu.memory_space<vmem>> -> memref<1x125x64xbf16, #tpu.memory_space<vmem>>
          %dma_wait3A_503 = tpu.memref_squeeze %dma_wait3A_502 : memref<1x125x64xbf16, #tpu.memory_space<vmem>> -> memref<125x64xbf16, #tpu.memory_space<vmem>>
          %dma_wait3A_504 = arith.constant 0 : i32
          %dma_wait3A_505 = tpu.memref_slice %arg7[%sub3A_498, %dma_wait3A_504] : memref<80x125xi32, #tpu.memory_space<vmem>> -> memref<1x125xi32, #tpu.memory_space<vmem>>
          %dma_wait3A_506 = tpu.memref_squeeze %dma_wait3A_505 : memref<1x125xi32, #tpu.memory_space<vmem>> -> memref<125xi32, #tpu.memory_space<vmem>>
          %dma_wait3A_507 = arith.constant 0 : i32
          %dma_wait3A_508 = arith.constant 0 : i32
          %dma_wait3A_509 = tpu.memref_slice %arg9[%dma_wait3A_507, %dma_wait3A_508] : memref<10240x64xbf16, #tpu.memory_space<vmem_shared>> -> memref<10240x64xbf16, #tpu.memory_space<vmem_shared>>
          tpu.wait_indirect_dma semaphore(%arg25 : memref<!tpu.dma_semaphore, #tpu.memory_space<semaphore_mem>>) src(%dma_wait3A_503 : memref<125x64xbf16, #tpu.memory_space<vmem>>) dst(%dma_wait3A_509 : memref<10240x64xbf16, #tpu.memory_space<vmem_shared>>)
        } else {
        }
        %dma_start3A_487 = arith.constant 6 : i32
        %dma_start3A_488 = arith.constant 0 : i32
        %dma_start3A_489 = arith.constant 0 : i32
        %dma_start3A_490 = tpu.memref_slice %arg8[%dma_start3A_487, %dma_start3A_488, %dma_start3A_489] : memref<8x125x64xbf16, #tpu.memory_space<vmem>> -> memref<1x125x64xbf16, #tpu.memory_space<vmem>>
        %dma_start3A_491 = tpu.memref_squeeze %dma_start3A_490 : memref<1x125x64xbf16, #tpu.memory_space<vmem>> -> memref<125x64xbf16, #tpu.memory_space<vmem>>
        %dma_start3A_492 = arith.constant 0 : i32
        %dma_start3A_493 = tpu.memref_slice %arg6[%add3A_290, %dma_start3A_492] : memref<80x125xi32, #tpu.memory_space<vmem>> -> memref<1x125xi32, #tpu.memory_space<vmem>>
        %dma_start3A_494 = tpu.memref_squeeze %dma_start3A_493 : memref<1x125xi32, #tpu.memory_space<vmem>> -> memref<125xi32, #tpu.memory_space<vmem>>
        %dma_start3A_495 = arith.constant 0 : i32
        %dma_start3A_496 = arith.constant 0 : i32
        %dma_start3A_497 = tpu.memref_slice %arg2[%dma_start3A_495, %dma_start3A_496] : memref<10240x64xbf16, #tpu.memory_space<hbm>> -> memref<10240x64xbf16, #tpu.memory_space<hbm>>
        tpu.enqueue_indirect_dma source(%dma_start3A_497 : memref<10240x64xbf16, #tpu.memory_space<hbm>>) target(%dma_start3A_491 : memref<125x64xbf16, #tpu.memory_space<vmem>>) offsets(%dma_start3A_494 : memref<125xi32, #tpu.memory_space<vmem>>) semaphore(%arg17 : memref<!tpu.dma_semaphore, #tpu.memory_space<semaphore_mem>>)
      } else {
      }
      %dma_wait3A_296 = arith.constant 2 : i32
      %dma_wait3A_297 = arith.constant 0 : i32
      %dma_wait3A_298 = arith.constant 0 : i32
      %dma_wait3A_299 = tpu.memref_slice %arg8[%dma_wait3A_296, %dma_wait3A_297, %dma_wait3A_298] : memref<8x125x64xbf16, #tpu.memory_space<vmem>> -> memref<1x125x64xbf16, #tpu.memory_space<vmem>>
      %dma_wait3A_300 = tpu.memref_squeeze %dma_wait3A_299 : memref<1x125x64xbf16, #tpu.memory_space<vmem>> -> memref<125x64xbf16, #tpu.memory_space<vmem>>
      %dma_wait3A_301 = arith.constant 0 : i32
      %dma_wait3A_302 = tpu.memref_slice %arg6[%add3A_288, %dma_wait3A_301] : memref<80x125xi32, #tpu.memory_space<vmem>> -> memref<1x125xi32, #tpu.memory_space<vmem>>
      %dma_wait3A_303 = tpu.memref_squeeze %dma_wait3A_302 : memref<1x125xi32, #tpu.memory_space<vmem>> -> memref<125xi32, #tpu.memory_space<vmem>>
      %dma_wait3A_304 = arith.constant 0 : i32
      %dma_wait3A_305 = arith.constant 0 : i32
      %dma_wait3A_306 = tpu.memref_slice %arg2[%dma_wait3A_304, %dma_wait3A_305] : memref<10240x64xbf16, #tpu.memory_space<hbm>> -> memref<10240x64xbf16, #tpu.memory_space<hbm>>
      tpu.wait_indirect_dma semaphore(%arg13 : memref<!tpu.dma_semaphore, #tpu.memory_space<semaphore_mem>>) src(%dma_wait3A_306 : memref<10240x64xbf16, #tpu.memory_space<hbm>>) dst(%dma_wait3A_300 : memref<125x64xbf16, #tpu.memory_space<vmem>>)
      %dma_start3A_307 = arith.constant 2 : i32
      %dma_start3A_308 = arith.constant 0 : i32
      %dma_start3A_309 = arith.constant 0 : i32
      %dma_start3A_310 = tpu.memref_slice %arg8[%dma_start3A_307, %dma_start3A_308, %dma_start3A_309] : memref<8x125x64xbf16, #tpu.memory_space<vmem>> -> memref<1x125x64xbf16, #tpu.memory_space<vmem>>
      %dma_start3A_311 = tpu.memref_squeeze %dma_start3A_310 : memref<1x125x64xbf16, #tpu.memory_space<vmem>> -> memref<125x64xbf16, #tpu.memory_space<vmem>>
      %dma_start3A_312 = arith.constant 0 : i32
      %dma_start3A_313 = tpu.memref_slice %arg7[%add3A_288, %dma_start3A_312] : memref<80x125xi32, #tpu.memory_space<vmem>> -> memref<1x125xi32, #tpu.memory_space<vmem>>
      %dma_start3A_314 = tpu.memref_squeeze %dma_start3A_313 : memref<1x125xi32, #tpu.memory_space<vmem>> -> memref<125xi32, #tpu.memory_space<vmem>>
      %dma_start3A_315 = arith.constant 0 : i32
      %dma_start3A_316 = arith.constant 0 : i32
      %dma_start3A_317 = tpu.memref_slice %arg9[%dma_start3A_315, %dma_start3A_316] : memref<10240x64xbf16, #tpu.memory_space<vmem_shared>> -> memref<10240x64xbf16, #tpu.memory_space<vmem_shared>>
      tpu.enqueue_indirect_dma source(%dma_start3A_311 : memref<125x64xbf16, #tpu.memory_space<vmem>>) target(%dma_start3A_317 : memref<10240x64xbf16, #tpu.memory_space<vmem_shared>>) offsets(%dma_start3A_314 : memref<125xi32, #tpu.memory_space<vmem>>) semaphore(%arg21 : memref<!tpu.dma_semaphore, #tpu.memory_space<semaphore_mem>>) {add = true}
      %mul3A_318 = arith.constant 8 : i32
      %mul3A_319 = arith.muli %mul3A_318, %scan3A_221 : i32
      %add3A_320 = arith.constant 3 : i32
      %add3A_321 = arith.addi %mul3A_319, %add3A_320 : i32
      %add3A_322 = arith.constant 4 : i32
      %add3A_323 = arith.addi %add3A_321, %add3A_322 : i32
      %lt3A_324 = arith.constant 80 : i32
      %lt3A_325 = arith.cmpi slt, %add3A_323, %lt3A_324 : i32
      %convert_element_type3A_326 = arith.extui %lt3A_325 : i1 to i32
      %cond3A_327 = arith.constant 0 : i32
      %cond3A_328 = arith.cmpi ne, %convert_element_type3A_326, %cond3A_327 : i32
      scf.if %cond3A_328 {
        %ge3A = arith.constant 8 : i32
        %ge3A_483 = arith.cmpi sge, %add3A_323, %ge3A : i32
        %convert_element_type3A_484 = arith.extui %ge3A_483 : i1 to i32
        %cond3A_485 = arith.constant 0 : i32
        %cond3A_486 = arith.cmpi ne, %convert_element_type3A_484, %cond3A_485 : i32
        scf.if %cond3A_486 {
          %sub3A = arith.constant 8 : i32
          %sub3A_498 = arith.subi %add3A_323, %sub3A : i32
          %dma_wait3A_499 = arith.constant 7 : i32
          %dma_wait3A_500 = arith.constant 0 : i32
          %dma_wait3A_501 = arith.constant 0 : i32
          %dma_wait3A_502 = tpu.memref_slice %arg8[%dma_wait3A_499, %dma_wait3A_500, %dma_wait3A_501] : memref<8x125x64xbf16, #tpu.memory_space<vmem>> -> memref<1x125x64xbf16, #tpu.memory_space<vmem>>
          %dma_wait3A_503 = tpu.memref_squeeze %dma_wait3A_502 : memref<1x125x64xbf16, #tpu.memory_space<vmem>> -> memref<125x64xbf16, #tpu.memory_space<vmem>>
          %dma_wait3A_504 = arith.constant 0 : i32
          %dma_wait3A_505 = tpu.memref_slice %arg7[%sub3A_498, %dma_wait3A_504] : memref<80x125xi32, #tpu.memory_space<vmem>> -> memref<1x125xi32, #tpu.memory_space<vmem>>
          %dma_wait3A_506 = tpu.memref_squeeze %dma_wait3A_505 : memref<1x125xi32, #tpu.memory_space<vmem>> -> memref<125xi32, #tpu.memory_space<vmem>>
          %dma_wait3A_507 = arith.constant 0 : i32
          %dma_wait3A_508 = arith.constant 0 : i32
          %dma_wait3A_509 = tpu.memref_slice %arg9[%dma_wait3A_507, %dma_wait3A_508] : memref<10240x64xbf16, #tpu.memory_space<vmem_shared>> -> memref<10240x64xbf16, #tpu.memory_space<vmem_shared>>
          tpu.wait_indirect_dma semaphore(%arg26 : memref<!tpu.dma_semaphore, #tpu.memory_space<semaphore_mem>>) src(%dma_wait3A_503 : memref<125x64xbf16, #tpu.memory_space<vmem>>) dst(%dma_wait3A_509 : memref<10240x64xbf16, #tpu.memory_space<vmem_shared>>)
        } else {
        }
        %dma_start3A_487 = arith.constant 7 : i32
        %dma_start3A_488 = arith.constant 0 : i32
        %dma_start3A_489 = arith.constant 0 : i32
        %dma_start3A_490 = tpu.memref_slice %arg8[%dma_start3A_487, %dma_start3A_488, %dma_start3A_489] : memref<8x125x64xbf16, #tpu.memory_space<vmem>> -> memref<1x125x64xbf16, #tpu.memory_space<vmem>>
        %dma_start3A_491 = tpu.memref_squeeze %dma_start3A_490 : memref<1x125x64xbf16, #tpu.memory_space<vmem>> -> memref<125x64xbf16, #tpu.memory_space<vmem>>
        %dma_start3A_492 = arith.constant 0 : i32
        %dma_start3A_493 = tpu.memref_slice %arg6[%add3A_323, %dma_start3A_492] : memref<80x125xi32, #tpu.memory_space<vmem>> -> memref<1x125xi32, #tpu.memory_space<vmem>>
        %dma_start3A_494 = tpu.memref_squeeze %dma_start3A_493 : memref<1x125xi32, #tpu.memory_space<vmem>> -> memref<125xi32, #tpu.memory_space<vmem>>
        %dma_start3A_495 = arith.constant 0 : i32
        %dma_start3A_496 = arith.constant 0 : i32
        %dma_start3A_497 = tpu.memref_slice %arg2[%dma_start3A_495, %dma_start3A_496] : memref<10240x64xbf16, #tpu.memory_space<hbm>> -> memref<10240x64xbf16, #tpu.memory_space<hbm>>
        tpu.enqueue_indirect_dma source(%dma_start3A_497 : memref<10240x64xbf16, #tpu.memory_space<hbm>>) target(%dma_start3A_491 : memref<125x64xbf16, #tpu.memory_space<vmem>>) offsets(%dma_start3A_494 : memref<125xi32, #tpu.memory_space<vmem>>) semaphore(%arg18 : memref<!tpu.dma_semaphore, #tpu.memory_space<semaphore_mem>>)
      } else {
      }
      %dma_wait3A_329 = arith.constant 3 : i32
      %dma_wait3A_330 = arith.constant 0 : i32
      %dma_wait3A_331 = arith.constant 0 : i32
      %dma_wait3A_332 = tpu.memref_slice %arg8[%dma_wait3A_329, %dma_wait3A_330, %dma_wait3A_331] : memref<8x125x64xbf16, #tpu.memory_space<vmem>> -> memref<1x125x64xbf16, #tpu.memory_space<vmem>>
      %dma_wait3A_333 = tpu.memref_squeeze %dma_wait3A_332 : memref<1x125x64xbf16, #tpu.memory_space<vmem>> -> memref<125x64xbf16, #tpu.memory_space<vmem>>
      %dma_wait3A_334 = arith.constant 0 : i32
      %dma_wait3A_335 = tpu.memref_slice %arg6[%add3A_321, %dma_wait3A_334] : memref<80x125xi32, #tpu.memory_space<vmem>> -> memref<1x125xi32, #tpu.memory_space<vmem>>
      %dma_wait3A_336 = tpu.memref_squeeze %dma_wait3A_335 : memref<1x125xi32, #tpu.memory_space<vmem>> -> memref<125xi32, #tpu.memory_space<vmem>>
      %dma_wait3A_337 = arith.constant 0 : i32
      %dma_wait3A_338 = arith.constant 0 : i32
      %dma_wait3A_339 = tpu.memref_slice %arg2[%dma_wait3A_337, %dma_wait3A_338] : memref<10240x64xbf16, #tpu.memory_space<hbm>> -> memref<10240x64xbf16, #tpu.memory_space<hbm>>
      tpu.wait_indirect_dma semaphore(%arg14 : memref<!tpu.dma_semaphore, #tpu.memory_space<semaphore_mem>>) src(%dma_wait3A_339 : memref<10240x64xbf16, #tpu.memory_space<hbm>>) dst(%dma_wait3A_333 : memref<125x64xbf16, #tpu.memory_space<vmem>>)
      %dma_start3A_340 = arith.constant 3 : i32
      %dma_start3A_341 = arith.constant 0 : i32
      %dma_start3A_342 = arith.constant 0 : i32
      %dma_start3A_343 = tpu.memref_slice %arg8[%dma_start3A_340, %dma_start3A_341, %dma_start3A_342] : memref<8x125x64xbf16, #tpu.memory_space<vmem>> -> memref<1x125x64xbf16, #tpu.memory_space<vmem>>
      %dma_start3A_344 = tpu.memref_squeeze %dma_start3A_343 : memref<1x125x64xbf16, #tpu.memory_space<vmem>> -> memref<125x64xbf16, #tpu.memory_space<vmem>>
      %dma_start3A_345 = arith.constant 0 : i32
      %dma_start3A_346 = tpu.memref_slice %arg7[%add3A_321, %dma_start3A_345] : memref<80x125xi32, #tpu.memory_space<vmem>> -> memref<1x125xi32, #tpu.memory_space<vmem>>
      %dma_start3A_347 = tpu.memref_squeeze %dma_start3A_346 : memref<1x125xi32, #tpu.memory_space<vmem>> -> memref<125xi32, #tpu.memory_space<vmem>>
      %dma_start3A_348 = arith.constant 0 : i32
      %dma_start3A_349 = arith.constant 0 : i32
      %dma_start3A_350 = tpu.memref_slice %arg9[%dma_start3A_348, %dma_start3A_349] : memref<10240x64xbf16, #tpu.memory_space<vmem_shared>> -> memref<10240x64xbf16, #tpu.memory_space<vmem_shared>>
      tpu.enqueue_indirect_dma source(%dma_start3A_344 : memref<125x64xbf16, #tpu.memory_space<vmem>>) target(%dma_start3A_350 : memref<10240x64xbf16, #tpu.memory_space<vmem_shared>>) offsets(%dma_start3A_347 : memref<125xi32, #tpu.memory_space<vmem>>) semaphore(%arg22 : memref<!tpu.dma_semaphore, #tpu.memory_space<semaphore_mem>>) {add = true}
      %mul3A_351 = arith.constant 8 : i32
      %mul3A_352 = arith.muli %mul3A_351, %scan3A_221 : i32
      %add3A_353 = arith.constant 4 : i32
      %add3A_354 = arith.addi %mul3A_352, %add3A_353 : i32
      %add3A_355 = arith.constant 4 : i32
      %add3A_356 = arith.addi %add3A_354, %add3A_355 : i32
      %lt3A_357 = arith.constant 80 : i32
      %lt3A_358 = arith.cmpi slt, %add3A_356, %lt3A_357 : i32
      %convert_element_type3A_359 = arith.extui %lt3A_358 : i1 to i32
      %cond3A_360 = arith.constant 0 : i32
      %cond3A_361 = arith.cmpi ne, %convert_element_type3A_359, %cond3A_360 : i32
      scf.if %cond3A_361 {
        %ge3A = arith.constant 8 : i32
        %ge3A_483 = arith.cmpi sge, %add3A_356, %ge3A : i32
        %convert_element_type3A_484 = arith.extui %ge3A_483 : i1 to i32
        %cond3A_485 = arith.constant 0 : i32
        %cond3A_486 = arith.cmpi ne, %convert_element_type3A_484, %cond3A_485 : i32
        scf.if %cond3A_486 {
          %sub3A = arith.constant 8 : i32
          %sub3A_498 = arith.subi %add3A_356, %sub3A : i32
          %dma_wait3A_499 = arith.constant 0 : i32
          %dma_wait3A_500 = arith.constant 0 : i32
          %dma_wait3A_501 = arith.constant 0 : i32
          %dma_wait3A_502 = tpu.memref_slice %arg8[%dma_wait3A_499, %dma_wait3A_500, %dma_wait3A_501] : memref<8x125x64xbf16, #tpu.memory_space<vmem>> -> memref<1x125x64xbf16, #tpu.memory_space<vmem>>
          %dma_wait3A_503 = tpu.memref_squeeze %dma_wait3A_502 : memref<1x125x64xbf16, #tpu.memory_space<vmem>> -> memref<125x64xbf16, #tpu.memory_space<vmem>>
          %dma_wait3A_504 = arith.constant 0 : i32
          %dma_wait3A_505 = tpu.memref_slice %arg7[%sub3A_498, %dma_wait3A_504] : memref<80x125xi32, #tpu.memory_space<vmem>> -> memref<1x125xi32, #tpu.memory_space<vmem>>
          %dma_wait3A_506 = tpu.memref_squeeze %dma_wait3A_505 : memref<1x125xi32, #tpu.memory_space<vmem>> -> memref<125xi32, #tpu.memory_space<vmem>>
          %dma_wait3A_507 = arith.constant 0 : i32
          %dma_wait3A_508 = arith.constant 0 : i32
          %dma_wait3A_509 = tpu.memref_slice %arg9[%dma_wait3A_507, %dma_wait3A_508] : memref<10240x64xbf16, #tpu.memory_space<vmem_shared>> -> memref<10240x64xbf16, #tpu.memory_space<vmem_shared>>
          tpu.wait_indirect_dma semaphore(%arg19 : memref<!tpu.dma_semaphore, #tpu.memory_space<semaphore_mem>>) src(%dma_wait3A_503 : memref<125x64xbf16, #tpu.memory_space<vmem>>) dst(%dma_wait3A_509 : memref<10240x64xbf16, #tpu.memory_space<vmem_shared>>)
        } else {
        }
        %dma_start3A_487 = arith.constant 0 : i32
        %dma_start3A_488 = arith.constant 0 : i32
        %dma_start3A_489 = arith.constant 0 : i32
        %dma_start3A_490 = tpu.memref_slice %arg8[%dma_start3A_487, %dma_start3A_488, %dma_start3A_489] : memref<8x125x64xbf16, #tpu.memory_space<vmem>> -> memref<1x125x64xbf16, #tpu.memory_space<vmem>>
        %dma_start3A_491 = tpu.memref_squeeze %dma_start3A_490 : memref<1x125x64xbf16, #tpu.memory_space<vmem>> -> memref<125x64xbf16, #tpu.memory_space<vmem>>
        %dma_start3A_492 = arith.constant 0 : i32
        %dma_start3A_493 = tpu.memref_slice %arg6[%add3A_356, %dma_start3A_492] : memref<80x125xi32, #tpu.memory_space<vmem>> -> memref<1x125xi32, #tpu.memory_space<vmem>>
        %dma_start3A_494 = tpu.memref_squeeze %dma_start3A_493 : memref<1x125xi32, #tpu.memory_space<vmem>> -> memref<125xi32, #tpu.memory_space<vmem>>
        %dma_start3A_495 = arith.constant 0 : i32
        %dma_start3A_496 = arith.constant 0 : i32
        %dma_start3A_497 = tpu.memref_slice %arg2[%dma_start3A_495, %dma_start3A_496] : memref<10240x64xbf16, #tpu.memory_space<hbm>> -> memref<10240x64xbf16, #tpu.memory_space<hbm>>
        tpu.enqueue_indirect_dma source(%dma_start3A_497 : memref<10240x64xbf16, #tpu.memory_space<hbm>>) target(%dma_start3A_491 : memref<125x64xbf16, #tpu.memory_space<vmem>>) offsets(%dma_start3A_494 : memref<125xi32, #tpu.memory_space<vmem>>) semaphore(%arg11 : memref<!tpu.dma_semaphore, #tpu.memory_space<semaphore_mem>>)
      } else {
      }
      %dma_wait3A_362 = arith.constant 4 : i32
      %dma_wait3A_363 = arith.constant 0 : i32
      %dma_wait3A_364 = arith.constant 0 : i32
      %dma_wait3A_365 = tpu.memref_slice %arg8[%dma_wait3A_362, %dma_wait3A_363, %dma_wait3A_364] : memref<8x125x64xbf16, #tpu.memory_space<vmem>> -> memref<1x125x64xbf16, #tpu.memory_space<vmem>>
      %dma_wait3A_366 = tpu.memref_squeeze %dma_wait3A_365 : memref<1x125x64xbf16, #tpu.memory_space<vmem>> -> memref<125x64xbf16, #tpu.memory_space<vmem>>
      %dma_wait3A_367 = arith.constant 0 : i32
      %dma_wait3A_368 = tpu.memref_slice %arg6[%add3A_354, %dma_wait3A_367] : memref<80x125xi32, #tpu.memory_space<vmem>> -> memref<1x125xi32, #tpu.memory_space<vmem>>
      %dma_wait3A_369 = tpu.memref_squeeze %dma_wait3A_368 : memref<1x125xi32, #tpu.memory_space<vmem>> -> memref<125xi32, #tpu.memory_space<vmem>>
      %dma_wait3A_370 = arith.constant 0 : i32
      %dma_wait3A_371 = arith.constant 0 : i32
      %dma_wait3A_372 = tpu.memref_slice %arg2[%dma_wait3A_370, %dma_wait3A_371] : memref<10240x64xbf16, #tpu.memory_space<hbm>> -> memref<10240x64xbf16, #tpu.memory_space<hbm>>
      tpu.wait_indirect_dma semaphore(%arg15 : memref<!tpu.dma_semaphore, #tpu.memory_space<semaphore_mem>>) src(%dma_wait3A_372 : memref<10240x64xbf16, #tpu.memory_space<hbm>>) dst(%dma_wait3A_366 : memref<125x64xbf16, #tpu.memory_space<vmem>>)
      %dma_start3A_373 = arith.constant 4 : i32
      %dma_start3A_374 = arith.constant 0 : i32
      %dma_start3A_375 = arith.constant 0 : i32
      %dma_start3A_376 = tpu.memref_slice %arg8[%dma_start3A_373, %dma_start3A_374, %dma_start3A_375] : memref<8x125x64xbf16, #tpu.memory_space<vmem>> -> memref<1x125x64xbf16, #tpu.memory_space<vmem>>
      %dma_start3A_377 = tpu.memref_squeeze %dma_start3A_376 : memref<1x125x64xbf16, #tpu.memory_space<vmem>> -> memref<125x64xbf16, #tpu.memory_space<vmem>>
      %dma_start3A_378 = arith.constant 0 : i32
      %dma_start3A_379 = tpu.memref_slice %arg7[%add3A_354, %dma_start3A_378] : memref<80x125xi32, #tpu.memory_space<vmem>> -> memref<1x125xi32, #tpu.memory_space<vmem>>
      %dma_start3A_380 = tpu.memref_squeeze %dma_start3A_379 : memref<1x125xi32, #tpu.memory_space<vmem>> -> memref<125xi32, #tpu.memory_space<vmem>>
      %dma_start3A_381 = arith.constant 0 : i32
      %dma_start3A_382 = arith.constant 0 : i32
      %dma_start3A_383 = tpu.memref_slice %arg9[%dma_start3A_381, %dma_start3A_382] : memref<10240x64xbf16, #tpu.memory_space<vmem_shared>> -> memref<10240x64xbf16, #tpu.memory_space<vmem_shared>>
      tpu.enqueue_indirect_dma source(%dma_start3A_377 : memref<125x64xbf16, #tpu.memory_space<vmem>>) target(%dma_start3A_383 : memref<10240x64xbf16, #tpu.memory_space<vmem_shared>>) offsets(%dma_start3A_380 : memref<125xi32, #tpu.memory_space<vmem>>) semaphore(%arg23 : memref<!tpu.dma_semaphore, #tpu.memory_space<semaphore_mem>>) {add = true}
      %mul3A_384 = arith.constant 8 : i32
      %mul3A_385 = arith.muli %mul3A_384, %scan3A_221 : i32
      %add3A_386 = arith.constant 5 : i32
      %add3A_387 = arith.addi %mul3A_385, %add3A_386 : i32
      %add3A_388 = arith.constant 4 : i32
      %add3A_389 = arith.addi %add3A_387, %add3A_388 : i32
      %lt3A_390 = arith.constant 80 : i32
      %lt3A_391 = arith.cmpi slt, %add3A_389, %lt3A_390 : i32
      %convert_element_type3A_392 = arith.extui %lt3A_391 : i1 to i32
      %cond3A_393 = arith.constant 0 : i32
      %cond3A_394 = arith.cmpi ne, %convert_element_type3A_392, %cond3A_393 : i32
      scf.if %cond3A_394 {
        %ge3A = arith.constant 8 : i32
        %ge3A_483 = arith.cmpi sge, %add3A_389, %ge3A : i32
        %convert_element_type3A_484 = arith.extui %ge3A_483 : i1 to i32
        %cond3A_485 = arith.constant 0 : i32
        %cond3A_486 = arith.cmpi ne, %convert_element_type3A_484, %cond3A_485 : i32
        scf.if %cond3A_486 {
          %sub3A = arith.constant 8 : i32
          %sub3A_498 = arith.subi %add3A_389, %sub3A : i32
          %dma_wait3A_499 = arith.constant 1 : i32
          %dma_wait3A_500 = arith.constant 0 : i32
          %dma_wait3A_501 = arith.constant 0 : i32
          %dma_wait3A_502 = tpu.memref_slice %arg8[%dma_wait3A_499, %dma_wait3A_500, %dma_wait3A_501] : memref<8x125x64xbf16, #tpu.memory_space<vmem>> -> memref<1x125x64xbf16, #tpu.memory_space<vmem>>
          %dma_wait3A_503 = tpu.memref_squeeze %dma_wait3A_502 : memref<1x125x64xbf16, #tpu.memory_space<vmem>> -> memref<125x64xbf16, #tpu.memory_space<vmem>>
          %dma_wait3A_504 = arith.constant 0 : i32
          %dma_wait3A_505 = tpu.memref_slice %arg7[%sub3A_498, %dma_wait3A_504] : memref<80x125xi32, #tpu.memory_space<vmem>> -> memref<1x125xi32, #tpu.memory_space<vmem>>
          %dma_wait3A_506 = tpu.memref_squeeze %dma_wait3A_505 : memref<1x125xi32, #tpu.memory_space<vmem>> -> memref<125xi32, #tpu.memory_space<vmem>>
          %dma_wait3A_507 = arith.constant 0 : i32
          %dma_wait3A_508 = arith.constant 0 : i32
          %dma_wait3A_509 = tpu.memref_slice %arg9[%dma_wait3A_507, %dma_wait3A_508] : memref<10240x64xbf16, #tpu.memory_space<vmem_shared>> -> memref<10240x64xbf16, #tpu.memory_space<vmem_shared>>
          tpu.wait_indirect_dma semaphore(%arg20 : memref<!tpu.dma_semaphore, #tpu.memory_space<semaphore_mem>>) src(%dma_wait3A_503 : memref<125x64xbf16, #tpu.memory_space<vmem>>) dst(%dma_wait3A_509 : memref<10240x64xbf16, #tpu.memory_space<vmem_shared>>)
        } else {
        }
        %dma_start3A_487 = arith.constant 1 : i32
        %dma_start3A_488 = arith.constant 0 : i32
        %dma_start3A_489 = arith.constant 0 : i32
        %dma_start3A_490 = tpu.memref_slice %arg8[%dma_start3A_487, %dma_start3A_488, %dma_start3A_489] : memref<8x125x64xbf16, #tpu.memory_space<vmem>> -> memref<1x125x64xbf16, #tpu.memory_space<vmem>>
        %dma_start3A_491 = tpu.memref_squeeze %dma_start3A_490 : memref<1x125x64xbf16, #tpu.memory_space<vmem>> -> memref<125x64xbf16, #tpu.memory_space<vmem>>
        %dma_start3A_492 = arith.constant 0 : i32
        %dma_start3A_493 = tpu.memref_slice %arg6[%add3A_389, %dma_start3A_492] : memref<80x125xi32, #tpu.memory_space<vmem>> -> memref<1x125xi32, #tpu.memory_space<vmem>>
        %dma_start3A_494 = tpu.memref_squeeze %dma_start3A_493 : memref<1x125xi32, #tpu.memory_space<vmem>> -> memref<125xi32, #tpu.memory_space<vmem>>
        %dma_start3A_495 = arith.constant 0 : i32
        %dma_start3A_496 = arith.constant 0 : i32
        %dma_start3A_497 = tpu.memref_slice %arg2[%dma_start3A_495, %dma_start3A_496] : memref<10240x64xbf16, #tpu.memory_space<hbm>> -> memref<10240x64xbf16, #tpu.memory_space<hbm>>
        tpu.enqueue_indirect_dma source(%dma_start3A_497 : memref<10240x64xbf16, #tpu.memory_space<hbm>>) target(%dma_start3A_491 : memref<125x64xbf16, #tpu.memory_space<vmem>>) offsets(%dma_start3A_494 : memref<125xi32, #tpu.memory_space<vmem>>) semaphore(%arg12 : memref<!tpu.dma_semaphore, #tpu.memory_space<semaphore_mem>>)
      } else {
      }
      %dma_wait3A_395 = arith.constant 5 : i32
      %dma_wait3A_396 = arith.constant 0 : i32
      %dma_wait3A_397 = arith.constant 0 : i32
      %dma_wait3A_398 = tpu.memref_slice %arg8[%dma_wait3A_395, %dma_wait3A_396, %dma_wait3A_397] : memref<8x125x64xbf16, #tpu.memory_space<vmem>> -> memref<1x125x64xbf16, #tpu.memory_space<vmem>>
      %dma_wait3A_399 = tpu.memref_squeeze %dma_wait3A_398 : memref<1x125x64xbf16, #tpu.memory_space<vmem>> -> memref<125x64xbf16, #tpu.memory_space<vmem>>
      %dma_wait3A_400 = arith.constant 0 : i32
      %dma_wait3A_401 = tpu.memref_slice %arg6[%add3A_387, %dma_wait3A_400] : memref<80x125xi32, #tpu.memory_space<vmem>> -> memref<1x125xi32, #tpu.memory_space<vmem>>
      %dma_wait3A_402 = tpu.memref_squeeze %dma_wait3A_401 : memref<1x125xi32, #tpu.memory_space<vmem>> -> memref<125xi32, #tpu.memory_space<vmem>>
      %dma_wait3A_403 = arith.constant 0 : i32
      %dma_wait3A_404 = arith.constant 0 : i32
      %dma_wait3A_405 = tpu.memref_slice %arg2[%dma_wait3A_403, %dma_wait3A_404] : memref<10240x64xbf16, #tpu.memory_space<hbm>> -> memref<10240x64xbf16, #tpu.memory_space<hbm>>
      tpu.wait_indirect_dma semaphore(%arg16 : memref<!tpu.dma_semaphore, #tpu.memory_space<semaphore_mem>>) src(%dma_wait3A_405 : memref<10240x64xbf16, #tpu.memory_space<hbm>>) dst(%dma_wait3A_399 : memref<125x64xbf16, #tpu.memory_space<vmem>>)
      %dma_start3A_406 = arith.constant 5 : i32
      %dma_start3A_407 = arith.constant 0 : i32
      %dma_start3A_408 = arith.constant 0 : i32
      %dma_start3A_409 = tpu.memref_slice %arg8[%dma_start3A_406, %dma_start3A_407, %dma_start3A_408] : memref<8x125x64xbf16, #tpu.memory_space<vmem>> -> memref<1x125x64xbf16, #tpu.memory_space<vmem>>
      %dma_start3A_410 = tpu.memref_squeeze %dma_start3A_409 : memref<1x125x64xbf16, #tpu.memory_space<vmem>> -> memref<125x64xbf16, #tpu.memory_space<vmem>>
      %dma_start3A_411 = arith.constant 0 : i32
      %dma_start3A_412 = tpu.memref_slice %arg7[%add3A_387, %dma_start3A_411] : memref<80x125xi32, #tpu.memory_space<vmem>> -> memref<1x125xi32, #tpu.memory_space<vmem>>
      %dma_start3A_413 = tpu.memref_squeeze %dma_start3A_412 : memref<1x125xi32, #tpu.memory_space<vmem>> -> memref<125xi32, #tpu.memory_space<vmem>>
      %dma_start3A_414 = arith.constant 0 : i32
      %dma_start3A_415 = arith.constant 0 : i32
      %dma_start3A_416 = tpu.memref_slice %arg9[%dma_start3A_414, %dma_start3A_415] : memref<10240x64xbf16, #tpu.memory_space<vmem_shared>> -> memref<10240x64xbf16, #tpu.memory_space<vmem_shared>>
      tpu.enqueue_indirect_dma source(%dma_start3A_410 : memref<125x64xbf16, #tpu.memory_space<vmem>>) target(%dma_start3A_416 : memref<10240x64xbf16, #tpu.memory_space<vmem_shared>>) offsets(%dma_start3A_413 : memref<125xi32, #tpu.memory_space<vmem>>) semaphore(%arg24 : memref<!tpu.dma_semaphore, #tpu.memory_space<semaphore_mem>>) {add = true}
      %mul3A_417 = arith.constant 8 : i32
      %mul3A_418 = arith.muli %mul3A_417, %scan3A_221 : i32
      %add3A_419 = arith.constant 6 : i32
      %add3A_420 = arith.addi %mul3A_418, %add3A_419 : i32
      %add3A_421 = arith.constant 4 : i32
      %add3A_422 = arith.addi %add3A_420, %add3A_421 : i32
      %lt3A_423 = arith.constant 80 : i32
      %lt3A_424 = arith.cmpi slt, %add3A_422, %lt3A_423 : i32
      %convert_element_type3A_425 = arith.extui %lt3A_424 : i1 to i32
      %cond3A_426 = arith.constant 0 : i32
      %cond3A_427 = arith.cmpi ne, %convert_element_type3A_425, %cond3A_426 : i32
      scf.if %cond3A_427 {
        %ge3A = arith.constant 8 : i32
        %ge3A_483 = arith.cmpi sge, %add3A_422, %ge3A : i32
        %convert_element_type3A_484 = arith.extui %ge3A_483 : i1 to i32
        %cond3A_485 = arith.constant 0 : i32
        %cond3A_486 = arith.cmpi ne, %convert_element_type3A_484, %cond3A_485 : i32
        scf.if %cond3A_486 {
          %sub3A = arith.constant 8 : i32
          %sub3A_498 = arith.subi %add3A_422, %sub3A : i32
          %dma_wait3A_499 = arith.constant 2 : i32
          %dma_wait3A_500 = arith.constant 0 : i32
          %dma_wait3A_501 = arith.constant 0 : i32
          %dma_wait3A_502 = tpu.memref_slice %arg8[%dma_wait3A_499, %dma_wait3A_500, %dma_wait3A_501] : memref<8x125x64xbf16, #tpu.memory_space<vmem>> -> memref<1x125x64xbf16, #tpu.memory_space<vmem>>
          %dma_wait3A_503 = tpu.memref_squeeze %dma_wait3A_502 : memref<1x125x64xbf16, #tpu.memory_space<vmem>> -> memref<125x64xbf16, #tpu.memory_space<vmem>>
          %dma_wait3A_504 = arith.constant 0 : i32
          %dma_wait3A_505 = tpu.memref_slice %arg7[%sub3A_498, %dma_wait3A_504] : memref<80x125xi32, #tpu.memory_space<vmem>> -> memref<1x125xi32, #tpu.memory_space<vmem>>
          %dma_wait3A_506 = tpu.memref_squeeze %dma_wait3A_505 : memref<1x125xi32, #tpu.memory_space<vmem>> -> memref<125xi32, #tpu.memory_space<vmem>>
          %dma_wait3A_507 = arith.constant 0 : i32
          %dma_wait3A_508 = arith.constant 0 : i32
          %dma_wait3A_509 = tpu.memref_slice %arg9[%dma_wait3A_507, %dma_wait3A_508] : memref<10240x64xbf16, #tpu.memory_space<vmem_shared>> -> memref<10240x64xbf16, #tpu.memory_space<vmem_shared>>
          tpu.wait_indirect_dma semaphore(%arg21 : memref<!tpu.dma_semaphore, #tpu.memory_space<semaphore_mem>>) src(%dma_wait3A_503 : memref<125x64xbf16, #tpu.memory_space<vmem>>) dst(%dma_wait3A_509 : memref<10240x64xbf16, #tpu.memory_space<vmem_shared>>)
        } else {
        }
        %dma_start3A_487 = arith.constant 2 : i32
        %dma_start3A_488 = arith.constant 0 : i32
        %dma_start3A_489 = arith.constant 0 : i32
        %dma_start3A_490 = tpu.memref_slice %arg8[%dma_start3A_487, %dma_start3A_488, %dma_start3A_489] : memref<8x125x64xbf16, #tpu.memory_space<vmem>> -> memref<1x125x64xbf16, #tpu.memory_space<vmem>>
        %dma_start3A_491 = tpu.memref_squeeze %dma_start3A_490 : memref<1x125x64xbf16, #tpu.memory_space<vmem>> -> memref<125x64xbf16, #tpu.memory_space<vmem>>
        %dma_start3A_492 = arith.constant 0 : i32
        %dma_start3A_493 = tpu.memref_slice %arg6[%add3A_422, %dma_start3A_492] : memref<80x125xi32, #tpu.memory_space<vmem>> -> memref<1x125xi32, #tpu.memory_space<vmem>>
        %dma_start3A_494 = tpu.memref_squeeze %dma_start3A_493 : memref<1x125xi32, #tpu.memory_space<vmem>> -> memref<125xi32, #tpu.memory_space<vmem>>
        %dma_start3A_495 = arith.constant 0 : i32
        %dma_start3A_496 = arith.constant 0 : i32
        %dma_start3A_497 = tpu.memref_slice %arg2[%dma_start3A_495, %dma_start3A_496] : memref<10240x64xbf16, #tpu.memory_space<hbm>> -> memref<10240x64xbf16, #tpu.memory_space<hbm>>
        tpu.enqueue_indirect_dma source(%dma_start3A_497 : memref<10240x64xbf16, #tpu.memory_space<hbm>>) target(%dma_start3A_491 : memref<125x64xbf16, #tpu.memory_space<vmem>>) offsets(%dma_start3A_494 : memref<125xi32, #tpu.memory_space<vmem>>) semaphore(%arg13 : memref<!tpu.dma_semaphore, #tpu.memory_space<semaphore_mem>>)
      } else {
      }
      %dma_wait3A_428 = arith.constant 6 : i32
      %dma_wait3A_429 = arith.constant 0 : i32
      %dma_wait3A_430 = arith.constant 0 : i32
      %dma_wait3A_431 = tpu.memref_slice %arg8[%dma_wait3A_428, %dma_wait3A_429, %dma_wait3A_430] : memref<8x125x64xbf16, #tpu.memory_space<vmem>> -> memref<1x125x64xbf16, #tpu.memory_space<vmem>>
      %dma_wait3A_432 = tpu.memref_squeeze %dma_wait3A_431 : memref<1x125x64xbf16, #tpu.memory_space<vmem>> -> memref<125x64xbf16, #tpu.memory_space<vmem>>
      %dma_wait3A_433 = arith.constant 0 : i32
      %dma_wait3A_434 = tpu.memref_slice %arg6[%add3A_420, %dma_wait3A_433] : memref<80x125xi32, #tpu.memory_space<vmem>> -> memref<1x125xi32, #tpu.memory_space<vmem>>
      %dma_wait3A_435 = tpu.memref_squeeze %dma_wait3A_434 : memref<1x125xi32, #tpu.memory_space<vmem>> -> memref<125xi32, #tpu.memory_space<vmem>>
      %dma_wait3A_436 = arith.constant 0 : i32
      %dma_wait3A_437 = arith.constant 0 : i32
      %dma_wait3A_438 = tpu.memref_slice %arg2[%dma_wait3A_436, %dma_wait3A_437] : memref<10240x64xbf16, #tpu.memory_space<hbm>> -> memref<10240x64xbf16, #tpu.memory_space<hbm>>
      tpu.wait_indirect_dma semaphore(%arg17 : memref<!tpu.dma_semaphore, #tpu.memory_space<semaphore_mem>>) src(%dma_wait3A_438 : memref<10240x64xbf16, #tpu.memory_space<hbm>>) dst(%dma_wait3A_432 : memref<125x64xbf16, #tpu.memory_space<vmem>>)
      %dma_start3A_439 = arith.constant 6 : i32
      %dma_start3A_440 = arith.constant 0 : i32
      %dma_start3A_441 = arith.constant 0 : i32
      %dma_start3A_442 = tpu.memref_slice %arg8[%dma_start3A_439, %dma_start3A_440, %dma_start3A_441] : memref<8x125x64xbf16, #tpu.memory_space<vmem>> -> memref<1x125x64xbf16, #tpu.memory_space<vmem>>
      %dma_start3A_443 = tpu.memref_squeeze %dma_start3A_442 : memref<1x125x64xbf16, #tpu.memory_space<vmem>> -> memref<125x64xbf16, #tpu.memory_space<vmem>>
      %dma_start3A_444 = arith.constant 0 : i32
      %dma_start3A_445 = tpu.memref_slice %arg7[%add3A_420, %dma_start3A_444] : memref<80x125xi32, #tpu.memory_space<vmem>> -> memref<1x125xi32, #tpu.memory_space<vmem>>
      %dma_start3A_446 = tpu.memref_squeeze %dma_start3A_445 : memref<1x125xi32, #tpu.memory_space<vmem>> -> memref<125xi32, #tpu.memory_space<vmem>>
      %dma_start3A_447 = arith.constant 0 : i32
      %dma_start3A_448 = arith.constant 0 : i32
      %dma_start3A_449 = tpu.memref_slice %arg9[%dma_start3A_447, %dma_start3A_448] : memref<10240x64xbf16, #tpu.memory_space<vmem_shared>> -> memref<10240x64xbf16, #tpu.memory_space<vmem_shared>>
      tpu.enqueue_indirect_dma source(%dma_start3A_443 : memref<125x64xbf16, #tpu.memory_space<vmem>>) target(%dma_start3A_449 : memref<10240x64xbf16, #tpu.memory_space<vmem_shared>>) offsets(%dma_start3A_446 : memref<125xi32, #tpu.memory_space<vmem>>) semaphore(%arg25 : memref<!tpu.dma_semaphore, #tpu.memory_space<semaphore_mem>>) {add = true}
      %mul3A_450 = arith.constant 8 : i32
      %mul3A_451 = arith.muli %mul3A_450, %scan3A_221 : i32
      %add3A_452 = arith.constant 7 : i32
      %add3A_453 = arith.addi %mul3A_451, %add3A_452 : i32
      %add3A_454 = arith.constant 4 : i32
      %add3A_455 = arith.addi %add3A_453, %add3A_454 : i32
      %lt3A_456 = arith.constant 80 : i32
      %lt3A_457 = arith.cmpi slt, %add3A_455, %lt3A_456 : i32
      %convert_element_type3A_458 = arith.extui %lt3A_457 : i1 to i32
      %cond3A_459 = arith.constant 0 : i32
      %cond3A_460 = arith.cmpi ne, %convert_element_type3A_458, %cond3A_459 : i32
      scf.if %cond3A_460 {
        %ge3A = arith.constant 8 : i32
        %ge3A_483 = arith.cmpi sge, %add3A_455, %ge3A : i32
        %convert_element_type3A_484 = arith.extui %ge3A_483 : i1 to i32
        %cond3A_485 = arith.constant 0 : i32
        %cond3A_486 = arith.cmpi ne, %convert_element_type3A_484, %cond3A_485 : i32
        scf.if %cond3A_486 {
          %sub3A = arith.constant 8 : i32
          %sub3A_498 = arith.subi %add3A_455, %sub3A : i32
          %dma_wait3A_499 = arith.constant 3 : i32
          %dma_wait3A_500 = arith.constant 0 : i32
          %dma_wait3A_501 = arith.constant 0 : i32
          %dma_wait3A_502 = tpu.memref_slice %arg8[%dma_wait3A_499, %dma_wait3A_500, %dma_wait3A_501] : memref<8x125x64xbf16, #tpu.memory_space<vmem>> -> memref<1x125x64xbf16, #tpu.memory_space<vmem>>
          %dma_wait3A_503 = tpu.memref_squeeze %dma_wait3A_502 : memref<1x125x64xbf16, #tpu.memory_space<vmem>> -> memref<125x64xbf16, #tpu.memory_space<vmem>>
          %dma_wait3A_504 = arith.constant 0 : i32
          %dma_wait3A_505 = tpu.memref_slice %arg7[%sub3A_498, %dma_wait3A_504] : memref<80x125xi32, #tpu.memory_space<vmem>> -> memref<1x125xi32, #tpu.memory_space<vmem>>
          %dma_wait3A_506 = tpu.memref_squeeze %dma_wait3A_505 : memref<1x125xi32, #tpu.memory_space<vmem>> -> memref<125xi32, #tpu.memory_space<vmem>>
          %dma_wait3A_507 = arith.constant 0 : i32
          %dma_wait3A_508 = arith.constant 0 : i32
          %dma_wait3A_509 = tpu.memref_slice %arg9[%dma_wait3A_507, %dma_wait3A_508] : memref<10240x64xbf16, #tpu.memory_space<vmem_shared>> -> memref<10240x64xbf16, #tpu.memory_space<vmem_shared>>
          tpu.wait_indirect_dma semaphore(%arg22 : memref<!tpu.dma_semaphore, #tpu.memory_space<semaphore_mem>>) src(%dma_wait3A_503 : memref<125x64xbf16, #tpu.memory_space<vmem>>) dst(%dma_wait3A_509 : memref<10240x64xbf16, #tpu.memory_space<vmem_shared>>)
        } else {
        }
        %dma_start3A_487 = arith.constant 3 : i32
        %dma_start3A_488 = arith.constant 0 : i32
        %dma_start3A_489 = arith.constant 0 : i32
        %dma_start3A_490 = tpu.memref_slice %arg8[%dma_start3A_487, %dma_start3A_488, %dma_start3A_489] : memref<8x125x64xbf16, #tpu.memory_space<vmem>> -> memref<1x125x64xbf16, #tpu.memory_space<vmem>>
        %dma_start3A_491 = tpu.memref_squeeze %dma_start3A_490 : memref<1x125x64xbf16, #tpu.memory_space<vmem>> -> memref<125x64xbf16, #tpu.memory_space<vmem>>
        %dma_start3A_492 = arith.constant 0 : i32
        %dma_start3A_493 = tpu.memref_slice %arg6[%add3A_455, %dma_start3A_492] : memref<80x125xi32, #tpu.memory_space<vmem>> -> memref<1x125xi32, #tpu.memory_space<vmem>>
        %dma_start3A_494 = tpu.memref_squeeze %dma_start3A_493 : memref<1x125xi32, #tpu.memory_space<vmem>> -> memref<125xi32, #tpu.memory_space<vmem>>
        %dma_start3A_495 = arith.constant 0 : i32
        %dma_start3A_496 = arith.constant 0 : i32
        %dma_start3A_497 = tpu.memref_slice %arg2[%dma_start3A_495, %dma_start3A_496] : memref<10240x64xbf16, #tpu.memory_space<hbm>> -> memref<10240x64xbf16, #tpu.memory_space<hbm>>
        tpu.enqueue_indirect_dma source(%dma_start3A_497 : memref<10240x64xbf16, #tpu.memory_space<hbm>>) target(%dma_start3A_491 : memref<125x64xbf16, #tpu.memory_space<vmem>>) offsets(%dma_start3A_494 : memref<125xi32, #tpu.memory_space<vmem>>) semaphore(%arg14 : memref<!tpu.dma_semaphore, #tpu.memory_space<semaphore_mem>>)
      } else {
      }
      %dma_wait3A_461 = arith.constant 7 : i32
      %dma_wait3A_462 = arith.constant 0 : i32
      %dma_wait3A_463 = arith.constant 0 : i32
      %dma_wait3A_464 = tpu.memref_slice %arg8[%dma_wait3A_461, %dma_wait3A_462, %dma_wait3A_463] : memref<8x125x64xbf16, #tpu.memory_space<vmem>> -> memref<1x125x64xbf16, #tpu.memory_space<vmem>>
      %dma_wait3A_465 = tpu.memref_squeeze %dma_wait3A_464 : memref<1x125x64xbf16, #tpu.memory_space<vmem>> -> memref<125x64xbf16, #tpu.memory_space<vmem>>
      %dma_wait3A_466 = arith.constant 0 : i32
      %dma_wait3A_467 = tpu.memref_slice %arg6[%add3A_453, %dma_wait3A_466] : memref<80x125xi32, #tpu.memory_space<vmem>> -> memref<1x125xi32, #tpu.memory_space<vmem>>
      %dma_wait3A_468 = tpu.memref_squeeze %dma_wait3A_467 : memref<1x125xi32, #tpu.memory_space<vmem>> -> memref<125xi32, #tpu.memory_space<vmem>>
      %dma_wait3A_469 = arith.constant 0 : i32
      %dma_wait3A_470 = arith.constant 0 : i32
      %dma_wait3A_471 = tpu.memref_slice %arg2[%dma_wait3A_469, %dma_wait3A_470] : memref<10240x64xbf16, #tpu.memory_space<hbm>> -> memref<10240x64xbf16, #tpu.memory_space<hbm>>
      tpu.wait_indirect_dma semaphore(%arg18 : memref<!tpu.dma_semaphore, #tpu.memory_space<semaphore_mem>>) src(%dma_wait3A_471 : memref<10240x64xbf16, #tpu.memory_space<hbm>>) dst(%dma_wait3A_465 : memref<125x64xbf16, #tpu.memory_space<vmem>>)
      %dma_start3A_472 = arith.constant 7 : i32
      %dma_start3A_473 = arith.constant 0 : i32
      %dma_start3A_474 = arith.constant 0 : i32
      %dma_start3A_475 = tpu.memref_slice %arg8[%dma_start3A_472, %dma_start3A_473, %dma_start3A_474] : memref<8x125x64xbf16, #tpu.memory_space<vmem>> -> memref<1x125x64xbf16, #tpu.memory_space<vmem>>
      %dma_start3A_476 = tpu.memref_squeeze %dma_start3A_475 : memref<1x125x64xbf16, #tpu.memory_space<vmem>> -> memref<125x64xbf16, #tpu.memory_space<vmem>>
      %dma_start3A_477 = arith.constant 0 : i32
      %dma_start3A_478 = tpu.memref_slice %arg7[%add3A_453, %dma_start3A_477] : memref<80x125xi32, #tpu.memory_space<vmem>> -> memref<1x125xi32, #tpu.memory_space<vmem>>
      %dma_start3A_479 = tpu.memref_squeeze %dma_start3A_478 : memref<1x125xi32, #tpu.memory_space<vmem>> -> memref<125xi32, #tpu.memory_space<vmem>>
      %dma_start3A_480 = arith.constant 0 : i32
      %dma_start3A_481 = arith.constant 0 : i32
      %dma_start3A_482 = tpu.memref_slice %arg9[%dma_start3A_480, %dma_start3A_481] : memref<10240x64xbf16, #tpu.memory_space<vmem_shared>> -> memref<10240x64xbf16, #tpu.memory_space<vmem_shared>>
      tpu.enqueue_indirect_dma source(%dma_start3A_476 : memref<125x64xbf16, #tpu.memory_space<vmem>>) target(%dma_start3A_482 : memref<10240x64xbf16, #tpu.memory_space<vmem_shared>>) offsets(%dma_start3A_479 : memref<125xi32, #tpu.memory_space<vmem>>) semaphore(%arg26 : memref<!tpu.dma_semaphore, #tpu.memory_space<semaphore_mem>>) {add = true}
    }
    %scan3A_121 = arith.constant 10 : i32
    %dma_wait3A_122 = arith.constant 0 : i32
    %dma_wait3A_123 = arith.constant 72 : i32
    %dma_wait3A_124 = arith.constant 0 : i32
    %dma_wait3A_125 = arith.constant 0 : i32
    %dma_wait3A_126 = tpu.memref_slice %arg8[%dma_wait3A_122, %dma_wait3A_124, %dma_wait3A_125] : memref<8x125x64xbf16, #tpu.memory_space<vmem>> -> memref<1x125x64xbf16, #tpu.memory_space<vmem>>
    %dma_wait3A_127 = tpu.memref_squeeze %dma_wait3A_126 : memref<1x125x64xbf16, #tpu.memory_space<vmem>> -> memref<125x64xbf16, #tpu.memory_space<vmem>>
    %dma_wait3A_128 = arith.constant 0 : i32
    %dma_wait3A_129 = tpu.memref_slice %arg7[%dma_wait3A_123, %dma_wait3A_128] : memref<80x125xi32, #tpu.memory_space<vmem>> -> memref<1x125xi32, #tpu.memory_space<vmem>>
    %dma_wait3A_130 = tpu.memref_squeeze %dma_wait3A_129 : memref<1x125xi32, #tpu.memory_space<vmem>> -> memref<125xi32, #tpu.memory_space<vmem>>
    %dma_wait3A_131 = arith.constant 0 : i32
    %dma_wait3A_132 = arith.constant 0 : i32
    %dma_wait3A_133 = tpu.memref_slice %arg9[%dma_wait3A_131, %dma_wait3A_132] : memref<10240x64xbf16, #tpu.memory_space<vmem_shared>> -> memref<10240x64xbf16, #tpu.memory_space<vmem_shared>>
    tpu.wait_indirect_dma semaphore(%arg19 : memref<!tpu.dma_semaphore, #tpu.memory_space<semaphore_mem>>) src(%dma_wait3A_127 : memref<125x64xbf16, #tpu.memory_space<vmem>>) dst(%dma_wait3A_133 : memref<10240x64xbf16, #tpu.memory_space<vmem_shared>>)
    %dma_wait3A_134 = arith.constant 1 : i32
    %dma_wait3A_135 = arith.constant 73 : i32
    %dma_wait3A_136 = arith.constant 0 : i32
    %dma_wait3A_137 = arith.constant 0 : i32
    %dma_wait3A_138 = tpu.memref_slice %arg8[%dma_wait3A_134, %dma_wait3A_136, %dma_wait3A_137] : memref<8x125x64xbf16, #tpu.memory_space<vmem>> -> memref<1x125x64xbf16, #tpu.memory_space<vmem>>
    %dma_wait3A_139 = tpu.memref_squeeze %dma_wait3A_138 : memref<1x125x64xbf16, #tpu.memory_space<vmem>> -> memref<125x64xbf16, #tpu.memory_space<vmem>>
    %dma_wait3A_140 = arith.constant 0 : i32
    %dma_wait3A_141 = tpu.memref_slice %arg7[%dma_wait3A_135, %dma_wait3A_140] : memref<80x125xi32, #tpu.memory_space<vmem>> -> memref<1x125xi32, #tpu.memory_space<vmem>>
    %dma_wait3A_142 = tpu.memref_squeeze %dma_wait3A_141 : memref<1x125xi32, #tpu.memory_space<vmem>> -> memref<125xi32, #tpu.memory_space<vmem>>
    %dma_wait3A_143 = arith.constant 0 : i32
    %dma_wait3A_144 = arith.constant 0 : i32
    %dma_wait3A_145 = tpu.memref_slice %arg9[%dma_wait3A_143, %dma_wait3A_144] : memref<10240x64xbf16, #tpu.memory_space<vmem_shared>> -> memref<10240x64xbf16, #tpu.memory_space<vmem_shared>>
    tpu.wait_indirect_dma semaphore(%arg20 : memref<!tpu.dma_semaphore, #tpu.memory_space<semaphore_mem>>) src(%dma_wait3A_139 : memref<125x64xbf16, #tpu.memory_space<vmem>>) dst(%dma_wait3A_145 : memref<10240x64xbf16, #tpu.memory_space<vmem_shared>>)
    %dma_wait3A_146 = arith.constant 2 : i32
    %dma_wait3A_147 = arith.constant 74 : i32
    %dma_wait3A_148 = arith.constant 0 : i32
    %dma_wait3A_149 = arith.constant 0 : i32
    %dma_wait3A_150 = tpu.memref_slice %arg8[%dma_wait3A_146, %dma_wait3A_148, %dma_wait3A_149] : memref<8x125x64xbf16, #tpu.memory_space<vmem>> -> memref<1x125x64xbf16, #tpu.memory_space<vmem>>
    %dma_wait3A_151 = tpu.memref_squeeze %dma_wait3A_150 : memref<1x125x64xbf16, #tpu.memory_space<vmem>> -> memref<125x64xbf16, #tpu.memory_space<vmem>>
    %dma_wait3A_152 = arith.constant 0 : i32
    %dma_wait3A_153 = tpu.memref_slice %arg7[%dma_wait3A_147, %dma_wait3A_152] : memref<80x125xi32, #tpu.memory_space<vmem>> -> memref<1x125xi32, #tpu.memory_space<vmem>>
    %dma_wait3A_154 = tpu.memref_squeeze %dma_wait3A_153 : memref<1x125xi32, #tpu.memory_space<vmem>> -> memref<125xi32, #tpu.memory_space<vmem>>
    %dma_wait3A_155 = arith.constant 0 : i32
    %dma_wait3A_156 = arith.constant 0 : i32
    %dma_wait3A_157 = tpu.memref_slice %arg9[%dma_wait3A_155, %dma_wait3A_156] : memref<10240x64xbf16, #tpu.memory_space<vmem_shared>> -> memref<10240x64xbf16, #tpu.memory_space<vmem_shared>>
    tpu.wait_indirect_dma semaphore(%arg21 : memref<!tpu.dma_semaphore, #tpu.memory_space<semaphore_mem>>) src(%dma_wait3A_151 : memref<125x64xbf16, #tpu.memory_space<vmem>>) dst(%dma_wait3A_157 : memref<10240x64xbf16, #tpu.memory_space<vmem_shared>>)
    %dma_wait3A_158 = arith.constant 3 : i32
    %dma_wait3A_159 = arith.constant 75 : i32
    %dma_wait3A_160 = arith.constant 0 : i32
    %dma_wait3A_161 = arith.constant 0 : i32
    %dma_wait3A_162 = tpu.memref_slice %arg8[%dma_wait3A_158, %dma_wait3A_160, %dma_wait3A_161] : memref<8x125x64xbf16, #tpu.memory_space<vmem>> -> memref<1x125x64xbf16, #tpu.memory_space<vmem>>
    %dma_wait3A_163 = tpu.memref_squeeze %dma_wait3A_162 : memref<1x125x64xbf16, #tpu.memory_space<vmem>> -> memref<125x64xbf16, #tpu.memory_space<vmem>>
    %dma_wait3A_164 = arith.constant 0 : i32
    %dma_wait3A_165 = tpu.memref_slice %arg7[%dma_wait3A_159, %dma_wait3A_164] : memref<80x125xi32, #tpu.memory_space<vmem>> -> memref<1x125xi32, #tpu.memory_space<vmem>>
    %dma_wait3A_166 = tpu.memref_squeeze %dma_wait3A_165 : memref<1x125xi32, #tpu.memory_space<vmem>> -> memref<125xi32, #tpu.memory_space<vmem>>
    %dma_wait3A_167 = arith.constant 0 : i32
    %dma_wait3A_168 = arith.constant 0 : i32
    %dma_wait3A_169 = tpu.memref_slice %arg9[%dma_wait3A_167, %dma_wait3A_168] : memref<10240x64xbf16, #tpu.memory_space<vmem_shared>> -> memref<10240x64xbf16, #tpu.memory_space<vmem_shared>>
    tpu.wait_indirect_dma semaphore(%arg22 : memref<!tpu.dma_semaphore, #tpu.memory_space<semaphore_mem>>) src(%dma_wait3A_163 : memref<125x64xbf16, #tpu.memory_space<vmem>>) dst(%dma_wait3A_169 : memref<10240x64xbf16, #tpu.memory_space<vmem_shared>>)
    %dma_wait3A_170 = arith.constant 4 : i32
    %dma_wait3A_171 = arith.constant 76 : i32
    %dma_wait3A_172 = arith.constant 0 : i32
    %dma_wait3A_173 = arith.constant 0 : i32
    %dma_wait3A_174 = tpu.memref_slice %arg8[%dma_wait3A_170, %dma_wait3A_172, %dma_wait3A_173] : memref<8x125x64xbf16, #tpu.memory_space<vmem>> -> memref<1x125x64xbf16, #tpu.memory_space<vmem>>
    %dma_wait3A_175 = tpu.memref_squeeze %dma_wait3A_174 : memref<1x125x64xbf16, #tpu.memory_space<vmem>> -> memref<125x64xbf16, #tpu.memory_space<vmem>>
    %dma_wait3A_176 = arith.constant 0 : i32
    %dma_wait3A_177 = tpu.memref_slice %arg7[%dma_wait3A_171, %dma_wait3A_176] : memref<80x125xi32, #tpu.memory_space<vmem>> -> memref<1x125xi32, #tpu.memory_space<vmem>>
    %dma_wait3A_178 = tpu.memref_squeeze %dma_wait3A_177 : memref<1x125xi32, #tpu.memory_space<vmem>> -> memref<125xi32, #tpu.memory_space<vmem>>
    %dma_wait3A_179 = arith.constant 0 : i32
    %dma_wait3A_180 = arith.constant 0 : i32
    %dma_wait3A_181 = tpu.memref_slice %arg9[%dma_wait3A_179, %dma_wait3A_180] : memref<10240x64xbf16, #tpu.memory_space<vmem_shared>> -> memref<10240x64xbf16, #tpu.memory_space<vmem_shared>>
    tpu.wait_indirect_dma semaphore(%arg23 : memref<!tpu.dma_semaphore, #tpu.memory_space<semaphore_mem>>) src(%dma_wait3A_175 : memref<125x64xbf16, #tpu.memory_space<vmem>>) dst(%dma_wait3A_181 : memref<10240x64xbf16, #tpu.memory_space<vmem_shared>>)
    %dma_wait3A_182 = arith.constant 5 : i32
    %dma_wait3A_183 = arith.constant 77 : i32
    %dma_wait3A_184 = arith.constant 0 : i32
    %dma_wait3A_185 = arith.constant 0 : i32
    %dma_wait3A_186 = tpu.memref_slice %arg8[%dma_wait3A_182, %dma_wait3A_184, %dma_wait3A_185] : memref<8x125x64xbf16, #tpu.memory_space<vmem>> -> memref<1x125x64xbf16, #tpu.memory_space<vmem>>
    %dma_wait3A_187 = tpu.memref_squeeze %dma_wait3A_186 : memref<1x125x64xbf16, #tpu.memory_space<vmem>> -> memref<125x64xbf16, #tpu.memory_space<vmem>>
    %dma_wait3A_188 = arith.constant 0 : i32
    %dma_wait3A_189 = tpu.memref_slice %arg7[%dma_wait3A_183, %dma_wait3A_188] : memref<80x125xi32, #tpu.memory_space<vmem>> -> memref<1x125xi32, #tpu.memory_space<vmem>>
    %dma_wait3A_190 = tpu.memref_squeeze %dma_wait3A_189 : memref<1x125xi32, #tpu.memory_space<vmem>> -> memref<125xi32, #tpu.memory_space<vmem>>
    %dma_wait3A_191 = arith.constant 0 : i32
    %dma_wait3A_192 = arith.constant 0 : i32
    %dma_wait3A_193 = tpu.memref_slice %arg9[%dma_wait3A_191, %dma_wait3A_192] : memref<10240x64xbf16, #tpu.memory_space<vmem_shared>> -> memref<10240x64xbf16, #tpu.memory_space<vmem_shared>>
    tpu.wait_indirect_dma semaphore(%arg24 : memref<!tpu.dma_semaphore, #tpu.memory_space<semaphore_mem>>) src(%dma_wait3A_187 : memref<125x64xbf16, #tpu.memory_space<vmem>>) dst(%dma_wait3A_193 : memref<10240x64xbf16, #tpu.memory_space<vmem_shared>>)
    %dma_wait3A_194 = arith.constant 6 : i32
    %dma_wait3A_195 = arith.constant 78 : i32
    %dma_wait3A_196 = arith.constant 0 : i32
    %dma_wait3A_197 = arith.constant 0 : i32
    %dma_wait3A_198 = tpu.memref_slice %arg8[%dma_wait3A_194, %dma_wait3A_196, %dma_wait3A_197] : memref<8x125x64xbf16, #tpu.memory_space<vmem>> -> memref<1x125x64xbf16, #tpu.memory_space<vmem>>
    %dma_wait3A_199 = tpu.memref_squeeze %dma_wait3A_198 : memref<1x125x64xbf16, #tpu.memory_space<vmem>> -> memref<125x64xbf16, #tpu.memory_space<vmem>>
    %dma_wait3A_200 = arith.constant 0 : i32
    %dma_wait3A_201 = tpu.memref_slice %arg7[%dma_wait3A_195, %dma_wait3A_200] : memref<80x125xi32, #tpu.memory_space<vmem>> -> memref<1x125xi32, #tpu.memory_space<vmem>>
    %dma_wait3A_202 = tpu.memref_squeeze %dma_wait3A_201 : memref<1x125xi32, #tpu.memory_space<vmem>> -> memref<125xi32, #tpu.memory_space<vmem>>
    %dma_wait3A_203 = arith.constant 0 : i32
    %dma_wait3A_204 = arith.constant 0 : i32
    %dma_wait3A_205 = tpu.memref_slice %arg9[%dma_wait3A_203, %dma_wait3A_204] : memref<10240x64xbf16, #tpu.memory_space<vmem_shared>> -> memref<10240x64xbf16, #tpu.memory_space<vmem_shared>>
    tpu.wait_indirect_dma semaphore(%arg25 : memref<!tpu.dma_semaphore, #tpu.memory_space<semaphore_mem>>) src(%dma_wait3A_199 : memref<125x64xbf16, #tpu.memory_space<vmem>>) dst(%dma_wait3A_205 : memref<10240x64xbf16, #tpu.memory_space<vmem_shared>>)
    %dma_wait3A_206 = arith.constant 7 : i32
    %dma_wait3A_207 = arith.constant 79 : i32
    %dma_wait3A_208 = arith.constant 0 : i32
    %dma_wait3A_209 = arith.constant 0 : i32
    %dma_wait3A_210 = tpu.memref_slice %arg8[%dma_wait3A_206, %dma_wait3A_208, %dma_wait3A_209] : memref<8x125x64xbf16, #tpu.memory_space<vmem>> -> memref<1x125x64xbf16, #tpu.memory_space<vmem>>
    %dma_wait3A_211 = tpu.memref_squeeze %dma_wait3A_210 : memref<1x125x64xbf16, #tpu.memory_space<vmem>> -> memref<125x64xbf16, #tpu.memory_space<vmem>>
    %dma_wait3A_212 = arith.constant 0 : i32
    %dma_wait3A_213 = tpu.memref_slice %arg7[%dma_wait3A_207, %dma_wait3A_212] : memref<80x125xi32, #tpu.memory_space<vmem>> -> memref<1x125xi32, #tpu.memory_space<vmem>>
    %dma_wait3A_214 = tpu.memref_squeeze %dma_wait3A_213 : memref<1x125xi32, #tpu.memory_space<vmem>> -> memref<125xi32, #tpu.memory_space<vmem>>
    %dma_wait3A_215 = arith.constant 0 : i32
    %dma_wait3A_216 = arith.constant 0 : i32
    %dma_wait3A_217 = tpu.memref_slice %arg9[%dma_wait3A_215, %dma_wait3A_216] : memref<10240x64xbf16, #tpu.memory_space<vmem_shared>> -> memref<10240x64xbf16, #tpu.memory_space<vmem_shared>>
    tpu.wait_indirect_dma semaphore(%arg26 : memref<!tpu.dma_semaphore, #tpu.memory_space<semaphore_mem>>) src(%dma_wait3A_211 : memref<125x64xbf16, #tpu.memory_space<vmem>>) dst(%dma_wait3A_217 : memref<10240x64xbf16, #tpu.memory_space<vmem_shared>>)
    %barrier3A_218 = arith.constant 0 : index
    tpu.barrier barrier_id(%barrier3A_218)
    %mul3A_219 = arith.constant 64 : i32
    %mul3A_220 = arith.muli %arg0, %mul3A_219 : i32
    "tpu.region"() ({
      %run_scoped3A = tpu.sem_alloc : memref<!tpu.dma_semaphore, #tpu.memory_space<semaphore_mem>>
      %dma_start3A_221 = tpu.memref_slice %arg5[%mul3A_2, %mul3A_220] : memref<10240x128xbf16, #tpu.memory_space<hbm>> -> memref<640x64xbf16, #tpu.memory_space<hbm>>
      %dma_start3A_222 = arith.constant 0 : i32
      %dma_start3A_223 = tpu.memref_slice %arg9[%mul3A_2, %dma_start3A_222] : memref<10240x64xbf16, #tpu.memory_space<vmem_shared>> -> memref<640x64xbf16, #tpu.memory_space<vmem_shared>>
      tpu.enqueue_dma source(%dma_start3A_223 : memref<640x64xbf16, #tpu.memory_space<vmem_shared>>) target(%dma_start3A_221 : memref<640x64xbf16, #tpu.memory_space<hbm>>) target_semaphore(%run_scoped3A : memref<!tpu.dma_semaphore, #tpu.memory_space<semaphore_mem>>)
      %dma_wait3A_224 = tpu.memref_slice %arg5[%mul3A_2, %mul3A_220] : memref<10240x128xbf16, #tpu.memory_space<hbm>> -> memref<640x64xbf16, #tpu.memory_space<hbm>>
      %dma_wait3A_225 = arith.constant 0 : i32
      %dma_wait3A_226 = tpu.memref_slice %arg9[%mul3A_2, %dma_wait3A_225] : memref<10240x64xbf16, #tpu.memory_space<vmem_shared>> -> memref<640x64xbf16, #tpu.memory_space<vmem_shared>>
      tpu.wait_dma2 semaphore(%run_scoped3A : memref<!tpu.dma_semaphore, #tpu.memory_space<semaphore_mem>>) src(%dma_wait3A_226 : memref<640x64xbf16, #tpu.memory_space<vmem_shared>>) dst(%dma_wait3A_224 : memref<640x64xbf16, #tpu.memory_space<hbm>>)
      tpu.yield
    }) : () -> ()
    return
  }
}

module attributes {stable_mosaic.version = 14 : i64} {
  func.func @_mm_ones_body(%arg0: i32, %arg1: memref<1024x128xf32, #tpu.memory_space<vmem>>, %arg2: memref<1024x128xf32, #tpu.memory_space<vmem>>, %arg3: memref<128x64xf32, #tpu.memory_space<vmem>>, %arg4: memref<1024x128xbf16, #tpu.memory_space<vmem>>) attributes {dimension_semantics = [#tpu.dimension_semantics<arbitrary>], iteration_bounds = array<i64: 5>, scalar_prefetch = 0 : i64, scratch_operands = 0 : i64, tpu.core_type = #tpu.core_type<tc>, window_params = [{transform_indices = @transform_0, window_bounds = array<i64: 1024, 128>}, {transform_indices = @transform_1, window_bounds = array<i64: 1024, 128>}, {pipeline_mode = #tpu.pipeline_mode<synchronous>, transform_indices = @transform_2, window_bounds = array<i64: 128, 64>}, {transform_indices = @transform_3, window_bounds = array<i64: 1024, 128>}]} {
    %get3A = arith.constant 0 : index
    %get3A_0 = arith.constant 0 : index
    %get3A_1 = vector.load %arg1[%get3A, %get3A_0] : memref<1024x128xf32, #tpu.memory_space<vmem>>, vector<1024x128xf32>
    %get3A_2 = arith.constant 0 : index
    %get3A_3 = arith.constant 0 : index
    %get3A_4 = vector.load %arg3[%get3A_2, %get3A_3] : memref<128x64xf32, #tpu.memory_space<vmem>>, vector<128x64xf32>
    %dot_general3A = arith.constant dense<0.000000e+00> : vector<1024x64xf32>
    %dot_general3A_5 = tpu.matmul %get3A_1, %get3A_4, %dot_general3A {dimension_numbers = #tpu.dot_dimension_numbers<[1], [0], [0], [1], [0, 0, 1, 1], [], []>, transpose_lhs_hint = false} : vector<1024x128xf32>, vector<128x64xf32>, vector<1024x64xf32> -> vector<1024x64xf32>
    %get3A_6 = arith.constant 0 : index
    %get3A_7 = arith.constant 0 : index
    %get3A_8 = vector.load %arg2[%get3A_6, %get3A_7] : memref<1024x128xf32, #tpu.memory_space<vmem>>, vector<1024x128xf32>
    %get3A_9 = arith.constant 0 : index
    %get3A_10 = arith.constant 0 : index
    %get3A_11 = vector.load %arg3[%get3A_9, %get3A_10] : memref<128x64xf32, #tpu.memory_space<vmem>>, vector<128x64xf32>
    %dot_general3A_12 = arith.constant dense<0.000000e+00> : vector<1024x64xf32>
    %dot_general3A_13 = tpu.matmul %get3A_8, %get3A_11, %dot_general3A_12 {dimension_numbers = #tpu.dot_dimension_numbers<[1], [0], [0], [1], [0, 0, 1, 1], [], []>, transpose_lhs_hint = false} : vector<1024x128xf32>, vector<128x64xf32>, vector<1024x64xf32> -> vector<1024x64xf32>
    %iota3A = tpu.iota {dimensions = array<i32: 1>} : vector<1024x64xi32>
    %eq3A = arith.constant 32 : i32
    %eq3A_14 = vector.broadcast %eq3A : i32 to vector<1024x64xi32>
    %eq3A_15 = arith.cmpi eq, %iota3A, %eq3A_14 : vector<1024x64xi32>
    %convert_element_type3A = arith.extui %eq3A_15 : vector<1024x64xi1> to vector<1024x64xi32>
    %convert_element_type3A_16 = arith.sitofp %convert_element_type3A : vector<1024x64xi32> to vector<1024x64xf32>
    %add3A = arith.addf %dot_general3A_5, %convert_element_type3A_16 : vector<1024x64xf32>
    %add3A_17 = arith.addf %dot_general3A_13, %convert_element_type3A_16 : vector<1024x64xf32>
    %concatenate3A = tpu.concatenate %add3A, %add3A_17 in 1 : vector<1024x64xf32>, vector<1024x64xf32> -> vector<1024x128xf32>
    %convert_element_type3A_18 = arith.truncf %concatenate3A : vector<1024x128xf32> to vector<1024x128xbf16>
    %swap3A = arith.constant 0 : index
    %swap3A_19 = arith.constant 0 : index
    %swap3A_20 = vector.load %arg4[%swap3A, %swap3A_19] : memref<1024x128xbf16, #tpu.memory_space<vmem>>, vector<1024x128xbf16>
    tpu.vector_store %arg4[%swap3A, %swap3A_19], %convert_element_type3A_18 {strides = array<i32>} : memref<1024x128xbf16, #tpu.memory_space<vmem>>, vector<1024x128xbf16>,
    return
  }
  func.func @transform_0(%arg0: i32) -> (i32, i32) {
    %c0_i32 = arith.constant 0 : i32
    %c0_i32_0 = arith.constant 0 : i32
    return %arg0, %c0_i32 : i32, i32
  }
  func.func @transform_1(%arg0: i32) -> (i32, i32) {
    %add3A = arith.constant 5 : i32
    %add3A_0 = arith.addi %arg0, %add3A : i32
    %c0_i32 = arith.constant 0 : i32
    %c0_i32_1 = arith.constant 0 : i32
    return %add3A_0, %c0_i32 : i32, i32
  }
  func.func @transform_2(%arg0: i32) -> (i32, i32) {
    %c0_i32 = arith.constant 0 : i32
    %c0_i32_0 = arith.constant 0 : i32
    %c0_i32_1 = arith.constant 0 : i32
    return %c0_i32, %c0_i32_0 : i32, i32
  }
  func.func @transform_3(%arg0: i32) -> (i32, i32) {
    %c0_i32 = arith.constant 0 : i32
    %c0_i32_0 = arith.constant 0 : i32
    return %arg0, %c0_i32 : i32, i32
  }
}

module attributes {stable_mosaic.version = 14 : i64} {
  func.func @_norm_mm_body(%arg0: i32, %arg1: memref<1024x128xbf16, #tpu.memory_space<vmem>>, %arg2: memref<1024x128xbf16, #tpu.memory_space<vmem>>, %arg3: memref<1024x128xbf16, #tpu.memory_space<vmem>>, %arg4: memref<1024x128xbf16, #tpu.memory_space<vmem>>, %arg5: memref<128x64xf32, #tpu.memory_space<vmem>>, %arg6: memref<128x1xf32, #tpu.memory_space<vmem>>, %arg7: memref<64x64xf32, #tpu.memory_space<vmem>>, %arg8: memref<1024x128xbf16, #tpu.memory_space<vmem>>) attributes {dimension_semantics = [#tpu.dimension_semantics<arbitrary>], iteration_bounds = array<i64: 5>, scalar_prefetch = 0 : i64, scratch_operands = 0 : i64, tpu.core_type = #tpu.core_type<tc>, window_params = [{transform_indices = @transform_0, window_bounds = array<i64: 1024, 128>}, {transform_indices = @transform_1, window_bounds = array<i64: 1024, 128>}, {transform_indices = @transform_2, window_bounds = array<i64: 1024, 128>}, {transform_indices = @transform_3, window_bounds = array<i64: 1024, 128>}, {pipeline_mode = #tpu.pipeline_mode<synchronous>, transform_indices = @transform_4, window_bounds = array<i64: 128, 64>}, {pipeline_mode = #tpu.pipeline_mode<synchronous>, transform_indices = @transform_5, window_bounds = array<i64: 128, 1>}, {pipeline_mode = #tpu.pipeline_mode<synchronous>, transform_indices = @transform_6, window_bounds = array<i64: 64, 64>}, {transform_indices = @transform_7, window_bounds = array<i64: 1024, 128>}]} {
    %get3A = arith.constant 0 : index
    %get3A_0 = arith.constant 0 : index
    %get3A_1 = vector.load %arg1[%get3A, %get3A_0] : memref<1024x128xbf16, #tpu.memory_space<vmem>>, vector<1024x128xbf16>
    %get3A_2 = arith.constant 0 : index
    %get3A_3 = arith.constant 0 : index
    %get3A_4 = vector.load %arg5[%get3A_2, %get3A_3] : memref<128x64xf32, #tpu.memory_space<vmem>>, vector<128x64xf32>
    %dot_general3A = arith.constant dense<0.000000e+00> : vector<1024x64xf32>
    %dot_general3A_5 = tpu.matmul %get3A_1, %get3A_4, %dot_general3A {dimension_numbers = #tpu.dot_dimension_numbers<[1], [0], [0], [1], [0, 0, 1, 1], [], []>, transpose_lhs_hint = false} : vector<1024x128xbf16>, vector<128x64xf32>, vector<1024x64xf32> -> vector<1024x64xf32>
    %get3A_6 = arith.constant 0 : index
    %get3A_7 = arith.constant 0 : index
    %get3A_8 = vector.load %arg3[%get3A_6, %get3A_7] : memref<1024x128xbf16, #tpu.memory_space<vmem>>, vector<1024x128xbf16>
    %get3A_9 = arith.constant 0 : index
    %get3A_10 = arith.constant 0 : index
    %get3A_11 = vector.load %arg6[%get3A_9, %get3A_10] : memref<128x1xf32, #tpu.memory_space<vmem>>, vector<128x1xf32>
    %dot_general3A_12 = arith.constant dense<0.000000e+00> : vector<1024x1xf32>
    %dot_general3A_13 = tpu.matmul %get3A_8, %get3A_11, %dot_general3A_12 {dimension_numbers = #tpu.dot_dimension_numbers<[1], [0], [0], [1], [0, 0, 1, 1], [], []>, transpose_lhs_hint = false} : vector<1024x128xbf16>, vector<128x1xf32>, vector<1024x1xf32> -> vector<1024x1xf32>
    %max3A = arith.constant 1.000000e+00 : f32
    %max3A_14 = vector.broadcast %max3A : f32 to vector<1024x1xf32>
    %max3A_15 = arith.maximumf %dot_general3A_13, %max3A_14 : vector<1024x1xf32>
    %div3A = arith.constant 1.000000e+00 : f32
    %div3A_16 = vector.broadcast %div3A : f32 to vector<1024x1xf32>
    %div3A_17 = arith.divf %div3A_16, %max3A_15 : vector<1024x1xf32>
    %mul3A = vector.broadcast %div3A_17 : vector<1024x1xf32> to vector<1024x64xf32>
    %mul3A_18 = arith.mulf %dot_general3A_5, %mul3A : vector<1024x64xf32>
    %max3A_19 = arith.constant 0.000000e+00 : f32
    %max3A_20 = vector.broadcast %max3A_19 : f32 to vector<1024x64xf32>
    %max3A_21 = arith.maximumf %mul3A_18, %max3A_20 : vector<1024x64xf32>
    %get3A_22 = arith.constant 0 : index
    %get3A_23 = arith.constant 0 : index
    %get3A_24 = vector.load %arg7[%get3A_22, %get3A_23] : memref<64x64xf32, #tpu.memory_space<vmem>>, vector<64x64xf32>
    %dot_general3A_25 = arith.constant dense<0.000000e+00> : vector<1024x64xf32>
    %dot_general3A_26 = tpu.matmul %max3A_21, %get3A_24, %dot_general3A_25 {dimension_numbers = #tpu.dot_dimension_numbers<[1], [0], [0], [1], [0, 0, 1, 1], [], []>, transpose_lhs_hint = false} : vector<1024x64xf32>, vector<64x64xf32>, vector<1024x64xf32> -> vector<1024x64xf32>
    %get3A_27 = arith.constant 0 : index
    %get3A_28 = arith.constant 0 : index
    %get3A_29 = vector.load %arg2[%get3A_27, %get3A_28] : memref<1024x128xbf16, #tpu.memory_space<vmem>>, vector<1024x128xbf16>
    %get3A_30 = arith.constant 0 : index
    %get3A_31 = arith.constant 0 : index
    %get3A_32 = vector.load %arg5[%get3A_30, %get3A_31] : memref<128x64xf32, #tpu.memory_space<vmem>>, vector<128x64xf32>
    %dot_general3A_33 = arith.constant dense<0.000000e+00> : vector<1024x64xf32>
    %dot_general3A_34 = tpu.matmul %get3A_29, %get3A_32, %dot_general3A_33 {dimension_numbers = #tpu.dot_dimension_numbers<[1], [0], [0], [1], [0, 0, 1, 1], [], []>, transpose_lhs_hint = false} : vector<1024x128xbf16>, vector<128x64xf32>, vector<1024x64xf32> -> vector<1024x64xf32>
    %get3A_35 = arith.constant 0 : index
    %get3A_36 = arith.constant 0 : index
    %get3A_37 = vector.load %arg4[%get3A_35, %get3A_36] : memref<1024x128xbf16, #tpu.memory_space<vmem>>, vector<1024x128xbf16>
    %get3A_38 = arith.constant 0 : index
    %get3A_39 = arith.constant 0 : index
    %get3A_40 = vector.load %arg6[%get3A_38, %get3A_39] : memref<128x1xf32, #tpu.memory_space<vmem>>, vector<128x1xf32>
    %dot_general3A_41 = arith.constant dense<0.000000e+00> : vector<1024x1xf32>
    %dot_general3A_42 = tpu.matmul %get3A_37, %get3A_40, %dot_general3A_41 {dimension_numbers = #tpu.dot_dimension_numbers<[1], [0], [0], [1], [0, 0, 1, 1], [], []>, transpose_lhs_hint = false} : vector<1024x128xbf16>, vector<128x1xf32>, vector<1024x1xf32> -> vector<1024x1xf32>
    %max3A_43 = arith.constant 1.000000e+00 : f32
    %max3A_44 = vector.broadcast %max3A_43 : f32 to vector<1024x1xf32>
    %max3A_45 = arith.maximumf %dot_general3A_42, %max3A_44 : vector<1024x1xf32>
    %div3A_46 = arith.constant 1.000000e+00 : f32
    %div3A_47 = vector.broadcast %div3A_46 : f32 to vector<1024x1xf32>
    %div3A_48 = arith.divf %div3A_47, %max3A_45 : vector<1024x1xf32>
    %mul3A_49 = vector.broadcast %div3A_48 : vector<1024x1xf32> to vector<1024x64xf32>
    %mul3A_50 = arith.mulf %dot_general3A_34, %mul3A_49 : vector<1024x64xf32>
    %max3A_51 = arith.constant 0.000000e+00 : f32
    %max3A_52 = vector.broadcast %max3A_51 : f32 to vector<1024x64xf32>
    %max3A_53 = arith.maximumf %mul3A_50, %max3A_52 : vector<1024x64xf32>
    %get3A_54 = arith.constant 0 : index
    %get3A_55 = arith.constant 0 : index
    %get3A_56 = vector.load %arg7[%get3A_54, %get3A_55] : memref<64x64xf32, #tpu.memory_space<vmem>>, vector<64x64xf32>
    %dot_general3A_57 = arith.constant dense<0.000000e+00> : vector<1024x64xf32>
    %dot_general3A_58 = tpu.matmul %max3A_53, %get3A_56, %dot_general3A_57 {dimension_numbers = #tpu.dot_dimension_numbers<[1], [0], [0], [1], [0, 0, 1, 1], [], []>, transpose_lhs_hint = false} : vector<1024x64xf32>, vector<64x64xf32>, vector<1024x64xf32> -> vector<1024x64xf32>
    %concatenate3A = tpu.concatenate %dot_general3A_26, %dot_general3A_58 in 1 : vector<1024x64xf32>, vector<1024x64xf32> -> vector<1024x128xf32>
    %convert_element_type3A = arith.truncf %concatenate3A : vector<1024x128xf32> to vector<1024x128xbf16>
    %swap3A = arith.constant 0 : index
    %swap3A_59 = arith.constant 0 : index
    %swap3A_60 = vector.load %arg8[%swap3A, %swap3A_59] : memref<1024x128xbf16, #tpu.memory_space<vmem>>, vector<1024x128xbf16>
    tpu.vector_store %arg8[%swap3A, %swap3A_59], %convert_element_type3A {strides = array<i32>} : memref<1024x128xbf16, #tpu.memory_space<vmem>>, vector<1024x128xbf16>,
    return
  }
  func.func @transform_0(%arg0: i32) -> (i32, i32) {
    %add3A = arith.constant 0 : i32
    %add3A_0 = arith.addi %arg0, %add3A : i32
    %c0_i32 = arith.constant 0 : i32
    %c0_i32_1 = arith.constant 0 : i32
    return %add3A_0, %c0_i32 : i32, i32
  }
  func.func @transform_1(%arg0: i32) -> (i32, i32) {
    %add3A = arith.constant 5 : i32
    %add3A_0 = arith.addi %arg0, %add3A : i32
    %c0_i32 = arith.constant 0 : i32
    %c0_i32_1 = arith.constant 0 : i32
    return %add3A_0, %c0_i32 : i32, i32
  }
  func.func @transform_2(%arg0: i32) -> (i32, i32) {
    %add3A = arith.constant 0 : i32
    %add3A_0 = arith.addi %arg0, %add3A : i32
    %c0_i32 = arith.constant 0 : i32
    %c0_i32_1 = arith.constant 0 : i32
    return %add3A_0, %c0_i32 : i32, i32
  }
  func.func @transform_3(%arg0: i32) -> (i32, i32) {
    %add3A = arith.constant 5 : i32
    %add3A_0 = arith.addi %arg0, %add3A : i32
    %c0_i32 = arith.constant 0 : i32
    %c0_i32_1 = arith.constant 0 : i32
    return %add3A_0, %c0_i32 : i32, i32
  }
  func.func @transform_4(%arg0: i32) -> (i32, i32) {
    %c0_i32 = arith.constant 0 : i32
    %c0_i32_0 = arith.constant 0 : i32
    %c0_i32_1 = arith.constant 0 : i32
    return %c0_i32, %c0_i32_0 : i32, i32
  }
  func.func @transform_5(%arg0: i32) -> (i32, i32) {
    %c0_i32 = arith.constant 0 : i32
    %c0_i32_0 = arith.constant 0 : i32
    %c0_i32_1 = arith.constant 0 : i32
    return %c0_i32, %c0_i32_0 : i32, i32
  }
  func.func @transform_6(%arg0: i32) -> (i32, i32) {
    %c0_i32 = arith.constant 0 : i32
    %c0_i32_0 = arith.constant 0 : i32
    %c0_i32_1 = arith.constant 0 : i32
    return %c0_i32, %c0_i32_0 : i32, i32
  }
  func.func @transform_7(%arg0: i32) -> (i32, i32) {
    %c0_i32 = arith.constant 0 : i32
    %c0_i32_0 = arith.constant 0 : i32
    return %arg0, %c0_i32 : i32, i32
  }
}

module attributes {stable_mosaic.version = 14 : i64} {
  func.func @_pool_body(%arg0: memref<10240x128xbf16, #tpu.memory_space<vmem>>, %arg1: memref<10240x128xbf16, #tpu.memory_space<vmem>>, %arg2: memref<128x64xf32, #tpu.memory_space<vmem>>, %arg3: memref<128x1xf32, #tpu.memory_space<vmem>>, %arg4: memref<10240x1xi32, #tpu.memory_space<vmem>>, %arg5: memref<64x10xf32, #tpu.memory_space<vmem>>, %arg6: memref<1x10xf32, #tpu.memory_space<vmem>>, %arg7: memref<64x10xf32, #tpu.memory_space<vmem>>) attributes {dimension_semantics = [], scalar_prefetch = 0 : i64, scratch_operands = 0 : i64, tpu.core_type = #tpu.core_type<tc>} {
    %get3A = arith.constant 0 : index
    %get3A_0 = arith.constant 0 : index
    %get3A_1 = vector.load %arg0[%get3A, %get3A_0] : memref<10240x128xbf16, #tpu.memory_space<vmem>>, vector<10240x128xbf16>
    %get3A_2 = arith.constant 0 : index
    %get3A_3 = arith.constant 0 : index
    %get3A_4 = vector.load %arg2[%get3A_2, %get3A_3] : memref<128x64xf32, #tpu.memory_space<vmem>>, vector<128x64xf32>
    %dot_general3A = arith.constant dense<0.000000e+00> : vector<10240x64xf32>
    %dot_general3A_5 = tpu.matmul %get3A_1, %get3A_4, %dot_general3A {dimension_numbers = #tpu.dot_dimension_numbers<[1], [0], [0], [1], [0, 0, 1, 1], [], []>, transpose_lhs_hint = false} : vector<10240x128xbf16>, vector<128x64xf32>, vector<10240x64xf32> -> vector<10240x64xf32>
    %get3A_6 = arith.constant 0 : index
    %get3A_7 = arith.constant 0 : index
    %get3A_8 = vector.load %arg1[%get3A_6, %get3A_7] : memref<10240x128xbf16, #tpu.memory_space<vmem>>, vector<10240x128xbf16>
    %get3A_9 = arith.constant 0 : index
    %get3A_10 = arith.constant 0 : index
    %get3A_11 = vector.load %arg3[%get3A_9, %get3A_10] : memref<128x1xf32, #tpu.memory_space<vmem>>, vector<128x1xf32>
    %dot_general3A_12 = arith.constant dense<0.000000e+00> : vector<10240x1xf32>
    %dot_general3A_13 = tpu.matmul %get3A_8, %get3A_11, %dot_general3A_12 {dimension_numbers = #tpu.dot_dimension_numbers<[1], [0], [0], [1], [0, 0, 1, 1], [], []>, transpose_lhs_hint = false} : vector<10240x128xbf16>, vector<128x1xf32>, vector<10240x1xf32> -> vector<10240x1xf32>
    %max3A = arith.constant 1.000000e+00 : f32
    %max3A_14 = vector.broadcast %max3A : f32 to vector<10240x1xf32>
    %max3A_15 = arith.maximumf %dot_general3A_13, %max3A_14 : vector<10240x1xf32>
    %div3A = arith.constant 1.000000e+00 : f32
    %div3A_16 = vector.broadcast %div3A : f32 to vector<10240x1xf32>
    %div3A_17 = arith.divf %div3A_16, %max3A_15 : vector<10240x1xf32>
    %mul3A = vector.broadcast %div3A_17 : vector<10240x1xf32> to vector<10240x64xf32>
    %mul3A_18 = arith.mulf %dot_general3A_5, %mul3A : vector<10240x64xf32>
    %max3A_19 = arith.constant 0.000000e+00 : f32
    %max3A_20 = vector.broadcast %max3A_19 : f32 to vector<10240x64xf32>
    %max3A_21 = arith.maximumf %mul3A_18, %max3A_20 : vector<10240x64xf32>
    %iota3A = tpu.iota {dimensions = array<i32: 1>} : vector<10240x64xi32>
    %get3A_22 = arith.constant 0 : index
    %get3A_23 = arith.constant 0 : index
    %get3A_24 = vector.load %arg4[%get3A_22, %get3A_23] : memref<10240x1xi32, #tpu.memory_space<vmem>>, vector<10240x1xi32>
    %eq3A = vector.broadcast %get3A_24 : vector<10240x1xi32> to vector<10240x64xi32>
    %eq3A_25 = arith.cmpi eq, %eq3A, %iota3A : vector<10240x64xi32>
    %convert_element_type3A = arith.extui %eq3A_25 : vector<10240x64xi1> to vector<10240x64xi32>
    %convert_element_type3A_26 = arith.sitofp %convert_element_type3A : vector<10240x64xi32> to vector<10240x64xf32>
    %dot_general3A_27 = arith.constant dense<0.000000e+00> : vector<64x64xf32>
    %dot_general3A_28 = tpu.matmul %convert_element_type3A_26, %max3A_21, %dot_general3A_27 {dimension_numbers = #tpu.dot_dimension_numbers<[0], [0], [1], [1], [0, 1, 1, 1], [], []>, transpose_lhs_hint = false} : vector<10240x64xf32>, vector<10240x64xf32>, vector<64x64xf32> -> vector<64x64xf32>
    %get3A_29 = arith.constant 0 : index
    %get3A_30 = arith.constant 0 : index
    %get3A_31 = vector.load %arg5[%get3A_29, %get3A_30] : memref<64x10xf32, #tpu.memory_space<vmem>>, vector<64x10xf32>
    %dot_general3A_32 = arith.constant dense<0.000000e+00> : vector<64x10xf32>
    %dot_general3A_33 = tpu.matmul %dot_general3A_28, %get3A_31, %dot_general3A_32 {dimension_numbers = #tpu.dot_dimension_numbers<[1], [0], [0], [1], [0, 0, 1, 1], [], []>, transpose_lhs_hint = false} : vector<64x64xf32>, vector<64x10xf32>, vector<64x10xf32> -> vector<64x10xf32>
    %get3A_34 = arith.constant 0 : index
    %get3A_35 = arith.constant 0 : index
    %get3A_36 = vector.load %arg6[%get3A_34, %get3A_35] : memref<1x10xf32, #tpu.memory_space<vmem>>, vector<1x10xf32>
    %add3A = vector.broadcast %get3A_36 : vector<1x10xf32> to vector<64x10xf32>
    %add3A_37 = arith.addf %dot_general3A_33, %add3A : vector<64x10xf32>
    %swap3A = arith.constant 0 : index
    %swap3A_38 = arith.constant 0 : index
    %swap3A_39 = vector.load %arg7[%swap3A, %swap3A_38] : memref<64x10xf32, #tpu.memory_space<vmem>>, vector<64x10xf32>
    tpu.vector_store %arg7[%swap3A, %swap3A_38], %add3A_37 {strides = array<i32>} : memref<64x10xf32, #tpu.memory_space<vmem>>, vector<64x10xf32>,
    return
  }
}

</mosaic_0001>

<sc_bundles>
// kernel: kernel.12.cloned.1.call-start
scs
__scs_entry_jumppad:
0x0: {  	(pc) =	sbr.rel $0x88, $3  }
0x1: {  	(tag) =	ssettag $0x0;
	lr =	simm.s32 $0x1  }
0x2: {  	[smem:$0x3F99] =	sst lr;
	_ =	strace $0xD0000000  }
0x3: {  	_ = 	snop  }
0x4: {  	_ = 	snop  }
0x5: {  	_ = 	snop  }
0x6: {  	_ = 	snop  }
0x7: {  	_ = 	snop  }
__scs_overlays_trampoline_lowered:
0x8: {  	[smem:$0x3FA8] =	sst s0  }
0x9: {  	[smem:$0x3FA9] =	sst s1  }
0xa: {  	[smem:$0x3FAA] =	sst s2  }
0xb: {  	[smem:$0x3FAB] =	sst s3  }
0xc: {  	[smem:$0x3FAC] =	sst s4  }
0xd: {  	[smem:$0x3FAD] =	sst s5  }
0xe: {  	[smem:$0x3FAE] =	sst s6  }
0xf: {  	[smem:$0x3FAF] =	sst s7  }
0x10: {  	[smem:$0x3FB0] =	sst s8  }
0x11: {  	[smem:$0x3FB1] =	sst s9;
	s0 =	simm.s32 @!p0 $0x0  }
0x12: {  	s1 =	sld [smem:$0x3F97];
	s0 =	simm.s32 @p0 $0x1  }
0x13: {  	[smem:$0x3FB2] =	sst s0;
	s0 =	simm.s32 @!p1 $0x0  }
0x14: {  	s2 =	sld [smem:$0x3F96];
	s0 =	simm.s32 @p1 $0x1  }
0x15: {  	[smem:$0x3FB3] =	sst s0;
	s0 =	simm.s32 @!p2 $0x0  }
0x16: {  	s3 =	sld [smem:$0x3FDB];
	s0 =	simm.s32 @p2 $0x1  }
0x17: {  	s4 =	simm.s32 $0x1BF5;
	[smem:$0x3FB5] =	sst s0  }
0x18: {  	s0 =	sld [smem:$0x3F98];
	_ =	swait.ge [sflag:s4], $0x0  }
0x19: {  	s7 =	sld [smem:$0x3F99]  }
0x1a: {  	s8 =	sadd.s32 $0xFFFFE003, lr  }
0x1b: {  	s9 =	sadd.s32 $0xFFFFFEF7, lr;
	s5 =	simm.s32 $0xFFFFFFFF;
	p2 =	slt.u32 s8, $0xFFFFF086  }
0x1c: {  	p1 =	slt.u32 s9, $0xF7A;
	s5 =	simm.s32 @!p2 $0x0  }
0x1d: {  	s5 =	simm.s32 @p1 $0x1;
	p0 =	seq.s32 s7, s2  }
0x1e: {  	s7 =	smul.u32 @!p0 $0xF7A, s2;
	p2 =	seq.s32 @!p0 s5, $0x0  }
0x1f: {  	s9 =	smul.u32 $0xF7A, s1;
	s8 =	simm.s32 @!p0 $0x1BF5;
	p2 =	por !p2, p0  }
0x20: {  	[sflag:s8] =	ssyncset.s32 @!p0 $0xFFFFF086;
	s6 =	sadd.s32 @!p0 s3, s7;
	s7 =	simm.s32 @!p0 $0x108  }
0x21: {  	s3 =	sadd.s32 s3, s9;
	s6 =	sadd.s32 @!p0 $0x88, s6;
	s7 =	simm.s32 @p2 $0x1082  }
0x22: {  	[simem:s7], [sflag:s8] =	dma.local @!p0 [hbm:s6], $0xF7A  }
0x23: {  	s9 =	sor.u32 $0xD0000000, s2;
	s6 =	simm.s32 $0x108;
	_ =	swait.ge @!p0 [sflag:s8], $0x0  }
0x24: {  	s3 =	sadd.s32 $0x88, s3;
	s6 =	simm.s32 @!p1 $0x1082;
	[sflag:s4] =	ssyncset.s32 $0xFFFFF086  }
0x25: {  	[simem:s6], [sflag:s4] =	dma.local [hbm:s3], $0xF7A  }
0x26: {  	[smem:$0x3F99] =	sst s1;
	(tag) =	ssettag s2;
	_ =	strace s9  }
0x27: {  	s1 =	sld [smem:$0x3FA9]  }
0x28: {  	s2 =	sld [smem:$0x3FAA]  }
0x29: {  	s4 =	sld [smem:$0x3FAC]  }
0x2a: {  	p0 =	seq.s32 s5, $0x0;
	s5 =	sld [smem:$0x3FAD]  }
0x2b: {  	s6 =	sld [smem:$0x3FAE]  }
0x2c: {  	s7 =	sld [smem:$0x3FAF]  }
0x2d: {  	s3 =	simm.s32 $0x108;
	s8 =	sld [smem:$0x3FB0]  }
0x2e: {  	s3 =	simm.s32 @!p0 $0x1082;
	s9 =	sld [smem:$0x3FB1]  }
0x2f: {  	lr =	sadd.s32 s0, s3;
	s0 =	sld [smem:$0x3FA8]  }
0x30: {  	s3 =	sld [smem:$0x3FAB]  }
0x31: {  	[smem:$0x3FB4] =	sst s10  }
0x32: {  	s10 =	sld [smem:$0x3FB2];
	_ =	sdelay $0x3  }
0x33: {  	p0 =	seq.s32 s10, $0x1;
	s10 =	sld [smem:$0x3FB4];
	_ =	sdelay $0x3  }
0x34: {  	[smem:$0x3FB4] =	sst s10  }
0x35: {  	s10 =	sld [smem:$0x3FB3];
	_ =	sdelay $0x3  }
0x36: {  	p1 =	seq.s32 s10, $0x1;
	s10 =	sld [smem:$0x3FB4];
	_ =	sdelay $0x3  }
0x37: {  	[smem:$0x3FB4] =	sst s10  }
0x38: {  	s10 =	sld [smem:$0x3FB5]  }
0x39: {  	_ = 	snop;
	(pc) =	sbr.ind lr, $3  }
0x3a: {  	_ = 	snop  }
0x3b: {  	_ = 	snop  }
0x3c: {  	p2 =	seq.s32 s10, $0x1;
	s10 =	sld [smem:$0x3FB4]  }
0x3d: {  	_ =	shalt  }
0x3e: {  	_ =	shalt  }
0x3f: {  	_ =	shalt  }
0x40: {  	_ =	shalt  }
0x41: {  	_ =	shalt  }
0x42: {  	_ =	shalt  }
0x43: {  	_ =	shalt  }
0x44: {  	_ =	shalt  }
0x45: {  	_ =	shalt  }
0x46: {  	_ =	shalt  }
0x47: {  	_ =	shalt  }
0x48: {  	_ =	shalt  }
0x49: {  	_ =	shalt  }
0x4a: {  	_ =	shalt  }
0x4b: {  	_ =	shalt  }
0x4c: {  	_ =	shalt  }
0x4d: {  	_ =	shalt  }
0x4e: {  	_ =	shalt  }
0x4f: {  	_ =	shalt  }
0x50: {  	_ =	shalt  }
0x51: {  	_ =	shalt  }
0x52: {  	_ =	shalt  }
0x53: {  	_ =	shalt  }
0x54: {  	_ =	shalt  }
0x55: {  	_ =	shalt  }
0x56: {  	_ =	shalt  }
0x57: {  	_ =	shalt  }
0x58: {  	_ =	shalt  }
0x59: {  	_ =	shalt  }
0x5a: {  	_ =	shalt  }
0x5b: {  	_ =	shalt  }
0x5c: {  	_ =	shalt  }
0x5d: {  	_ =	shalt  }
0x5e: {  	_ =	shalt  }
0x5f: {  	_ =	shalt  }
0x60: {  	_ =	shalt  }
0x61: {  	_ =	shalt  }
0x62: {  	_ =	shalt  }
0x63: {  	_ =	shalt  }
0x64: {  	_ =	shalt  }
0x65: {  	_ =	shalt  }
0x66: {  	_ =	shalt  }
0x67: {  	_ =	shalt  }
0x68: {  	_ =	shalt  }
0x69: {  	_ =	shalt  }
0x6a: {  	_ =	shalt  }
0x6b: {  	_ =	shalt  }
0x6c: {  	_ =	shalt  }
0x6d: {  	_ =	shalt  }
0x6e: {  	_ =	shalt  }
0x6f: {  	_ =	shalt  }
0x70: {  	_ =	shalt  }
0x71: {  	_ =	shalt  }
0x72: {  	_ =	shalt  }
0x73: {  	_ =	shalt  }
0x74: {  	_ =	shalt  }
0x75: {  	_ =	shalt  }
0x76: {  	_ =	shalt  }
0x77: {  	_ =	shalt  }
0x78: {  	_ =	shalt  }
0x79: {  	_ =	shalt  }
0x7a: {  	_ =	shalt  }
0x7b: {  	_ =	shalt  }
0x7c: {  	_ =	shalt  }
0x7d: {  	_ =	shalt  }
0x7e: {  	_ =	shalt  }
0x7f: {  	_ =	shalt  }
0x80: {  	_ =	shalt  }
0x81: {  	_ =	shalt  }
0x82: {  	_ =	shalt  }
0x83: {  	_ =	shalt  }
0x84: {  	_ =	shalt  }
0x85: {  	_ =	shalt  }
0x86: {  	_ =	shalt  }
0x87: {  	_ =	shalt  }
.Lfunc_end0:
.L_simem_size_0:
called_computation.1_lowered:
.L_overlay_start_0:
0x88: {  	s2 =	sld [smem:$0x3FD9]  }
0x89: {  	s3 =	sld [smem:$0x3FFE];
	_ =	sdelay $0x1  }
0x8a: {  	s1 =	srdreg.scid  }
0x8b: {  	s0 =	sand.u32 $0x1, s1  }
0x8c: {  	s16 =	sshll.u32 s0, $0xA;
	s2 =	sadd.s32 s3, s2  }
0x8d: {  	s2 =	sadd.s32 s2, s16  }
0x8e: {  	[smem:$0x3FC0] =	sst s2  }
0x8f: {  	_ = 	snop  }
0x90: {  	(tm) =	ssettm $0x1  }
0x91: {  	s17 =	sld [smem:$0x3FFB];
	_ =	sdelay $0x3  }
0x92: {  	_ =	strace s17  }
0x93: {  	s2 =	sld [smem:$0x3FFC];
	_ =	sdelay $0x3  }
0x94: {  	_ =	strace s2  }
0x95: {  	s2 =	sld [smem:$0x3FFD];
	_ =	sdelay $0x3  }
0x96: {  	_ =	strace s2  }
0x97: {  	_ =	strace $0x8FFFFFFF  }
0x98: {  	s18 =	sld [smem:$0x3FDB];
	_ =	sdelay $0x1  }
0x99: {  	s19 =	simm.s32 $_scs_section_size  }
0x9a: {  	s4 =	simm.s32 $_size__tile_overlayer_lowered;
	s5 =	simm.s32 $_tile_overlayer_lowered  }
0x9b: {  	s22 =	simm.s32 $0x1BFF;
	s21 =	sshll.u32 s5, $0x1;
	s2 =	sadd.s32 s19, s18  }
0x9c: {  	s6 =	simm.s32 $0x0;
	s20 =	sshll.u32 s4, $0x1;
	s4 =	sadd.s32 s21, s2  }
0x9d: {  	[timem:s6], [sflag:s22] =	dma.local [hbm:s4], s20  }
0x9e: {  	_ =	swait.ge [sflag:s22], s20  }
0x9f: {  	s3 =	ssub.s32 $0x0, s20;
	[sflag:s22] =	ssyncset.done $0x0  }
0xa0: {  	[sflag:s22] =	ssyncadd.s32 s3;
	_ =	sdelay $0x1  }
0xa1: {  	s23 =	simm.s32 $0x1B8B  }
0xa2: {  	_ =	swait.ge [sflag:s23], $0x1  }
0xa3: {  	[sflag:s23] =	ssyncset.done $0x0  }
0xa4: {  	s25 =	simm.s32 $0x1B8E;
	s24 =	sld [smem:$0x3FFE];
	[sflag:s23] =	ssyncadd.s32 $0xFFFFFFFF  }
0xa5: {  	s26 =	simm.s32 $execute0_lowered;
	[smem:$0x3FD2] =	sst s25  }
0xa6: {  	s4 =	sshll.u32 s26, $0x1;
	_ =	strace $0x80000049;
	[dreg:$0x1] =	wrdreg $0xFFFFFFFF  }
0xa7: {  	s28 =	simm.s32 $_size_execute0_lowered;
	s2 =	sadd.s32 s2, s4;
	[dreg:$0x0] =	wrdreg $0x0  }
0xa8: {  	s4 =	sshll.u32 s28, $0x1;
	[dreg:$0x2] =	wrdreg s2  }
0xa9: {  	[dreg:$0x3] =	wrdreg s4  }
0xaa: {  	[dreg:$0x4] =	wrdreg $0xC0  }
0xab: {  	_ =	task [dreg:s6], $0x5FFFF  }
0xac: {  	[dreg:$0x1] =	wrdreg $0xFFFFFFFF  }
0xad: {  	[dreg:$0x0] =	wrdreg $0x60  }
0xae: {  	[dreg:$0x2] =	wrdreg s24  }
0xaf: {  	[dreg:$0x3] =	wrdreg $0xCD000  }
0xb0: {  	[dreg:$0x4] =	wrdreg $0x9  }
0xb1: {  	_ =	task.clear_ibuf [dreg:s6], $0x5FFFF;
	_ =	strace $0x90000049  }
0xb2: {  	s29 =	simm.s32 $0x9;
	_ =	strace $0x8000004B  }
0xb3: {  	_ =	swait.ge [sflag:s29], $0x1  }
0xb4: {  	[sflag:s29] =	ssyncadd.s32 $0xFFFFFFFF  }
0xb5: {  	_ =	strace $0x9000004B  }
0xb6: {  	_ =	sfence  }
0xb7: {  	s30 =	sld [smem:$0x0];
	_ =	sdelay $0x2  }
0xb8: {  	s31 =	sshll.u32 s1, $0xD;
	s1 =	sshrl.u32 s1, $0x2  }
0xb9: {  	s3 =	sand.u32 $0x4000, s31;
	s1 =	sadd.s32 s1, s30  }
0xba: {  	s0 =	sor.u32 s3, s0;
	s1 =	sshll.u32 s1, $0x11  }
0xbb: {  	s0 =	sor.u32 s1, s0  }
0xbc: {  	s0 =	sadd.s32 $0x8F2B, s0  }
0xbd: {  	[sflag:s0] =	ssyncadd.remote.s32 $0x1  }
0xbe: {  	_ =	sfence.sel $0xFFFF  }
0xbf: {  	[dreg:$0x0] =	wrdreg $0xFFFFFFFF;
	(pc) =	sbr.abs _section_cstart, $3  }
0xc0: {  	[dreg:$0x1] =	wrdreg $0xFFFFFFFF  }
0xc1: {  	_ =	task.clear_ibuf [dreg:s6], $0x2FFFF;
	_ =	strace $0x9FFFFFFF  }
0xc2: {  	(tm) =	ssettm $0x7FFFFFFF  }
0xc3: {  	_ =	shalt  }
tec
execute0_lowered:
.L_overlay_start_1:
0x0: {  	(tag) =	ssettag $0x1  }
0x1: {  	s0 =	srdreg.scid;
	s1 =	rddreg [dreg:$0x0]  }
0x2: {  	s9 =	stileid.u32;
	s2 =	rddreg [dreg:$0x1]  }
0x3: {  	s4 =	simm.s32 $0x0;
	s15 =	simm.s32 $0x7D;
	s16 =	simm.s32 $0x5000  }
0x4: {  	s18 =	simm.s32 $0x5FA0;
	s25 =	simm.s32 $0x8E80;
	s26 =	simm.s32 $0xADC0  }
0x5: {  	s28 =	simm.s32 $0xBD60;
	s29 =	simm.s32 $0x5;
	s30 =	simm.s32 $0x7  }
0x6: {  	s31 =	simm.s32 $0x9;
	s0 =	sand.u32 $0x1, s0;
	s5 =	smul.u32 $0xA000, s9  }
0x7: {  	[smem:$0x7FF] =	sst s4;
	s6 =	smul.u32 $0x14000, s9;
	s23 =	sshll.u32 s9, $0x6  }
0x8: {  	s4 =	sadd.s32 $0xC200, s1;
	_ =	strace $0x8000004A;
	[dreg:$0x7] =	wrdreg s23  }
0x9: {  	s3 =	sshll.u32 s0, $0x4;
	s7 =	sshll.u32 s0, $0x6;
	[dreg:$0x3] =	wrdreg s25  }
0xa: {  	s0 =	ssub.s32 $0x2, s0;
	[dreg:$0x4] =	wrdreg s26;
	s25 =	simm.s32 $0x3  }
0xb: {  	s26 =	simm.s32 $0x4;
	s3 =	sor.u32 s9, s3;
	s8 =	sshrl.u32 s5, $0x4  }
0xc: {  	s6 =	sor.u32 s7, s6;
	s20 =	sshrl.u32 s0, $0x1;
	s22 =	sshrl.u32 s5, $0x1  }
0xd: {  	s5 =	sor.u32 $0x1C01, s23;
	s23 =	simm.s32 $0x2;
	s9 =	simm.s32 $0x0  }
0xe: {  	s3 =	smul.u32 $0x500, s3;
	s19 =	sadd.s32 s8, s1;
	s6 =	sshrl.u32 s6, $0x4  }
0xf: {  	s0 =	ssub.s32 s0, s20;
	[dreg:$0x9] =	wrdreg s5;
	s24 =	sadd.s32 $0x2200, s19  }
0x10: {  	s0 =	smax.u32 s0, $0x1;
	s3 =	sadd.s32 s3, s1;
	[dreg:$0x8] =	wrdreg s24  }
0x11: {  	s20 =	simm.s32 $0x6F40;
	[dreg:$0xb] =	wrdreg s0;
	s21 =	sadd.s32 $0x16200, s3  }
0x12: {  	s1 =	sadd.s32 s6, s1;
	s3 =	sadd.s32 $0x20200, s3;
	[dreg:$0x5] =	wrdreg s21  }
0x13: {  	s1 =	sadd.s32 $0x2A200, s1;
	[dreg:$0x6] =	wrdreg s3;
	s3 =	sadd.s32 s22, s2  }
0x14: {  	s6 =	simm.s32 $0x1;
	[dreg:$0xa] =	wrdreg s1;
	s5 =	sshrl.u32 s3, $0x3  }
0x15: {  	s24 =	simm.s32 $0x9E20;
	s22 =	simm.s32 $0x7EE0;
	[dreg:$0xc] =	wrdreg s5  }
.LBB2_1:
0x16: {  	s1 =	rddreg [dreg:$0x5]  }
0x17: {  	s17 =	rddreg [dreg:$0x6]  }
0x18: {  	s0 =	simm.s32 $0x0;
	s19 =	rddreg [dreg:$0x8]  }
0x19: {  	[tilespmem:s0], [sflag:$0x1] =	stream.linear.gather [hbm4b:s1+s0], $0x2800, $0x38;
	[tilespmem:$0x11D00] =	vst v63  }
0x1a: {  	s3 =	simm.s32 $0x2800;
	s21 =	rddreg [dreg:$0x9]  }
0x1b: {  	[tilespmem:s3], [sflag:$0x1] =	stream.linear.gather [hbm4b:s17+s0], $0x2800, $0x38;
	[tilespmem:$0x11D00] =	vst v63  }
0x1c: {  	[spmem:s5], [sflag:s21] =	dma.local [hbm:s19], $0xA00  }
0x1d: {  	_ =	swait.ge [sflag:s6], $0x2800  }
0x1e: {  	[sflag:s6] =	ssyncset.done $0x0  }
0x1f: {  	[sflag:s6] =	ssyncadd.s32 $0xFFFFD800  }
0x20: {  	_ =	swait.ge [sflag:s6], $0x2800  }
0x21: {  	[sflag:s6] =	ssyncset.done $0x0  }
0x22: {  	[sflag:s6] =	ssyncadd.s32 $0xFFFFD800  }
0x23: {  	_ =	swait.ge [sflag:s6], $0xA00  }
0x24: {  	[sflag:s6] =	ssyncset.done $0x0  }
0x25: {  	[sflag:s6] =	ssyncadd.s32 $0xFFFFF600  }
0x26: {  	[bflag:$0x0] =	sbarrier.arrive $0xFFFF  }
0x27: {  	[tilespmem:s16], [sflag:$0x2] =	stream.indirect.gather [hbm4b:s4+s15], $0x20, s0, s15, $0xb8;
	[tilespmem:$0x11D00] =	vst v63  }
0x28: {  	s1 =	simm.s32 $0x80  }
0x29: {  	[tilespmem:s18], [sflag:$0x3] =	stream.indirect.gather [hbm4b:s4+s15], $0x20, s1, s15, $0xb8;
	[tilespmem:$0x11D00] =	vst v63  }
0x2a: {  	p0 =	por $0x1, $0x1;
	s3 =	simm.s32 $0x100  }
0x2b: {  	[tilespmem:s20], [sflag:$0x4] =	stream.indirect.gather [hbm4b:s4+s15], $0x20, s3, s15, $0xb8;
	[tilespmem:$0x11D00] =	vst v63  }
0x2c: {  	s5 =	simm.s32 $0x180;
	s0 =	simm.s32 @!p0 $0xE  }
0x2d: {  	[tilespmem:s22], [sflag:$0x5] =	stream.indirect.gather [hbm4b:s4+s15], $0x20, s5, s15, $0xb8;
	[tilespmem:$0x11D00] =	vst v63  }
0x2e: {  	_ =	swait.ge @!p0 [sflag:s0], $0xFA0  }
0x2f: {  	[sflag:s0] =	ssyncset.done @!p0 $0x0  }
0x30: {  	s7 =	simm.s32 $0x200;
	s6 =	rddreg [dreg:$0x3];
	[sflag:s0] =	ssyncadd.s32 @!p0 $0xFFFFF060  }
0x31: {  	[tilespmem:s6], [sflag:$0x6] =	stream.indirect.gather [hbm4b:s4+s15], $0x20, s7, s15, $0xb8;
	[tilespmem:$0x11D00] =	vst v63  }
0x32: {  	_ =	swait.ge [sflag:s23], $0xFA0  }
0x33: {  	[sflag:s23] =	ssyncset.done $0x0  }
0x34: {  	s8 =	simm.s32 $0x2800;
	s1 =	simm.s32 @!p0 $0xF;
	[sflag:s23] =	ssyncadd.s32 $0xFFFFF060  }
0x35: {  	[spmem:s2] =	stream.indirect.scatter.add.bf16 [tilespmem:s16], [sflag:$0xA], $0x20, s8, s15, $0xb8;
	[tilespmem:$0x11D00] =	vst v63  }
0x36: {  	_ =	swait.ge @!p0 [sflag:s1], $0xFA0  }
0x37: {  	[sflag:s1] =	ssyncset.done @!p0 $0x0  }
0x38: {  	s10 =	simm.s32 $0x280;
	[sflag:s1] =	ssyncadd.s32 @!p0 $0xFFFFF060  }
0x39: {  	[tilespmem:s24], [sflag:$0x7] =	stream.indirect.gather [hbm4b:s4+s15], $0x20, s10, s15, $0xb8;
	[tilespmem:$0x11D00] =	vst v63  }
0x3a: {  	_ =	swait.ge [sflag:s25], $0xFA0  }
0x3b: {  	[sflag:s25] =	ssyncset.done $0x0  }
0x3c: {  	s11 =	simm.s32 $0x2880;
	s1 =	simm.s32 @!p0 $0x10;
	[sflag:s25] =	ssyncadd.s32 $0xFFFFF060  }
0x3d: {  	[spmem:s2] =	stream.indirect.scatter.add.bf16 [tilespmem:s18], [sflag:$0xB], $0x20, s11, s15, $0xb8;
	[tilespmem:$0x11D00] =	vst v63  }
0x3e: {  	_ =	swait.ge @!p0 [sflag:s1], $0xFA0  }
0x3f: {  	[sflag:s1] =	ssyncset.done @!p0 $0x0  }
0x40: {  	s13 =	simm.s32 $0x300;
	s12 =	rddreg [dreg:$0x4];
	[sflag:s1] =	ssyncadd.s32 @!p0 $0xFFFFF060  }
0x41: {  	[tilespmem:s12], [sflag:$0x8] =	stream.indirect.gather [hbm4b:s4+s15], $0x20, s13, s15, $0xb8;
	[tilespmem:$0x11D00] =	vst v63  }
0x42: {  	_ =	swait.ge [sflag:s26], $0xFA0  }
0x43: {  	[sflag:s26] =	ssyncset.done $0x0  }
0x44: {  	s14 =	simm.s32 $0x2900;
	s1 =	simm.s32 @!p0 $0x11;
	[sflag:s26] =	ssyncadd.s32 $0xFFFFF060  }
0x45: {  	[spmem:s2] =	stream.indirect.scatter.add.bf16 [tilespmem:s20], [sflag:$0xC], $0x20, s14, s15, $0xb8;
	[tilespmem:$0x11D00] =	vst v63  }
0x46: {  	_ =	swait.ge @!p0 [sflag:s1], $0xFA0  }
0x47: {  	[sflag:s1] =	ssyncset.done @!p0 $0x0  }
0x48: {  	s17 =	simm.s32 $0x380;
	[sflag:s1] =	ssyncadd.s32 @!p0 $0xFFFFF060  }
0x49: {  	[tilespmem:s28], [sflag:$0x9] =	stream.indirect.gather [hbm4b:s4+s15], $0x20, s17, s15, $0xb8;
	[tilespmem:$0x11D00] =	vst v63  }
0x4a: {  	_ =	swait.ge [sflag:s29], $0xFA0  }
0x4b: {  	p0 =	por $0x0, $0x0;
	[sflag:s29] =	ssyncset.done $0x0  }
0x4c: {  	s19 =	simm.s32 $0x2980;
	s1 =	simm.s32 @p0 $0x6;
	[sflag:s29] =	ssyncadd.s32 $0xFFFFF060  }
0x4d: {  	[spmem:s2] =	stream.indirect.scatter.add.bf16 [tilespmem:s22], [sflag:$0xD], $0x20, s19, s15, $0xb8;
	[tilespmem:$0x11D00] =	vst v63  }
0x4e: {  	_ =	swait.ge @p0 [sflag:s1], $0xFA0  }
0x4f: {  	s0 =	simm.s32 @p0 $0x2A00;
	s3 =	simm.s32 @p0 $0x7D;
	[sflag:s1] =	ssyncset.done @p0 $0x0  }
0x50: {  	s7 =	simm.s32 @p0 $0x8E80;
	[sflag:s1] =	ssyncadd.s32 @p0 $0xFFFFF060;
	s1 =	simm.s32 @!p0 $0xA  }
0x51: {  	[spmem:s2] =	stream.indirect.scatter.add.bf16 @p0 [tilespmem:s7], [sflag:$0xE], $0x20, s0, s3, $0xb8;
	[tilespmem:$0x11D00] =	vst v63  }
0x52: {  	_ =	swait.ge @!p0 [sflag:s1], $0xFA0  }
0x53: {  	s0 =	simm.s32 @!p0 $0x400;
	[sflag:s1] =	ssyncset.done @!p0 $0x0  }
0x54: {  	s7 =	simm.s32 @!p0 $0x7D;
	[sflag:s1] =	ssyncadd.s32 @!p0 $0xFFFFF060;
	s1 =	simm.s32 @!p0 $0x5000  }
0x55: {  	[tilespmem:s1], [sflag:$0x2] =	stream.indirect.gather @!p0 [hbm4b:s4+s7], $0x20, s0, s7, $0xb8;
	[tilespmem:$0x11D00] =	vst v63  }
0x56: {  	s0 =	simm.s32 @!p0 $0x6  }
0x57: {  	_ =	swait.ge @!p0 [sflag:s0], $0xFA0  }
0x58: {  	[sflag:s0] =	ssyncset.done @!p0 $0x0  }
0x59: {  	s1 =	simm.s32 @!p0 $0x2A00;
	[sflag:s0] =	ssyncadd.s32 @!p0 $0xFFFFF060;
	s0 =	simm.s32 @!p0 $0x8E80  }
0x5a: {  	[spmem:s2] =	stream.indirect.scatter.add.bf16 @!p0 [tilespmem:s0], [sflag:$0xE], $0x20, s1, s7, $0xb8;
	[tilespmem:$0x11D00] =	vst v63  }
0x5b: {  	s0 =	simm.s32 @!p0 $0xB  }
0x5c: {  	_ =	swait.ge @!p0 [sflag:s0], $0xFA0  }
0x5d: {  	[sflag:s0] =	ssyncset.done @!p0 $0x0  }
0x5e: {  	s1 =	simm.s32 @!p0 $0x480;
	[sflag:s0] =	ssyncadd.s32 @!p0 $0xFFFFF060;
	s0 =	simm.s32 @!p0 $0x5FA0  }
0x5f: {  	[tilespmem:s0], [sflag:$0x3] =	stream.indirect.gather @!p0 [hbm4b:s4+s7], $0x20, s1, s7, $0xb8;
	[tilespmem:$0x11D00] =	vst v63  }
0x60: {  	_ =	swait.ge [sflag:s30], $0xFA0  }
0x61: {  	[sflag:s30] =	ssyncset.done $0x0  }
0x62: {  	s21 =	simm.s32 $0x2A80;
	s1 =	simm.s32 @p0 $0x8;
	[sflag:s30] =	ssyncadd.s32 $0xFFFFF060  }
0x63: {  	[spmem:s2] =	stream.indirect.scatter.add.bf16 [tilespmem:s24], [sflag:$0xF], $0x20, s21, s15, $0xb8;
	[tilespmem:$0x11D00] =	vst v63  }
0x64: {  	_ =	swait.ge @p0 [sflag:s1], $0xFA0  }
0x65: {  	[sflag:s1] =	ssyncset.done @p0 $0x0  }
0x66: {  	s0 =	simm.s32 @p0 $0x2B00;
	[sflag:s1] =	ssyncadd.s32 @p0 $0xFFFFF060;
	s1 =	simm.s32 @p0 $0xADC0  }
0x67: {  	[spmem:s2] =	stream.indirect.scatter.add.bf16 @p0 [tilespmem:s1], [sflag:$0x10], $0x20, s0, s3, $0xb8;
	[tilespmem:$0x11D00] =	vst v63  }
0x68: {  	s0 =	simm.s32 @!p0 $0xC  }
0x69: {  	_ =	swait.ge @!p0 [sflag:s0], $0xFA0  }
0x6a: {  	[sflag:s0] =	ssyncset.done @!p0 $0x0  }
0x6b: {  	s1 =	simm.s32 @!p0 $0x500;
	[sflag:s0] =	ssyncadd.s32 @!p0 $0xFFFFF060;
	s0 =	simm.s32 @!p0 $0x6F40  }
0x6c: {  	[tilespmem:s0], [sflag:$0x4] =	stream.indirect.gather @!p0 [hbm4b:s4+s7], $0x20, s1, s7, $0xb8;
	[tilespmem:$0x11D00] =	vst v63  }
0x6d: {  	s0 =	simm.s32 @!p0 $0x8  }
0x6e: {  	_ =	swait.ge @!p0 [sflag:s0], $0xFA0  }
0x6f: {  	[sflag:s0] =	ssyncset.done @!p0 $0x0  }
0x70: {  	s1 =	simm.s32 @!p0 $0x2B00;
	[sflag:s0] =	ssyncadd.s32 @!p0 $0xFFFFF060;
	s0 =	simm.s32 @!p0 $0xADC0  }
0x71: {  	[spmem:s2] =	stream.indirect.scatter.add.bf16 @!p0 [tilespmem:s0], [sflag:$0x10], $0x20, s1, s7, $0xb8;
	[tilespmem:$0x11D00] =	vst v63  }
0x72: {  	s0 =	simm.s32 @!p0 $0xD  }
0x73: {  	_ =	swait.ge @!p0 [sflag:s0], $0xFA0  }
0x74: {  	p1 =	por $0x0, $0x0;
	s10 =	simm.s32 $0x1000;
	[sflag:s0] =	ssyncset.done @!p0 $0x0  }
0x75: {  	s1 =	simm.s32 @!p0 $0x580;
	[sflag:s0] =	ssyncadd.s32 @!p0 $0xFFFFF060;
	s0 =	simm.s32 @!p0 $0x7EE0  }
0x76: {  	[tilespmem:s0], [sflag:$0x5] =	stream.indirect.gather @!p0 [hbm4b:s4+s7], $0x20, s1, s7, $0xb8;
	[tilespmem:$0x11D00] =	vst v63  }
0x77: {  	s11 =	simm.s32 $0x2000;
	s7 =	simm.s32 $0x2B80;
	_ =	swait.ge [sflag:s31], $0xFA0  }
.LBB2_2:
0x78: {  	[sflag:s31] =	ssyncset.done $0x0  }
0x79: {  	s0 =	simm.s32 @!p1 $0xE;
	[sflag:s31] =	ssyncadd.s32 $0xFFFFF060  }
0x7a: {  	[spmem:s2] =	stream.indirect.scatter.add.bf16 [tilespmem:s28], [sflag:$0x11], $0x20, s7, s15, $0xb8;
	[tilespmem:$0x11D00] =	vst v63  }
0x7b: {  	_ =	swait.ge @!p1 [sflag:s0], $0xFA0  }
0x7c: {  	s3 =	sshra.s32 s10, $0x2;
	[sflag:s0] =	ssyncset.done @!p1 $0x0  }
0x7d: {  	s14 =	sadd.s32 $0x200, s3;
	s12 =	rddreg [dreg:$0x3];
	[sflag:s0] =	ssyncadd.s32 @!p1 $0xFFFFF060  }
0x7e: {  	[tilespmem:s12], [sflag:$0x6] =	stream.indirect.gather [hbm4b:s4+s15], $0x20, s14, s15, $0xb8;
	[tilespmem:$0x11D00] =	vst v63  }
0x7f: {  	_ =	swait.ge [sflag:s23], $0xFA0  }
0x80: {  	[sflag:s23] =	ssyncset.done $0x0  }
0x81: {  	s17 =	sadd.s32 $0x2800, s3;
	s12 =	simm.s32 @!p1 $0xF;
	[sflag:s23] =	ssyncadd.s32 $0xFFFFF060  }
0x82: {  	[spmem:s2] =	stream.indirect.scatter.add.bf16 [tilespmem:s16], [sflag:$0xA], $0x20, s17, s15, $0xb8;
	[tilespmem:$0x11D00] =	vst v63  }
0x83: {  	_ =	swait.ge @!p1 [sflag:s12], $0xFA0  }
0x84: {  	[sflag:s12] =	ssyncset.done @!p1 $0x0  }
0x85: {  	s19 =	sadd.s32 $0x280, s3;
	[sflag:s12] =	ssyncadd.s32 @!p1 $0xFFFFF060  }
0x86: {  	[tilespmem:s24], [sflag:$0x7] =	stream.indirect.gather [hbm4b:s4+s15], $0x20, s19, s15, $0xb8;
	[tilespmem:$0x11D00] =	vst v63  }
0x87: {  	_ =	swait.ge [sflag:s25], $0xFA0  }
0x88: {  	[sflag:s25] =	ssyncset.done $0x0  }
0x89: {  	s21 =	sadd.s32 $0x2880, s3;
	s12 =	simm.s32 @!p1 $0x10;
	[sflag:s25] =	ssyncadd.s32 $0xFFFFF060  }
0x8a: {  	[spmem:s2] =	stream.indirect.scatter.add.bf16 [tilespmem:s18], [sflag:$0xB], $0x20, s21, s15, $0xb8;
	[tilespmem:$0x11D00] =	vst v63  }
0x8b: {  	_ =	swait.ge @!p1 [sflag:s12], $0xFA0  }
0x8c: {  	[sflag:s12] =	ssyncset.done @!p1 $0x0  }
0x8d: {  	s6 =	sadd.s32 $0x300, s3;
	s5 =	rddreg [dreg:$0x4];
	[sflag:s12] =	ssyncadd.s32 @!p1 $0xFFFFF060  }
0x8e: {  	[tilespmem:s5], [sflag:$0x8] =	stream.indirect.gather [hbm4b:s4+s15], $0x20, s6, s15, $0xb8;
	[tilespmem:$0x11D00] =	vst v63  }
0x8f: {  	_ =	swait.ge [sflag:s26], $0xFA0  }
0x90: {  	[sflag:s26] =	ssyncset.done $0x0  }
0x91: {  	s8 =	sadd.s32 $0x2900, s3;
	s12 =	simm.s32 @!p1 $0x11;
	[sflag:s26] =	ssyncadd.s32 $0xFFFFF060  }
0x92: {  	[spmem:s2] =	stream.indirect.scatter.add.bf16 [tilespmem:s20], [sflag:$0xC], $0x20, s8, s15, $0xb8;
	[tilespmem:$0x11D00] =	vst v63  }
0x93: {  	_ =	swait.ge @!p1 [sflag:s12], $0xFA0  }
0x94: {  	[sflag:s12] =	ssyncset.done @!p1 $0x0  }
0x95: {  	s13 =	sadd.s32 $0x380, s3;
	[sflag:s12] =	ssyncadd.s32 @!p1 $0xFFFFF060  }
0x96: {  	[tilespmem:s28], [sflag:$0x9] =	stream.indirect.gather [hbm4b:s4+s15], $0x20, s13, s15, $0xb8;
	[tilespmem:$0x11D00] =	vst v63  }
0x97: {  	_ =	swait.ge [sflag:s29], $0xFA0  }
0x98: {  	p1 =	seq.s32 s10, $0x9000;
	[sflag:s29] =	ssyncset.done $0x0  }
0x99: {  	s14 =	sadd.s32 $0x2980, s3;
	s17 =	simm.s32 @p1 $0x6;
	[sflag:s29] =	ssyncadd.s32 $0xFFFFF060  }
0x9a: {  	[spmem:s2] =	stream.indirect.scatter.add.bf16 [tilespmem:s22], [sflag:$0xD], $0x20, s14, s15, $0xb8;
	[tilespmem:$0x11D00] =	vst v63  }
0x9b: {  	s19 =	sshra.s32 @p1 s10, $0x2;
	_ =	swait.ge @p1 [sflag:s17], $0xFA0  }
0x9c: {  	s12 =	simm.s32 @p1 $0x7D;
	s21 =	simm.s32 @p1 $0x8E80;
	[sflag:s17] =	ssyncset.done @p1 $0x0  }
0x9d: {  	s0 =	sadd.s32 @p1 $0x2A00, s19;
	[sflag:s17] =	ssyncadd.s32 @p1 $0xFFFFF060;
	s17 =	simm.s32 @!p1 $0xA  }
0x9e: {  	[spmem:s2] =	stream.indirect.scatter.add.bf16 @p1 [tilespmem:s21], [sflag:$0xE], $0x20, s0, s12, $0xb8;
	[tilespmem:$0x11D00] =	vst v63  }
0x9f: {  	s10 =	sshra.s32 @!p1 s10, $0x2;
	_ =	swait.ge @!p1 [sflag:s17], $0xFA0  }
0xa0: {  	s8 =	simm.s32 @!p1 $0x5000;
	s13 =	simm.s32 @!p1 $0x6;
	[sflag:s17] =	ssyncset.done @!p1 $0x0  }
0xa1: {  	s5 =	sadd.s32 @!p1 $0x400, s10;
	s0 =	simm.s32 @!p1 $0x7D;
	[sflag:s17] =	ssyncadd.s32 @!p1 $0xFFFFF060  }
0xa2: {  	[tilespmem:s8], [sflag:$0x2] =	stream.indirect.gather @!p1 [hbm4b:s4+s0], $0x20, s5, s0, $0xb8;
	[tilespmem:$0x11D00] =	vst v63  }
0xa3: {  	_ =	swait.ge @!p1 [sflag:s13], $0xFA0  }
0xa4: {  	s1 =	smov.u32 s11;
	s14 =	simm.s32 @!p1 $0x8E80;
	[sflag:s13] =	ssyncset.done @!p1 $0x0  }
0xa5: {  	s21 =	sadd.s32 @!p1 $0x2A00, s10;
	[sflag:s13] =	ssyncadd.s32 @!p1 $0xFFFFF060;
	s13 =	simm.s32 @!p1 $0xB  }
0xa6: {  	[spmem:s2] =	stream.indirect.scatter.add.bf16 @!p1 [tilespmem:s14], [sflag:$0xE], $0x20, s21, s0, $0xb8;
	[tilespmem:$0x11D00] =	vst v63  }
0xa7: {  	s6 =	sadd.s32 @!p1 $0x480, s10;
	s17 =	sadd.s32 @!p1 $0x580, s10;
	_ =	swait.ge @!p1 [sflag:s13], $0xFA0  }
0xa8: {  	s5 =	sadd.s32 @!p1 $0x500, s10;
	s8 =	sadd.s32 @!p1 $0x2B00, s10;
	[sflag:s13] =	ssyncset.done @!p1 $0x0  }
0xa9: {  	s10 =	smov.u32 s1;
	s1 =	simm.s32 @!p1 $0x5FA0;
	[sflag:s13] =	ssyncadd.s32 @!p1 $0xFFFFF060  }
0xaa: {  	[tilespmem:s1], [sflag:$0x3] =	stream.indirect.gather @!p1 [hbm4b:s4+s0], $0x20, s6, s0, $0xb8;
	[tilespmem:$0x11D00] =	vst v63  }
0xab: {  	_ =	swait.ge [sflag:s30], $0xFA0  }
0xac: {  	s7 =	sadd.s32 $0x2B80, s3;
	[sflag:s30] =	ssyncset.done $0x0  }
0xad: {  	s21 =	sadd.s32 $0x2A80, s3;
	s3 =	simm.s32 @p1 $0x8;
	[sflag:s30] =	ssyncadd.s32 $0xFFFFF060  }
0xae: {  	[spmem:s2] =	stream.indirect.scatter.add.bf16 [tilespmem:s24], [sflag:$0xF], $0x20, s21, s15, $0xb8;
	[tilespmem:$0x11D00] =	vst v63  }
0xaf: {  	_ =	swait.ge @p1 [sflag:s3], $0xFA0  }
0xb0: {  	s19 =	sadd.s32 @p1 $0x2B00, s19;
	[sflag:s3] =	ssyncset.done @p1 $0x0  }
0xb1: {  	s1 =	simm.s32 @p1 $0xADC0;
	[sflag:s3] =	ssyncadd.s32 @p1 $0xFFFFF060;
	s3 =	simm.s32 @!p1 $0xC  }
0xb2: {  	[spmem:s2] =	stream.indirect.scatter.add.bf16 @p1 [tilespmem:s1], [sflag:$0x10], $0x20, s19, s12, $0xb8;
	[tilespmem:$0x11D00] =	vst v63  }
0xb3: {  	_ =	swait.ge @!p1 [sflag:s3], $0xFA0  }
0xb4: {  	[sflag:s3] =	ssyncset.done @!p1 $0x0  }
0xb5: {  	s1 =	simm.s32 @!p1 $0x6F40;
	[sflag:s3] =	ssyncadd.s32 @!p1 $0xFFFFF060;
	s3 =	simm.s32 @!p1 $0x8  }
0xb6: {  	[tilespmem:s1], [sflag:$0x4] =	stream.indirect.gather @!p1 [hbm4b:s4+s0], $0x20, s5, s0, $0xb8;
	[tilespmem:$0x11D00] =	vst v63  }
0xb7: {  	s11 =	sadd.s32 $0x1000, s11;
	_ =	swait.ge @!p1 [sflag:s3], $0xFA0  }
0xb8: {  	p0 =	sne.s32 s11, $0xA000;
	[sflag:s3] =	ssyncset.done @!p1 $0x0  }
0xb9: {  	s1 =	simm.s32 @!p1 $0xADC0;
	[sflag:s3] =	ssyncadd.s32 @!p1 $0xFFFFF060;
	s3 =	simm.s32 @!p1 $0xD  }
0xba: {  	[spmem:s2] =	stream.indirect.scatter.add.bf16 @!p1 [tilespmem:s1], [sflag:$0x10], $0x20, s8, s0, $0xb8;
	[tilespmem:$0x11D00] =	vst v63  }
.Ltmp0:
0xbb: {  	_ =	swait.ge @!p1 [sflag:s3], $0xFA0;
	(pc) =	sbr.rel @p0 .LBB2_2-.Ltmp0, $4  }
0xbc: {  	[sflag:s3] =	ssyncset.done @!p1 $0x0  }
0xbd: {  	s1 =	simm.s32 @!p1 $0x7EE0;
	[sflag:s3] =	ssyncadd.s32 @!p1 $0xFFFFF060  }
0xbe: {  	[tilespmem:s1], [sflag:$0x5] =	stream.indirect.gather @!p1 [hbm4b:s4+s0], $0x20, s17, s0, $0xb8;
	[tilespmem:$0x11D00] =	vst v63  }
0xbf: {  	p1 =	seq.s32 s10, $0x0;
	_ =	swait.ge [sflag:s31], $0xFA0  }
0xc0: {  	[sflag:s31] =	ssyncset.done $0x0  }
0xc1: {  	s0 =	simm.s32 @!p1 $0xE;
	[sflag:s31] =	ssyncadd.s32 $0xFFFFF060  }
0xc2: {  	[spmem:s2] =	stream.indirect.scatter.add.bf16 [tilespmem:s28], [sflag:$0x11], $0x20, s7, s15, $0xb8;
	[tilespmem:$0x11D00] =	vst v63  }
0xc3: {  	_ =	swait.ge @!p1 [sflag:s0], $0xFA0  }
0xc4: {  	s1 =	sshra.s32 s10, $0x2;
	[sflag:s0] =	ssyncset.done @!p1 $0x0  }
0xc5: {  	s6 =	sadd.s32 $0x200, s1;
	s3 =	rddreg [dreg:$0x3];
	[sflag:s0] =	ssyncadd.s32 @!p1 $0xFFFFF060  }
0xc6: {  	[tilespmem:s3], [sflag:$0x6] =	stream.indirect.gather [hbm4b:s4+s15], $0x20, s6, s15, $0xb8;
	[tilespmem:$0x11D00] =	vst v63  }
0xc7: {  	_ =	swait.ge [sflag:s23], $0xFA0  }
0xc8: {  	[sflag:s23] =	ssyncset.done $0x0  }
0xc9: {  	s7 =	sadd.s32 $0x2800, s1;
	s3 =	simm.s32 @!p1 $0xF;
	[sflag:s23] =	ssyncadd.s32 $0xFFFFF060  }
0xca: {  	[spmem:s2] =	stream.indirect.scatter.add.bf16 [tilespmem:s16], [sflag:$0xA], $0x20, s7, s15, $0xb8;
	[tilespmem:$0x11D00] =	vst v63  }
0xcb: {  	_ =	swait.ge @!p1 [sflag:s3], $0xFA0  }
0xcc: {  	[sflag:s3] =	ssyncset.done @!p1 $0x0  }
0xcd: {  	s8 =	sadd.s32 $0x280, s1;
	[sflag:s3] =	ssyncadd.s32 @!p1 $0xFFFFF060  }
0xce: {  	[tilespmem:s24], [sflag:$0x7] =	stream.indirect.gather [hbm4b:s4+s15], $0x20, s8, s15, $0xb8;
	[tilespmem:$0x11D00] =	vst v63  }
0xcf: {  	_ =	swait.ge [sflag:s25], $0xFA0  }
0xd0: {  	[sflag:s25] =	ssyncset.done $0x0  }
0xd1: {  	s11 =	sadd.s32 $0x2880, s1;
	s3 =	simm.s32 @!p1 $0x10;
	[sflag:s25] =	ssyncadd.s32 $0xFFFFF060  }
0xd2: {  	[spmem:s2] =	stream.indirect.scatter.add.bf16 [tilespmem:s18], [sflag:$0xB], $0x20, s11, s15, $0xb8;
	[tilespmem:$0x11D00] =	vst v63  }
0xd3: {  	_ =	swait.ge @!p1 [sflag:s3], $0xFA0  }
0xd4: {  	[sflag:s3] =	ssyncset.done @!p1 $0x0  }
0xd5: {  	s13 =	sadd.s32 $0x300, s1;
	s12 =	rddreg [dreg:$0x4];
	[sflag:s3] =	ssyncadd.s32 @!p1 $0xFFFFF060  }
0xd6: {  	[tilespmem:s12], [sflag:$0x8] =	stream.indirect.gather [hbm4b:s4+s15], $0x20, s13, s15, $0xb8;
	[tilespmem:$0x11D00] =	vst v63  }
0xd7: {  	_ =	swait.ge [sflag:s26], $0xFA0  }
0xd8: {  	[sflag:s26] =	ssyncset.done $0x0  }
0xd9: {  	s14 =	sadd.s32 $0x2900, s1;
	s3 =	simm.s32 @!p1 $0x11;
	[sflag:s26] =	ssyncadd.s32 $0xFFFFF060  }
0xda: {  	[spmem:s2] =	stream.indirect.scatter.add.bf16 [tilespmem:s20], [sflag:$0xC], $0x20, s14, s15, $0xb8;
	[tilespmem:$0x11D00] =	vst v63  }
0xdb: {  	_ =	swait.ge @!p1 [sflag:s3], $0xFA0  }
0xdc: {  	[sflag:s3] =	ssyncset.done @!p1 $0x0  }
0xdd: {  	s17 =	sadd.s32 $0x380, s1;
	[sflag:s3] =	ssyncadd.s32 @!p1 $0xFFFFF060  }
0xde: {  	[tilespmem:s28], [sflag:$0x9] =	stream.indirect.gather [hbm4b:s4+s15], $0x20, s17, s15, $0xb8;
	[tilespmem:$0x11D00] =	vst v63  }
0xdf: {  	_ =	swait.ge [sflag:s29], $0xFA0  }
0xe0: {  	p0 =	seq.s32 s10, $0x9000;
	[sflag:s29] =	ssyncset.done $0x0  }
0xe1: {  	s19 =	sadd.s32 $0x2980, s1;
	s3 =	simm.s32 @p0 $0x6;
	[sflag:s29] =	ssyncadd.s32 $0xFFFFF060  }
0xe2: {  	[spmem:s2] =	stream.indirect.scatter.add.bf16 [tilespmem:s22], [sflag:$0xD], $0x20, s19, s15, $0xb8;
	[tilespmem:$0x11D00] =	vst v63  }
0xe3: {  	s0 =	sshra.s32 @p0 s10, $0x2;
	_ =	swait.ge @p0 [sflag:s3], $0xFA0  }
0xe4: {  	s5 =	sadd.s32 @p0 $0x2A00, s0;
	s6 =	simm.s32 @p0 $0x7D;
	[sflag:s3] =	ssyncset.done @p0 $0x0  }
0xe5: {  	s7 =	simm.s32 @p0 $0x8E80;
	[sflag:s3] =	ssyncadd.s32 @p0 $0xFFFFF060;
	s3 =	simm.s32 @!p0 $0xA  }
0xe6: {  	[spmem:s2] =	stream.indirect.scatter.add.bf16 @p0 [tilespmem:s7], [sflag:$0xE], $0x20, s5, s6, $0xb8;
	[tilespmem:$0x11D00] =	vst v63  }
0xe7: {  	_ =	swait.ge @!p0 [sflag:s3], $0xFA0  }
0xe8: {  	s8 =	simm.s32 @!p0 $0x7D;
	s5 =	sshra.s32 @!p0 s10, $0x2;
	[sflag:s3] =	ssyncset.done @!p0 $0x0  }
0xe9: {  	s7 =	sadd.s32 @!p0 $0x400, s5;
	[sflag:s3] =	ssyncadd.s32 @!p0 $0xFFFFF060;
	s3 =	simm.s32 @!p0 $0x5000  }
0xea: {  	[tilespmem:s3], [sflag:$0x2] =	stream.indirect.gather @!p0 [hbm4b:s4+s8], $0x20, s7, s8, $0xb8;
	[tilespmem:$0x11D00] =	vst v63  }
0xeb: {  	s3 =	simm.s32 @!p0 $0x6  }
0xec: {  	_ =	swait.ge @!p0 [sflag:s3], $0xFA0  }
0xed: {  	[sflag:s3] =	ssyncset.done @!p0 $0x0  }
0xee: {  	s7 =	sadd.s32 @!p0 $0x2A00, s5;
	[sflag:s3] =	ssyncadd.s32 @!p0 $0xFFFFF060;
	s3 =	simm.s32 @!p0 $0x8E80  }
0xef: {  	[spmem:s2] =	stream.indirect.scatter.add.bf16 @!p0 [tilespmem:s3], [sflag:$0xE], $0x20, s7, s8, $0xb8;
	[tilespmem:$0x11D00] =	vst v63  }
0xf0: {  	s3 =	simm.s32 @!p0 $0xB  }
0xf1: {  	_ =	swait.ge @!p0 [sflag:s3], $0xFA0  }
0xf2: {  	[sflag:s3] =	ssyncset.done @!p0 $0x0  }
0xf3: {  	s7 =	sadd.s32 @!p0 $0x480, s5;
	[sflag:s3] =	ssyncadd.s32 @!p0 $0xFFFFF060;
	s3 =	simm.s32 @!p0 $0x5FA0  }
0xf4: {  	[tilespmem:s3], [sflag:$0x3] =	stream.indirect.gather @!p0 [hbm4b:s4+s8], $0x20, s7, s8, $0xb8;
	[tilespmem:$0x11D00] =	vst v63  }
0xf5: {  	_ =	swait.ge [sflag:s30], $0xFA0  }
0xf6: {  	[sflag:s30] =	ssyncset.done $0x0  }
0xf7: {  	s21 =	sadd.s32 $0x2A80, s1;
	s3 =	simm.s32 @p0 $0x8;
	[sflag:s30] =	ssyncadd.s32 $0xFFFFF060  }
0xf8: {  	[spmem:s2] =	stream.indirect.scatter.add.bf16 [tilespmem:s24], [sflag:$0xF], $0x20, s21, s15, $0xb8;
	[tilespmem:$0x11D00] =	vst v63  }
0xf9: {  	_ =	swait.ge @p0 [sflag:s3], $0xFA0  }
0xfa: {  	[sflag:s3] =	ssyncset.done @p0 $0x0  }
0xfb: {  	s0 =	sadd.s32 @p0 $0x2B00, s0;
	[sflag:s3] =	ssyncadd.s32 @p0 $0xFFFFF060;
	s3 =	simm.s32 @p0 $0xADC0  }
0xfc: {  	[spmem:s2] =	stream.indirect.scatter.add.bf16 @p0 [tilespmem:s3], [sflag:$0x10], $0x20, s0, s6, $0xb8;
	[tilespmem:$0x11D00] =	vst v63  }
0xfd: {  	s0 =	simm.s32 @!p0 $0xC  }
0xfe: {  	_ =	swait.ge @!p0 [sflag:s0], $0xFA0  }
0xff: {  	[sflag:s0] =	ssyncset.done @!p0 $0x0  }
0x100: {  	s3 =	sadd.s32 @!p0 $0x500, s5;
	[sflag:s0] =	ssyncadd.s32 @!p0 $0xFFFFF060;
	s0 =	simm.s32 @!p0 $0x6F40  }
0x101: {  	[tilespmem:s0], [sflag:$0x4] =	stream.indirect.gather @!p0 [hbm4b:s4+s8], $0x20, s3, s8, $0xb8;
	[tilespmem:$0x11D00] =	vst v63  }
0x102: {  	s0 =	simm.s32 @!p0 $0x8  }
0x103: {  	_ =	swait.ge @!p0 [sflag:s0], $0xFA0  }
0x104: {  	[sflag:s0] =	ssyncset.done @!p0 $0x0  }
0x105: {  	s3 =	sadd.s32 @!p0 $0x2B00, s5;
	[sflag:s0] =	ssyncadd.s32 @!p0 $0xFFFFF060;
	s0 =	simm.s32 @!p0 $0xADC0  }
0x106: {  	[spmem:s2] =	stream.indirect.scatter.add.bf16 @!p0 [tilespmem:s0], [sflag:$0x10], $0x20, s3, s8, $0xb8;
	[tilespmem:$0x11D00] =	vst v63  }
0x107: {  	s0 =	simm.s32 @!p0 $0xD  }
0x108: {  	_ =	swait.ge @!p0 [sflag:s0], $0xFA0  }
0x109: {  	[sflag:s0] =	ssyncset.done @!p0 $0x0  }
0x10a: {  	s3 =	sadd.s32 @!p0 $0x580, s5;
	[sflag:s0] =	ssyncadd.s32 @!p0 $0xFFFFF060;
	s0 =	simm.s32 @!p0 $0x7EE0  }
0x10b: {  	[tilespmem:s0], [sflag:$0x5] =	stream.indirect.gather @!p0 [hbm4b:s4+s8], $0x20, s3, s8, $0xb8;
	[tilespmem:$0x11D00] =	vst v63  }
0x10c: {  	_ =	swait.ge [sflag:s31], $0xFA0  }
0x10d: {  	[sflag:s31] =	ssyncset.done $0x0  }
0x10e: {  	s1 =	sadd.s32 $0x2B80, s1;
	s3 =	simm.s32 $0xA;
	[sflag:s31] =	ssyncadd.s32 $0xFFFFF060  }
0x10f: {  	[spmem:s2] =	stream.indirect.scatter.add.bf16 [tilespmem:s28], [sflag:$0x11], $0x20, s1, s15, $0xb8;
	[tilespmem:$0x11D00] =	vst v63  }
0x110: {  	_ =	swait.ge [sflag:s3], $0xFA0  }
0x111: {  	[sflag:s3] =	ssyncset.done $0x0  }
0x112: {  	s5 =	simm.s32 $0xB;
	[sflag:s3] =	ssyncadd.s32 $0xFFFFF060  }
0x113: {  	_ =	swait.ge [sflag:s5], $0xFA0  }
0x114: {  	[sflag:s5] =	ssyncset.done $0x0  }
0x115: {  	s6 =	simm.s32 $0xC;
	[sflag:s5] =	ssyncadd.s32 $0xFFFFF060  }
0x116: {  	_ =	swait.ge [sflag:s6], $0xFA0  }
0x117: {  	[sflag:s6] =	ssyncset.done $0x0  }
0x118: {  	s7 =	simm.s32 $0xD;
	[sflag:s6] =	ssyncadd.s32 $0xFFFFF060  }
0x119: {  	_ =	swait.ge [sflag:s7], $0xFA0  }
0x11a: {  	[sflag:s7] =	ssyncset.done $0x0  }
0x11b: {  	s8 =	simm.s32 $0xE;
	[sflag:s7] =	ssyncadd.s32 $0xFFFFF060  }
0x11c: {  	_ =	swait.ge [sflag:s8], $0xFA0  }
0x11d: {  	[sflag:s8] =	ssyncset.done $0x0  }
0x11e: {  	s10 =	simm.s32 $0xF;
	[sflag:s8] =	ssyncadd.s32 $0xFFFFF060  }
0x11f: {  	_ =	swait.ge [sflag:s10], $0xFA0  }
0x120: {  	[sflag:s10] =	ssyncset.done $0x0  }
0x121: {  	s11 =	simm.s32 $0x10;
	[sflag:s10] =	ssyncadd.s32 $0xFFFFF060  }
0x122: {  	_ =	swait.ge [sflag:s11], $0xFA0  }
0x123: {  	[sflag:s11] =	ssyncset.done $0x0  }
0x124: {  	s12 =	simm.s32 $0x11;
	[sflag:s11] =	ssyncadd.s32 $0xFFFFF060  }
0x125: {  	_ =	swait.ge [sflag:s12], $0xFA0  }
0x126: {  	[sflag:s12] =	ssyncset.done $0x0  }
0x127: {  	[sflag:s12] =	ssyncadd.s32 $0xFFFFF060  }
0x128: {  	[bflag:$0x0] =	sbarrier.arrive $0xFFFF  }
0x129: {  	s13 =	rddreg [dreg:$0x7]  }
0x12a: {  	s17 =	simm.s32 $0x8;
	s19 =	simm.s32 $0x12;
	s14 =	rddreg [dreg:$0xa]  }
0x12b: {  	s6 =	simm.s32 $0x1;
	s5 =	rddreg [dreg:$0xc];
	s0 =	sor.u32 $0x1C12, s13  }
0x12c: {  	[hbm:s14@s17], [sflag:s0] =	dma.strided [spmem:s5@s26], $0xA00, s6, $0x4   }
0x12d: {  	_ =	swait.ge [sflag:s19], $0xA00  }
0x12e: {  	s9 =	sadd.s32 $0x1, s9;
	s21 =	rddreg [dreg:$0xb]  }
0x12f: {  	p0 =	sne.s32 s9, s21  }
.Ltmp1:
0x130: {  	_ = 	snop;
	(pc) =	sbr.rel @p0 .LBB2_1-.Ltmp1, $3  }
0x131: {  	_ =	sdelay $0x1  }
0x132: {  	[sflag:s19] =	ssyncset.done $0x0  }
0x133: {  	[sflag:s19] =	ssyncadd.s32 $0xFFFFF600  }
0x134: {  	_ =	sfence.sel $0x180000  }
0x135: {  	[bflag:$0x0] =	sbarrier.arrive $0xFFFF  }
0x136: {  	_ =	strace $0x9000004A  }
0x137: {  	s0 =	stileid.u32;
	[bflag:$0x2] =	sbarrier.arrive $0xFFFF  }
0x138: {  	p0 =	sne.s32 s0, $0x0;
	s0 =	rddreg [dreg:$0x2]  }
0x139: {  	s0 =	sadd.s32 @!p0 $0x100000, s0  }
0x13a: {  	[sflag:s0] =	ssyncadd.tile.s32 @!p0 $0x1;
	_ =	shalt  }
.Lfunc_end2:
_tile_overlayer_lowered:
.L_overlay_start_2:
0x13b: {  	(tag) =	ssettag $0x2  }
0x13c: {  	s0 =	rddreg [dreg:$0x0];
	s2 =	stileid.u32  }
0x13d: {  	s1 =	rddreg [dreg:$0x1];
	p0 =	sne.s32 s2, $0x0  }
0x13e: {  	s3 =	rddreg [dreg:$0x2];
	[bflag:$0x3] =	sbarrier.arrive $0xFFFF;
	s2 =	simm.s32 @!p0 $0x1C12  }
0x13f: {  	[timem:s3], [sflag:s2] =	dma.local @!p0 [hbm:s0], s1  }
0x140: {  	s0 =	simm.s32 @!p0 $0x12  }
0x141: {  	_ =	swait.ge @!p0 [sflag:s0], s1  }
0x142: {  	s1 =	ssub.s32 @!p0 $0x0, s1;
	[sflag:s0] =	ssyncset.done @!p0 $0x0  }
0x143: {  	[sflag:s0] =	ssyncadd.s32 @!p0 s1  }
0x144: {  	[bflag:$0x3] =	sbarrier.arrive $0xFFFF  }
0x145: {  	_ =	shalt  }

// kernel: kernel.15.cloned.1.call-start
scs
__scs_entry_jumppad:
0x0: {  	(pc) =	sbr.rel $0x88, $3  }
0x1: {  	(tag) =	ssettag $0x0;
	lr =	simm.s32 $0x1  }
0x2: {  	[smem:$0x3F99] =	sst lr;
	_ =	strace $0xD0000000  }
0x3: {  	_ = 	snop  }
0x4: {  	_ = 	snop  }
0x5: {  	_ = 	snop  }
0x6: {  	_ = 	snop  }
0x7: {  	_ = 	snop  }
__scs_overlays_trampoline_lowered:
0x8: {  	[smem:$0x3FA8] =	sst s0  }
0x9: {  	[smem:$0x3FA9] =	sst s1  }
0xa: {  	[smem:$0x3FAA] =	sst s2  }
0xb: {  	[smem:$0x3FAB] =	sst s3  }
0xc: {  	[smem:$0x3FAC] =	sst s4  }
0xd: {  	[smem:$0x3FAD] =	sst s5  }
0xe: {  	[smem:$0x3FAE] =	sst s6  }
0xf: {  	[smem:$0x3FAF] =	sst s7  }
0x10: {  	[smem:$0x3FB0] =	sst s8  }
0x11: {  	[smem:$0x3FB1] =	sst s9;
	s0 =	simm.s32 @!p0 $0x0  }
0x12: {  	s1 =	sld [smem:$0x3F97];
	s0 =	simm.s32 @p0 $0x1  }
0x13: {  	[smem:$0x3FB2] =	sst s0;
	s0 =	simm.s32 @!p1 $0x0  }
0x14: {  	s2 =	sld [smem:$0x3F96];
	s0 =	simm.s32 @p1 $0x1  }
0x15: {  	[smem:$0x3FB3] =	sst s0;
	s0 =	simm.s32 @!p2 $0x0  }
0x16: {  	s3 =	sld [smem:$0x3FDB];
	s0 =	simm.s32 @p2 $0x1  }
0x17: {  	s4 =	simm.s32 $0x1BF5;
	[smem:$0x3FB5] =	sst s0  }
0x18: {  	s0 =	sld [smem:$0x3F98];
	_ =	swait.ge [sflag:s4], $0x0  }
0x19: {  	s7 =	sld [smem:$0x3F99]  }
0x1a: {  	s8 =	sadd.s32 $0xFFFFE003, lr  }
0x1b: {  	s9 =	sadd.s32 $0xFFFFFEF7, lr;
	s5 =	simm.s32 $0xFFFFFFFF;
	p2 =	slt.u32 s8, $0xFFFFF086  }
0x1c: {  	p1 =	slt.u32 s9, $0xF7A;
	s5 =	simm.s32 @!p2 $0x0  }
0x1d: {  	s5 =	simm.s32 @p1 $0x1;
	p0 =	seq.s32 s7, s2  }
0x1e: {  	s7 =	smul.u32 @!p0 $0xF7A, s2;
	p2 =	seq.s32 @!p0 s5, $0x0  }
0x1f: {  	s9 =	smul.u32 $0xF7A, s1;
	s8 =	simm.s32 @!p0 $0x1BF5;
	p2 =	por !p2, p0  }
0x20: {  	[sflag:s8] =	ssyncset.s32 @!p0 $0xFFFFF086;
	s6 =	sadd.s32 @!p0 s3, s7;
	s7 =	simm.s32 @!p0 $0x108  }
0x21: {  	s3 =	sadd.s32 s3, s9;
	s6 =	sadd.s32 @!p0 $0x88, s6;
	s7 =	simm.s32 @p2 $0x1082  }
0x22: {  	[simem:s7], [sflag:s8] =	dma.local @!p0 [hbm:s6], $0xF7A  }
0x23: {  	s9 =	sor.u32 $0xD0000000, s2;
	s6 =	simm.s32 $0x108;
	_ =	swait.ge @!p0 [sflag:s8], $0x0  }
0x24: {  	s3 =	sadd.s32 $0x88, s3;
	s6 =	simm.s32 @!p1 $0x1082;
	[sflag:s4] =	ssyncset.s32 $0xFFFFF086  }
0x25: {  	[simem:s6], [sflag:s4] =	dma.local [hbm:s3], $0xF7A  }
0x26: {  	[smem:$0x3F99] =	sst s1;
	(tag) =	ssettag s2;
	_ =	strace s9  }
0x27: {  	s1 =	sld [smem:$0x3FA9]  }
0x28: {  	s2 =	sld [smem:$0x3FAA]  }
0x29: {  	s4 =	sld [smem:$0x3FAC]  }
0x2a: {  	p0 =	seq.s32 s5, $0x0;
	s5 =	sld [smem:$0x3FAD]  }
0x2b: {  	s6 =	sld [smem:$0x3FAE]  }
0x2c: {  	s7 =	sld [smem:$0x3FAF]  }
0x2d: {  	s3 =	simm.s32 $0x108;
	s8 =	sld [smem:$0x3FB0]  }
0x2e: {  	s3 =	simm.s32 @!p0 $0x1082;
	s9 =	sld [smem:$0x3FB1]  }
0x2f: {  	lr =	sadd.s32 s0, s3;
	s0 =	sld [smem:$0x3FA8]  }
0x30: {  	s3 =	sld [smem:$0x3FAB]  }
0x31: {  	[smem:$0x3FB4] =	sst s10  }
0x32: {  	s10 =	sld [smem:$0x3FB2];
	_ =	sdelay $0x3  }
0x33: {  	p0 =	seq.s32 s10, $0x1;
	s10 =	sld [smem:$0x3FB4];
	_ =	sdelay $0x3  }
0x34: {  	[smem:$0x3FB4] =	sst s10  }
0x35: {  	s10 =	sld [smem:$0x3FB3];
	_ =	sdelay $0x3  }
0x36: {  	p1 =	seq.s32 s10, $0x1;
	s10 =	sld [smem:$0x3FB4];
	_ =	sdelay $0x3  }
0x37: {  	[smem:$0x3FB4] =	sst s10  }
0x38: {  	s10 =	sld [smem:$0x3FB5]  }
0x39: {  	_ = 	snop;
	(pc) =	sbr.ind lr, $3  }
0x3a: {  	_ = 	snop  }
0x3b: {  	_ = 	snop  }
0x3c: {  	p2 =	seq.s32 s10, $0x1;
	s10 =	sld [smem:$0x3FB4]  }
0x3d: {  	_ =	shalt  }
0x3e: {  	_ =	shalt  }
0x3f: {  	_ =	shalt  }
0x40: {  	_ =	shalt  }
0x41: {  	_ =	shalt  }
0x42: {  	_ =	shalt  }
0x43: {  	_ =	shalt  }
0x44: {  	_ =	shalt  }
0x45: {  	_ =	shalt  }
0x46: {  	_ =	shalt  }
0x47: {  	_ =	shalt  }
0x48: {  	_ =	shalt  }
0x49: {  	_ =	shalt  }
0x4a: {  	_ =	shalt  }
0x4b: {  	_ =	shalt  }
0x4c: {  	_ =	shalt  }
0x4d: {  	_ =	shalt  }
0x4e: {  	_ =	shalt  }
0x4f: {  	_ =	shalt  }
0x50: {  	_ =	shalt  }
0x51: {  	_ =	shalt  }
0x52: {  	_ =	shalt  }
0x53: {  	_ =	shalt  }
0x54: {  	_ =	shalt  }
0x55: {  	_ =	shalt  }
0x56: {  	_ =	shalt  }
0x57: {  	_ =	shalt  }
0x58: {  	_ =	shalt  }
0x59: {  	_ =	shalt  }
0x5a: {  	_ =	shalt  }
0x5b: {  	_ =	shalt  }
0x5c: {  	_ =	shalt  }
0x5d: {  	_ =	shalt  }
0x5e: {  	_ =	shalt  }
0x5f: {  	_ =	shalt  }
0x60: {  	_ =	shalt  }
0x61: {  	_ =	shalt  }
0x62: {  	_ =	shalt  }
0x63: {  	_ =	shalt  }
0x64: {  	_ =	shalt  }
0x65: {  	_ =	shalt  }
0x66: {  	_ =	shalt  }
0x67: {  	_ =	shalt  }
0x68: {  	_ =	shalt  }
0x69: {  	_ =	shalt  }
0x6a: {  	_ =	shalt  }
0x6b: {  	_ =	shalt  }
0x6c: {  	_ =	shalt  }
0x6d: {  	_ =	shalt  }
0x6e: {  	_ =	shalt  }
0x6f: {  	_ =	shalt  }
0x70: {  	_ =	shalt  }
0x71: {  	_ =	shalt  }
0x72: {  	_ =	shalt  }
0x73: {  	_ =	shalt  }
0x74: {  	_ =	shalt  }
0x75: {  	_ =	shalt  }
0x76: {  	_ =	shalt  }
0x77: {  	_ =	shalt  }
0x78: {  	_ =	shalt  }
0x79: {  	_ =	shalt  }
0x7a: {  	_ =	shalt  }
0x7b: {  	_ =	shalt  }
0x7c: {  	_ =	shalt  }
0x7d: {  	_ =	shalt  }
0x7e: {  	_ =	shalt  }
0x7f: {  	_ =	shalt  }
0x80: {  	_ =	shalt  }
0x81: {  	_ =	shalt  }
0x82: {  	_ =	shalt  }
0x83: {  	_ =	shalt  }
0x84: {  	_ =	shalt  }
0x85: {  	_ =	shalt  }
0x86: {  	_ =	shalt  }
0x87: {  	_ =	shalt  }
.Lfunc_end0:
.L_simem_size_0:
called_computation.2_lowered:
.L_overlay_start_0:
0x88: {  	s2 =	sld [smem:$0x3FD9]  }
0x89: {  	s3 =	sld [smem:$0x3FFE];
	_ =	sdelay $0x1  }
0x8a: {  	s1 =	srdreg.scid  }
0x8b: {  	s0 =	sand.u32 $0x1, s1  }
0x8c: {  	s16 =	sshll.u32 s0, $0xA;
	s2 =	sadd.s32 s3, s2  }
0x8d: {  	s2 =	sadd.s32 s2, s16  }
0x8e: {  	[smem:$0x3FC0] =	sst s2  }
0x8f: {  	_ = 	snop  }
0x90: {  	(tm) =	ssettm $0x1  }
0x91: {  	s17 =	sld [smem:$0x3FFB];
	_ =	sdelay $0x3  }
0x92: {  	_ =	strace s17  }
0x93: {  	s2 =	sld [smem:$0x3FFC];
	_ =	sdelay $0x3  }
0x94: {  	_ =	strace s2  }
0x95: {  	s2 =	sld [smem:$0x3FFD];
	_ =	sdelay $0x3  }
0x96: {  	_ =	strace s2  }
0x97: {  	_ =	strace $0x8FFFFFFF  }
0x98: {  	s18 =	sld [smem:$0x3FDB];
	_ =	sdelay $0x1  }
0x99: {  	s19 =	simm.s32 $_scs_section_size  }
0x9a: {  	s4 =	simm.s32 $_size__tile_overlayer_lowered;
	s5 =	simm.s32 $_tile_overlayer_lowered  }
0x9b: {  	s22 =	simm.s32 $0x1BFF;
	s21 =	sshll.u32 s5, $0x1;
	s2 =	sadd.s32 s19, s18  }
0x9c: {  	s6 =	simm.s32 $0x0;
	s20 =	sshll.u32 s4, $0x1;
	s4 =	sadd.s32 s21, s2  }
0x9d: {  	[timem:s6], [sflag:s22] =	dma.local [hbm:s4], s20  }
0x9e: {  	_ =	swait.ge [sflag:s22], s20  }
0x9f: {  	s3 =	ssub.s32 $0x0, s20;
	[sflag:s22] =	ssyncset.done $0x0  }
0xa0: {  	[sflag:s22] =	ssyncadd.s32 s3;
	_ =	sdelay $0x1  }
0xa1: {  	s23 =	simm.s32 $0x1B8B  }
0xa2: {  	_ =	swait.ge [sflag:s23], $0x1  }
0xa3: {  	[sflag:s23] =	ssyncset.done $0x0  }
0xa4: {  	s25 =	simm.s32 $0x1B8E;
	s24 =	sld [smem:$0x3FFE];
	[sflag:s23] =	ssyncadd.s32 $0xFFFFFFFF  }
0xa5: {  	s26 =	simm.s32 $execute0_lowered;
	[smem:$0x3FD2] =	sst s25  }
0xa6: {  	s4 =	sshll.u32 s26, $0x1;
	_ =	strace $0x8000004C;
	[dreg:$0x1] =	wrdreg $0xFFFFFFFF  }
0xa7: {  	s28 =	simm.s32 $_size_execute0_lowered;
	s2 =	sadd.s32 s2, s4;
	[dreg:$0x0] =	wrdreg $0x0  }
0xa8: {  	s4 =	sshll.u32 s28, $0x1;
	[dreg:$0x2] =	wrdreg s2  }
0xa9: {  	[dreg:$0x3] =	wrdreg s4  }
0xaa: {  	[dreg:$0x4] =	wrdreg $0xC0  }
0xab: {  	_ =	task [dreg:s6], $0x5FFFF  }
0xac: {  	[dreg:$0x1] =	wrdreg $0xFFFFFFFF  }
0xad: {  	[dreg:$0x0] =	wrdreg $0x60  }
0xae: {  	[dreg:$0x2] =	wrdreg s24  }
0xaf: {  	[dreg:$0x3] =	wrdreg $0xCD000  }
0xb0: {  	[dreg:$0x4] =	wrdreg $0x9  }
0xb1: {  	_ =	task.clear_ibuf [dreg:s6], $0x5FFFF;
	_ =	strace $0x9000004C  }
0xb2: {  	s29 =	simm.s32 $0x9;
	_ =	strace $0x8000004E  }
0xb3: {  	_ =	swait.ge [sflag:s29], $0x1  }
0xb4: {  	[sflag:s29] =	ssyncadd.s32 $0xFFFFFFFF  }
0xb5: {  	_ =	strace $0x9000004E  }
0xb6: {  	_ =	sfence  }
0xb7: {  	s30 =	sld [smem:$0x0];
	_ =	sdelay $0x2  }
0xb8: {  	s31 =	sshll.u32 s1, $0xD;
	s1 =	sshrl.u32 s1, $0x2  }
0xb9: {  	s3 =	sand.u32 $0x4000, s31;
	s1 =	sadd.s32 s1, s30  }
0xba: {  	s0 =	sor.u32 s3, s0;
	s1 =	sshll.u32 s1, $0x11  }
0xbb: {  	s0 =	sor.u32 s1, s0  }
0xbc: {  	s0 =	sadd.s32 $0x8F2B, s0  }
0xbd: {  	[sflag:s0] =	ssyncadd.remote.s32 $0x1  }
0xbe: {  	_ =	sfence.sel $0xFFFF  }
0xbf: {  	[dreg:$0x0] =	wrdreg $0xFFFFFFFF;
	(pc) =	sbr.abs _section_cstart, $3  }
0xc0: {  	[dreg:$0x1] =	wrdreg $0xFFFFFFFF  }
0xc1: {  	_ =	task.clear_ibuf [dreg:s6], $0x2FFFF;
	_ =	strace $0x9FFFFFFF  }
0xc2: {  	(tm) =	ssettm $0x7FFFFFFF  }
0xc3: {  	_ =	shalt  }
tec
execute0_lowered:
.L_overlay_start_1:
0x0: {  	(tag) =	ssettag $0x1  }
0x1: {  	s0 =	srdreg.scid;
	s1 =	rddreg [dreg:$0x0]  }
0x2: {  	s9 =	stileid.u32;
	s2 =	rddreg [dreg:$0x1]  }
0x3: {  	s4 =	simm.s32 $0x0;
	s15 =	simm.s32 $0x7D;
	s16 =	simm.s32 $0x5000  }
0x4: {  	s18 =	simm.s32 $0x5FA0;
	s25 =	simm.s32 $0x8E80;
	s26 =	simm.s32 $0xADC0  }
0x5: {  	s28 =	simm.s32 $0xBD60;
	s29 =	simm.s32 $0x5;
	s30 =	simm.s32 $0x7  }
0x6: {  	s31 =	simm.s32 $0x9;
	s0 =	sand.u32 $0x1, s0;
	s5 =	smul.u32 $0xA000, s9  }
0x7: {  	[smem:$0x7FF] =	sst s4;
	s6 =	smul.u32 $0x14000, s9;
	s23 =	sshll.u32 s9, $0x6  }
0x8: {  	s4 =	sadd.s32 $0xC200, s1;
	_ =	strace $0x8000004D;
	[dreg:$0x7] =	wrdreg s23  }
0x9: {  	s3 =	sshll.u32 s0, $0x4;
	s7 =	sshll.u32 s0, $0x6;
	[dreg:$0x3] =	wrdreg s25  }
0xa: {  	s0 =	ssub.s32 $0x2, s0;
	[dreg:$0x4] =	wrdreg s26;
	s25 =	simm.s32 $0x3  }
0xb: {  	s26 =	simm.s32 $0x4;
	s3 =	sor.u32 s9, s3;
	s8 =	sshrl.u32 s5, $0x4  }
0xc: {  	s6 =	sor.u32 s7, s6;
	s20 =	sshrl.u32 s0, $0x1;
	s22 =	sshrl.u32 s5, $0x1  }
0xd: {  	s5 =	sor.u32 $0x1C01, s23;
	s23 =	simm.s32 $0x2;
	s9 =	simm.s32 $0x0  }
0xe: {  	s3 =	smul.u32 $0x500, s3;
	s19 =	sadd.s32 s8, s1;
	s6 =	sshrl.u32 s6, $0x4  }
0xf: {  	s0 =	ssub.s32 s0, s20;
	[dreg:$0x9] =	wrdreg s5;
	s24 =	sadd.s32 $0x2200, s19  }
0x10: {  	s0 =	smax.u32 s0, $0x1;
	s3 =	sadd.s32 s3, s1;
	[dreg:$0x8] =	wrdreg s24  }
0x11: {  	s20 =	simm.s32 $0x6F40;
	[dreg:$0xb] =	wrdreg s0;
	s21 =	sadd.s32 $0x16200, s3  }
0x12: {  	s1 =	sadd.s32 s6, s1;
	s3 =	sadd.s32 $0x20200, s3;
	[dreg:$0x5] =	wrdreg s21  }
0x13: {  	s1 =	sadd.s32 $0x2A200, s1;
	[dreg:$0x6] =	wrdreg s3;
	s3 =	sadd.s32 s22, s2  }
0x14: {  	s6 =	simm.s32 $0x1;
	[dreg:$0xa] =	wrdreg s1;
	s5 =	sshrl.u32 s3, $0x3  }
0x15: {  	s24 =	simm.s32 $0x9E20;
	s22 =	simm.s32 $0x7EE0;
	[dreg:$0xc] =	wrdreg s5  }
.LBB2_1:
0x16: {  	s1 =	rddreg [dreg:$0x5]  }
0x17: {  	s17 =	rddreg [dreg:$0x6]  }
0x18: {  	s0 =	simm.s32 $0x0;
	s19 =	rddreg [dreg:$0x8]  }
0x19: {  	[tilespmem:s0], [sflag:$0x1] =	stream.linear.gather [hbm4b:s1+s0], $0x2800, $0x38;
	[tilespmem:$0x11D00] =	vst v63  }
0x1a: {  	s3 =	simm.s32 $0x2800;
	s21 =	rddreg [dreg:$0x9]  }
0x1b: {  	[tilespmem:s3], [sflag:$0x1] =	stream.linear.gather [hbm4b:s17+s0], $0x2800, $0x38;
	[tilespmem:$0x11D00] =	vst v63  }
0x1c: {  	[spmem:s5], [sflag:s21] =	dma.local [hbm:s19], $0xA00  }
0x1d: {  	_ =	swait.ge [sflag:s6], $0x2800  }
0x1e: {  	[sflag:s6] =	ssyncset.done $0x0  }
0x1f: {  	[sflag:s6] =	ssyncadd.s32 $0xFFFFD800  }
0x20: {  	_ =	swait.ge [sflag:s6], $0x2800  }
0x21: {  	[sflag:s6] =	ssyncset.done $0x0  }
0x22: {  	[sflag:s6] =	ssyncadd.s32 $0xFFFFD800  }
0x23: {  	_ =	swait.ge [sflag:s6], $0xA00  }
0x24: {  	[sflag:s6] =	ssyncset.done $0x0  }
0x25: {  	[sflag:s6] =	ssyncadd.s32 $0xFFFFF600  }
0x26: {  	[bflag:$0x0] =	sbarrier.arrive $0xFFFF  }
0x27: {  	[tilespmem:s16], [sflag:$0x2] =	stream.indirect.gather [hbm4b:s4+s15], $0x20, s0, s15, $0xb8;
	[tilespmem:$0x11D00] =	vst v63  }
0x28: {  	s1 =	simm.s32 $0x80  }
0x29: {  	[tilespmem:s18], [sflag:$0x3] =	stream.indirect.gather [hbm4b:s4+s15], $0x20, s1, s15, $0xb8;
	[tilespmem:$0x11D00] =	vst v63  }
0x2a: {  	p0 =	por $0x1, $0x1;
	s3 =	simm.s32 $0x100  }
0x2b: {  	[tilespmem:s20], [sflag:$0x4] =	stream.indirect.gather [hbm4b:s4+s15], $0x20, s3, s15, $0xb8;
	[tilespmem:$0x11D00] =	vst v63  }
0x2c: {  	s5 =	simm.s32 $0x180;
	s0 =	simm.s32 @!p0 $0xE  }
0x2d: {  	[tilespmem:s22], [sflag:$0x5] =	stream.indirect.gather [hbm4b:s4+s15], $0x20, s5, s15, $0xb8;
	[tilespmem:$0x11D00] =	vst v63  }
0x2e: {  	_ =	swait.ge @!p0 [sflag:s0], $0xFA0  }
0x2f: {  	[sflag:s0] =	ssyncset.done @!p0 $0x0  }
0x30: {  	s7 =	simm.s32 $0x200;
	s6 =	rddreg [dreg:$0x3];
	[sflag:s0] =	ssyncadd.s32 @!p0 $0xFFFFF060  }
0x31: {  	[tilespmem:s6], [sflag:$0x6] =	stream.indirect.gather [hbm4b:s4+s15], $0x20, s7, s15, $0xb8;
	[tilespmem:$0x11D00] =	vst v63  }
0x32: {  	_ =	swait.ge [sflag:s23], $0xFA0  }
0x33: {  	[sflag:s23] =	ssyncset.done $0x0  }
0x34: {  	s8 =	simm.s32 $0x2800;
	s1 =	simm.s32 @!p0 $0xF;
	[sflag:s23] =	ssyncadd.s32 $0xFFFFF060  }
0x35: {  	[spmem:s2] =	stream.indirect.scatter.add.bf16 [tilespmem:s16], [sflag:$0xA], $0x20, s8, s15, $0xb8;
	[tilespmem:$0x11D00] =	vst v63  }
0x36: {  	_ =	swait.ge @!p0 [sflag:s1], $0xFA0  }
0x37: {  	[sflag:s1] =	ssyncset.done @!p0 $0x0  }
0x38: {  	s10 =	simm.s32 $0x280;
	[sflag:s1] =	ssyncadd.s32 @!p0 $0xFFFFF060  }
0x39: {  	[tilespmem:s24], [sflag:$0x7] =	stream.indirect.gather [hbm4b:s4+s15], $0x20, s10, s15, $0xb8;
	[tilespmem:$0x11D00] =	vst v63  }
0x3a: {  	_ =	swait.ge [sflag:s25], $0xFA0  }
0x3b: {  	[sflag:s25] =	ssyncset.done $0x0  }
0x3c: {  	s11 =	simm.s32 $0x2880;
	s1 =	simm.s32 @!p0 $0x10;
	[sflag:s25] =	ssyncadd.s32 $0xFFFFF060  }
0x3d: {  	[spmem:s2] =	stream.indirect.scatter.add.bf16 [tilespmem:s18], [sflag:$0xB], $0x20, s11, s15, $0xb8;
	[tilespmem:$0x11D00] =	vst v63  }
0x3e: {  	_ =	swait.ge @!p0 [sflag:s1], $0xFA0  }
0x3f: {  	[sflag:s1] =	ssyncset.done @!p0 $0x0  }
0x40: {  	s13 =	simm.s32 $0x300;
	s12 =	rddreg [dreg:$0x4];
	[sflag:s1] =	ssyncadd.s32 @!p0 $0xFFFFF060  }
0x41: {  	[tilespmem:s12], [sflag:$0x8] =	stream.indirect.gather [hbm4b:s4+s15], $0x20, s13, s15, $0xb8;
	[tilespmem:$0x11D00] =	vst v63  }
0x42: {  	_ =	swait.ge [sflag:s26], $0xFA0  }
0x43: {  	[sflag:s26] =	ssyncset.done $0x0  }
0x44: {  	s14 =	simm.s32 $0x2900;
	s1 =	simm.s32 @!p0 $0x11;
	[sflag:s26] =	ssyncadd.s32 $0xFFFFF060  }
0x45: {  	[spmem:s2] =	stream.indirect.scatter.add.bf16 [tilespmem:s20], [sflag:$0xC], $0x20, s14, s15, $0xb8;
	[tilespmem:$0x11D00] =	vst v63  }
0x46: {  	_ =	swait.ge @!p0 [sflag:s1], $0xFA0  }
0x47: {  	[sflag:s1] =	ssyncset.done @!p0 $0x0  }
0x48: {  	s17 =	simm.s32 $0x380;
	[sflag:s1] =	ssyncadd.s32 @!p0 $0xFFFFF060  }
0x49: {  	[tilespmem:s28], [sflag:$0x9] =	stream.indirect.gather [hbm4b:s4+s15], $0x20, s17, s15, $0xb8;
	[tilespmem:$0x11D00] =	vst v63  }
0x4a: {  	_ =	swait.ge [sflag:s29], $0xFA0  }
0x4b: {  	p0 =	por $0x0, $0x0;
	[sflag:s29] =	ssyncset.done $0x0  }
0x4c: {  	s19 =	simm.s32 $0x2980;
	s1 =	simm.s32 @p0 $0x6;
	[sflag:s29] =	ssyncadd.s32 $0xFFFFF060  }
0x4d: {  	[spmem:s2] =	stream.indirect.scatter.add.bf16 [tilespmem:s22], [sflag:$0xD], $0x20, s19, s15, $0xb8;
	[tilespmem:$0x11D00] =	vst v63  }
0x4e: {  	_ =	swait.ge @p0 [sflag:s1], $0xFA0  }
0x4f: {  	s0 =	simm.s32 @p0 $0x2A00;
	s3 =	simm.s32 @p0 $0x7D;
	[sflag:s1] =	ssyncset.done @p0 $0x0  }
0x50: {  	s7 =	simm.s32 @p0 $0x8E80;
	[sflag:s1] =	ssyncadd.s32 @p0 $0xFFFFF060;
	s1 =	simm.s32 @!p0 $0xA  }
0x51: {  	[spmem:s2] =	stream.indirect.scatter.add.bf16 @p0 [tilespmem:s7], [sflag:$0xE], $0x20, s0, s3, $0xb8;
	[tilespmem:$0x11D00] =	vst v63  }
0x52: {  	_ =	swait.ge @!p0 [sflag:s1], $0xFA0  }
0x53: {  	s0 =	simm.s32 @!p0 $0x400;
	[sflag:s1] =	ssyncset.done @!p0 $0x0  }
0x54: {  	s7 =	simm.s32 @!p0 $0x7D;
	[sflag:s1] =	ssyncadd.s32 @!p0 $0xFFFFF060;
	s1 =	simm.s32 @!p0 $0x5000  }
0x55: {  	[tilespmem:s1], [sflag:$0x2] =	stream.indirect.gather @!p0 [hbm4b:s4+s7], $0x20, s0, s7, $0xb8;
	[tilespmem:$0x11D00] =	vst v63  }
0x56: {  	s0 =	simm.s32 @!p0 $0x6  }
0x57: {  	_ =	swait.ge @!p0 [sflag:s0], $0xFA0  }
0x58: {  	[sflag:s0] =	ssyncset.done @!p0 $0x0  }
0x59: {  	s1 =	simm.s32 @!p0 $0x2A00;
	[sflag:s0] =	ssyncadd.s32 @!p0 $0xFFFFF060;
	s0 =	simm.s32 @!p0 $0x8E80  }
0x5a: {  	[spmem:s2] =	stream.indirect.scatter.add.bf16 @!p0 [tilespmem:s0], [sflag:$0xE], $0x20, s1, s7, $0xb8;
	[tilespmem:$0x11D00] =	vst v63  }
0x5b: {  	s0 =	simm.s32 @!p0 $0xB  }
0x5c: {  	_ =	swait.ge @!p0 [sflag:s0], $0xFA0  }
0x5d: {  	[sflag:s0] =	ssyncset.done @!p0 $0x0  }
0x5e: {  	s1 =	simm.s32 @!p0 $0x480;
	[sflag:s0] =	ssyncadd.s32 @!p0 $0xFFFFF060;
	s0 =	simm.s32 @!p0 $0x5FA0  }
0x5f: {  	[tilespmem:s0], [sflag:$0x3] =	stream.indirect.gather @!p0 [hbm4b:s4+s7], $0x20, s1, s7, $0xb8;
	[tilespmem:$0x11D00] =	vst v63  }
0x60: {  	_ =	swait.ge [sflag:s30], $0xFA0  }
0x61: {  	[sflag:s30] =	ssyncset.done $0x0  }
0x62: {  	s21 =	simm.s32 $0x2A80;
	s1 =	simm.s32 @p0 $0x8;
	[sflag:s30] =	ssyncadd.s32 $0xFFFFF060  }
0x63: {  	[spmem:s2] =	stream.indirect.scatter.add.bf16 [tilespmem:s24], [sflag:$0xF], $0x20, s21, s15, $0xb8;
	[tilespmem:$0x11D00] =	vst v63  }
0x64: {  	_ =	swait.ge @p0 [sflag:s1], $0xFA0  }
0x65: {  	[sflag:s1] =	ssyncset.done @p0 $0x0  }
0x66: {  	s0 =	simm.s32 @p0 $0x2B00;
	[sflag:s1] =	ssyncadd.s32 @p0 $0xFFFFF060;
	s1 =	simm.s32 @p0 $0xADC0  }
0x67: {  	[spmem:s2] =	stream.indirect.scatter.add.bf16 @p0 [tilespmem:s1], [sflag:$0x10], $0x20, s0, s3, $0xb8;
	[tilespmem:$0x11D00] =	vst v63  }
0x68: {  	s0 =	simm.s32 @!p0 $0xC  }
0x69: {  	_ =	swait.ge @!p0 [sflag:s0], $0xFA0  }
0x6a: {  	[sflag:s0] =	ssyncset.done @!p0 $0x0  }
0x6b: {  	s1 =	simm.s32 @!p0 $0x500;
	[sflag:s0] =	ssyncadd.s32 @!p0 $0xFFFFF060;
	s0 =	simm.s32 @!p0 $0x6F40  }
0x6c: {  	[tilespmem:s0], [sflag:$0x4] =	stream.indirect.gather @!p0 [hbm4b:s4+s7], $0x20, s1, s7, $0xb8;
	[tilespmem:$0x11D00] =	vst v63  }
0x6d: {  	s0 =	simm.s32 @!p0 $0x8  }
0x6e: {  	_ =	swait.ge @!p0 [sflag:s0], $0xFA0  }
0x6f: {  	[sflag:s0] =	ssyncset.done @!p0 $0x0  }
0x70: {  	s1 =	simm.s32 @!p0 $0x2B00;
	[sflag:s0] =	ssyncadd.s32 @!p0 $0xFFFFF060;
	s0 =	simm.s32 @!p0 $0xADC0  }
0x71: {  	[spmem:s2] =	stream.indirect.scatter.add.bf16 @!p0 [tilespmem:s0], [sflag:$0x10], $0x20, s1, s7, $0xb8;
	[tilespmem:$0x11D00] =	vst v63  }
0x72: {  	s0 =	simm.s32 @!p0 $0xD  }
0x73: {  	_ =	swait.ge @!p0 [sflag:s0], $0xFA0  }
0x74: {  	p1 =	por $0x0, $0x0;
	s10 =	simm.s32 $0x1000;
	[sflag:s0] =	ssyncset.done @!p0 $0x0  }
0x75: {  	s1 =	simm.s32 @!p0 $0x580;
	[sflag:s0] =	ssyncadd.s32 @!p0 $0xFFFFF060;
	s0 =	simm.s32 @!p0 $0x7EE0  }
0x76: {  	[tilespmem:s0], [sflag:$0x5] =	stream.indirect.gather @!p0 [hbm4b:s4+s7], $0x20, s1, s7, $0xb8;
	[tilespmem:$0x11D00] =	vst v63  }
0x77: {  	s11 =	simm.s32 $0x2000;
	s7 =	simm.s32 $0x2B80;
	_ =	swait.ge [sflag:s31], $0xFA0  }
.LBB2_2:
0x78: {  	[sflag:s31] =	ssyncset.done $0x0  }
0x79: {  	s0 =	simm.s32 @!p1 $0xE;
	[sflag:s31] =	ssyncadd.s32 $0xFFFFF060  }
0x7a: {  	[spmem:s2] =	stream.indirect.scatter.add.bf16 [tilespmem:s28], [sflag:$0x11], $0x20, s7, s15, $0xb8;
	[tilespmem:$0x11D00] =	vst v63  }
0x7b: {  	_ =	swait.ge @!p1 [sflag:s0], $0xFA0  }
0x7c: {  	s3 =	sshra.s32 s10, $0x2;
	[sflag:s0] =	ssyncset.done @!p1 $0x0  }
0x7d: {  	s14 =	sadd.s32 $0x200, s3;
	s12 =	rddreg [dreg:$0x3];
	[sflag:s0] =	ssyncadd.s32 @!p1 $0xFFFFF060  }
0x7e: {  	[tilespmem:s12], [sflag:$0x6] =	stream.indirect.gather [hbm4b:s4+s15], $0x20, s14, s15, $0xb8;
	[tilespmem:$0x11D00] =	vst v63  }
0x7f: {  	_ =	swait.ge [sflag:s23], $0xFA0  }
0x80: {  	[sflag:s23] =	ssyncset.done $0x0  }
0x81: {  	s17 =	sadd.s32 $0x2800, s3;
	s12 =	simm.s32 @!p1 $0xF;
	[sflag:s23] =	ssyncadd.s32 $0xFFFFF060  }
0x82: {  	[spmem:s2] =	stream.indirect.scatter.add.bf16 [tilespmem:s16], [sflag:$0xA], $0x20, s17, s15, $0xb8;
	[tilespmem:$0x11D00] =	vst v63  }
0x83: {  	_ =	swait.ge @!p1 [sflag:s12], $0xFA0  }
0x84: {  	[sflag:s12] =	ssyncset.done @!p1 $0x0  }
0x85: {  	s19 =	sadd.s32 $0x280, s3;
	[sflag:s12] =	ssyncadd.s32 @!p1 $0xFFFFF060  }
0x86: {  	[tilespmem:s24], [sflag:$0x7] =	stream.indirect.gather [hbm4b:s4+s15], $0x20, s19, s15, $0xb8;
	[tilespmem:$0x11D00] =	vst v63  }
0x87: {  	_ =	swait.ge [sflag:s25], $0xFA0  }
0x88: {  	[sflag:s25] =	ssyncset.done $0x0  }
0x89: {  	s21 =	sadd.s32 $0x2880, s3;
	s12 =	simm.s32 @!p1 $0x10;
	[sflag:s25] =	ssyncadd.s32 $0xFFFFF060  }
0x8a: {  	[spmem:s2] =	stream.indirect.scatter.add.bf16 [tilespmem:s18], [sflag:$0xB], $0x20, s21, s15, $0xb8;
	[tilespmem:$0x11D00] =	vst v63  }
0x8b: {  	_ =	swait.ge @!p1 [sflag:s12], $0xFA0  }
0x8c: {  	[sflag:s12] =	ssyncset.done @!p1 $0x0  }
0x8d: {  	s6 =	sadd.s32 $0x300, s3;
	s5 =	rddreg [dreg:$0x4];
	[sflag:s12] =	ssyncadd.s32 @!p1 $0xFFFFF060  }
0x8e: {  	[tilespmem:s5], [sflag:$0x8] =	stream.indirect.gather [hbm4b:s4+s15], $0x20, s6, s15, $0xb8;
	[tilespmem:$0x11D00] =	vst v63  }
0x8f: {  	_ =	swait.ge [sflag:s26], $0xFA0  }
0x90: {  	[sflag:s26] =	ssyncset.done $0x0  }
0x91: {  	s8 =	sadd.s32 $0x2900, s3;
	s12 =	simm.s32 @!p1 $0x11;
	[sflag:s26] =	ssyncadd.s32 $0xFFFFF060  }
0x92: {  	[spmem:s2] =	stream.indirect.scatter.add.bf16 [tilespmem:s20], [sflag:$0xC], $0x20, s8, s15, $0xb8;
	[tilespmem:$0x11D00] =	vst v63  }
0x93: {  	_ =	swait.ge @!p1 [sflag:s12], $0xFA0  }
0x94: {  	[sflag:s12] =	ssyncset.done @!p1 $0x0  }
0x95: {  	s13 =	sadd.s32 $0x380, s3;
	[sflag:s12] =	ssyncadd.s32 @!p1 $0xFFFFF060  }
0x96: {  	[tilespmem:s28], [sflag:$0x9] =	stream.indirect.gather [hbm4b:s4+s15], $0x20, s13, s15, $0xb8;
	[tilespmem:$0x11D00] =	vst v63  }
0x97: {  	_ =	swait.ge [sflag:s29], $0xFA0  }
0x98: {  	p1 =	seq.s32 s10, $0x9000;
	[sflag:s29] =	ssyncset.done $0x0  }
0x99: {  	s14 =	sadd.s32 $0x2980, s3;
	s17 =	simm.s32 @p1 $0x6;
	[sflag:s29] =	ssyncadd.s32 $0xFFFFF060  }
0x9a: {  	[spmem:s2] =	stream.indirect.scatter.add.bf16 [tilespmem:s22], [sflag:$0xD], $0x20, s14, s15, $0xb8;
	[tilespmem:$0x11D00] =	vst v63  }
0x9b: {  	s19 =	sshra.s32 @p1 s10, $0x2;
	_ =	swait.ge @p1 [sflag:s17], $0xFA0  }
0x9c: {  	s12 =	simm.s32 @p1 $0x7D;
	s21 =	simm.s32 @p1 $0x8E80;
	[sflag:s17] =	ssyncset.done @p1 $0x0  }
0x9d: {  	s0 =	sadd.s32 @p1 $0x2A00, s19;
	[sflag:s17] =	ssyncadd.s32 @p1 $0xFFFFF060;
	s17 =	simm.s32 @!p1 $0xA  }
0x9e: {  	[spmem:s2] =	stream.indirect.scatter.add.bf16 @p1 [tilespmem:s21], [sflag:$0xE], $0x20, s0, s12, $0xb8;
	[tilespmem:$0x11D00] =	vst v63  }
0x9f: {  	s10 =	sshra.s32 @!p1 s10, $0x2;
	_ =	swait.ge @!p1 [sflag:s17], $0xFA0  }
0xa0: {  	s8 =	simm.s32 @!p1 $0x5000;
	s13 =	simm.s32 @!p1 $0x6;
	[sflag:s17] =	ssyncset.done @!p1 $0x0  }
0xa1: {  	s5 =	sadd.s32 @!p1 $0x400, s10;
	s0 =	simm.s32 @!p1 $0x7D;
	[sflag:s17] =	ssyncadd.s32 @!p1 $0xFFFFF060  }
0xa2: {  	[tilespmem:s8], [sflag:$0x2] =	stream.indirect.gather @!p1 [hbm4b:s4+s0], $0x20, s5, s0, $0xb8;
	[tilespmem:$0x11D00] =	vst v63  }
0xa3: {  	_ =	swait.ge @!p1 [sflag:s13], $0xFA0  }
0xa4: {  	s1 =	smov.u32 s11;
	s14 =	simm.s32 @!p1 $0x8E80;
	[sflag:s13] =	ssyncset.done @!p1 $0x0  }
0xa5: {  	s21 =	sadd.s32 @!p1 $0x2A00, s10;
	[sflag:s13] =	ssyncadd.s32 @!p1 $0xFFFFF060;
	s13 =	simm.s32 @!p1 $0xB  }
0xa6: {  	[spmem:s2] =	stream.indirect.scatter.add.bf16 @!p1 [tilespmem:s14], [sflag:$0xE], $0x20, s21, s0, $0xb8;
	[tilespmem:$0x11D00] =	vst v63  }
0xa7: {  	s6 =	sadd.s32 @!p1 $0x480, s10;
	s17 =	sadd.s32 @!p1 $0x580, s10;
	_ =	swait.ge @!p1 [sflag:s13], $0xFA0  }
0xa8: {  	s5 =	sadd.s32 @!p1 $0x500, s10;
	s8 =	sadd.s32 @!p1 $0x2B00, s10;
	[sflag:s13] =	ssyncset.done @!p1 $0x0  }
0xa9: {  	s10 =	smov.u32 s1;
	s1 =	simm.s32 @!p1 $0x5FA0;
	[sflag:s13] =	ssyncadd.s32 @!p1 $0xFFFFF060  }
0xaa: {  	[tilespmem:s1], [sflag:$0x3] =	stream.indirect.gather @!p1 [hbm4b:s4+s0], $0x20, s6, s0, $0xb8;
	[tilespmem:$0x11D00] =	vst v63  }
0xab: {  	_ =	swait.ge [sflag:s30], $0xFA0  }
0xac: {  	s7 =	sadd.s32 $0x2B80, s3;
	[sflag:s30] =	ssyncset.done $0x0  }
0xad: {  	s21 =	sadd.s32 $0x2A80, s3;
	s3 =	simm.s32 @p1 $0x8;
	[sflag:s30] =	ssyncadd.s32 $0xFFFFF060  }
0xae: {  	[spmem:s2] =	stream.indirect.scatter.add.bf16 [tilespmem:s24], [sflag:$0xF], $0x20, s21, s15, $0xb8;
	[tilespmem:$0x11D00] =	vst v63  }
0xaf: {  	_ =	swait.ge @p1 [sflag:s3], $0xFA0  }
0xb0: {  	s19 =	sadd.s32 @p1 $0x2B00, s19;
	[sflag:s3] =	ssyncset.done @p1 $0x0  }
0xb1: {  	s1 =	simm.s32 @p1 $0xADC0;
	[sflag:s3] =	ssyncadd.s32 @p1 $0xFFFFF060;
	s3 =	simm.s32 @!p1 $0xC  }
0xb2: {  	[spmem:s2] =	stream.indirect.scatter.add.bf16 @p1 [tilespmem:s1], [sflag:$0x10], $0x20, s19, s12, $0xb8;
	[tilespmem:$0x11D00] =	vst v63  }
0xb3: {  	_ =	swait.ge @!p1 [sflag:s3], $0xFA0  }
0xb4: {  	[sflag:s3] =	ssyncset.done @!p1 $0x0  }
0xb5: {  	s1 =	simm.s32 @!p1 $0x6F40;
	[sflag:s3] =	ssyncadd.s32 @!p1 $0xFFFFF060;
	s3 =	simm.s32 @!p1 $0x8  }
0xb6: {  	[tilespmem:s1], [sflag:$0x4] =	stream.indirect.gather @!p1 [hbm4b:s4+s0], $0x20, s5, s0, $0xb8;
	[tilespmem:$0x11D00] =	vst v63  }
0xb7: {  	s11 =	sadd.s32 $0x1000, s11;
	_ =	swait.ge @!p1 [sflag:s3], $0xFA0  }
0xb8: {  	p0 =	sne.s32 s11, $0xA000;
	[sflag:s3] =	ssyncset.done @!p1 $0x0  }
0xb9: {  	s1 =	simm.s32 @!p1 $0xADC0;
	[sflag:s3] =	ssyncadd.s32 @!p1 $0xFFFFF060;
	s3 =	simm.s32 @!p1 $0xD  }
0xba: {  	[spmem:s2] =	stream.indirect.scatter.add.bf16 @!p1 [tilespmem:s1], [sflag:$0x10], $0x20, s8, s0, $0xb8;
	[tilespmem:$0x11D00] =	vst v63  }
.Ltmp0:
0xbb: {  	_ =	swait.ge @!p1 [sflag:s3], $0xFA0;
	(pc) =	sbr.rel @p0 .LBB2_2-.Ltmp0, $4  }
0xbc: {  	[sflag:s3] =	ssyncset.done @!p1 $0x0  }
0xbd: {  	s1 =	simm.s32 @!p1 $0x7EE0;
	[sflag:s3] =	ssyncadd.s32 @!p1 $0xFFFFF060  }
0xbe: {  	[tilespmem:s1], [sflag:$0x5] =	stream.indirect.gather @!p1 [hbm4b:s4+s0], $0x20, s17, s0, $0xb8;
	[tilespmem:$0x11D00] =	vst v63  }
0xbf: {  	p1 =	seq.s32 s10, $0x0;
	_ =	swait.ge [sflag:s31], $0xFA0  }
0xc0: {  	[sflag:s31] =	ssyncset.done $0x0  }
0xc1: {  	s0 =	simm.s32 @!p1 $0xE;
	[sflag:s31] =	ssyncadd.s32 $0xFFFFF060  }
0xc2: {  	[spmem:s2] =	stream.indirect.scatter.add.bf16 [tilespmem:s28], [sflag:$0x11], $0x20, s7, s15, $0xb8;
	[tilespmem:$0x11D00] =	vst v63  }
0xc3: {  	_ =	swait.ge @!p1 [sflag:s0], $0xFA0  }
0xc4: {  	s1 =	sshra.s32 s10, $0x2;
	[sflag:s0] =	ssyncset.done @!p1 $0x0  }
0xc5: {  	s6 =	sadd.s32 $0x200, s1;
	s3 =	rddreg [dreg:$0x3];
	[sflag:s0] =	ssyncadd.s32 @!p1 $0xFFFFF060  }
0xc6: {  	[tilespmem:s3], [sflag:$0x6] =	stream.indirect.gather [hbm4b:s4+s15], $0x20, s6, s15, $0xb8;
	[tilespmem:$0x11D00] =	vst v63  }
0xc7: {  	_ =	swait.ge [sflag:s23], $0xFA0  }
0xc8: {  	[sflag:s23] =	ssyncset.done $0x0  }
0xc9: {  	s7 =	sadd.s32 $0x2800, s1;
	s3 =	simm.s32 @!p1 $0xF;
	[sflag:s23] =	ssyncadd.s32 $0xFFFFF060  }
0xca: {  	[spmem:s2] =	stream.indirect.scatter.add.bf16 [tilespmem:s16], [sflag:$0xA], $0x20, s7, s15, $0xb8;
	[tilespmem:$0x11D00] =	vst v63  }
0xcb: {  	_ =	swait.ge @!p1 [sflag:s3], $0xFA0  }
0xcc: {  	[sflag:s3] =	ssyncset.done @!p1 $0x0  }
0xcd: {  	s8 =	sadd.s32 $0x280, s1;
	[sflag:s3] =	ssyncadd.s32 @!p1 $0xFFFFF060  }
0xce: {  	[tilespmem:s24], [sflag:$0x7] =	stream.indirect.gather [hbm4b:s4+s15], $0x20, s8, s15, $0xb8;
	[tilespmem:$0x11D00] =	vst v63  }
0xcf: {  	_ =	swait.ge [sflag:s25], $0xFA0  }
0xd0: {  	[sflag:s25] =	ssyncset.done $0x0  }
0xd1: {  	s11 =	sadd.s32 $0x2880, s1;
	s3 =	simm.s32 @!p1 $0x10;
	[sflag:s25] =	ssyncadd.s32 $0xFFFFF060  }
0xd2: {  	[spmem:s2] =	stream.indirect.scatter.add.bf16 [tilespmem:s18], [sflag:$0xB], $0x20, s11, s15, $0xb8;
	[tilespmem:$0x11D00] =	vst v63  }
0xd3: {  	_ =	swait.ge @!p1 [sflag:s3], $0xFA0  }
0xd4: {  	[sflag:s3] =	ssyncset.done @!p1 $0x0  }
0xd5: {  	s13 =	sadd.s32 $0x300, s1;
	s12 =	rddreg [dreg:$0x4];
	[sflag:s3] =	ssyncadd.s32 @!p1 $0xFFFFF060  }
0xd6: {  	[tilespmem:s12], [sflag:$0x8] =	stream.indirect.gather [hbm4b:s4+s15], $0x20, s13, s15, $0xb8;
	[tilespmem:$0x11D00] =	vst v63  }
0xd7: {  	_ =	swait.ge [sflag:s26], $0xFA0  }
0xd8: {  	[sflag:s26] =	ssyncset.done $0x0  }
0xd9: {  	s14 =	sadd.s32 $0x2900, s1;
	s3 =	simm.s32 @!p1 $0x11;
	[sflag:s26] =	ssyncadd.s32 $0xFFFFF060  }
0xda: {  	[spmem:s2] =	stream.indirect.scatter.add.bf16 [tilespmem:s20], [sflag:$0xC], $0x20, s14, s15, $0xb8;
	[tilespmem:$0x11D00] =	vst v63  }
0xdb: {  	_ =	swait.ge @!p1 [sflag:s3], $0xFA0  }
0xdc: {  	[sflag:s3] =	ssyncset.done @!p1 $0x0  }
0xdd: {  	s17 =	sadd.s32 $0x380, s1;
	[sflag:s3] =	ssyncadd.s32 @!p1 $0xFFFFF060  }
0xde: {  	[tilespmem:s28], [sflag:$0x9] =	stream.indirect.gather [hbm4b:s4+s15], $0x20, s17, s15, $0xb8;
	[tilespmem:$0x11D00] =	vst v63  }
0xdf: {  	_ =	swait.ge [sflag:s29], $0xFA0  }
0xe0: {  	p0 =	seq.s32 s10, $0x9000;
	[sflag:s29] =	ssyncset.done $0x0  }
0xe1: {  	s19 =	sadd.s32 $0x2980, s1;
	s3 =	simm.s32 @p0 $0x6;
	[sflag:s29] =	ssyncadd.s32 $0xFFFFF060  }
0xe2: {  	[spmem:s2] =	stream.indirect.scatter.add.bf16 [tilespmem:s22], [sflag:$0xD], $0x20, s19, s15, $0xb8;
	[tilespmem:$0x11D00] =	vst v63  }
0xe3: {  	s0 =	sshra.s32 @p0 s10, $0x2;
	_ =	swait.ge @p0 [sflag:s3], $0xFA0  }
0xe4: {  	s5 =	sadd.s32 @p0 $0x2A00, s0;
	s6 =	simm.s32 @p0 $0x7D;
	[sflag:s3] =	ssyncset.done @p0 $0x0  }
0xe5: {  	s7 =	simm.s32 @p0 $0x8E80;
	[sflag:s3] =	ssyncadd.s32 @p0 $0xFFFFF060;
	s3 =	simm.s32 @!p0 $0xA  }
0xe6: {  	[spmem:s2] =	stream.indirect.scatter.add.bf16 @p0 [tilespmem:s7], [sflag:$0xE], $0x20, s5, s6, $0xb8;
	[tilespmem:$0x11D00] =	vst v63  }
0xe7: {  	_ =	swait.ge @!p0 [sflag:s3], $0xFA0  }
0xe8: {  	s8 =	simm.s32 @!p0 $0x7D;
	s5 =	sshra.s32 @!p0 s10, $0x2;
	[sflag:s3] =	ssyncset.done @!p0 $0x0  }
0xe9: {  	s7 =	sadd.s32 @!p0 $0x400, s5;
	[sflag:s3] =	ssyncadd.s32 @!p0 $0xFFFFF060;
	s3 =	simm.s32 @!p0 $0x5000  }
0xea: {  	[tilespmem:s3], [sflag:$0x2] =	stream.indirect.gather @!p0 [hbm4b:s4+s8], $0x20, s7, s8, $0xb8;
	[tilespmem:$0x11D00] =	vst v63  }
0xeb: {  	s3 =	simm.s32 @!p0 $0x6  }
0xec: {  	_ =	swait.ge @!p0 [sflag:s3], $0xFA0  }
0xed: {  	[sflag:s3] =	ssyncset.done @!p0 $0x0  }
0xee: {  	s7 =	sadd.s32 @!p0 $0x2A00, s5;
	[sflag:s3] =	ssyncadd.s32 @!p0 $0xFFFFF060;
	s3 =	simm.s32 @!p0 $0x8E80  }
0xef: {  	[spmem:s2] =	stream.indirect.scatter.add.bf16 @!p0 [tilespmem:s3], [sflag:$0xE], $0x20, s7, s8, $0xb8;
	[tilespmem:$0x11D00] =	vst v63  }
0xf0: {  	s3 =	simm.s32 @!p0 $0xB  }
0xf1: {  	_ =	swait.ge @!p0 [sflag:s3], $0xFA0  }
0xf2: {  	[sflag:s3] =	ssyncset.done @!p0 $0x0  }
0xf3: {  	s7 =	sadd.s32 @!p0 $0x480, s5;
	[sflag:s3] =	ssyncadd.s32 @!p0 $0xFFFFF060;
	s3 =	simm.s32 @!p0 $0x5FA0  }
0xf4: {  	[tilespmem:s3], [sflag:$0x3] =	stream.indirect.gather @!p0 [hbm4b:s4+s8], $0x20, s7, s8, $0xb8;
	[tilespmem:$0x11D00] =	vst v63  }
0xf5: {  	_ =	swait.ge [sflag:s30], $0xFA0  }
0xf6: {  	[sflag:s30] =	ssyncset.done $0x0  }
0xf7: {  	s21 =	sadd.s32 $0x2A80, s1;
	s3 =	simm.s32 @p0 $0x8;
	[sflag:s30] =	ssyncadd.s32 $0xFFFFF060  }
0xf8: {  	[spmem:s2] =	stream.indirect.scatter.add.bf16 [tilespmem:s24], [sflag:$0xF], $0x20, s21, s15, $0xb8;
	[tilespmem:$0x11D00] =	vst v63  }
0xf9: {  	_ =	swait.ge @p0 [sflag:s3], $0xFA0  }
0xfa: {  	[sflag:s3] =	ssyncset.done @p0 $0x0  }
0xfb: {  	s0 =	sadd.s32 @p0 $0x2B00, s0;
	[sflag:s3] =	ssyncadd.s32 @p0 $0xFFFFF060;
	s3 =	simm.s32 @p0 $0xADC0  }
0xfc: {  	[spmem:s2] =	stream.indirect.scatter.add.bf16 @p0 [tilespmem:s3], [sflag:$0x10], $0x20, s0, s6, $0xb8;
	[tilespmem:$0x11D00] =	vst v63  }
0xfd: {  	s0 =	simm.s32 @!p0 $0xC  }
0xfe: {  	_ =	swait.ge @!p0 [sflag:s0], $0xFA0  }
0xff: {  	[sflag:s0] =	ssyncset.done @!p0 $0x0  }
0x100: {  	s3 =	sadd.s32 @!p0 $0x500, s5;
	[sflag:s0] =	ssyncadd.s32 @!p0 $0xFFFFF060;
	s0 =	simm.s32 @!p0 $0x6F40  }
0x101: {  	[tilespmem:s0], [sflag:$0x4] =	stream.indirect.gather @!p0 [hbm4b:s4+s8], $0x20, s3, s8, $0xb8;
	[tilespmem:$0x11D00] =	vst v63  }
0x102: {  	s0 =	simm.s32 @!p0 $0x8  }
0x103: {  	_ =	swait.ge @!p0 [sflag:s0], $0xFA0  }
0x104: {  	[sflag:s0] =	ssyncset.done @!p0 $0x0  }
0x105: {  	s3 =	sadd.s32 @!p0 $0x2B00, s5;
	[sflag:s0] =	ssyncadd.s32 @!p0 $0xFFFFF060;
	s0 =	simm.s32 @!p0 $0xADC0  }
0x106: {  	[spmem:s2] =	stream.indirect.scatter.add.bf16 @!p0 [tilespmem:s0], [sflag:$0x10], $0x20, s3, s8, $0xb8;
	[tilespmem:$0x11D00] =	vst v63  }
0x107: {  	s0 =	simm.s32 @!p0 $0xD  }
0x108: {  	_ =	swait.ge @!p0 [sflag:s0], $0xFA0  }
0x109: {  	[sflag:s0] =	ssyncset.done @!p0 $0x0  }
0x10a: {  	s3 =	sadd.s32 @!p0 $0x580, s5;
	[sflag:s0] =	ssyncadd.s32 @!p0 $0xFFFFF060;
	s0 =	simm.s32 @!p0 $0x7EE0  }
0x10b: {  	[tilespmem:s0], [sflag:$0x5] =	stream.indirect.gather @!p0 [hbm4b:s4+s8], $0x20, s3, s8, $0xb8;
	[tilespmem:$0x11D00] =	vst v63  }
0x10c: {  	_ =	swait.ge [sflag:s31], $0xFA0  }
0x10d: {  	[sflag:s31] =	ssyncset.done $0x0  }
0x10e: {  	s1 =	sadd.s32 $0x2B80, s1;
	s3 =	simm.s32 $0xA;
	[sflag:s31] =	ssyncadd.s32 $0xFFFFF060  }
0x10f: {  	[spmem:s2] =	stream.indirect.scatter.add.bf16 [tilespmem:s28], [sflag:$0x11], $0x20, s1, s15, $0xb8;
	[tilespmem:$0x11D00] =	vst v63  }
0x110: {  	_ =	swait.ge [sflag:s3], $0xFA0  }
0x111: {  	[sflag:s3] =	ssyncset.done $0x0  }
0x112: {  	s5 =	simm.s32 $0xB;
	[sflag:s3] =	ssyncadd.s32 $0xFFFFF060  }
0x113: {  	_ =	swait.ge [sflag:s5], $0xFA0  }
0x114: {  	[sflag:s5] =	ssyncset.done $0x0  }
0x115: {  	s6 =	simm.s32 $0xC;
	[sflag:s5] =	ssyncadd.s32 $0xFFFFF060  }
0x116: {  	_ =	swait.ge [sflag:s6], $0xFA0  }
0x117: {  	[sflag:s6] =	ssyncset.done $0x0  }
0x118: {  	s7 =	simm.s32 $0xD;
	[sflag:s6] =	ssyncadd.s32 $0xFFFFF060  }
0x119: {  	_ =	swait.ge [sflag:s7], $0xFA0  }
0x11a: {  	[sflag:s7] =	ssyncset.done $0x0  }
0x11b: {  	s8 =	simm.s32 $0xE;
	[sflag:s7] =	ssyncadd.s32 $0xFFFFF060  }
0x11c: {  	_ =	swait.ge [sflag:s8], $0xFA0  }
0x11d: {  	[sflag:s8] =	ssyncset.done $0x0  }
0x11e: {  	s10 =	simm.s32 $0xF;
	[sflag:s8] =	ssyncadd.s32 $0xFFFFF060  }
0x11f: {  	_ =	swait.ge [sflag:s10], $0xFA0  }
0x120: {  	[sflag:s10] =	ssyncset.done $0x0  }
0x121: {  	s11 =	simm.s32 $0x10;
	[sflag:s10] =	ssyncadd.s32 $0xFFFFF060  }
0x122: {  	_ =	swait.ge [sflag:s11], $0xFA0  }
0x123: {  	[sflag:s11] =	ssyncset.done $0x0  }
0x124: {  	s12 =	simm.s32 $0x11;
	[sflag:s11] =	ssyncadd.s32 $0xFFFFF060  }
0x125: {  	_ =	swait.ge [sflag:s12], $0xFA0  }
0x126: {  	[sflag:s12] =	ssyncset.done $0x0  }
0x127: {  	[sflag:s12] =	ssyncadd.s32 $0xFFFFF060  }
0x128: {  	[bflag:$0x0] =	sbarrier.arrive $0xFFFF  }
0x129: {  	s13 =	rddreg [dreg:$0x7]  }
0x12a: {  	s17 =	simm.s32 $0x8;
	s19 =	simm.s32 $0x12;
	s14 =	rddreg [dreg:$0xa]  }
0x12b: {  	s6 =	simm.s32 $0x1;
	s5 =	rddreg [dreg:$0xc];
	s0 =	sor.u32 $0x1C12, s13  }
0x12c: {  	[hbm:s14@s17], [sflag:s0] =	dma.strided [spmem:s5@s26], $0xA00, s6, $0x4   }
0x12d: {  	_ =	swait.ge [sflag:s19], $0xA00  }
0x12e: {  	s9 =	sadd.s32 $0x1, s9;
	s21 =	rddreg [dreg:$0xb]  }
0x12f: {  	p0 =	sne.s32 s9, s21  }
.Ltmp1:
0x130: {  	_ = 	snop;
	(pc) =	sbr.rel @p0 .LBB2_1-.Ltmp1, $3  }
0x131: {  	_ =	sdelay $0x1  }
0x132: {  	[sflag:s19] =	ssyncset.done $0x0  }
0x133: {  	[sflag:s19] =	ssyncadd.s32 $0xFFFFF600  }
0x134: {  	_ =	sfence.sel $0x180000  }
0x135: {  	[bflag:$0x0] =	sbarrier.arrive $0xFFFF  }
0x136: {  	_ =	strace $0x9000004D  }
0x137: {  	s0 =	stileid.u32;
	[bflag:$0x2] =	sbarrier.arrive $0xFFFF  }
0x138: {  	p0 =	sne.s32 s0, $0x0;
	s0 =	rddreg [dreg:$0x2]  }
0x139: {  	s0 =	sadd.s32 @!p0 $0x100000, s0  }
0x13a: {  	[sflag:s0] =	ssyncadd.tile.s32 @!p0 $0x1;
	_ =	shalt  }
.Lfunc_end2:
_tile_overlayer_lowered:
.L_overlay_start_2:
0x13b: {  	(tag) =	ssettag $0x2  }
0x13c: {  	s0 =	rddreg [dreg:$0x0];
	s2 =	stileid.u32  }
0x13d: {  	s1 =	rddreg [dreg:$0x1];
	p0 =	sne.s32 s2, $0x0  }
0x13e: {  	s3 =	rddreg [dreg:$0x2];
	[bflag:$0x3] =	sbarrier.arrive $0xFFFF;
	s2 =	simm.s32 @!p0 $0x1C12  }
0x13f: {  	[timem:s3], [sflag:s2] =	dma.local @!p0 [hbm:s0], s1  }
0x140: {  	s0 =	simm.s32 @!p0 $0x12  }
0x141: {  	_ =	swait.ge @!p0 [sflag:s0], s1  }
0x142: {  	s1 =	ssub.s32 @!p0 $0x0, s1;
	[sflag:s0] =	ssyncset.done @!p0 $0x0  }
0x143: {  	[sflag:s0] =	ssyncadd.s32 @!p0 s1  }
0x144: {  	[bflag:$0x3] =	sbarrier.arrive $0xFFFF  }
0x145: {  	_ =	shalt  }

// kernel: kernel.9.cloned.1.call-start
scs
__scs_entry_jumppad:
0x0: {  	(pc) =	sbr.rel $0x88, $3  }
0x1: {  	(tag) =	ssettag $0x0;
	lr =	simm.s32 $0x1  }
0x2: {  	[smem:$0x3F99] =	sst lr;
	_ =	strace $0xD0000000  }
0x3: {  	_ = 	snop  }
0x4: {  	_ = 	snop  }
0x5: {  	_ = 	snop  }
0x6: {  	_ = 	snop  }
0x7: {  	_ = 	snop  }
__scs_overlays_trampoline_lowered:
0x8: {  	[smem:$0x3FA8] =	sst s0  }
0x9: {  	[smem:$0x3FA9] =	sst s1  }
0xa: {  	[smem:$0x3FAA] =	sst s2  }
0xb: {  	[smem:$0x3FAB] =	sst s3  }
0xc: {  	[smem:$0x3FAC] =	sst s4  }
0xd: {  	[smem:$0x3FAD] =	sst s5  }
0xe: {  	[smem:$0x3FAE] =	sst s6  }
0xf: {  	[smem:$0x3FAF] =	sst s7  }
0x10: {  	[smem:$0x3FB0] =	sst s8  }
0x11: {  	[smem:$0x3FB1] =	sst s9;
	s0 =	simm.s32 @!p0 $0x0  }
0x12: {  	s1 =	sld [smem:$0x3F97];
	s0 =	simm.s32 @p0 $0x1  }
0x13: {  	[smem:$0x3FB2] =	sst s0;
	s0 =	simm.s32 @!p1 $0x0  }
0x14: {  	s2 =	sld [smem:$0x3F96];
	s0 =	simm.s32 @p1 $0x1  }
0x15: {  	[smem:$0x3FB3] =	sst s0;
	s0 =	simm.s32 @!p2 $0x0  }
0x16: {  	s3 =	sld [smem:$0x3FDB];
	s0 =	simm.s32 @p2 $0x1  }
0x17: {  	s4 =	simm.s32 $0x1BF5;
	[smem:$0x3FB5] =	sst s0  }
0x18: {  	s0 =	sld [smem:$0x3F98];
	_ =	swait.ge [sflag:s4], $0x0  }
0x19: {  	s7 =	sld [smem:$0x3F99]  }
0x1a: {  	s8 =	sadd.s32 $0xFFFFE003, lr  }
0x1b: {  	s9 =	sadd.s32 $0xFFFFFEF7, lr;
	s5 =	simm.s32 $0xFFFFFFFF;
	p2 =	slt.u32 s8, $0xFFFFF086  }
0x1c: {  	p1 =	slt.u32 s9, $0xF7A;
	s5 =	simm.s32 @!p2 $0x0  }
0x1d: {  	s5 =	simm.s32 @p1 $0x1;
	p0 =	seq.s32 s7, s2  }
0x1e: {  	s7 =	smul.u32 @!p0 $0xF7A, s2;
	p2 =	seq.s32 @!p0 s5, $0x0  }
0x1f: {  	s9 =	smul.u32 $0xF7A, s1;
	s8 =	simm.s32 @!p0 $0x1BF5;
	p2 =	por !p2, p0  }
0x20: {  	[sflag:s8] =	ssyncset.s32 @!p0 $0xFFFFF086;
	s6 =	sadd.s32 @!p0 s3, s7;
	s7 =	simm.s32 @!p0 $0x108  }
0x21: {  	s3 =	sadd.s32 s3, s9;
	s6 =	sadd.s32 @!p0 $0x88, s6;
	s7 =	simm.s32 @p2 $0x1082  }
0x22: {  	[simem:s7], [sflag:s8] =	dma.local @!p0 [hbm:s6], $0xF7A  }
0x23: {  	s9 =	sor.u32 $0xD0000000, s2;
	s6 =	simm.s32 $0x108;
	_ =	swait.ge @!p0 [sflag:s8], $0x0  }
0x24: {  	s3 =	sadd.s32 $0x88, s3;
	s6 =	simm.s32 @!p1 $0x1082;
	[sflag:s4] =	ssyncset.s32 $0xFFFFF086  }
0x25: {  	[simem:s6], [sflag:s4] =	dma.local [hbm:s3], $0xF7A  }
0x26: {  	[smem:$0x3F99] =	sst s1;
	(tag) =	ssettag s2;
	_ =	strace s9  }
0x27: {  	s1 =	sld [smem:$0x3FA9]  }
0x28: {  	s2 =	sld [smem:$0x3FAA]  }
0x29: {  	s4 =	sld [smem:$0x3FAC]  }
0x2a: {  	p0 =	seq.s32 s5, $0x0;
	s5 =	sld [smem:$0x3FAD]  }
0x2b: {  	s6 =	sld [smem:$0x3FAE]  }
0x2c: {  	s7 =	sld [smem:$0x3FAF]  }
0x2d: {  	s3 =	simm.s32 $0x108;
	s8 =	sld [smem:$0x3FB0]  }
0x2e: {  	s3 =	simm.s32 @!p0 $0x1082;
	s9 =	sld [smem:$0x3FB1]  }
0x2f: {  	lr =	sadd.s32 s0, s3;
	s0 =	sld [smem:$0x3FA8]  }
0x30: {  	s3 =	sld [smem:$0x3FAB]  }
0x31: {  	[smem:$0x3FB4] =	sst s10  }
0x32: {  	s10 =	sld [smem:$0x3FB2];
	_ =	sdelay $0x3  }
0x33: {  	p0 =	seq.s32 s10, $0x1;
	s10 =	sld [smem:$0x3FB4];
	_ =	sdelay $0x3  }
0x34: {  	[smem:$0x3FB4] =	sst s10  }
0x35: {  	s10 =	sld [smem:$0x3FB3];
	_ =	sdelay $0x3  }
0x36: {  	p1 =	seq.s32 s10, $0x1;
	s10 =	sld [smem:$0x3FB4];
	_ =	sdelay $0x3  }
0x37: {  	[smem:$0x3FB4] =	sst s10  }
0x38: {  	s10 =	sld [smem:$0x3FB5]  }
0x39: {  	_ = 	snop;
	(pc) =	sbr.ind lr, $3  }
0x3a: {  	_ = 	snop  }
0x3b: {  	_ = 	snop  }
0x3c: {  	p2 =	seq.s32 s10, $0x1;
	s10 =	sld [smem:$0x3FB4]  }
0x3d: {  	_ =	shalt  }
0x3e: {  	_ =	shalt  }
0x3f: {  	_ =	shalt  }
0x40: {  	_ =	shalt  }
0x41: {  	_ =	shalt  }
0x42: {  	_ =	shalt  }
0x43: {  	_ =	shalt  }
0x44: {  	_ =	shalt  }
0x45: {  	_ =	shalt  }
0x46: {  	_ =	shalt  }
0x47: {  	_ =	shalt  }
0x48: {  	_ =	shalt  }
0x49: {  	_ =	shalt  }
0x4a: {  	_ =	shalt  }
0x4b: {  	_ =	shalt  }
0x4c: {  	_ =	shalt  }
0x4d: {  	_ =	shalt  }
0x4e: {  	_ =	shalt  }
0x4f: {  	_ =	shalt  }
0x50: {  	_ =	shalt  }
0x51: {  	_ =	shalt  }
0x52: {  	_ =	shalt  }
0x53: {  	_ =	shalt  }
0x54: {  	_ =	shalt  }
0x55: {  	_ =	shalt  }
0x56: {  	_ =	shalt  }
0x57: {  	_ =	shalt  }
0x58: {  	_ =	shalt  }
0x59: {  	_ =	shalt  }
0x5a: {  	_ =	shalt  }
0x5b: {  	_ =	shalt  }
0x5c: {  	_ =	shalt  }
0x5d: {  	_ =	shalt  }
0x5e: {  	_ =	shalt  }
0x5f: {  	_ =	shalt  }
0x60: {  	_ =	shalt  }
0x61: {  	_ =	shalt  }
0x62: {  	_ =	shalt  }
0x63: {  	_ =	shalt  }
0x64: {  	_ =	shalt  }
0x65: {  	_ =	shalt  }
0x66: {  	_ =	shalt  }
0x67: {  	_ =	shalt  }
0x68: {  	_ =	shalt  }
0x69: {  	_ =	shalt  }
0x6a: {  	_ =	shalt  }
0x6b: {  	_ =	shalt  }
0x6c: {  	_ =	shalt  }
0x6d: {  	_ =	shalt  }
0x6e: {  	_ =	shalt  }
0x6f: {  	_ =	shalt  }
0x70: {  	_ =	shalt  }
0x71: {  	_ =	shalt  }
0x72: {  	_ =	shalt  }
0x73: {  	_ =	shalt  }
0x74: {  	_ =	shalt  }
0x75: {  	_ =	shalt  }
0x76: {  	_ =	shalt  }
0x77: {  	_ =	shalt  }
0x78: {  	_ =	shalt  }
0x79: {  	_ =	shalt  }
0x7a: {  	_ =	shalt  }
0x7b: {  	_ =	shalt  }
0x7c: {  	_ =	shalt  }
0x7d: {  	_ =	shalt  }
0x7e: {  	_ =	shalt  }
0x7f: {  	_ =	shalt  }
0x80: {  	_ =	shalt  }
0x81: {  	_ =	shalt  }
0x82: {  	_ =	shalt  }
0x83: {  	_ =	shalt  }
0x84: {  	_ =	shalt  }
0x85: {  	_ =	shalt  }
0x86: {  	_ =	shalt  }
0x87: {  	_ =	shalt  }
.Lfunc_end0:
.L_simem_size_0:
called_computation_lowered:
.L_overlay_start_0:
0x88: {  	s2 =	sld [smem:$0x3FD9]  }
0x89: {  	s3 =	sld [smem:$0x3FFE];
	_ =	sdelay $0x1  }
0x8a: {  	s1 =	srdreg.scid  }
0x8b: {  	s0 =	sand.u32 $0x1, s1  }
0x8c: {  	s16 =	sshll.u32 s0, $0xA;
	s2 =	sadd.s32 s3, s2  }
0x8d: {  	s2 =	sadd.s32 s2, s16  }
0x8e: {  	[smem:$0x3FC0] =	sst s2  }
0x8f: {  	_ = 	snop  }
0x90: {  	(tm) =	ssettm $0x1  }
0x91: {  	s17 =	sld [smem:$0x3FFB];
	_ =	sdelay $0x3  }
0x92: {  	_ =	strace s17  }
0x93: {  	s2 =	sld [smem:$0x3FFC];
	_ =	sdelay $0x3  }
0x94: {  	_ =	strace s2  }
0x95: {  	s2 =	sld [smem:$0x3FFD];
	_ =	sdelay $0x3  }
0x96: {  	_ =	strace s2  }
0x97: {  	_ =	strace $0x8FFFFFFF  }
0x98: {  	s18 =	sld [smem:$0x3FDB];
	_ =	sdelay $0x1  }
0x99: {  	s19 =	simm.s32 $_scs_section_size  }
0x9a: {  	s4 =	simm.s32 $_size__tile_overlayer_lowered;
	s5 =	simm.s32 $_tile_overlayer_lowered  }
0x9b: {  	s22 =	simm.s32 $0x1BFF;
	s21 =	sshll.u32 s5, $0x1;
	s2 =	sadd.s32 s19, s18  }
0x9c: {  	s6 =	simm.s32 $0x0;
	s20 =	sshll.u32 s4, $0x1;
	s4 =	sadd.s32 s21, s2  }
0x9d: {  	[timem:s6], [sflag:s22] =	dma.local [hbm:s4], s20  }
0x9e: {  	_ =	swait.ge [sflag:s22], s20  }
0x9f: {  	s3 =	ssub.s32 $0x0, s20;
	[sflag:s22] =	ssyncset.done $0x0  }
0xa0: {  	[sflag:s22] =	ssyncadd.s32 s3;
	_ =	sdelay $0x1  }
0xa1: {  	s23 =	simm.s32 $0x1B8B  }
0xa2: {  	_ =	swait.ge [sflag:s23], $0x1  }
0xa3: {  	[sflag:s23] =	ssyncset.done $0x0  }
0xa4: {  	s25 =	simm.s32 $0x1B8E;
	s24 =	sld [smem:$0x3FFE];
	[sflag:s23] =	ssyncadd.s32 $0xFFFFFFFF  }
0xa5: {  	s26 =	simm.s32 $execute0_lowered;
	[smem:$0x3FD2] =	sst s25  }
0xa6: {  	s4 =	sshll.u32 s26, $0x1;
	_ =	strace $0x80000046;
	[dreg:$0x1] =	wrdreg $0xFFFFFFFF  }
0xa7: {  	s28 =	simm.s32 $_size_execute0_lowered;
	s2 =	sadd.s32 s2, s4;
	[dreg:$0x0] =	wrdreg $0x0  }
0xa8: {  	s4 =	sshll.u32 s28, $0x1;
	[dreg:$0x2] =	wrdreg s2  }
0xa9: {  	[dreg:$0x3] =	wrdreg s4  }
0xaa: {  	[dreg:$0x4] =	wrdreg $0xC0  }
0xab: {  	_ =	task [dreg:s6], $0x5FFFF  }
0xac: {  	[dreg:$0x1] =	wrdreg $0xFFFFFFFF  }
0xad: {  	[dreg:$0x0] =	wrdreg $0x60  }
0xae: {  	[dreg:$0x2] =	wrdreg s24  }
0xaf: {  	[dreg:$0x3] =	wrdreg $0xCD000  }
0xb0: {  	[dreg:$0x4] =	wrdreg $0x9  }
0xb1: {  	_ =	task.clear_ibuf [dreg:s6], $0x5FFFF;
	_ =	strace $0x90000046  }
0xb2: {  	s29 =	simm.s32 $0x9;
	_ =	strace $0x80000048  }
0xb3: {  	_ =	swait.ge [sflag:s29], $0x1  }
0xb4: {  	[sflag:s29] =	ssyncadd.s32 $0xFFFFFFFF  }
0xb5: {  	_ =	strace $0x90000048  }
0xb6: {  	_ =	sfence  }
0xb7: {  	s30 =	sld [smem:$0x0];
	_ =	sdelay $0x2  }
0xb8: {  	s31 =	sshll.u32 s1, $0xD;
	s1 =	sshrl.u32 s1, $0x2  }
0xb9: {  	s3 =	sand.u32 $0x4000, s31;
	s1 =	sadd.s32 s1, s30  }
0xba: {  	s0 =	sor.u32 s3, s0;
	s1 =	sshll.u32 s1, $0x11  }
0xbb: {  	s0 =	sor.u32 s1, s0  }
0xbc: {  	s0 =	sadd.s32 $0x8F2B, s0  }
0xbd: {  	[sflag:s0] =	ssyncadd.remote.s32 $0x1  }
0xbe: {  	_ =	sfence.sel $0xFFFF  }
0xbf: {  	[dreg:$0x0] =	wrdreg $0xFFFFFFFF;
	(pc) =	sbr.abs _section_cstart, $3  }
0xc0: {  	[dreg:$0x1] =	wrdreg $0xFFFFFFFF  }
0xc1: {  	_ =	task.clear_ibuf [dreg:s6], $0x2FFFF;
	_ =	strace $0x9FFFFFFF  }
0xc2: {  	(tm) =	ssettm $0x7FFFFFFF  }
0xc3: {  	_ =	shalt  }
tec
execute0_lowered:
.L_overlay_start_1:
0x0: {  	(tag) =	ssettag $0x1  }
0x1: {  	s0 =	srdreg.scid;
	s1 =	rddreg [dreg:$0x0]  }
0x2: {  	s9 =	stileid.u32;
	s2 =	rddreg [dreg:$0x1]  }
0x3: {  	s4 =	simm.s32 $0x0;
	s15 =	simm.s32 $0x7D;
	s16 =	simm.s32 $0x5000  }
0x4: {  	s18 =	simm.s32 $0x5FA0;
	s25 =	simm.s32 $0x8E80;
	s26 =	simm.s32 $0xADC0  }
0x5: {  	s28 =	simm.s32 $0xBD60;
	s29 =	simm.s32 $0x5;
	s30 =	simm.s32 $0x7  }
0x6: {  	s31 =	simm.s32 $0x9;
	s0 =	sand.u32 $0x1, s0;
	s5 =	smul.u32 $0xA000, s9  }
0x7: {  	[smem:$0x7FF] =	sst s4;
	s6 =	smul.u32 $0x14000, s9;
	s23 =	sshll.u32 s9, $0x6  }
0x8: {  	s4 =	sadd.s32 $0xC200, s1;
	_ =	strace $0x80000047;
	[dreg:$0x7] =	wrdreg s23  }
0x9: {  	s3 =	sshll.u32 s0, $0x4;
	s7 =	sshll.u32 s0, $0x6;
	[dreg:$0x3] =	wrdreg s25  }
0xa: {  	s0 =	ssub.s32 $0x2, s0;
	[dreg:$0x4] =	wrdreg s26;
	s25 =	simm.s32 $0x3  }
0xb: {  	s26 =	simm.s32 $0x4;
	s3 =	sor.u32 s9, s3;
	s8 =	sshrl.u32 s5, $0x4  }
0xc: {  	s6 =	sor.u32 s7, s6;
	s20 =	sshrl.u32 s0, $0x1;
	s22 =	sshrl.u32 s5, $0x1  }
0xd: {  	s5 =	sor.u32 $0x1C01, s23;
	s23 =	simm.s32 $0x2;
	s9 =	simm.s32 $0x0  }
0xe: {  	s3 =	smul.u32 $0x500, s3;
	s19 =	sadd.s32 s8, s1;
	s6 =	sshrl.u32 s6, $0x4  }
0xf: {  	s0 =	ssub.s32 s0, s20;
	[dreg:$0x9] =	wrdreg s5;
	s24 =	sadd.s32 $0x2200, s19  }
0x10: {  	s0 =	smax.u32 s0, $0x1;
	s3 =	sadd.s32 s3, s1;
	[dreg:$0x8] =	wrdreg s24  }
0x11: {  	s20 =	simm.s32 $0x6F40;
	[dreg:$0xb] =	wrdreg s0;
	s21 =	sadd.s32 $0x16200, s3  }
0x12: {  	s1 =	sadd.s32 s6, s1;
	s3 =	sadd.s32 $0x20200, s3;
	[dreg:$0x5] =	wrdreg s21  }
0x13: {  	s1 =	sadd.s32 $0x2A200, s1;
	[dreg:$0x6] =	wrdreg s3;
	s3 =	sadd.s32 s22, s2  }
0x14: {  	s6 =	simm.s32 $0x1;
	[dreg:$0xa] =	wrdreg s1;
	s5 =	sshrl.u32 s3, $0x3  }
0x15: {  	s24 =	simm.s32 $0x9E20;
	s22 =	simm.s32 $0x7EE0;
	[dreg:$0xc] =	wrdreg s5  }
.LBB2_1:
0x16: {  	s1 =	rddreg [dreg:$0x5]  }
0x17: {  	s17 =	rddreg [dreg:$0x6]  }
0x18: {  	s0 =	simm.s32 $0x0;
	s19 =	rddreg [dreg:$0x8]  }
0x19: {  	[tilespmem:s0], [sflag:$0x1] =	stream.linear.gather [hbm4b:s1+s0], $0x2800, $0x38;
	[tilespmem:$0x11D00] =	vst v63  }
0x1a: {  	s3 =	simm.s32 $0x2800;
	s21 =	rddreg [dreg:$0x9]  }
0x1b: {  	[tilespmem:s3], [sflag:$0x1] =	stream.linear.gather [hbm4b:s17+s0], $0x2800, $0x38;
	[tilespmem:$0x11D00] =	vst v63  }
0x1c: {  	[spmem:s5], [sflag:s21] =	dma.local [hbm:s19], $0xA00  }
0x1d: {  	_ =	swait.ge [sflag:s6], $0x2800  }
0x1e: {  	[sflag:s6] =	ssyncset.done $0x0  }
0x1f: {  	[sflag:s6] =	ssyncadd.s32 $0xFFFFD800  }
0x20: {  	_ =	swait.ge [sflag:s6], $0x2800  }
0x21: {  	[sflag:s6] =	ssyncset.done $0x0  }
0x22: {  	[sflag:s6] =	ssyncadd.s32 $0xFFFFD800  }
0x23: {  	_ =	swait.ge [sflag:s6], $0xA00  }
0x24: {  	[sflag:s6] =	ssyncset.done $0x0  }
0x25: {  	[sflag:s6] =	ssyncadd.s32 $0xFFFFF600  }
0x26: {  	[bflag:$0x0] =	sbarrier.arrive $0xFFFF  }
0x27: {  	[tilespmem:s16], [sflag:$0x2] =	stream.indirect.gather [hbm4b:s4+s15], $0x20, s0, s15, $0xb8;
	[tilespmem:$0x11D00] =	vst v63  }
0x28: {  	s1 =	simm.s32 $0x80  }
0x29: {  	[tilespmem:s18], [sflag:$0x3] =	stream.indirect.gather [hbm4b:s4+s15], $0x20, s1, s15, $0xb8;
	[tilespmem:$0x11D00] =	vst v63  }
0x2a: {  	p0 =	por $0x1, $0x1;
	s3 =	simm.s32 $0x100  }
0x2b: {  	[tilespmem:s20], [sflag:$0x4] =	stream.indirect.gather [hbm4b:s4+s15], $0x20, s3, s15, $0xb8;
	[tilespmem:$0x11D00] =	vst v63  }
0x2c: {  	s5 =	simm.s32 $0x180;
	s0 =	simm.s32 @!p0 $0xE  }
0x2d: {  	[tilespmem:s22], [sflag:$0x5] =	stream.indirect.gather [hbm4b:s4+s15], $0x20, s5, s15, $0xb8;
	[tilespmem:$0x11D00] =	vst v63  }
0x2e: {  	_ =	swait.ge @!p0 [sflag:s0], $0xFA0  }
0x2f: {  	[sflag:s0] =	ssyncset.done @!p0 $0x0  }
0x30: {  	s7 =	simm.s32 $0x200;
	s6 =	rddreg [dreg:$0x3];
	[sflag:s0] =	ssyncadd.s32 @!p0 $0xFFFFF060  }
0x31: {  	[tilespmem:s6], [sflag:$0x6] =	stream.indirect.gather [hbm4b:s4+s15], $0x20, s7, s15, $0xb8;
	[tilespmem:$0x11D00] =	vst v63  }
0x32: {  	_ =	swait.ge [sflag:s23], $0xFA0  }
0x33: {  	[sflag:s23] =	ssyncset.done $0x0  }
0x34: {  	s8 =	simm.s32 $0x2800;
	s1 =	simm.s32 @!p0 $0xF;
	[sflag:s23] =	ssyncadd.s32 $0xFFFFF060  }
0x35: {  	[spmem:s2] =	stream.indirect.scatter.add.bf16 [tilespmem:s16], [sflag:$0xA], $0x20, s8, s15, $0xb8;
	[tilespmem:$0x11D00] =	vst v63  }
0x36: {  	_ =	swait.ge @!p0 [sflag:s1], $0xFA0  }
0x37: {  	[sflag:s1] =	ssyncset.done @!p0 $0x0  }
0x38: {  	s10 =	simm.s32 $0x280;
	[sflag:s1] =	ssyncadd.s32 @!p0 $0xFFFFF060  }
0x39: {  	[tilespmem:s24], [sflag:$0x7] =	stream.indirect.gather [hbm4b:s4+s15], $0x20, s10, s15, $0xb8;
	[tilespmem:$0x11D00] =	vst v63  }
0x3a: {  	_ =	swait.ge [sflag:s25], $0xFA0  }
0x3b: {  	[sflag:s25] =	ssyncset.done $0x0  }
0x3c: {  	s11 =	simm.s32 $0x2880;
	s1 =	simm.s32 @!p0 $0x10;
	[sflag:s25] =	ssyncadd.s32 $0xFFFFF060  }
0x3d: {  	[spmem:s2] =	stream.indirect.scatter.add.bf16 [tilespmem:s18], [sflag:$0xB], $0x20, s11, s15, $0xb8;
	[tilespmem:$0x11D00] =	vst v63  }
0x3e: {  	_ =	swait.ge @!p0 [sflag:s1], $0xFA0  }
0x3f: {  	[sflag:s1] =	ssyncset.done @!p0 $0x0  }
0x40: {  	s13 =	simm.s32 $0x300;
	s12 =	rddreg [dreg:$0x4];
	[sflag:s1] =	ssyncadd.s32 @!p0 $0xFFFFF060  }
0x41: {  	[tilespmem:s12], [sflag:$0x8] =	stream.indirect.gather [hbm4b:s4+s15], $0x20, s13, s15, $0xb8;
	[tilespmem:$0x11D00] =	vst v63  }
0x42: {  	_ =	swait.ge [sflag:s26], $0xFA0  }
0x43: {  	[sflag:s26] =	ssyncset.done $0x0  }
0x44: {  	s14 =	simm.s32 $0x2900;
	s1 =	simm.s32 @!p0 $0x11;
	[sflag:s26] =	ssyncadd.s32 $0xFFFFF060  }
0x45: {  	[spmem:s2] =	stream.indirect.scatter.add.bf16 [tilespmem:s20], [sflag:$0xC], $0x20, s14, s15, $0xb8;
	[tilespmem:$0x11D00] =	vst v63  }
0x46: {  	_ =	swait.ge @!p0 [sflag:s1], $0xFA0  }
0x47: {  	[sflag:s1] =	ssyncset.done @!p0 $0x0  }
0x48: {  	s17 =	simm.s32 $0x380;
	[sflag:s1] =	ssyncadd.s32 @!p0 $0xFFFFF060  }
0x49: {  	[tilespmem:s28], [sflag:$0x9] =	stream.indirect.gather [hbm4b:s4+s15], $0x20, s17, s15, $0xb8;
	[tilespmem:$0x11D00] =	vst v63  }
0x4a: {  	_ =	swait.ge [sflag:s29], $0xFA0  }
0x4b: {  	p0 =	por $0x0, $0x0;
	[sflag:s29] =	ssyncset.done $0x0  }
0x4c: {  	s19 =	simm.s32 $0x2980;
	s1 =	simm.s32 @p0 $0x6;
	[sflag:s29] =	ssyncadd.s32 $0xFFFFF060  }
0x4d: {  	[spmem:s2] =	stream.indirect.scatter.add.bf16 [tilespmem:s22], [sflag:$0xD], $0x20, s19, s15, $0xb8;
	[tilespmem:$0x11D00] =	vst v63  }
0x4e: {  	_ =	swait.ge @p0 [sflag:s1], $0xFA0  }
0x4f: {  	s0 =	simm.s32 @p0 $0x2A00;
	s3 =	simm.s32 @p0 $0x7D;
	[sflag:s1] =	ssyncset.done @p0 $0x0  }
0x50: {  	s7 =	simm.s32 @p0 $0x8E80;
	[sflag:s1] =	ssyncadd.s32 @p0 $0xFFFFF060;
	s1 =	simm.s32 @!p0 $0xA  }
0x51: {  	[spmem:s2] =	stream.indirect.scatter.add.bf16 @p0 [tilespmem:s7], [sflag:$0xE], $0x20, s0, s3, $0xb8;
	[tilespmem:$0x11D00] =	vst v63  }
0x52: {  	_ =	swait.ge @!p0 [sflag:s1], $0xFA0  }
0x53: {  	s0 =	simm.s32 @!p0 $0x400;
	[sflag:s1] =	ssyncset.done @!p0 $0x0  }
0x54: {  	s7 =	simm.s32 @!p0 $0x7D;
	[sflag:s1] =	ssyncadd.s32 @!p0 $0xFFFFF060;
	s1 =	simm.s32 @!p0 $0x5000  }
0x55: {  	[tilespmem:s1], [sflag:$0x2] =	stream.indirect.gather @!p0 [hbm4b:s4+s7], $0x20, s0, s7, $0xb8;
	[tilespmem:$0x11D00] =	vst v63  }
0x56: {  	s0 =	simm.s32 @!p0 $0x6  }
0x57: {  	_ =	swait.ge @!p0 [sflag:s0], $0xFA0  }
0x58: {  	[sflag:s0] =	ssyncset.done @!p0 $0x0  }
0x59: {  	s1 =	simm.s32 @!p0 $0x2A00;
	[sflag:s0] =	ssyncadd.s32 @!p0 $0xFFFFF060;
	s0 =	simm.s32 @!p0 $0x8E80  }
0x5a: {  	[spmem:s2] =	stream.indirect.scatter.add.bf16 @!p0 [tilespmem:s0], [sflag:$0xE], $0x20, s1, s7, $0xb8;
	[tilespmem:$0x11D00] =	vst v63  }
0x5b: {  	s0 =	simm.s32 @!p0 $0xB  }
0x5c: {  	_ =	swait.ge @!p0 [sflag:s0], $0xFA0  }
0x5d: {  	[sflag:s0] =	ssyncset.done @!p0 $0x0  }
0x5e: {  	s1 =	simm.s32 @!p0 $0x480;
	[sflag:s0] =	ssyncadd.s32 @!p0 $0xFFFFF060;
	s0 =	simm.s32 @!p0 $0x5FA0  }
0x5f: {  	[tilespmem:s0], [sflag:$0x3] =	stream.indirect.gather @!p0 [hbm4b:s4+s7], $0x20, s1, s7, $0xb8;
	[tilespmem:$0x11D00] =	vst v63  }
0x60: {  	_ =	swait.ge [sflag:s30], $0xFA0  }
0x61: {  	[sflag:s30] =	ssyncset.done $0x0  }
0x62: {  	s21 =	simm.s32 $0x2A80;
	s1 =	simm.s32 @p0 $0x8;
	[sflag:s30] =	ssyncadd.s32 $0xFFFFF060  }
0x63: {  	[spmem:s2] =	stream.indirect.scatter.add.bf16 [tilespmem:s24], [sflag:$0xF], $0x20, s21, s15, $0xb8;
	[tilespmem:$0x11D00] =	vst v63  }
0x64: {  	_ =	swait.ge @p0 [sflag:s1], $0xFA0  }
0x65: {  	[sflag:s1] =	ssyncset.done @p0 $0x0  }
0x66: {  	s0 =	simm.s32 @p0 $0x2B00;
	[sflag:s1] =	ssyncadd.s32 @p0 $0xFFFFF060;
	s1 =	simm.s32 @p0 $0xADC0  }
0x67: {  	[spmem:s2] =	stream.indirect.scatter.add.bf16 @p0 [tilespmem:s1], [sflag:$0x10], $0x20, s0, s3, $0xb8;
	[tilespmem:$0x11D00] =	vst v63  }
0x68: {  	s0 =	simm.s32 @!p0 $0xC  }
0x69: {  	_ =	swait.ge @!p0 [sflag:s0], $0xFA0  }
0x6a: {  	[sflag:s0] =	ssyncset.done @!p0 $0x0  }
0x6b: {  	s1 =	simm.s32 @!p0 $0x500;
	[sflag:s0] =	ssyncadd.s32 @!p0 $0xFFFFF060;
	s0 =	simm.s32 @!p0 $0x6F40  }
0x6c: {  	[tilespmem:s0], [sflag:$0x4] =	stream.indirect.gather @!p0 [hbm4b:s4+s7], $0x20, s1, s7, $0xb8;
	[tilespmem:$0x11D00] =	vst v63  }
0x6d: {  	s0 =	simm.s32 @!p0 $0x8  }
0x6e: {  	_ =	swait.ge @!p0 [sflag:s0], $0xFA0  }
0x6f: {  	[sflag:s0] =	ssyncset.done @!p0 $0x0  }
0x70: {  	s1 =	simm.s32 @!p0 $0x2B00;
	[sflag:s0] =	ssyncadd.s32 @!p0 $0xFFFFF060;
	s0 =	simm.s32 @!p0 $0xADC0  }
0x71: {  	[spmem:s2] =	stream.indirect.scatter.add.bf16 @!p0 [tilespmem:s0], [sflag:$0x10], $0x20, s1, s7, $0xb8;
	[tilespmem:$0x11D00] =	vst v63  }
0x72: {  	s0 =	simm.s32 @!p0 $0xD  }
0x73: {  	_ =	swait.ge @!p0 [sflag:s0], $0xFA0  }
0x74: {  	p1 =	por $0x0, $0x0;
	s10 =	simm.s32 $0x1000;
	[sflag:s0] =	ssyncset.done @!p0 $0x0  }
0x75: {  	s1 =	simm.s32 @!p0 $0x580;
	[sflag:s0] =	ssyncadd.s32 @!p0 $0xFFFFF060;
	s0 =	simm.s32 @!p0 $0x7EE0  }
0x76: {  	[tilespmem:s0], [sflag:$0x5] =	stream.indirect.gather @!p0 [hbm4b:s4+s7], $0x20, s1, s7, $0xb8;
	[tilespmem:$0x11D00] =	vst v63  }
0x77: {  	s11 =	simm.s32 $0x2000;
	s7 =	simm.s32 $0x2B80;
	_ =	swait.ge [sflag:s31], $0xFA0  }
.LBB2_2:
0x78: {  	[sflag:s31] =	ssyncset.done $0x0  }
0x79: {  	s0 =	simm.s32 @!p1 $0xE;
	[sflag:s31] =	ssyncadd.s32 $0xFFFFF060  }
0x7a: {  	[spmem:s2] =	stream.indirect.scatter.add.bf16 [tilespmem:s28], [sflag:$0x11], $0x20, s7, s15, $0xb8;
	[tilespmem:$0x11D00] =	vst v63  }
0x7b: {  	_ =	swait.ge @!p1 [sflag:s0], $0xFA0  }
0x7c: {  	s3 =	sshra.s32 s10, $0x2;
	[sflag:s0] =	ssyncset.done @!p1 $0x0  }
0x7d: {  	s14 =	sadd.s32 $0x200, s3;
	s12 =	rddreg [dreg:$0x3];
	[sflag:s0] =	ssyncadd.s32 @!p1 $0xFFFFF060  }
0x7e: {  	[tilespmem:s12], [sflag:$0x6] =	stream.indirect.gather [hbm4b:s4+s15], $0x20, s14, s15, $0xb8;
	[tilespmem:$0x11D00] =	vst v63  }
0x7f: {  	_ =	swait.ge [sflag:s23], $0xFA0  }
0x80: {  	[sflag:s23] =	ssyncset.done $0x0  }
0x81: {  	s17 =	sadd.s32 $0x2800, s3;
	s12 =	simm.s32 @!p1 $0xF;
	[sflag:s23] =	ssyncadd.s32 $0xFFFFF060  }
0x82: {  	[spmem:s2] =	stream.indirect.scatter.add.bf16 [tilespmem:s16], [sflag:$0xA], $0x20, s17, s15, $0xb8;
	[tilespmem:$0x11D00] =	vst v63  }
0x83: {  	_ =	swait.ge @!p1 [sflag:s12], $0xFA0  }
0x84: {  	[sflag:s12] =	ssyncset.done @!p1 $0x0  }
0x85: {  	s19 =	sadd.s32 $0x280, s3;
	[sflag:s12] =	ssyncadd.s32 @!p1 $0xFFFFF060  }
0x86: {  	[tilespmem:s24], [sflag:$0x7] =	stream.indirect.gather [hbm4b:s4+s15], $0x20, s19, s15, $0xb8;
	[tilespmem:$0x11D00] =	vst v63  }
0x87: {  	_ =	swait.ge [sflag:s25], $0xFA0  }
0x88: {  	[sflag:s25] =	ssyncset.done $0x0  }
0x89: {  	s21 =	sadd.s32 $0x2880, s3;
	s12 =	simm.s32 @!p1 $0x10;
	[sflag:s25] =	ssyncadd.s32 $0xFFFFF060  }
0x8a: {  	[spmem:s2] =	stream.indirect.scatter.add.bf16 [tilespmem:s18], [sflag:$0xB], $0x20, s21, s15, $0xb8;
	[tilespmem:$0x11D00] =	vst v63  }
0x8b: {  	_ =	swait.ge @!p1 [sflag:s12], $0xFA0  }
0x8c: {  	[sflag:s12] =	ssyncset.done @!p1 $0x0  }
0x8d: {  	s6 =	sadd.s32 $0x300, s3;
	s5 =	rddreg [dreg:$0x4];
	[sflag:s12] =	ssyncadd.s32 @!p1 $0xFFFFF060  }
0x8e: {  	[tilespmem:s5], [sflag:$0x8] =	stream.indirect.gather [hbm4b:s4+s15], $0x20, s6, s15, $0xb8;
	[tilespmem:$0x11D00] =	vst v63  }
0x8f: {  	_ =	swait.ge [sflag:s26], $0xFA0  }
0x90: {  	[sflag:s26] =	ssyncset.done $0x0  }
0x91: {  	s8 =	sadd.s32 $0x2900, s3;
	s12 =	simm.s32 @!p1 $0x11;
	[sflag:s26] =	ssyncadd.s32 $0xFFFFF060  }
0x92: {  	[spmem:s2] =	stream.indirect.scatter.add.bf16 [tilespmem:s20], [sflag:$0xC], $0x20, s8, s15, $0xb8;
	[tilespmem:$0x11D00] =	vst v63  }
0x93: {  	_ =	swait.ge @!p1 [sflag:s12], $0xFA0  }
0x94: {  	[sflag:s12] =	ssyncset.done @!p1 $0x0  }
0x95: {  	s13 =	sadd.s32 $0x380, s3;
	[sflag:s12] =	ssyncadd.s32 @!p1 $0xFFFFF060  }
0x96: {  	[tilespmem:s28], [sflag:$0x9] =	stream.indirect.gather [hbm4b:s4+s15], $0x20, s13, s15, $0xb8;
	[tilespmem:$0x11D00] =	vst v63  }
0x97: {  	_ =	swait.ge [sflag:s29], $0xFA0  }
0x98: {  	p1 =	seq.s32 s10, $0x9000;
	[sflag:s29] =	ssyncset.done $0x0  }
0x99: {  	s14 =	sadd.s32 $0x2980, s3;
	s17 =	simm.s32 @p1 $0x6;
	[sflag:s29] =	ssyncadd.s32 $0xFFFFF060  }
0x9a: {  	[spmem:s2] =	stream.indirect.scatter.add.bf16 [tilespmem:s22], [sflag:$0xD], $0x20, s14, s15, $0xb8;
	[tilespmem:$0x11D00] =	vst v63  }
0x9b: {  	s19 =	sshra.s32 @p1 s10, $0x2;
	_ =	swait.ge @p1 [sflag:s17], $0xFA0  }
0x9c: {  	s12 =	simm.s32 @p1 $0x7D;
	s21 =	simm.s32 @p1 $0x8E80;
	[sflag:s17] =	ssyncset.done @p1 $0x0  }
0x9d: {  	s0 =	sadd.s32 @p1 $0x2A00, s19;
	[sflag:s17] =	ssyncadd.s32 @p1 $0xFFFFF060;
	s17 =	simm.s32 @!p1 $0xA  }
0x9e: {  	[spmem:s2] =	stream.indirect.scatter.add.bf16 @p1 [tilespmem:s21], [sflag:$0xE], $0x20, s0, s12, $0xb8;
	[tilespmem:$0x11D00] =	vst v63  }
0x9f: {  	s10 =	sshra.s32 @!p1 s10, $0x2;
	_ =	swait.ge @!p1 [sflag:s17], $0xFA0  }
0xa0: {  	s8 =	simm.s32 @!p1 $0x5000;
	s13 =	simm.s32 @!p1 $0x6;
	[sflag:s17] =	ssyncset.done @!p1 $0x0  }
0xa1: {  	s5 =	sadd.s32 @!p1 $0x400, s10;
	s0 =	simm.s32 @!p1 $0x7D;
	[sflag:s17] =	ssyncadd.s32 @!p1 $0xFFFFF060  }
0xa2: {  	[tilespmem:s8], [sflag:$0x2] =	stream.indirect.gather @!p1 [hbm4b:s4+s0], $0x20, s5, s0, $0xb8;
	[tilespmem:$0x11D00] =	vst v63  }
0xa3: {  	_ =	swait.ge @!p1 [sflag:s13], $0xFA0  }
0xa4: {  	s1 =	smov.u32 s11;
	s14 =	simm.s32 @!p1 $0x8E80;
	[sflag:s13] =	ssyncset.done @!p1 $0x0  }
0xa5: {  	s21 =	sadd.s32 @!p1 $0x2A00, s10;
	[sflag:s13] =	ssyncadd.s32 @!p1 $0xFFFFF060;
	s13 =	simm.s32 @!p1 $0xB  }
0xa6: {  	[spmem:s2] =	stream.indirect.scatter.add.bf16 @!p1 [tilespmem:s14], [sflag:$0xE], $0x20, s21, s0, $0xb8;
	[tilespmem:$0x11D00] =	vst v63  }
0xa7: {  	s6 =	sadd.s32 @!p1 $0x480, s10;
	s17 =	sadd.s32 @!p1 $0x580, s10;
	_ =	swait.ge @!p1 [sflag:s13], $0xFA0  }
0xa8: {  	s5 =	sadd.s32 @!p1 $0x500, s10;
	s8 =	sadd.s32 @!p1 $0x2B00, s10;
	[sflag:s13] =	ssyncset.done @!p1 $0x0  }
0xa9: {  	s10 =	smov.u32 s1;
	s1 =	simm.s32 @!p1 $0x5FA0;
	[sflag:s13] =	ssyncadd.s32 @!p1 $0xFFFFF060  }
0xaa: {  	[tilespmem:s1], [sflag:$0x3] =	stream.indirect.gather @!p1 [hbm4b:s4+s0], $0x20, s6, s0, $0xb8;
	[tilespmem:$0x11D00] =	vst v63  }
0xab: {  	_ =	swait.ge [sflag:s30], $0xFA0  }
0xac: {  	s7 =	sadd.s32 $0x2B80, s3;
	[sflag:s30] =	ssyncset.done $0x0  }
0xad: {  	s21 =	sadd.s32 $0x2A80, s3;
	s3 =	simm.s32 @p1 $0x8;
	[sflag:s30] =	ssyncadd.s32 $0xFFFFF060  }
0xae: {  	[spmem:s2] =	stream.indirect.scatter.add.bf16 [tilespmem:s24], [sflag:$0xF], $0x20, s21, s15, $0xb8;
	[tilespmem:$0x11D00] =	vst v63  }
0xaf: {  	_ =	swait.ge @p1 [sflag:s3], $0xFA0  }
0xb0: {  	s19 =	sadd.s32 @p1 $0x2B00, s19;
	[sflag:s3] =	ssyncset.done @p1 $0x0  }
0xb1: {  	s1 =	simm.s32 @p1 $0xADC0;
	[sflag:s3] =	ssyncadd.s32 @p1 $0xFFFFF060;
	s3 =	simm.s32 @!p1 $0xC  }
0xb2: {  	[spmem:s2] =	stream.indirect.scatter.add.bf16 @p1 [tilespmem:s1], [sflag:$0x10], $0x20, s19, s12, $0xb8;
	[tilespmem:$0x11D00] =	vst v63  }
0xb3: {  	_ =	swait.ge @!p1 [sflag:s3], $0xFA0  }
0xb4: {  	[sflag:s3] =	ssyncset.done @!p1 $0x0  }
0xb5: {  	s1 =	simm.s32 @!p1 $0x6F40;
	[sflag:s3] =	ssyncadd.s32 @!p1 $0xFFFFF060;
	s3 =	simm.s32 @!p1 $0x8  }
0xb6: {  	[tilespmem:s1], [sflag:$0x4] =	stream.indirect.gather @!p1 [hbm4b:s4+s0], $0x20, s5, s0, $0xb8;
	[tilespmem:$0x11D00] =	vst v63  }
0xb7: {  	s11 =	sadd.s32 $0x1000, s11;
	_ =	swait.ge @!p1 [sflag:s3], $0xFA0  }
0xb8: {  	p0 =	sne.s32 s11, $0xA000;
	[sflag:s3] =	ssyncset.done @!p1 $0x0  }
0xb9: {  	s1 =	simm.s32 @!p1 $0xADC0;
	[sflag:s3] =	ssyncadd.s32 @!p1 $0xFFFFF060;
	s3 =	simm.s32 @!p1 $0xD  }
0xba: {  	[spmem:s2] =	stream.indirect.scatter.add.bf16 @!p1 [tilespmem:s1], [sflag:$0x10], $0x20, s8, s0, $0xb8;
	[tilespmem:$0x11D00] =	vst v63  }
.Ltmp0:
0xbb: {  	_ =	swait.ge @!p1 [sflag:s3], $0xFA0;
	(pc) =	sbr.rel @p0 .LBB2_2-.Ltmp0, $4  }
0xbc: {  	[sflag:s3] =	ssyncset.done @!p1 $0x0  }
0xbd: {  	s1 =	simm.s32 @!p1 $0x7EE0;
	[sflag:s3] =	ssyncadd.s32 @!p1 $0xFFFFF060  }
0xbe: {  	[tilespmem:s1], [sflag:$0x5] =	stream.indirect.gather @!p1 [hbm4b:s4+s0], $0x20, s17, s0, $0xb8;
	[tilespmem:$0x11D00] =	vst v63  }
0xbf: {  	p1 =	seq.s32 s10, $0x0;
	_ =	swait.ge [sflag:s31], $0xFA0  }
0xc0: {  	[sflag:s31] =	ssyncset.done $0x0  }
0xc1: {  	s0 =	simm.s32 @!p1 $0xE;
	[sflag:s31] =	ssyncadd.s32 $0xFFFFF060  }
0xc2: {  	[spmem:s2] =	stream.indirect.scatter.add.bf16 [tilespmem:s28], [sflag:$0x11], $0x20, s7, s15, $0xb8;
	[tilespmem:$0x11D00] =	vst v63  }
0xc3: {  	_ =	swait.ge @!p1 [sflag:s0], $0xFA0  }
0xc4: {  	s1 =	sshra.s32 s10, $0x2;
	[sflag:s0] =	ssyncset.done @!p1 $0x0  }
0xc5: {  	s6 =	sadd.s32 $0x200, s1;
	s3 =	rddreg [dreg:$0x3];
	[sflag:s0] =	ssyncadd.s32 @!p1 $0xFFFFF060  }
0xc6: {  	[tilespmem:s3], [sflag:$0x6] =	stream.indirect.gather [hbm4b:s4+s15], $0x20, s6, s15, $0xb8;
	[tilespmem:$0x11D00] =	vst v63  }
0xc7: {  	_ =	swait.ge [sflag:s23], $0xFA0  }
0xc8: {  	[sflag:s23] =	ssyncset.done $0x0  }
0xc9: {  	s7 =	sadd.s32 $0x2800, s1;
	s3 =	simm.s32 @!p1 $0xF;
	[sflag:s23] =	ssyncadd.s32 $0xFFFFF060  }
0xca: {  	[spmem:s2] =	stream.indirect.scatter.add.bf16 [tilespmem:s16], [sflag:$0xA], $0x20, s7, s15, $0xb8;
	[tilespmem:$0x11D00] =	vst v63  }
0xcb: {  	_ =	swait.ge @!p1 [sflag:s3], $0xFA0  }
0xcc: {  	[sflag:s3] =	ssyncset.done @!p1 $0x0  }
0xcd: {  	s8 =	sadd.s32 $0x280, s1;
	[sflag:s3] =	ssyncadd.s32 @!p1 $0xFFFFF060  }
0xce: {  	[tilespmem:s24], [sflag:$0x7] =	stream.indirect.gather [hbm4b:s4+s15], $0x20, s8, s15, $0xb8;
	[tilespmem:$0x11D00] =	vst v63  }
0xcf: {  	_ =	swait.ge [sflag:s25], $0xFA0  }
0xd0: {  	[sflag:s25] =	ssyncset.done $0x0  }
0xd1: {  	s11 =	sadd.s32 $0x2880, s1;
	s3 =	simm.s32 @!p1 $0x10;
	[sflag:s25] =	ssyncadd.s32 $0xFFFFF060  }
0xd2: {  	[spmem:s2] =	stream.indirect.scatter.add.bf16 [tilespmem:s18], [sflag:$0xB], $0x20, s11, s15, $0xb8;
	[tilespmem:$0x11D00] =	vst v63  }
0xd3: {  	_ =	swait.ge @!p1 [sflag:s3], $0xFA0  }
0xd4: {  	[sflag:s3] =	ssyncset.done @!p1 $0x0  }
0xd5: {  	s13 =	sadd.s32 $0x300, s1;
	s12 =	rddreg [dreg:$0x4];
	[sflag:s3] =	ssyncadd.s32 @!p1 $0xFFFFF060  }
0xd6: {  	[tilespmem:s12], [sflag:$0x8] =	stream.indirect.gather [hbm4b:s4+s15], $0x20, s13, s15, $0xb8;
	[tilespmem:$0x11D00] =	vst v63  }
0xd7: {  	_ =	swait.ge [sflag:s26], $0xFA0  }
0xd8: {  	[sflag:s26] =	ssyncset.done $0x0  }
0xd9: {  	s14 =	sadd.s32 $0x2900, s1;
	s3 =	simm.s32 @!p1 $0x11;
	[sflag:s26] =	ssyncadd.s32 $0xFFFFF060  }
0xda: {  	[spmem:s2] =	stream.indirect.scatter.add.bf16 [tilespmem:s20], [sflag:$0xC], $0x20, s14, s15, $0xb8;
	[tilespmem:$0x11D00] =	vst v63  }
0xdb: {  	_ =	swait.ge @!p1 [sflag:s3], $0xFA0  }
0xdc: {  	[sflag:s3] =	ssyncset.done @!p1 $0x0  }
0xdd: {  	s17 =	sadd.s32 $0x380, s1;
	[sflag:s3] =	ssyncadd.s32 @!p1 $0xFFFFF060  }
0xde: {  	[tilespmem:s28], [sflag:$0x9] =	stream.indirect.gather [hbm4b:s4+s15], $0x20, s17, s15, $0xb8;
	[tilespmem:$0x11D00] =	vst v63  }
0xdf: {  	_ =	swait.ge [sflag:s29], $0xFA0  }
0xe0: {  	p0 =	seq.s32 s10, $0x9000;
	[sflag:s29] =	ssyncset.done $0x0  }
0xe1: {  	s19 =	sadd.s32 $0x2980, s1;
	s3 =	simm.s32 @p0 $0x6;
	[sflag:s29] =	ssyncadd.s32 $0xFFFFF060  }
0xe2: {  	[spmem:s2] =	stream.indirect.scatter.add.bf16 [tilespmem:s22], [sflag:$0xD], $0x20, s19, s15, $0xb8;
	[tilespmem:$0x11D00] =	vst v63  }
0xe3: {  	s0 =	sshra.s32 @p0 s10, $0x2;
	_ =	swait.ge @p0 [sflag:s3], $0xFA0  }
0xe4: {  	s5 =	sadd.s32 @p0 $0x2A00, s0;
	s6 =	simm.s32 @p0 $0x7D;
	[sflag:s3] =	ssyncset.done @p0 $0x0  }
0xe5: {  	s7 =	simm.s32 @p0 $0x8E80;
	[sflag:s3] =	ssyncadd.s32 @p0 $0xFFFFF060;
	s3 =	simm.s32 @!p0 $0xA  }
0xe6: {  	[spmem:s2] =	stream.indirect.scatter.add.bf16 @p0 [tilespmem:s7], [sflag:$0xE], $0x20, s5, s6, $0xb8;
	[tilespmem:$0x11D00] =	vst v63  }
0xe7: {  	_ =	swait.ge @!p0 [sflag:s3], $0xFA0  }
0xe8: {  	s8 =	simm.s32 @!p0 $0x7D;
	s5 =	sshra.s32 @!p0 s10, $0x2;
	[sflag:s3] =	ssyncset.done @!p0 $0x0  }
0xe9: {  	s7 =	sadd.s32 @!p0 $0x400, s5;
	[sflag:s3] =	ssyncadd.s32 @!p0 $0xFFFFF060;
	s3 =	simm.s32 @!p0 $0x5000  }
0xea: {  	[tilespmem:s3], [sflag:$0x2] =	stream.indirect.gather @!p0 [hbm4b:s4+s8], $0x20, s7, s8, $0xb8;
	[tilespmem:$0x11D00] =	vst v63  }
0xeb: {  	s3 =	simm.s32 @!p0 $0x6  }
0xec: {  	_ =	swait.ge @!p0 [sflag:s3], $0xFA0  }
0xed: {  	[sflag:s3] =	ssyncset.done @!p0 $0x0  }
0xee: {  	s7 =	sadd.s32 @!p0 $0x2A00, s5;
	[sflag:s3] =	ssyncadd.s32 @!p0 $0xFFFFF060;
	s3 =	simm.s32 @!p0 $0x8E80  }
0xef: {  	[spmem:s2] =	stream.indirect.scatter.add.bf16 @!p0 [tilespmem:s3], [sflag:$0xE], $0x20, s7, s8, $0xb8;
	[tilespmem:$0x11D00] =	vst v63  }
0xf0: {  	s3 =	simm.s32 @!p0 $0xB  }
0xf1: {  	_ =	swait.ge @!p0 [sflag:s3], $0xFA0  }
0xf2: {  	[sflag:s3] =	ssyncset.done @!p0 $0x0  }
0xf3: {  	s7 =	sadd.s32 @!p0 $0x480, s5;
	[sflag:s3] =	ssyncadd.s32 @!p0 $0xFFFFF060;
	s3 =	simm.s32 @!p0 $0x5FA0  }
0xf4: {  	[tilespmem:s3], [sflag:$0x3] =	stream.indirect.gather @!p0 [hbm4b:s4+s8], $0x20, s7, s8, $0xb8;
	[tilespmem:$0x11D00] =	vst v63  }
0xf5: {  	_ =	swait.ge [sflag:s30], $0xFA0  }
0xf6: {  	[sflag:s30] =	ssyncset.done $0x0  }
0xf7: {  	s21 =	sadd.s32 $0x2A80, s1;
	s3 =	simm.s32 @p0 $0x8;
	[sflag:s30] =	ssyncadd.s32 $0xFFFFF060  }
0xf8: {  	[spmem:s2] =	stream.indirect.scatter.add.bf16 [tilespmem:s24], [sflag:$0xF], $0x20, s21, s15, $0xb8;
	[tilespmem:$0x11D00] =	vst v63  }
0xf9: {  	_ =	swait.ge @p0 [sflag:s3], $0xFA0  }
0xfa: {  	[sflag:s3] =	ssyncset.done @p0 $0x0  }
0xfb: {  	s0 =	sadd.s32 @p0 $0x2B00, s0;
	[sflag:s3] =	ssyncadd.s32 @p0 $0xFFFFF060;
	s3 =	simm.s32 @p0 $0xADC0  }
0xfc: {  	[spmem:s2] =	stream.indirect.scatter.add.bf16 @p0 [tilespmem:s3], [sflag:$0x10], $0x20, s0, s6, $0xb8;
	[tilespmem:$0x11D00] =	vst v63  }
0xfd: {  	s0 =	simm.s32 @!p0 $0xC  }
0xfe: {  	_ =	swait.ge @!p0 [sflag:s0], $0xFA0  }
0xff: {  	[sflag:s0] =	ssyncset.done @!p0 $0x0  }
0x100: {  	s3 =	sadd.s32 @!p0 $0x500, s5;
	[sflag:s0] =	ssyncadd.s32 @!p0 $0xFFFFF060;
	s0 =	simm.s32 @!p0 $0x6F40  }
0x101: {  	[tilespmem:s0], [sflag:$0x4] =	stream.indirect.gather @!p0 [hbm4b:s4+s8], $0x20, s3, s8, $0xb8;
	[tilespmem:$0x11D00] =	vst v63  }
0x102: {  	s0 =	simm.s32 @!p0 $0x8  }
0x103: {  	_ =	swait.ge @!p0 [sflag:s0], $0xFA0  }
0x104: {  	[sflag:s0] =	ssyncset.done @!p0 $0x0  }
0x105: {  	s3 =	sadd.s32 @!p0 $0x2B00, s5;
	[sflag:s0] =	ssyncadd.s32 @!p0 $0xFFFFF060;
	s0 =	simm.s32 @!p0 $0xADC0  }
0x106: {  	[spmem:s2] =	stream.indirect.scatter.add.bf16 @!p0 [tilespmem:s0], [sflag:$0x10], $0x20, s3, s8, $0xb8;
	[tilespmem:$0x11D00] =	vst v63  }
0x107: {  	s0 =	simm.s32 @!p0 $0xD  }
0x108: {  	_ =	swait.ge @!p0 [sflag:s0], $0xFA0  }
0x109: {  	[sflag:s0] =	ssyncset.done @!p0 $0x0  }
0x10a: {  	s3 =	sadd.s32 @!p0 $0x580, s5;
	[sflag:s0] =	ssyncadd.s32 @!p0 $0xFFFFF060;
	s0 =	simm.s32 @!p0 $0x7EE0  }
0x10b: {  	[tilespmem:s0], [sflag:$0x5] =	stream.indirect.gather @!p0 [hbm4b:s4+s8], $0x20, s3, s8, $0xb8;
	[tilespmem:$0x11D00] =	vst v63  }
0x10c: {  	_ =	swait.ge [sflag:s31], $0xFA0  }
0x10d: {  	[sflag:s31] =	ssyncset.done $0x0  }
0x10e: {  	s1 =	sadd.s32 $0x2B80, s1;
	s3 =	simm.s32 $0xA;
	[sflag:s31] =	ssyncadd.s32 $0xFFFFF060  }
0x10f: {  	[spmem:s2] =	stream.indirect.scatter.add.bf16 [tilespmem:s28], [sflag:$0x11], $0x20, s1, s15, $0xb8;
	[tilespmem:$0x11D00] =	vst v63  }
0x110: {  	_ =	swait.ge [sflag:s3], $0xFA0  }
0x111: {  	[sflag:s3] =	ssyncset.done $0x0  }
0x112: {  	s5 =	simm.s32 $0xB;
	[sflag:s3] =	ssyncadd.s32 $0xFFFFF060  }
0x113: {  	_ =	swait.ge [sflag:s5], $0xFA0  }
0x114: {  	[sflag:s5] =	ssyncset.done $0x0  }
0x115: {  	s6 =	simm.s32 $0xC;
	[sflag:s5] =	ssyncadd.s32 $0xFFFFF060  }
0x116: {  	_ =	swait.ge [sflag:s6], $0xFA0  }
0x117: {  	[sflag:s6] =	ssyncset.done $0x0  }
0x118: {  	s7 =	simm.s32 $0xD;
	[sflag:s6] =	ssyncadd.s32 $0xFFFFF060  }
0x119: {  	_ =	swait.ge [sflag:s7], $0xFA0  }
0x11a: {  	[sflag:s7] =	ssyncset.done $0x0  }
0x11b: {  	s8 =	simm.s32 $0xE;
	[sflag:s7] =	ssyncadd.s32 $0xFFFFF060  }
0x11c: {  	_ =	swait.ge [sflag:s8], $0xFA0  }
0x11d: {  	[sflag:s8] =	ssyncset.done $0x0  }
0x11e: {  	s10 =	simm.s32 $0xF;
	[sflag:s8] =	ssyncadd.s32 $0xFFFFF060  }
0x11f: {  	_ =	swait.ge [sflag:s10], $0xFA0  }
0x120: {  	[sflag:s10] =	ssyncset.done $0x0  }
0x121: {  	s11 =	simm.s32 $0x10;
	[sflag:s10] =	ssyncadd.s32 $0xFFFFF060  }
0x122: {  	_ =	swait.ge [sflag:s11], $0xFA0  }
0x123: {  	[sflag:s11] =	ssyncset.done $0x0  }
0x124: {  	s12 =	simm.s32 $0x11;
	[sflag:s11] =	ssyncadd.s32 $0xFFFFF060  }
0x125: {  	_ =	swait.ge [sflag:s12], $0xFA0  }
0x126: {  	[sflag:s12] =	ssyncset.done $0x0  }
0x127: {  	[sflag:s12] =	ssyncadd.s32 $0xFFFFF060  }
0x128: {  	[bflag:$0x0] =	sbarrier.arrive $0xFFFF  }
0x129: {  	s13 =	rddreg [dreg:$0x7]  }
0x12a: {  	s17 =	simm.s32 $0x8;
	s19 =	simm.s32 $0x12;
	s14 =	rddreg [dreg:$0xa]  }
0x12b: {  	s6 =	simm.s32 $0x1;
	s5 =	rddreg [dreg:$0xc];
	s0 =	sor.u32 $0x1C12, s13  }
0x12c: {  	[hbm:s14@s17], [sflag:s0] =	dma.strided [spmem:s5@s26], $0xA00, s6, $0x4   }
0x12d: {  	_ =	swait.ge [sflag:s19], $0xA00  }
0x12e: {  	s9 =	sadd.s32 $0x1, s9;
	s21 =	rddreg [dreg:$0xb]  }
0x12f: {  	p0 =	sne.s32 s9, s21  }
.Ltmp1:
0x130: {  	_ = 	snop;
	(pc) =	sbr.rel @p0 .LBB2_1-.Ltmp1, $3  }
0x131: {  	_ =	sdelay $0x1  }
0x132: {  	[sflag:s19] =	ssyncset.done $0x0  }
0x133: {  	[sflag:s19] =	ssyncadd.s32 $0xFFFFF600  }
0x134: {  	_ =	sfence.sel $0x180000  }
0x135: {  	[bflag:$0x0] =	sbarrier.arrive $0xFFFF  }
0x136: {  	_ =	strace $0x90000047  }
0x137: {  	s0 =	stileid.u32;
	[bflag:$0x2] =	sbarrier.arrive $0xFFFF  }
0x138: {  	p0 =	sne.s32 s0, $0x0;
	s0 =	rddreg [dreg:$0x2]  }
0x139: {  	s0 =	sadd.s32 @!p0 $0x100000, s0  }
0x13a: {  	[sflag:s0] =	ssyncadd.tile.s32 @!p0 $0x1;
	_ =	shalt  }
.Lfunc_end2:
_tile_overlayer_lowered:
.L_overlay_start_2:
0x13b: {  	(tag) =	ssettag $0x2  }
0x13c: {  	s0 =	rddreg [dreg:$0x0];
	s2 =	stileid.u32  }
0x13d: {  	s1 =	rddreg [dreg:$0x1];
	p0 =	sne.s32 s2, $0x0  }
0x13e: {  	s3 =	rddreg [dreg:$0x2];
	[bflag:$0x3] =	sbarrier.arrive $0xFFFF;
	s2 =	simm.s32 @!p0 $0x1C12  }
0x13f: {  	[timem:s3], [sflag:s2] =	dma.local @!p0 [hbm:s0], s1  }
0x140: {  	s0 =	simm.s32 @!p0 $0x12  }
0x141: {  	_ =	swait.ge @!p0 [sflag:s0], s1  }
0x142: {  	s1 =	ssub.s32 @!p0 $0x0, s1;
	[sflag:s0] =	ssyncset.done @!p0 $0x0  }
0x143: {  	[sflag:s0] =	ssyncadd.s32 @!p0 s1  }
0x144: {  	[bflag:$0x3] =	sbarrier.arrive $0xFFFF  }
0x145: {  	_ =	shalt  }

</sc_bundles>
